<compile_context>
chip_gen: v7x
topology: tpu7x:2x2x1
jax: 0.10.2.dev20260603
libtpu: 0.0.44.dev20260713+nightly
codegen_flags: <defaults>
</compile_context>

<pallas_src>
import functools

import jax
import jax.numpy as jnp
from jax import lax
from jax.experimental import pallas as pl
from jax.experimental.pallas import tpu as pltpu
from jax.experimental.pallas import tpu_sc as plsc

NUM_FEATURES = 16
SLAB = 8

_info = plsc.get_sparse_core_info()
_NC, _NS = _info.num_cores, _info.num_subcores


@functools.lru_cache(maxsize=None)
def _make_gather(s_dim: int, b_dim: int, vocab: int, chunk: int):
    half = b_dim // _NC
    k_per_s = half // chunk
    n_slabs = s_dim // SLAB
    tail0 = n_slabs * SLAB
    n_units = n_slabs * k_per_s
    assert half % chunk == 0 and chunk % 128 == 0 and n_units % 2 == 0
    mesh = plsc.VectorSubcoreMesh(core_axis_name="c", subcore_axis_name="s")

    @functools.partial(
        pl.kernel,
        out_type=jax.ShapeDtypeStruct((s_dim, NUM_FEATURES, b_dim), jnp.float32),
        mesh=mesh,
        scratch_types=[
            pltpu.VMEM((vocab,), jnp.float32),
            [pltpu.VMEM((SLAB, chunk), jnp.int32)] * 2,
            [pltpu.VMEM((chunk,), jnp.int32)] * 2,
            [pltpu.VMEM((chunk,), jnp.float32)] * 2,
            [pltpu.SemaphoreType.DMA] * 2,
            [pltpu.SemaphoreType.DMA] * 2,
        ],
        compiler_params=pltpu.CompilerParams(
            use_tc_tiling_on_sc=True, needs_layout_passes=False
        ),
    )
    def gather(
        sp_hbm, emb_hbm, out_hbm, row_v, slab_v, tidx_v, out_v, isem, osem
    ):
        f = lax.axis_index("s")
        b0 = lax.axis_index("c") * half

        pltpu.sync_copy(emb_hbm.at[f], row_v)

        def slab_src(u):
            g = u // k_per_s
            k = lax.rem(u, k_per_s)
            return sp_hbm.at[
                pl.ds(g * SLAB, SLAB), pl.ds(b0 + k * chunk, chunk)
            ]

        for b in range(2):
            pltpu.async_copy(slab_src(b), slab_v[b], isem[b])

        @pl.loop(0, n_units, step=2)
        def _(uu):
            for b in range(2):
                u = uu + b
                g = u // k_per_s
                k = lax.rem(u, k_per_s)
                pltpu.make_async_copy(slab_src(u), slab_v[b], isem[b]).wait()
                for r in range(SLAB):
                    bb = r % 2
                    if r >= 2 or b == 1:
                        pltpu.make_async_copy(
                            out_v[bb],
                            out_hbm.at[0, 0, pl.ds(0, chunk)],
                            osem[bb],
                        ).wait()
                    else:

                        @pl.when(uu > 0)
                        def _():
                            pltpu.make_async_copy(
                                out_v[bb],
                                out_hbm.at[0, 0, pl.ds(0, chunk)],
                                osem[bb],
                            ).wait()

                    @plsc.parallel_loop(0, chunk, step=16, unroll=8)
                    def _(j):
                        idx = slab_v[b][r, pl.ds(j, 16)]
                        out_v[bb][pl.ds(j, 16)] = plsc.load_gather(
                            row_v, [idx]
                        )

                    pltpu.async_copy(
                        out_v[bb],
                        out_hbm.at[
                            g * SLAB + r, f, pl.ds(b0 + k * chunk, chunk)
                        ],
                        osem[bb],
                    )

                @pl.when(u + 2 < n_units)
                def _():
                    pltpu.async_copy(slab_src(u + 2), slab_v[b], isem[b])

        n_tail = (s_dim - tail0) * k_per_s
        for i in range(n_tail):
            bb = i % 2
            s, k = divmod(i, k_per_s)
            pltpu.sync_copy(
                sp_hbm.at[tail0 + s, pl.ds(b0 + k * chunk, chunk)], tidx_v[bb]
            )
            pltpu.make_async_copy(
                out_v[bb], out_hbm.at[0, 0, pl.ds(0, chunk)], osem[bb]
            ).wait()

            @plsc.parallel_loop(0, chunk, step=16, unroll=8)
            def _(j):
                idx = tidx_v[bb][pl.ds(j, 16)]
                out_v[bb][pl.ds(j, 16)] = plsc.load_gather(row_v, [idx])

            pltpu.async_copy(
                out_v[bb],
                out_hbm.at[tail0 + s, f, pl.ds(b0 + k * chunk, chunk)],
                osem[bb],
            )

        for bb in range(2):
            pltpu.make_async_copy(
                out_v[bb], out_hbm.at[0, 0, pl.ds(0, chunk)], osem[bb]
            ).wait()

    return gather


def kernel(species, embedding):
    b_dim, s_dim = species.shape
    vocab, feat = embedding.shape
    sp_t = species.T.astype(jnp.int32)
    emb_t = embedding.T
    out_t = _make_gather(s_dim, b_dim, vocab, 1024)(sp_t, emb_t)
    return jnp.transpose(out_t, (2, 0, 1))

# --- scband reference (transcript-rebuilt; emitter-appended) ---
"""Pipeline reference for scband-chemical-embedding-83416854823265 (READ-ONLY COPY).

The authoritative reference and input builder live on the scoring server;
editing this copy changes nothing except your own understanding.
"""

import jax, jax.numpy as jnp
import numpy as np

NUM_FEATURES = 16
TOTAL_SPECIES = 100000

def setup_inputs(seed: int = 0) -> dict:
    key = jax.random.key(seed)
    k1, k2 = jax.random.split(key)
    species = jax.random.randint(k1, (16384, 100), 0, TOTAL_SPECIES, dtype=jnp.int64 if jax.config.jax_enable_x64 else jnp.int32)
    # flax nn.Embed default init: normal(stddev=1/sqrt(features)) approx; use scaled normal
    embedding = jax.random.normal(k2, (TOTAL_SPECIES, NUM_FEATURES), dtype=jnp.float32) * (1.0 / np.sqrt(NUM_FEATURES))
    return {"species": species, "embedding": embedding}

def reference(species, embedding):
    # Faithful to flax nn.Embed lookup: gather rows of the table by index
    return jnp.take(embedding, species, axis=0)

if __name__ == "__main__":
    import jax
    _d = setup_inputs()
    print(jax.jit(kernel)(*tuple(_d.values())))

</pallas_src>

<mosaic_0001>
#map = affine_map<(d0, d1) -> (0, 0)>
#map1 = affine_map<(d0, d1) -> (0, 0, 0)>
module attributes {stable_mosaic.version = 14 : i64} {
  func.func @gather(%arg0: i32, %arg1: i32, %arg2: memref<100x16384xi32, #tpu.memory_space<hbm>>, %arg3: memref<16x100000xf32, #tpu.memory_space<hbm>>, %arg4: memref<100x16x16384xf32, #tpu.memory_space<hbm>>, %arg5: memref<100000xf32, #tpu.memory_space<vmem>>, %arg6: memref<8x1024xi32, #tpu.memory_space<vmem>>, %arg7: memref<8x1024xi32, #tpu.memory_space<vmem>>, %arg8: memref<1024xi32, #tpu.memory_space<vmem>>, %arg9: memref<1024xi32, #tpu.memory_space<vmem>>, %arg10: memref<1024xf32, #tpu.memory_space<vmem>>, %arg11: memref<1024xf32, #tpu.memory_space<vmem>>, %arg12: memref<!tpu.dma_semaphore, #tpu.memory_space<semaphore_mem>>, %arg13: memref<!tpu.dma_semaphore, #tpu.memory_space<semaphore_mem>>, %arg14: memref<!tpu.dma_semaphore, #tpu.memory_space<semaphore_mem>>, %arg15: memref<!tpu.dma_semaphore, #tpu.memory_space<semaphore_mem>>) attributes {dimension_semantics = [#tpu.dimension_semantics<core_parallel>, #tpu.dimension_semantics<subcore_parallel>], iteration_bounds = array<i64: 2, 16>, scalar_prefetch = 0 : i64, scratch_operands = 11 : i64, tpu.core_type = #tpu.core_type<sc_vector_subcore>, window_params = [{transform_indices = #map}, {transform_indices = #map}, {transform_indices = #map1}]} {
    %mul3A = arith.constant 8192 : i32
    %mul3A_0 = arith.muli %arg0, %mul3A : i32
    "tpu.region"() ({
      %run_scoped3A_707 = tpu.sem_alloc : memref<!tpu.dma_semaphore, #tpu.memory_space<semaphore_mem>>
      %dma_start3A_708 = arith.constant 0 : i32
      %dma_start3A_709 = tpu.memref_slice %arg3[%arg1, %dma_start3A_708] : memref<16x100000xf32, #tpu.memory_space<hbm>> -> memref<1x100000xf32, #tpu.memory_space<hbm>>
      %dma_start3A_710 = tpu.memref_squeeze %dma_start3A_709 : memref<1x100000xf32, #tpu.memory_space<hbm>> -> memref<100000xf32, #tpu.memory_space<hbm>>
      %dma_start3A_711 = arith.constant 0 : i32
      %dma_start3A_712 = tpu.memref_slice %arg3[%arg1, %dma_start3A_711] : memref<16x100000xf32, #tpu.memory_space<hbm>> -> memref<1x100000xf32, #tpu.memory_space<hbm>>
      %dma_start3A_713 = tpu.memref_squeeze %dma_start3A_712 : memref<1x100000xf32, #tpu.memory_space<hbm>> -> memref<100000xf32, #tpu.memory_space<hbm>>
      tpu.enqueue_dma source(%dma_start3A_713 : memref<100000xf32, #tpu.memory_space<hbm>>) target(%arg5 : memref<100000xf32, #tpu.memory_space<vmem>>) target_semaphore(%run_scoped3A_707 : memref<!tpu.dma_semaphore, #tpu.memory_space<semaphore_mem>>)
      %dma_wait3A_714 = arith.constant 0 : i32
      %dma_wait3A_715 = tpu.memref_slice %arg3[%arg1, %dma_wait3A_714] : memref<16x100000xf32, #tpu.memory_space<hbm>> -> memref<1x100000xf32, #tpu.memory_space<hbm>>
      %dma_wait3A_716 = tpu.memref_squeeze %dma_wait3A_715 : memref<1x100000xf32, #tpu.memory_space<hbm>> -> memref<100000xf32, #tpu.memory_space<hbm>>
      %dma_wait3A_717 = arith.constant 0 : i32
      %dma_wait3A_718 = tpu.memref_slice %arg3[%arg1, %dma_wait3A_717] : memref<16x100000xf32, #tpu.memory_space<hbm>> -> memref<1x100000xf32, #tpu.memory_space<hbm>>
      %dma_wait3A_719 = tpu.memref_squeeze %dma_wait3A_718 : memref<1x100000xf32, #tpu.memory_space<hbm>> -> memref<100000xf32, #tpu.memory_space<hbm>>
      tpu.wait_dma2 semaphore(%run_scoped3A_707 : memref<!tpu.dma_semaphore, #tpu.memory_space<semaphore_mem>>) src(%dma_wait3A_719 : memref<100000xf32, #tpu.memory_space<hbm>>) dst(%arg5 : memref<100000xf32, #tpu.memory_space<vmem>>)
      tpu.yield
    }) : () -> ()
    %rem3A = arith.constant 0 : i32
    %rem3A_1 = arith.constant 8 : i32
    %rem3A_2 = arith.remsi %rem3A, %rem3A_1 : i32
    %mul3A_3 = arith.constant 1024 : i32
    %mul3A_4 = arith.muli %rem3A_2, %mul3A_3 : i32
    %add3A = arith.addi %mul3A_0, %mul3A_4 : i32
    %dma_start3A = arith.constant 0 : i32
    %dma_start3A_5 = tpu.memref_slice %arg2[%dma_start3A, %add3A] : memref<100x16384xi32, #tpu.memory_space<hbm>> -> memref<8x1024xi32, #tpu.memory_space<hbm>>
    %dma_start3A_6 = arith.constant 0 : i32
    %dma_start3A_7 = tpu.memref_slice %arg2[%dma_start3A_6, %add3A] : memref<100x16384xi32, #tpu.memory_space<hbm>> -> memref<8x1024xi32, #tpu.memory_space<hbm>>
    tpu.enqueue_dma source(%dma_start3A_7 : memref<8x1024xi32, #tpu.memory_space<hbm>>) target(%arg6 : memref<8x1024xi32, #tpu.memory_space<vmem>>) target_semaphore(%arg12 : memref<!tpu.dma_semaphore, #tpu.memory_space<semaphore_mem>>)
    %rem3A_8 = arith.constant 1 : i32
    %rem3A_9 = arith.constant 8 : i32
    %rem3A_10 = arith.remsi %rem3A_8, %rem3A_9 : i32
    %mul3A_11 = arith.constant 1024 : i32
    %mul3A_12 = arith.muli %rem3A_10, %mul3A_11 : i32
    %add3A_13 = arith.addi %mul3A_0, %mul3A_12 : i32
    %dma_start3A_14 = arith.constant 0 : i32
    %dma_start3A_15 = tpu.memref_slice %arg2[%dma_start3A_14, %add3A_13] : memref<100x16384xi32, #tpu.memory_space<hbm>> -> memref<8x1024xi32, #tpu.memory_space<hbm>>
    %dma_start3A_16 = arith.constant 0 : i32
    %dma_start3A_17 = tpu.memref_slice %arg2[%dma_start3A_16, %add3A_13] : memref<100x16384xi32, #tpu.memory_space<hbm>> -> memref<8x1024xi32, #tpu.memory_space<hbm>>
    tpu.enqueue_dma source(%dma_start3A_17 : memref<8x1024xi32, #tpu.memory_space<hbm>>) target(%arg7 : memref<8x1024xi32, #tpu.memory_space<vmem>>) target_semaphore(%arg13 : memref<!tpu.dma_semaphore, #tpu.memory_space<semaphore_mem>>)
    %scan3A = arith.constant 0 : i32
    %scan3A_18 = arith.constant 48 : i32
    %scan3A_19 = arith.addi %scan3A, %scan3A_18 : i32
    %scan3A_20 = arith.constant 1 : i32
    scf.for %scan3A_707 = %scan3A to %scan3A_19 step %scan3A_20  : i32 {
      %mul3A_708 = arith.constant 2 : i32
      %mul3A_709 = arith.muli %scan3A_707, %mul3A_708 : i32
      %add3A_710 = arith.constant 0 : i32
      %add3A_711 = arith.addi %add3A_710, %mul3A_709 : i32
      %add3A_712 = arith.constant 0 : i32
      %add3A_713 = arith.addi %add3A_711, %add3A_712 : i32
      %jit3A = arith.constant 8 : i32
      %div3A = arith.divsi %add3A_713, %jit3A : i32
      %sign3A = arith.constant 0 : i32
      %sign3A_714 = arith.cmpi sgt, %add3A_713, %sign3A : i32
      %sign3A_715 = arith.extui %sign3A_714 : i1 to i32
      %sign3A_716 = arith.constant 0 : i32
      %sign3A_717 = arith.cmpi slt, %add3A_713, %sign3A_716 : i32
      %sign3A_718 = arith.extui %sign3A_717 : i1 to i32
      %sign3A_719 = arith.subi %sign3A_715, %sign3A_718 : i32
      %sign3A_720 = arith.constant 0 : i32
      %sign3A_721 = arith.cmpi sgt, %jit3A, %sign3A_720 : i32
      %sign3A_722 = arith.extui %sign3A_721 : i1 to i32
      %sign3A_723 = arith.constant 0 : i32
      %sign3A_724 = arith.cmpi slt, %jit3A, %sign3A_723 : i32
      %sign3A_725 = arith.extui %sign3A_724 : i1 to i32
      %sign3A_726 = arith.subi %sign3A_722, %sign3A_725 : i32
      %ne3A = arith.cmpi ne, %sign3A_719, %sign3A_726 : i32
      %rem3A_727 = arith.remsi %add3A_713, %jit3A : i32
      %ne3A_728 = arith.constant 0 : i32
      %ne3A_729 = arith.cmpi ne, %rem3A_727, %ne3A_728 : i32
      %and3A = arith.andi %ne3A, %ne3A_729 : i1
      %sub3A = arith.constant 1 : i32
      %sub3A_730 = arith.subi %div3A, %sub3A : i32
      %select_n3A = arith.select %and3A, %sub3A_730, %div3A : i32
      %rem3A_731 = arith.constant 8 : i32
      %rem3A_732 = arith.remsi %add3A_713, %rem3A_731 : i32
      %jit3A_733 = arith.constant 8 : i32
      %div3A_734 = arith.divsi %add3A_713, %jit3A_733 : i32
      %sign3A_735 = arith.constant 0 : i32
      %sign3A_736 = arith.cmpi sgt, %add3A_713, %sign3A_735 : i32
      %sign3A_737 = arith.extui %sign3A_736 : i1 to i32
      %sign3A_738 = arith.constant 0 : i32
      %sign3A_739 = arith.cmpi slt, %add3A_713, %sign3A_738 : i32
      %sign3A_740 = arith.extui %sign3A_739 : i1 to i32
      %sign3A_741 = arith.subi %sign3A_737, %sign3A_740 : i32
      %sign3A_742 = arith.constant 0 : i32
      %sign3A_743 = arith.cmpi sgt, %jit3A_733, %sign3A_742 : i32
      %sign3A_744 = arith.extui %sign3A_743 : i1 to i32
      %sign3A_745 = arith.constant 0 : i32
      %sign3A_746 = arith.cmpi slt, %jit3A_733, %sign3A_745 : i32
      %sign3A_747 = arith.extui %sign3A_746 : i1 to i32
      %sign3A_748 = arith.subi %sign3A_744, %sign3A_747 : i32
      %ne3A_749 = arith.cmpi ne, %sign3A_741, %sign3A_748 : i32
      %rem3A_750 = arith.remsi %add3A_713, %jit3A_733 : i32
      %ne3A_751 = arith.constant 0 : i32
      %ne3A_752 = arith.cmpi ne, %rem3A_750, %ne3A_751 : i32
      %and3A_753 = arith.andi %ne3A_749, %ne3A_752 : i1
      %sub3A_754 = arith.constant 1 : i32
      %sub3A_755 = arith.subi %div3A_734, %sub3A_754 : i32
      %select_n3A_756 = arith.select %and3A_753, %sub3A_755, %div3A_734 : i32
      %rem3A_757 = arith.constant 8 : i32
      %rem3A_758 = arith.remsi %add3A_713, %rem3A_757 : i32
      %mul3A_759 = arith.constant 8 : i32
      %mul3A_760 = arith.muli %select_n3A_756, %mul3A_759 : i32
      %mul3A_761 = arith.constant 1024 : i32
      %mul3A_762 = arith.muli %rem3A_758, %mul3A_761 : i32
      %add3A_763 = arith.addi %mul3A_0, %mul3A_762 : i32
      %dma_wait3A_764 = tpu.memref_slice %arg2[%mul3A_760, %add3A_763] : memref<100x16384xi32, #tpu.memory_space<hbm>> -> memref<8x1024xi32, #tpu.memory_space<hbm>>
      %dma_wait3A_765 = tpu.memref_slice %arg2[%mul3A_760, %add3A_763] : memref<100x16384xi32, #tpu.memory_space<hbm>> -> memref<8x1024xi32, #tpu.memory_space<hbm>>
      tpu.wait_dma2 semaphore(%arg12 : memref<!tpu.dma_semaphore, #tpu.memory_space<semaphore_mem>>) src(%dma_wait3A_765 : memref<8x1024xi32, #tpu.memory_space<hbm>>) dst(%arg6 : memref<8x1024xi32, #tpu.memory_space<vmem>>)
      %gt3A = arith.constant 0 : i32
      %gt3A_766 = arith.cmpi sgt, %add3A_711, %gt3A : i32
      %convert_element_type3A = arith.extui %gt3A_766 : i1 to i32
      %cond3A = arith.constant 0 : i32
      %cond3A_767 = arith.cmpi ne, %convert_element_type3A, %cond3A : i32
      scf.if %cond3A_767 {
        %dma_wait3A_1183 = arith.constant 0 : i32
        %dma_wait3A_1184 = arith.constant 0 : i32
        %dma_wait3A_1185 = arith.constant 0 : i32
        %dma_wait3A_1186 = tpu.memref_slice %arg4[%dma_wait3A_1183, %dma_wait3A_1184, %dma_wait3A_1185] : memref<100x16x16384xf32, #tpu.memory_space<hbm>> -> memref<1x1x1024xf32, #tpu.memory_space<hbm>>
        %dma_wait3A_1187 = tpu.memref_squeeze %dma_wait3A_1186 : memref<1x1x1024xf32, #tpu.memory_space<hbm>> -> memref<1024xf32, #tpu.memory_space<hbm>>
        %dma_wait3A_1188 = arith.constant 0 : i32
        %dma_wait3A_1189 = tpu.memref_slice %arg4[%dma_wait3A_1183, %dma_wait3A_1184, %dma_wait3A_1188] : memref<100x16x16384xf32, #tpu.memory_space<hbm>> -> memref<1x1x1024xf32, #tpu.memory_space<hbm>>
        %dma_wait3A_1190 = tpu.memref_squeeze %dma_wait3A_1189 : memref<1x1x1024xf32, #tpu.memory_space<hbm>> -> memref<1024xf32, #tpu.memory_space<hbm>>
        tpu.wait_dma2 semaphore(%arg14 : memref<!tpu.dma_semaphore, #tpu.memory_space<semaphore_mem>>) src(%arg10 : memref<1024xf32, #tpu.memory_space<vmem>>) dst(%dma_wait3A_1190 : memref<1024xf32, #tpu.memory_space<hbm>>)
      } else {
      }
      %parallel_loop3A_768 = arith.constant 0 : i32
      %parallel_loop3A_769 = arith.constant 1024 : i32
      %parallel_loop3A_770 = arith.constant 16 : i32
      scf.for %parallel_loop3A_1183 = %parallel_loop3A_768 to %parallel_loop3A_769 step %parallel_loop3A_770  : i32 {
        %parallel_loop3A_1184 = arith.constant 0 : i32
        %parallel_loop3A_1185 = arith.index_cast %parallel_loop3A_1184 : i32 to index
        %parallel_loop3A_1186 = arith.index_cast %parallel_loop3A_1183 : i32 to index
        %parallel_loop3A_1187 = tpu.vector_load %arg6[%parallel_loop3A_1185, %parallel_loop3A_1186] {strides = array<i32>} : memref<8x1024xi32, #tpu.memory_space<vmem>>, vector<16xi32>,
        %parallel_loop3A_1188 = tpu.vector_load_idx %arg5[%parallel_loop3A_1187] : memref<100000xf32, #tpu.memory_space<vmem>>[vector<16xi32>], vector<16xf32>,
        %parallel_loop3A_1189 = arith.index_cast %parallel_loop3A_1183 : i32 to index
        %parallel_loop3A_1190 = tpu.vector_load %arg10[%parallel_loop3A_1189] {strides = array<i32>} : memref<1024xf32, #tpu.memory_space<vmem>>, vector<16xf32>,
        tpu.vector_store %arg10[%parallel_loop3A_1189], %parallel_loop3A_1188 {strides = array<i32>} : memref<1024xf32, #tpu.memory_space<vmem>>, vector<16xf32>,
      } {sc.loop_unroll_factor = 8 : i64, sc.parallel_access}
      %mul3A_771 = arith.constant 8 : i32
      %mul3A_772 = arith.muli %select_n3A, %mul3A_771 : i32
      %add3A_773 = arith.constant 0 : i32
      %add3A_774 = arith.addi %mul3A_772, %add3A_773 : i32
      %mul3A_775 = arith.constant 1024 : i32
      %mul3A_776 = arith.muli %rem3A_732, %mul3A_775 : i32
      %add3A_777 = arith.addi %mul3A_0, %mul3A_776 : i32
      %dma_start3A_778 = tpu.memref_slice %arg4[%add3A_774, %arg1, %add3A_777] : memref<100x16x16384xf32, #tpu.memory_space<hbm>> -> memref<1x1x1024xf32, #tpu.memory_space<hbm>>
      %dma_start3A_779 = tpu.memref_squeeze %dma_start3A_778 : memref<1x1x1024xf32, #tpu.memory_space<hbm>> -> memref<1024xf32, #tpu.memory_space<hbm>>
      %dma_start3A_780 = tpu.memref_slice %arg4[%add3A_774, %arg1, %add3A_777] : memref<100x16x16384xf32, #tpu.memory_space<hbm>> -> memref<1x1x1024xf32, #tpu.memory_space<hbm>>
      %dma_start3A_781 = tpu.memref_squeeze %dma_start3A_780 : memref<1x1x1024xf32, #tpu.memory_space<hbm>> -> memref<1024xf32, #tpu.memory_space<hbm>>
      tpu.enqueue_dma source(%arg10 : memref<1024xf32, #tpu.memory_space<vmem>>) target(%dma_start3A_781 : memref<1024xf32, #tpu.memory_space<hbm>>) target_semaphore(%arg14 : memref<!tpu.dma_semaphore, #tpu.memory_space<semaphore_mem>>)
      %gt3A_782 = arith.constant 0 : i32
      %gt3A_783 = arith.cmpi sgt, %add3A_711, %gt3A_782 : i32
      %convert_element_type3A_784 = arith.extui %gt3A_783 : i1 to i32
      %cond3A_785 = arith.constant 0 : i32
      %cond3A_786 = arith.cmpi ne, %convert_element_type3A_784, %cond3A_785 : i32
      scf.if %cond3A_786 {
        %dma_wait3A_1183 = arith.constant 0 : i32
        %dma_wait3A_1184 = arith.constant 0 : i32
        %dma_wait3A_1185 = arith.constant 0 : i32
        %dma_wait3A_1186 = tpu.memref_slice %arg4[%dma_wait3A_1183, %dma_wait3A_1184, %dma_wait3A_1185] : memref<100x16x16384xf32, #tpu.memory_space<hbm>> -> memref<1x1x1024xf32, #tpu.memory_space<hbm>>
        %dma_wait3A_1187 = tpu.memref_squeeze %dma_wait3A_1186 : memref<1x1x1024xf32, #tpu.memory_space<hbm>> -> memref<1024xf32, #tpu.memory_space<hbm>>
        %dma_wait3A_1188 = arith.constant 0 : i32
        %dma_wait3A_1189 = tpu.memref_slice %arg4[%dma_wait3A_1183, %dma_wait3A_1184, %dma_wait3A_1188] : memref<100x16x16384xf32, #tpu.memory_space<hbm>> -> memref<1x1x1024xf32, #tpu.memory_space<hbm>>
        %dma_wait3A_1190 = tpu.memref_squeeze %dma_wait3A_1189 : memref<1x1x1024xf32, #tpu.memory_space<hbm>> -> memref<1024xf32, #tpu.memory_space<hbm>>
        tpu.wait_dma2 semaphore(%arg15 : memref<!tpu.dma_semaphore, #tpu.memory_space<semaphore_mem>>) src(%arg11 : memref<1024xf32, #tpu.memory_space<vmem>>) dst(%dma_wait3A_1190 : memref<1024xf32, #tpu.memory_space<hbm>>)
      } else {
      }
      %parallel_loop3A_787 = arith.constant 0 : i32
      %parallel_loop3A_788 = arith.constant 1024 : i32
      %parallel_loop3A_789 = arith.constant 16 : i32
      scf.for %parallel_loop3A_1183 = %parallel_loop3A_787 to %parallel_loop3A_788 step %parallel_loop3A_789  : i32 {
        %parallel_loop3A_1184 = arith.constant 1 : i32
        %parallel_loop3A_1185 = arith.index_cast %parallel_loop3A_1184 : i32 to index
        %parallel_loop3A_1186 = arith.index_cast %parallel_loop3A_1183 : i32 to index
        %parallel_loop3A_1187 = tpu.vector_load %arg6[%parallel_loop3A_1185, %parallel_loop3A_1186] {strides = array<i32>} : memref<8x1024xi32, #tpu.memory_space<vmem>>, vector<16xi32>,
        %parallel_loop3A_1188 = tpu.vector_load_idx %arg5[%parallel_loop3A_1187] : memref<100000xf32, #tpu.memory_space<vmem>>[vector<16xi32>], vector<16xf32>,
        %parallel_loop3A_1189 = arith.index_cast %parallel_loop3A_1183 : i32 to index
        %parallel_loop3A_1190 = tpu.vector_load %arg11[%parallel_loop3A_1189] {strides = array<i32>} : memref<1024xf32, #tpu.memory_space<vmem>>, vector<16xf32>,
        tpu.vector_store %arg11[%parallel_loop3A_1189], %parallel_loop3A_1188 {strides = array<i32>} : memref<1024xf32, #tpu.memory_space<vmem>>, vector<16xf32>,
      } {sc.loop_unroll_factor = 8 : i64, sc.parallel_access}
      %mul3A_790 = arith.constant 8 : i32
      %mul3A_791 = arith.muli %select_n3A, %mul3A_790 : i32
      %add3A_792 = arith.constant 1 : i32
      %add3A_793 = arith.addi %mul3A_791, %add3A_792 : i32
      %mul3A_794 = arith.constant 1024 : i32
      %mul3A_795 = arith.muli %rem3A_732, %mul3A_794 : i32
      %add3A_796 = arith.addi %mul3A_0, %mul3A_795 : i32
      %dma_start3A_797 = tpu.memref_slice %arg4[%add3A_793, %arg1, %add3A_796] : memref<100x16x16384xf32, #tpu.memory_space<hbm>> -> memref<1x1x1024xf32, #tpu.memory_space<hbm>>
      %dma_start3A_798 = tpu.memref_squeeze %dma_start3A_797 : memref<1x1x1024xf32, #tpu.memory_space<hbm>> -> memref<1024xf32, #tpu.memory_space<hbm>>
      %dma_start3A_799 = tpu.memref_slice %arg4[%add3A_793, %arg1, %add3A_796] : memref<100x16x16384xf32, #tpu.memory_space<hbm>> -> memref<1x1x1024xf32, #tpu.memory_space<hbm>>
      %dma_start3A_800 = tpu.memref_squeeze %dma_start3A_799 : memref<1x1x1024xf32, #tpu.memory_space<hbm>> -> memref<1024xf32, #tpu.memory_space<hbm>>
      tpu.enqueue_dma source(%arg11 : memref<1024xf32, #tpu.memory_space<vmem>>) target(%dma_start3A_800 : memref<1024xf32, #tpu.memory_space<hbm>>) target_semaphore(%arg15 : memref<!tpu.dma_semaphore, #tpu.memory_space<semaphore_mem>>)
      %dma_wait3A_801 = arith.constant 0 : i32
      %dma_wait3A_802 = arith.constant 0 : i32
      %dma_wait3A_803 = arith.constant 0 : i32
      %dma_wait3A_804 = tpu.memref_slice %arg4[%dma_wait3A_801, %dma_wait3A_802, %dma_wait3A_803] : memref<100x16x16384xf32, #tpu.memory_space<hbm>> -> memref<1x1x1024xf32, #tpu.memory_space<hbm>>
      %dma_wait3A_805 = tpu.memref_squeeze %dma_wait3A_804 : memref<1x1x1024xf32, #tpu.memory_space<hbm>> -> memref<1024xf32, #tpu.memory_space<hbm>>
      %dma_wait3A_806 = arith.constant 0 : i32
      %dma_wait3A_807 = tpu.memref_slice %arg4[%dma_wait3A_801, %dma_wait3A_802, %dma_wait3A_806] : memref<100x16x16384xf32, #tpu.memory_space<hbm>> -> memref<1x1x1024xf32, #tpu.memory_space<hbm>>
      %dma_wait3A_808 = tpu.memref_squeeze %dma_wait3A_807 : memref<1x1x1024xf32, #tpu.memory_space<hbm>> -> memref<1024xf32, #tpu.memory_space<hbm>>
      tpu.wait_dma2 semaphore(%arg14 : memref<!tpu.dma_semaphore, #tpu.memory_space<semaphore_mem>>) src(%arg10 : memref<1024xf32, #tpu.memory_space<vmem>>) dst(%dma_wait3A_808 : memref<1024xf32, #tpu.memory_space<hbm>>)
      %parallel_loop3A_809 = arith.constant 0 : i32
      %parallel_loop3A_810 = arith.constant 1024 : i32
      %parallel_loop3A_811 = arith.constant 16 : i32
      scf.for %parallel_loop3A_1183 = %parallel_loop3A_809 to %parallel_loop3A_810 step %parallel_loop3A_811  : i32 {
        %parallel_loop3A_1184 = arith.constant 2 : i32
        %parallel_loop3A_1185 = arith.index_cast %parallel_loop3A_1184 : i32 to index
        %parallel_loop3A_1186 = arith.index_cast %parallel_loop3A_1183 : i32 to index
        %parallel_loop3A_1187 = tpu.vector_load %arg6[%parallel_loop3A_1185, %parallel_loop3A_1186] {strides = array<i32>} : memref<8x1024xi32, #tpu.memory_space<vmem>>, vector<16xi32>,
        %parallel_loop3A_1188 = tpu.vector_load_idx %arg5[%parallel_loop3A_1187] : memref<100000xf32, #tpu.memory_space<vmem>>[vector<16xi32>], vector<16xf32>,
        %parallel_loop3A_1189 = arith.index_cast %parallel_loop3A_1183 : i32 to index
        %parallel_loop3A_1190 = tpu.vector_load %arg10[%parallel_loop3A_1189] {strides = array<i32>} : memref<1024xf32, #tpu.memory_space<vmem>>, vector<16xf32>,
        tpu.vector_store %arg10[%parallel_loop3A_1189], %parallel_loop3A_1188 {strides = array<i32>} : memref<1024xf32, #tpu.memory_space<vmem>>, vector<16xf32>,
      } {sc.loop_unroll_factor = 8 : i64, sc.parallel_access}
      %mul3A_812 = arith.constant 8 : i32
      %mul3A_813 = arith.muli %select_n3A, %mul3A_812 : i32
      %add3A_814 = arith.constant 2 : i32
      %add3A_815 = arith.addi %mul3A_813, %add3A_814 : i32
      %mul3A_816 = arith.constant 1024 : i32
      %mul3A_817 = arith.muli %rem3A_732, %mul3A_816 : i32
      %add3A_818 = arith.addi %mul3A_0, %mul3A_817 : i32
      %dma_start3A_819 = tpu.memref_slice %arg4[%add3A_815, %arg1, %add3A_818] : memref<100x16x16384xf32, #tpu.memory_space<hbm>> -> memref<1x1x1024xf32, #tpu.memory_space<hbm>>
      %dma_start3A_820 = tpu.memref_squeeze %dma_start3A_819 : memref<1x1x1024xf32, #tpu.memory_space<hbm>> -> memref<1024xf32, #tpu.memory_space<hbm>>
      %dma_start3A_821 = tpu.memref_slice %arg4[%add3A_815, %arg1, %add3A_818] : memref<100x16x16384xf32, #tpu.memory_space<hbm>> -> memref<1x1x1024xf32, #tpu.memory_space<hbm>>
      %dma_start3A_822 = tpu.memref_squeeze %dma_start3A_821 : memref<1x1x1024xf32, #tpu.memory_space<hbm>> -> memref<1024xf32, #tpu.memory_space<hbm>>
      tpu.enqueue_dma source(%arg10 : memref<1024xf32, #tpu.memory_space<vmem>>) target(%dma_start3A_822 : memref<1024xf32, #tpu.memory_space<hbm>>) target_semaphore(%arg14 : memref<!tpu.dma_semaphore, #tpu.memory_space<semaphore_mem>>)
      %dma_wait3A_823 = arith.constant 0 : i32
      %dma_wait3A_824 = arith.constant 0 : i32
      %dma_wait3A_825 = arith.constant 0 : i32
      %dma_wait3A_826 = tpu.memref_slice %arg4[%dma_wait3A_823, %dma_wait3A_824, %dma_wait3A_825] : memref<100x16x16384xf32, #tpu.memory_space<hbm>> -> memref<1x1x1024xf32, #tpu.memory_space<hbm>>
      %dma_wait3A_827 = tpu.memref_squeeze %dma_wait3A_826 : memref<1x1x1024xf32, #tpu.memory_space<hbm>> -> memref<1024xf32, #tpu.memory_space<hbm>>
      %dma_wait3A_828 = arith.constant 0 : i32
      %dma_wait3A_829 = tpu.memref_slice %arg4[%dma_wait3A_823, %dma_wait3A_824, %dma_wait3A_828] : memref<100x16x16384xf32, #tpu.memory_space<hbm>> -> memref<1x1x1024xf32, #tpu.memory_space<hbm>>
      %dma_wait3A_830 = tpu.memref_squeeze %dma_wait3A_829 : memref<1x1x1024xf32, #tpu.memory_space<hbm>> -> memref<1024xf32, #tpu.memory_space<hbm>>
      tpu.wait_dma2 semaphore(%arg15 : memref<!tpu.dma_semaphore, #tpu.memory_space<semaphore_mem>>) src(%arg11 : memref<1024xf32, #tpu.memory_space<vmem>>) dst(%dma_wait3A_830 : memref<1024xf32, #tpu.memory_space<hbm>>)
      %parallel_loop3A_831 = arith.constant 0 : i32
      %parallel_loop3A_832 = arith.constant 1024 : i32
      %parallel_loop3A_833 = arith.constant 16 : i32
      scf.for %parallel_loop3A_1183 = %parallel_loop3A_831 to %parallel_loop3A_832 step %parallel_loop3A_833  : i32 {
        %parallel_loop3A_1184 = arith.constant 3 : i32
        %parallel_loop3A_1185 = arith.index_cast %parallel_loop3A_1184 : i32 to index
        %parallel_loop3A_1186 = arith.index_cast %parallel_loop3A_1183 : i32 to index
        %parallel_loop3A_1187 = tpu.vector_load %arg6[%parallel_loop3A_1185, %parallel_loop3A_1186] {strides = array<i32>} : memref<8x1024xi32, #tpu.memory_space<vmem>>, vector<16xi32>,
        %parallel_loop3A_1188 = tpu.vector_load_idx %arg5[%parallel_loop3A_1187] : memref<100000xf32, #tpu.memory_space<vmem>>[vector<16xi32>], vector<16xf32>,
        %parallel_loop3A_1189 = arith.index_cast %parallel_loop3A_1183 : i32 to index
        %parallel_loop3A_1190 = tpu.vector_load %arg11[%parallel_loop3A_1189] {strides = array<i32>} : memref<1024xf32, #tpu.memory_space<vmem>>, vector<16xf32>,
        tpu.vector_store %arg11[%parallel_loop3A_1189], %parallel_loop3A_1188 {strides = array<i32>} : memref<1024xf32, #tpu.memory_space<vmem>>, vector<16xf32>,
      } {sc.loop_unroll_factor = 8 : i64, sc.parallel_access}
      %mul3A_834 = arith.constant 8 : i32
      %mul3A_835 = arith.muli %select_n3A, %mul3A_834 : i32
      %add3A_836 = arith.constant 3 : i32
      %add3A_837 = arith.addi %mul3A_835, %add3A_836 : i32
      %mul3A_838 = arith.constant 1024 : i32
      %mul3A_839 = arith.muli %rem3A_732, %mul3A_838 : i32
      %add3A_840 = arith.addi %mul3A_0, %mul3A_839 : i32
      %dma_start3A_841 = tpu.memref_slice %arg4[%add3A_837, %arg1, %add3A_840] : memref<100x16x16384xf32, #tpu.memory_space<hbm>> -> memref<1x1x1024xf32, #tpu.memory_space<hbm>>
      %dma_start3A_842 = tpu.memref_squeeze %dma_start3A_841 : memref<1x1x1024xf32, #tpu.memory_space<hbm>> -> memref<1024xf32, #tpu.memory_space<hbm>>
      %dma_start3A_843 = tpu.memref_slice %arg4[%add3A_837, %arg1, %add3A_840] : memref<100x16x16384xf32, #tpu.memory_space<hbm>> -> memref<1x1x1024xf32, #tpu.memory_space<hbm>>
      %dma_start3A_844 = tpu.memref_squeeze %dma_start3A_843 : memref<1x1x1024xf32, #tpu.memory_space<hbm>> -> memref<1024xf32, #tpu.memory_space<hbm>>
      tpu.enqueue_dma source(%arg11 : memref<1024xf32, #tpu.memory_space<vmem>>) target(%dma_start3A_844 : memref<1024xf32, #tpu.memory_space<hbm>>) target_semaphore(%arg15 : memref<!tpu.dma_semaphore, #tpu.memory_space<semaphore_mem>>)
      %dma_wait3A_845 = arith.constant 0 : i32
      %dma_wait3A_846 = arith.constant 0 : i32
      %dma_wait3A_847 = arith.constant 0 : i32
      %dma_wait3A_848 = tpu.memref_slice %arg4[%dma_wait3A_845, %dma_wait3A_846, %dma_wait3A_847] : memref<100x16x16384xf32, #tpu.memory_space<hbm>> -> memref<1x1x1024xf32, #tpu.memory_space<hbm>>
      %dma_wait3A_849 = tpu.memref_squeeze %dma_wait3A_848 : memref<1x1x1024xf32, #tpu.memory_space<hbm>> -> memref<1024xf32, #tpu.memory_space<hbm>>
      %dma_wait3A_850 = arith.constant 0 : i32
      %dma_wait3A_851 = tpu.memref_slice %arg4[%dma_wait3A_845, %dma_wait3A_846, %dma_wait3A_850] : memref<100x16x16384xf32, #tpu.memory_space<hbm>> -> memref<1x1x1024xf32, #tpu.memory_space<hbm>>
      %dma_wait3A_852 = tpu.memref_squeeze %dma_wait3A_851 : memref<1x1x1024xf32, #tpu.memory_space<hbm>> -> memref<1024xf32, #tpu.memory_space<hbm>>
      tpu.wait_dma2 semaphore(%arg14 : memref<!tpu.dma_semaphore, #tpu.memory_space<semaphore_mem>>) src(%arg10 : memref<1024xf32, #tpu.memory_space<vmem>>) dst(%dma_wait3A_852 : memref<1024xf32, #tpu.memory_space<hbm>>)
      %parallel_loop3A_853 = arith.constant 0 : i32
      %parallel_loop3A_854 = arith.constant 1024 : i32
      %parallel_loop3A_855 = arith.constant 16 : i32
      scf.for %parallel_loop3A_1183 = %parallel_loop3A_853 to %parallel_loop3A_854 step %parallel_loop3A_855  : i32 {
        %parallel_loop3A_1184 = arith.constant 4 : i32
        %parallel_loop3A_1185 = arith.index_cast %parallel_loop3A_1184 : i32 to index
        %parallel_loop3A_1186 = arith.index_cast %parallel_loop3A_1183 : i32 to index
        %parallel_loop3A_1187 = tpu.vector_load %arg6[%parallel_loop3A_1185, %parallel_loop3A_1186] {strides = array<i32>} : memref<8x1024xi32, #tpu.memory_space<vmem>>, vector<16xi32>,
        %parallel_loop3A_1188 = tpu.vector_load_idx %arg5[%parallel_loop3A_1187] : memref<100000xf32, #tpu.memory_space<vmem>>[vector<16xi32>], vector<16xf32>,
        %parallel_loop3A_1189 = arith.index_cast %parallel_loop3A_1183 : i32 to index
        %parallel_loop3A_1190 = tpu.vector_load %arg10[%parallel_loop3A_1189] {strides = array<i32>} : memref<1024xf32, #tpu.memory_space<vmem>>, vector<16xf32>,
        tpu.vector_store %arg10[%parallel_loop3A_1189], %parallel_loop3A_1188 {strides = array<i32>} : memref<1024xf32, #tpu.memory_space<vmem>>, vector<16xf32>,
      } {sc.loop_unroll_factor = 8 : i64, sc.parallel_access}
      %mul3A_856 = arith.constant 8 : i32
      %mul3A_857 = arith.muli %select_n3A, %mul3A_856 : i32
      %add3A_858 = arith.constant 4 : i32
      %add3A_859 = arith.addi %mul3A_857, %add3A_858 : i32
      %mul3A_860 = arith.constant 1024 : i32
      %mul3A_861 = arith.muli %rem3A_732, %mul3A_860 : i32
      %add3A_862 = arith.addi %mul3A_0, %mul3A_861 : i32
      %dma_start3A_863 = tpu.memref_slice %arg4[%add3A_859, %arg1, %add3A_862] : memref<100x16x16384xf32, #tpu.memory_space<hbm>> -> memref<1x1x1024xf32, #tpu.memory_space<hbm>>
      %dma_start3A_864 = tpu.memref_squeeze %dma_start3A_863 : memref<1x1x1024xf32, #tpu.memory_space<hbm>> -> memref<1024xf32, #tpu.memory_space<hbm>>
      %dma_start3A_865 = tpu.memref_slice %arg4[%add3A_859, %arg1, %add3A_862] : memref<100x16x16384xf32, #tpu.memory_space<hbm>> -> memref<1x1x1024xf32, #tpu.memory_space<hbm>>
      %dma_start3A_866 = tpu.memref_squeeze %dma_start3A_865 : memref<1x1x1024xf32, #tpu.memory_space<hbm>> -> memref<1024xf32, #tpu.memory_space<hbm>>
      tpu.enqueue_dma source(%arg10 : memref<1024xf32, #tpu.memory_space<vmem>>) target(%dma_start3A_866 : memref<1024xf32, #tpu.memory_space<hbm>>) target_semaphore(%arg14 : memref<!tpu.dma_semaphore, #tpu.memory_space<semaphore_mem>>)
      %dma_wait3A_867 = arith.constant 0 : i32
      %dma_wait3A_868 = arith.constant 0 : i32
      %dma_wait3A_869 = arith.constant 0 : i32
      %dma_wait3A_870 = tpu.memref_slice %arg4[%dma_wait3A_867, %dma_wait3A_868, %dma_wait3A_869] : memref<100x16x16384xf32, #tpu.memory_space<hbm>> -> memref<1x1x1024xf32, #tpu.memory_space<hbm>>
      %dma_wait3A_871 = tpu.memref_squeeze %dma_wait3A_870 : memref<1x1x1024xf32, #tpu.memory_space<hbm>> -> memref<1024xf32, #tpu.memory_space<hbm>>
      %dma_wait3A_872 = arith.constant 0 : i32
      %dma_wait3A_873 = tpu.memref_slice %arg4[%dma_wait3A_867, %dma_wait3A_868, %dma_wait3A_872] : memref<100x16x16384xf32, #tpu.memory_space<hbm>> -> memref<1x1x1024xf32, #tpu.memory_space<hbm>>
      %dma_wait3A_874 = tpu.memref_squeeze %dma_wait3A_873 : memref<1x1x1024xf32, #tpu.memory_space<hbm>> -> memref<1024xf32, #tpu.memory_space<hbm>>
      tpu.wait_dma2 semaphore(%arg15 : memref<!tpu.dma_semaphore, #tpu.memory_space<semaphore_mem>>) src(%arg11 : memref<1024xf32, #tpu.memory_space<vmem>>) dst(%dma_wait3A_874 : memref<1024xf32, #tpu.memory_space<hbm>>)
      %parallel_loop3A_875 = arith.constant 0 : i32
      %parallel_loop3A_876 = arith.constant 1024 : i32
      %parallel_loop3A_877 = arith.constant 16 : i32
      scf.for %parallel_loop3A_1183 = %parallel_loop3A_875 to %parallel_loop3A_876 step %parallel_loop3A_877  : i32 {
        %parallel_loop3A_1184 = arith.constant 5 : i32
        %parallel_loop3A_1185 = arith.index_cast %parallel_loop3A_1184 : i32 to index
        %parallel_loop3A_1186 = arith.index_cast %parallel_loop3A_1183 : i32 to index
        %parallel_loop3A_1187 = tpu.vector_load %arg6[%parallel_loop3A_1185, %parallel_loop3A_1186] {strides = array<i32>} : memref<8x1024xi32, #tpu.memory_space<vmem>>, vector<16xi32>,
        %parallel_loop3A_1188 = tpu.vector_load_idx %arg5[%parallel_loop3A_1187] : memref<100000xf32, #tpu.memory_space<vmem>>[vector<16xi32>], vector<16xf32>,
        %parallel_loop3A_1189 = arith.index_cast %parallel_loop3A_1183 : i32 to index
        %parallel_loop3A_1190 = tpu.vector_load %arg11[%parallel_loop3A_1189] {strides = array<i32>} : memref<1024xf32, #tpu.memory_space<vmem>>, vector<16xf32>,
        tpu.vector_store %arg11[%parallel_loop3A_1189], %parallel_loop3A_1188 {strides = array<i32>} : memref<1024xf32, #tpu.memory_space<vmem>>, vector<16xf32>,
      } {sc.loop_unroll_factor = 8 : i64, sc.parallel_access}
      %mul3A_878 = arith.constant 8 : i32
      %mul3A_879 = arith.muli %select_n3A, %mul3A_878 : i32
      %add3A_880 = arith.constant 5 : i32
      %add3A_881 = arith.addi %mul3A_879, %add3A_880 : i32
      %mul3A_882 = arith.constant 1024 : i32
      %mul3A_883 = arith.muli %rem3A_732, %mul3A_882 : i32
      %add3A_884 = arith.addi %mul3A_0, %mul3A_883 : i32
      %dma_start3A_885 = tpu.memref_slice %arg4[%add3A_881, %arg1, %add3A_884] : memref<100x16x16384xf32, #tpu.memory_space<hbm>> -> memref<1x1x1024xf32, #tpu.memory_space<hbm>>
      %dma_start3A_886 = tpu.memref_squeeze %dma_start3A_885 : memref<1x1x1024xf32, #tpu.memory_space<hbm>> -> memref<1024xf32, #tpu.memory_space<hbm>>
      %dma_start3A_887 = tpu.memref_slice %arg4[%add3A_881, %arg1, %add3A_884] : memref<100x16x16384xf32, #tpu.memory_space<hbm>> -> memref<1x1x1024xf32, #tpu.memory_space<hbm>>
      %dma_start3A_888 = tpu.memref_squeeze %dma_start3A_887 : memref<1x1x1024xf32, #tpu.memory_space<hbm>> -> memref<1024xf32, #tpu.memory_space<hbm>>
      tpu.enqueue_dma source(%arg11 : memref<1024xf32, #tpu.memory_space<vmem>>) target(%dma_start3A_888 : memref<1024xf32, #tpu.memory_space<hbm>>) target_semaphore(%arg15 : memref<!tpu.dma_semaphore, #tpu.memory_space<semaphore_mem>>)
      %dma_wait3A_889 = arith.constant 0 : i32
      %dma_wait3A_890 = arith.constant 0 : i32
      %dma_wait3A_891 = arith.constant 0 : i32
      %dma_wait3A_892 = tpu.memref_slice %arg4[%dma_wait3A_889, %dma_wait3A_890, %dma_wait3A_891] : memref<100x16x16384xf32, #tpu.memory_space<hbm>> -> memref<1x1x1024xf32, #tpu.memory_space<hbm>>
      %dma_wait3A_893 = tpu.memref_squeeze %dma_wait3A_892 : memref<1x1x1024xf32, #tpu.memory_space<hbm>> -> memref<1024xf32, #tpu.memory_space<hbm>>
      %dma_wait3A_894 = arith.constant 0 : i32
      %dma_wait3A_895 = tpu.memref_slice %arg4[%dma_wait3A_889, %dma_wait3A_890, %dma_wait3A_894] : memref<100x16x16384xf32, #tpu.memory_space<hbm>> -> memref<1x1x1024xf32, #tpu.memory_space<hbm>>
      %dma_wait3A_896 = tpu.memref_squeeze %dma_wait3A_895 : memref<1x1x1024xf32, #tpu.memory_space<hbm>> -> memref<1024xf32, #tpu.memory_space<hbm>>
      tpu.wait_dma2 semaphore(%arg14 : memref<!tpu.dma_semaphore, #tpu.memory_space<semaphore_mem>>) src(%arg10 : memref<1024xf32, #tpu.memory_space<vmem>>) dst(%dma_wait3A_896 : memref<1024xf32, #tpu.memory_space<hbm>>)
      %parallel_loop3A_897 = arith.constant 0 : i32
      %parallel_loop3A_898 = arith.constant 1024 : i32
      %parallel_loop3A_899 = arith.constant 16 : i32
      scf.for %parallel_loop3A_1183 = %parallel_loop3A_897 to %parallel_loop3A_898 step %parallel_loop3A_899  : i32 {
        %parallel_loop3A_1184 = arith.constant 6 : i32
        %parallel_loop3A_1185 = arith.index_cast %parallel_loop3A_1184 : i32 to index
        %parallel_loop3A_1186 = arith.index_cast %parallel_loop3A_1183 : i32 to index
        %parallel_loop3A_1187 = tpu.vector_load %arg6[%parallel_loop3A_1185, %parallel_loop3A_1186] {strides = array<i32>} : memref<8x1024xi32, #tpu.memory_space<vmem>>, vector<16xi32>,
        %parallel_loop3A_1188 = tpu.vector_load_idx %arg5[%parallel_loop3A_1187] : memref<100000xf32, #tpu.memory_space<vmem>>[vector<16xi32>], vector<16xf32>,
        %parallel_loop3A_1189 = arith.index_cast %parallel_loop3A_1183 : i32 to index
        %parallel_loop3A_1190 = tpu.vector_load %arg10[%parallel_loop3A_1189] {strides = array<i32>} : memref<1024xf32, #tpu.memory_space<vmem>>, vector<16xf32>,
        tpu.vector_store %arg10[%parallel_loop3A_1189], %parallel_loop3A_1188 {strides = array<i32>} : memref<1024xf32, #tpu.memory_space<vmem>>, vector<16xf32>,
      } {sc.loop_unroll_factor = 8 : i64, sc.parallel_access}
      %mul3A_900 = arith.constant 8 : i32
      %mul3A_901 = arith.muli %select_n3A, %mul3A_900 : i32
      %add3A_902 = arith.constant 6 : i32
      %add3A_903 = arith.addi %mul3A_901, %add3A_902 : i32
      %mul3A_904 = arith.constant 1024 : i32
      %mul3A_905 = arith.muli %rem3A_732, %mul3A_904 : i32
      %add3A_906 = arith.addi %mul3A_0, %mul3A_905 : i32
      %dma_start3A_907 = tpu.memref_slice %arg4[%add3A_903, %arg1, %add3A_906] : memref<100x16x16384xf32, #tpu.memory_space<hbm>> -> memref<1x1x1024xf32, #tpu.memory_space<hbm>>
      %dma_start3A_908 = tpu.memref_squeeze %dma_start3A_907 : memref<1x1x1024xf32, #tpu.memory_space<hbm>> -> memref<1024xf32, #tpu.memory_space<hbm>>
      %dma_start3A_909 = tpu.memref_slice %arg4[%add3A_903, %arg1, %add3A_906] : memref<100x16x16384xf32, #tpu.memory_space<hbm>> -> memref<1x1x1024xf32, #tpu.memory_space<hbm>>
      %dma_start3A_910 = tpu.memref_squeeze %dma_start3A_909 : memref<1x1x1024xf32, #tpu.memory_space<hbm>> -> memref<1024xf32, #tpu.memory_space<hbm>>
      tpu.enqueue_dma source(%arg10 : memref<1024xf32, #tpu.memory_space<vmem>>) target(%dma_start3A_910 : memref<1024xf32, #tpu.memory_space<hbm>>) target_semaphore(%arg14 : memref<!tpu.dma_semaphore, #tpu.memory_space<semaphore_mem>>)
      %dma_wait3A_911 = arith.constant 0 : i32
      %dma_wait3A_912 = arith.constant 0 : i32
      %dma_wait3A_913 = arith.constant 0 : i32
      %dma_wait3A_914 = tpu.memref_slice %arg4[%dma_wait3A_911, %dma_wait3A_912, %dma_wait3A_913] : memref<100x16x16384xf32, #tpu.memory_space<hbm>> -> memref<1x1x1024xf32, #tpu.memory_space<hbm>>
      %dma_wait3A_915 = tpu.memref_squeeze %dma_wait3A_914 : memref<1x1x1024xf32, #tpu.memory_space<hbm>> -> memref<1024xf32, #tpu.memory_space<hbm>>
      %dma_wait3A_916 = arith.constant 0 : i32
      %dma_wait3A_917 = tpu.memref_slice %arg4[%dma_wait3A_911, %dma_wait3A_912, %dma_wait3A_916] : memref<100x16x16384xf32, #tpu.memory_space<hbm>> -> memref<1x1x1024xf32, #tpu.memory_space<hbm>>
      %dma_wait3A_918 = tpu.memref_squeeze %dma_wait3A_917 : memref<1x1x1024xf32, #tpu.memory_space<hbm>> -> memref<1024xf32, #tpu.memory_space<hbm>>
      tpu.wait_dma2 semaphore(%arg15 : memref<!tpu.dma_semaphore, #tpu.memory_space<semaphore_mem>>) src(%arg11 : memref<1024xf32, #tpu.memory_space<vmem>>) dst(%dma_wait3A_918 : memref<1024xf32, #tpu.memory_space<hbm>>)
      %parallel_loop3A_919 = arith.constant 0 : i32
      %parallel_loop3A_920 = arith.constant 1024 : i32
      %parallel_loop3A_921 = arith.constant 16 : i32
      scf.for %parallel_loop3A_1183 = %parallel_loop3A_919 to %parallel_loop3A_920 step %parallel_loop3A_921  : i32 {
        %parallel_loop3A_1184 = arith.constant 7 : i32
        %parallel_loop3A_1185 = arith.index_cast %parallel_loop3A_1184 : i32 to index
        %parallel_loop3A_1186 = arith.index_cast %parallel_loop3A_1183 : i32 to index
        %parallel_loop3A_1187 = tpu.vector_load %arg6[%parallel_loop3A_1185, %parallel_loop3A_1186] {strides = array<i32>} : memref<8x1024xi32, #tpu.memory_space<vmem>>, vector<16xi32>,
        %parallel_loop3A_1188 = tpu.vector_load_idx %arg5[%parallel_loop3A_1187] : memref<100000xf32, #tpu.memory_space<vmem>>[vector<16xi32>], vector<16xf32>,
        %parallel_loop3A_1189 = arith.index_cast %parallel_loop3A_1183 : i32 to index
        %parallel_loop3A_1190 = tpu.vector_load %arg11[%parallel_loop3A_1189] {strides = array<i32>} : memref<1024xf32, #tpu.memory_space<vmem>>, vector<16xf32>,
        tpu.vector_store %arg11[%parallel_loop3A_1189], %parallel_loop3A_1188 {strides = array<i32>} : memref<1024xf32, #tpu.memory_space<vmem>>, vector<16xf32>,
      } {sc.loop_unroll_factor = 8 : i64, sc.parallel_access}
      %mul3A_922 = arith.constant 8 : i32
      %mul3A_923 = arith.muli %select_n3A, %mul3A_922 : i32
      %add3A_924 = arith.constant 7 : i32
      %add3A_925 = arith.addi %mul3A_923, %add3A_924 : i32
      %mul3A_926 = arith.constant 1024 : i32
      %mul3A_927 = arith.muli %rem3A_732, %mul3A_926 : i32
      %add3A_928 = arith.addi %mul3A_0, %mul3A_927 : i32
      %dma_start3A_929 = tpu.memref_slice %arg4[%add3A_925, %arg1, %add3A_928] : memref<100x16x16384xf32, #tpu.memory_space<hbm>> -> memref<1x1x1024xf32, #tpu.memory_space<hbm>>
      %dma_start3A_930 = tpu.memref_squeeze %dma_start3A_929 : memref<1x1x1024xf32, #tpu.memory_space<hbm>> -> memref<1024xf32, #tpu.memory_space<hbm>>
      %dma_start3A_931 = tpu.memref_slice %arg4[%add3A_925, %arg1, %add3A_928] : memref<100x16x16384xf32, #tpu.memory_space<hbm>> -> memref<1x1x1024xf32, #tpu.memory_space<hbm>>
      %dma_start3A_932 = tpu.memref_squeeze %dma_start3A_931 : memref<1x1x1024xf32, #tpu.memory_space<hbm>> -> memref<1024xf32, #tpu.memory_space<hbm>>
      tpu.enqueue_dma source(%arg11 : memref<1024xf32, #tpu.memory_space<vmem>>) target(%dma_start3A_932 : memref<1024xf32, #tpu.memory_space<hbm>>) target_semaphore(%arg15 : memref<!tpu.dma_semaphore, #tpu.memory_space<semaphore_mem>>)
      %add3A_933 = arith.constant 2 : i32
      %add3A_934 = arith.addi %add3A_713, %add3A_933 : i32
      %lt3A = arith.constant 96 : i32
      %lt3A_935 = arith.cmpi slt, %add3A_934, %lt3A : i32
      %convert_element_type3A_936 = arith.extui %lt3A_935 : i1 to i32
      %cond3A_937 = arith.constant 0 : i32
      %cond3A_938 = arith.cmpi ne, %convert_element_type3A_936, %cond3A_937 : i32
      scf.if %cond3A_938 {
        %add3A_1183 = arith.constant 2 : i32
        %add3A_1184 = arith.addi %add3A_713, %add3A_1183 : i32
        %jit3A_1185 = arith.constant 8 : i32
        %div3A_1186 = arith.divsi %add3A_1184, %jit3A_1185 : i32
        %sign3A_1187 = arith.constant 0 : i32
        %sign3A_1188 = arith.cmpi sgt, %add3A_1184, %sign3A_1187 : i32
        %sign3A_1189 = arith.extui %sign3A_1188 : i1 to i32
        %sign3A_1190 = arith.constant 0 : i32
        %sign3A_1191 = arith.cmpi slt, %add3A_1184, %sign3A_1190 : i32
        %sign3A_1192 = arith.extui %sign3A_1191 : i1 to i32
        %sign3A_1193 = arith.subi %sign3A_1189, %sign3A_1192 : i32
        %sign3A_1194 = arith.constant 0 : i32
        %sign3A_1195 = arith.cmpi sgt, %jit3A_1185, %sign3A_1194 : i32
        %sign3A_1196 = arith.extui %sign3A_1195 : i1 to i32
        %sign3A_1197 = arith.constant 0 : i32
        %sign3A_1198 = arith.cmpi slt, %jit3A_1185, %sign3A_1197 : i32
        %sign3A_1199 = arith.extui %sign3A_1198 : i1 to i32
        %sign3A_1200 = arith.subi %sign3A_1196, %sign3A_1199 : i32
        %ne3A_1201 = arith.cmpi ne, %sign3A_1193, %sign3A_1200 : i32
        %rem3A_1202 = arith.remsi %add3A_1184, %jit3A_1185 : i32
        %ne3A_1203 = arith.constant 0 : i32
        %ne3A_1204 = arith.cmpi ne, %rem3A_1202, %ne3A_1203 : i32
        %and3A_1205 = arith.andi %ne3A_1201, %ne3A_1204 : i1
        %sub3A_1206 = arith.constant 1 : i32
        %sub3A_1207 = arith.subi %div3A_1186, %sub3A_1206 : i32
        %select_n3A_1208 = arith.select %and3A_1205, %sub3A_1207, %div3A_1186 : i32
        %rem3A_1209 = arith.constant 8 : i32
        %rem3A_1210 = arith.remsi %add3A_1184, %rem3A_1209 : i32
        %mul3A_1211 = arith.constant 8 : i32
        %mul3A_1212 = arith.muli %select_n3A_1208, %mul3A_1211 : i32
        %mul3A_1213 = arith.constant 1024 : i32
        %mul3A_1214 = arith.muli %rem3A_1210, %mul3A_1213 : i32
        %add3A_1215 = arith.addi %mul3A_0, %mul3A_1214 : i32
        %dma_start3A_1216 = tpu.memref_slice %arg2[%mul3A_1212, %add3A_1215] : memref<100x16384xi32, #tpu.memory_space<hbm>> -> memref<8x1024xi32, #tpu.memory_space<hbm>>
        %dma_start3A_1217 = tpu.memref_slice %arg2[%mul3A_1212, %add3A_1215] : memref<100x16384xi32, #tpu.memory_space<hbm>> -> memref<8x1024xi32, #tpu.memory_space<hbm>>
        tpu.enqueue_dma source(%dma_start3A_1217 : memref<8x1024xi32, #tpu.memory_space<hbm>>) target(%arg6 : memref<8x1024xi32, #tpu.memory_space<vmem>>) target_semaphore(%arg12 : memref<!tpu.dma_semaphore, #tpu.memory_space<semaphore_mem>>)
      } else {
      }
      %add3A_939 = arith.constant 1 : i32
      %add3A_940 = arith.addi %add3A_711, %add3A_939 : i32
      %jit3A_941 = arith.constant 8 : i32
      %div3A_942 = arith.divsi %add3A_940, %jit3A_941 : i32
      %sign3A_943 = arith.constant 0 : i32
      %sign3A_944 = arith.cmpi sgt, %add3A_940, %sign3A_943 : i32
      %sign3A_945 = arith.extui %sign3A_944 : i1 to i32
      %sign3A_946 = arith.constant 0 : i32
      %sign3A_947 = arith.cmpi slt, %add3A_940, %sign3A_946 : i32
      %sign3A_948 = arith.extui %sign3A_947 : i1 to i32
      %sign3A_949 = arith.subi %sign3A_945, %sign3A_948 : i32
      %sign3A_950 = arith.constant 0 : i32
      %sign3A_951 = arith.cmpi sgt, %jit3A_941, %sign3A_950 : i32
      %sign3A_952 = arith.extui %sign3A_951 : i1 to i32
      %sign3A_953 = arith.constant 0 : i32
      %sign3A_954 = arith.cmpi slt, %jit3A_941, %sign3A_953 : i32
      %sign3A_955 = arith.extui %sign3A_954 : i1 to i32
      %sign3A_956 = arith.subi %sign3A_952, %sign3A_955 : i32
      %ne3A_957 = arith.cmpi ne, %sign3A_949, %sign3A_956 : i32
      %rem3A_958 = arith.remsi %add3A_940, %jit3A_941 : i32
      %ne3A_959 = arith.constant 0 : i32
      %ne3A_960 = arith.cmpi ne, %rem3A_958, %ne3A_959 : i32
      %and3A_961 = arith.andi %ne3A_957, %ne3A_960 : i1
      %sub3A_962 = arith.constant 1 : i32
      %sub3A_963 = arith.subi %div3A_942, %sub3A_962 : i32
      %select_n3A_964 = arith.select %and3A_961, %sub3A_963, %div3A_942 : i32
      %rem3A_965 = arith.constant 8 : i32
      %rem3A_966 = arith.remsi %add3A_940, %rem3A_965 : i32
      %jit3A_967 = arith.constant 8 : i32
      %div3A_968 = arith.divsi %add3A_940, %jit3A_967 : i32
      %sign3A_969 = arith.constant 0 : i32
      %sign3A_970 = arith.cmpi sgt, %add3A_940, %sign3A_969 : i32
      %sign3A_971 = arith.extui %sign3A_970 : i1 to i32
      %sign3A_972 = arith.constant 0 : i32
      %sign3A_973 = arith.cmpi slt, %add3A_940, %sign3A_972 : i32
      %sign3A_974 = arith.extui %sign3A_973 : i1 to i32
      %sign3A_975 = arith.subi %sign3A_971, %sign3A_974 : i32
      %sign3A_976 = arith.constant 0 : i32
      %sign3A_977 = arith.cmpi sgt, %jit3A_967, %sign3A_976 : i32
      %sign3A_978 = arith.extui %sign3A_977 : i1 to i32
      %sign3A_979 = arith.constant 0 : i32
      %sign3A_980 = arith.cmpi slt, %jit3A_967, %sign3A_979 : i32
      %sign3A_981 = arith.extui %sign3A_980 : i1 to i32
      %sign3A_982 = arith.subi %sign3A_978, %sign3A_981 : i32
      %ne3A_983 = arith.cmpi ne, %sign3A_975, %sign3A_982 : i32
      %rem3A_984 = arith.remsi %add3A_940, %jit3A_967 : i32
      %ne3A_985 = arith.constant 0 : i32
      %ne3A_986 = arith.cmpi ne, %rem3A_984, %ne3A_985 : i32
      %and3A_987 = arith.andi %ne3A_983, %ne3A_986 : i1
      %sub3A_988 = arith.constant 1 : i32
      %sub3A_989 = arith.subi %div3A_968, %sub3A_988 : i32
      %select_n3A_990 = arith.select %and3A_987, %sub3A_989, %div3A_968 : i32
      %rem3A_991 = arith.constant 8 : i32
      %rem3A_992 = arith.remsi %add3A_940, %rem3A_991 : i32
      %mul3A_993 = arith.constant 8 : i32
      %mul3A_994 = arith.muli %select_n3A_990, %mul3A_993 : i32
      %mul3A_995 = arith.constant 1024 : i32
      %mul3A_996 = arith.muli %rem3A_992, %mul3A_995 : i32
      %add3A_997 = arith.addi %mul3A_0, %mul3A_996 : i32
      %dma_wait3A_998 = tpu.memref_slice %arg2[%mul3A_994, %add3A_997] : memref<100x16384xi32, #tpu.memory_space<hbm>> -> memref<8x1024xi32, #tpu.memory_space<hbm>>
      %dma_wait3A_999 = tpu.memref_slice %arg2[%mul3A_994, %add3A_997] : memref<100x16384xi32, #tpu.memory_space<hbm>> -> memref<8x1024xi32, #tpu.memory_space<hbm>>
      tpu.wait_dma2 semaphore(%arg13 : memref<!tpu.dma_semaphore, #tpu.memory_space<semaphore_mem>>) src(%dma_wait3A_999 : memref<8x1024xi32, #tpu.memory_space<hbm>>) dst(%arg7 : memref<8x1024xi32, #tpu.memory_space<vmem>>)
      %dma_wait3A_1000 = arith.constant 0 : i32
      %dma_wait3A_1001 = arith.constant 0 : i32
      %dma_wait3A_1002 = arith.constant 0 : i32
      %dma_wait3A_1003 = tpu.memref_slice %arg4[%dma_wait3A_1000, %dma_wait3A_1001, %dma_wait3A_1002] : memref<100x16x16384xf32, #tpu.memory_space<hbm>> -> memref<1x1x1024xf32, #tpu.memory_space<hbm>>
      %dma_wait3A_1004 = tpu.memref_squeeze %dma_wait3A_1003 : memref<1x1x1024xf32, #tpu.memory_space<hbm>> -> memref<1024xf32, #tpu.memory_space<hbm>>
      %dma_wait3A_1005 = arith.constant 0 : i32
      %dma_wait3A_1006 = tpu.memref_slice %arg4[%dma_wait3A_1000, %dma_wait3A_1001, %dma_wait3A_1005] : memref<100x16x16384xf32, #tpu.memory_space<hbm>> -> memref<1x1x1024xf32, #tpu.memory_space<hbm>>
      %dma_wait3A_1007 = tpu.memref_squeeze %dma_wait3A_1006 : memref<1x1x1024xf32, #tpu.memory_space<hbm>> -> memref<1024xf32, #tpu.memory_space<hbm>>
      tpu.wait_dma2 semaphore(%arg14 : memref<!tpu.dma_semaphore, #tpu.memory_space<semaphore_mem>>) src(%arg10 : memref<1024xf32, #tpu.memory_space<vmem>>) dst(%dma_wait3A_1007 : memref<1024xf32, #tpu.memory_space<hbm>>)
      %parallel_loop3A_1008 = arith.constant 0 : i32
      %parallel_loop3A_1009 = arith.constant 1024 : i32
      %parallel_loop3A_1010 = arith.constant 16 : i32
      scf.for %parallel_loop3A_1183 = %parallel_loop3A_1008 to %parallel_loop3A_1009 step %parallel_loop3A_1010  : i32 {
        %parallel_loop3A_1184 = arith.constant 0 : i32
        %parallel_loop3A_1185 = arith.index_cast %parallel_loop3A_1184 : i32 to index
        %parallel_loop3A_1186 = arith.index_cast %parallel_loop3A_1183 : i32 to index
        %parallel_loop3A_1187 = tpu.vector_load %arg7[%parallel_loop3A_1185, %parallel_loop3A_1186] {strides = array<i32>} : memref<8x1024xi32, #tpu.memory_space<vmem>>, vector<16xi32>,
        %parallel_loop3A_1188 = tpu.vector_load_idx %arg5[%parallel_loop3A_1187] : memref<100000xf32, #tpu.memory_space<vmem>>[vector<16xi32>], vector<16xf32>,
        %parallel_loop3A_1189 = arith.index_cast %parallel_loop3A_1183 : i32 to index
        %parallel_loop3A_1190 = tpu.vector_load %arg10[%parallel_loop3A_1189] {strides = array<i32>} : memref<1024xf32, #tpu.memory_space<vmem>>, vector<16xf32>,
        tpu.vector_store %arg10[%parallel_loop3A_1189], %parallel_loop3A_1188 {strides = array<i32>} : memref<1024xf32, #tpu.memory_space<vmem>>, vector<16xf32>,
      } {sc.loop_unroll_factor = 8 : i64, sc.parallel_access}
      %mul3A_1011 = arith.constant 8 : i32
      %mul3A_1012 = arith.muli %select_n3A_964, %mul3A_1011 : i32
      %add3A_1013 = arith.constant 0 : i32
      %add3A_1014 = arith.addi %mul3A_1012, %add3A_1013 : i32
      %mul3A_1015 = arith.constant 1024 : i32
      %mul3A_1016 = arith.muli %rem3A_966, %mul3A_1015 : i32
      %add3A_1017 = arith.addi %mul3A_0, %mul3A_1016 : i32
      %dma_start3A_1018 = tpu.memref_slice %arg4[%add3A_1014, %arg1, %add3A_1017] : memref<100x16x16384xf32, #tpu.memory_space<hbm>> -> memref<1x1x1024xf32, #tpu.memory_space<hbm>>
      %dma_start3A_1019 = tpu.memref_squeeze %dma_start3A_1018 : memref<1x1x1024xf32, #tpu.memory_space<hbm>> -> memref<1024xf32, #tpu.memory_space<hbm>>
      %dma_start3A_1020 = tpu.memref_slice %arg4[%add3A_1014, %arg1, %add3A_1017] : memref<100x16x16384xf32, #tpu.memory_space<hbm>> -> memref<1x1x1024xf32, #tpu.memory_space<hbm>>
      %dma_start3A_1021 = tpu.memref_squeeze %dma_start3A_1020 : memref<1x1x1024xf32, #tpu.memory_space<hbm>> -> memref<1024xf32, #tpu.memory_space<hbm>>
      tpu.enqueue_dma source(%arg10 : memref<1024xf32, #tpu.memory_space<vmem>>) target(%dma_start3A_1021 : memref<1024xf32, #tpu.memory_space<hbm>>) target_semaphore(%arg14 : memref<!tpu.dma_semaphore, #tpu.memory_space<semaphore_mem>>)
      %dma_wait3A_1022 = arith.constant 0 : i32
      %dma_wait3A_1023 = arith.constant 0 : i32
      %dma_wait3A_1024 = arith.constant 0 : i32
      %dma_wait3A_1025 = tpu.memref_slice %arg4[%dma_wait3A_1022, %dma_wait3A_1023, %dma_wait3A_1024] : memref<100x16x16384xf32, #tpu.memory_space<hbm>> -> memref<1x1x1024xf32, #tpu.memory_space<hbm>>
      %dma_wait3A_1026 = tpu.memref_squeeze %dma_wait3A_1025 : memref<1x1x1024xf32, #tpu.memory_space<hbm>> -> memref<1024xf32, #tpu.memory_space<hbm>>
      %dma_wait3A_1027 = arith.constant 0 : i32
      %dma_wait3A_1028 = tpu.memref_slice %arg4[%dma_wait3A_1022, %dma_wait3A_1023, %dma_wait3A_1027] : memref<100x16x16384xf32, #tpu.memory_space<hbm>> -> memref<1x1x1024xf32, #tpu.memory_space<hbm>>
      %dma_wait3A_1029 = tpu.memref_squeeze %dma_wait3A_1028 : memref<1x1x1024xf32, #tpu.memory_space<hbm>> -> memref<1024xf32, #tpu.memory_space<hbm>>
      tpu.wait_dma2 semaphore(%arg15 : memref<!tpu.dma_semaphore, #tpu.memory_space<semaphore_mem>>) src(%arg11 : memref<1024xf32, #tpu.memory_space<vmem>>) dst(%dma_wait3A_1029 : memref<1024xf32, #tpu.memory_space<hbm>>)
      %parallel_loop3A_1030 = arith.constant 0 : i32
      %parallel_loop3A_1031 = arith.constant 1024 : i32
      %parallel_loop3A_1032 = arith.constant 16 : i32
      scf.for %parallel_loop3A_1183 = %parallel_loop3A_1030 to %parallel_loop3A_1031 step %parallel_loop3A_1032  : i32 {
        %parallel_loop3A_1184 = arith.constant 1 : i32
        %parallel_loop3A_1185 = arith.index_cast %parallel_loop3A_1184 : i32 to index
        %parallel_loop3A_1186 = arith.index_cast %parallel_loop3A_1183 : i32 to index
        %parallel_loop3A_1187 = tpu.vector_load %arg7[%parallel_loop3A_1185, %parallel_loop3A_1186] {strides = array<i32>} : memref<8x1024xi32, #tpu.memory_space<vmem>>, vector<16xi32>,
        %parallel_loop3A_1188 = tpu.vector_load_idx %arg5[%parallel_loop3A_1187] : memref<100000xf32, #tpu.memory_space<vmem>>[vector<16xi32>], vector<16xf32>,
        %parallel_loop3A_1189 = arith.index_cast %parallel_loop3A_1183 : i32 to index
        %parallel_loop3A_1190 = tpu.vector_load %arg11[%parallel_loop3A_1189] {strides = array<i32>} : memref<1024xf32, #tpu.memory_space<vmem>>, vector<16xf32>,
        tpu.vector_store %arg11[%parallel_loop3A_1189], %parallel_loop3A_1188 {strides = array<i32>} : memref<1024xf32, #tpu.memory_space<vmem>>, vector<16xf32>,
      } {sc.loop_unroll_factor = 8 : i64, sc.parallel_access}
      %mul3A_1033 = arith.constant 8 : i32
      %mul3A_1034 = arith.muli %select_n3A_964, %mul3A_1033 : i32
      %add3A_1035 = arith.constant 1 : i32
      %add3A_1036 = arith.addi %mul3A_1034, %add3A_1035 : i32
      %mul3A_1037 = arith.constant 1024 : i32
      %mul3A_1038 = arith.muli %rem3A_966, %mul3A_1037 : i32
      %add3A_1039 = arith.addi %mul3A_0, %mul3A_1038 : i32
      %dma_start3A_1040 = tpu.memref_slice %arg4[%add3A_1036, %arg1, %add3A_1039] : memref<100x16x16384xf32, #tpu.memory_space<hbm>> -> memref<1x1x1024xf32, #tpu.memory_space<hbm>>
      %dma_start3A_1041 = tpu.memref_squeeze %dma_start3A_1040 : memref<1x1x1024xf32, #tpu.memory_space<hbm>> -> memref<1024xf32, #tpu.memory_space<hbm>>
      %dma_start3A_1042 = tpu.memref_slice %arg4[%add3A_1036, %arg1, %add3A_1039] : memref<100x16x16384xf32, #tpu.memory_space<hbm>> -> memref<1x1x1024xf32, #tpu.memory_space<hbm>>
      %dma_start3A_1043 = tpu.memref_squeeze %dma_start3A_1042 : memref<1x1x1024xf32, #tpu.memory_space<hbm>> -> memref<1024xf32, #tpu.memory_space<hbm>>
      tpu.enqueue_dma source(%arg11 : memref<1024xf32, #tpu.memory_space<vmem>>) target(%dma_start3A_1043 : memref<1024xf32, #tpu.memory_space<hbm>>) target_semaphore(%arg15 : memref<!tpu.dma_semaphore, #tpu.memory_space<semaphore_mem>>)
      %dma_wait3A_1044 = arith.constant 0 : i32
      %dma_wait3A_1045 = arith.constant 0 : i32
      %dma_wait3A_1046 = arith.constant 0 : i32
      %dma_wait3A_1047 = tpu.memref_slice %arg4[%dma_wait3A_1044, %dma_wait3A_1045, %dma_wait3A_1046] : memref<100x16x16384xf32, #tpu.memory_space<hbm>> -> memref<1x1x1024xf32, #tpu.memory_space<hbm>>
      %dma_wait3A_1048 = tpu.memref_squeeze %dma_wait3A_1047 : memref<1x1x1024xf32, #tpu.memory_space<hbm>> -> memref<1024xf32, #tpu.memory_space<hbm>>
      %dma_wait3A_1049 = arith.constant 0 : i32
      %dma_wait3A_1050 = tpu.memref_slice %arg4[%dma_wait3A_1044, %dma_wait3A_1045, %dma_wait3A_1049] : memref<100x16x16384xf32, #tpu.memory_space<hbm>> -> memref<1x1x1024xf32, #tpu.memory_space<hbm>>
      %dma_wait3A_1051 = tpu.memref_squeeze %dma_wait3A_1050 : memref<1x1x1024xf32, #tpu.memory_space<hbm>> -> memref<1024xf32, #tpu.memory_space<hbm>>
      tpu.wait_dma2 semaphore(%arg14 : memref<!tpu.dma_semaphore, #tpu.memory_space<semaphore_mem>>) src(%arg10 : memref<1024xf32, #tpu.memory_space<vmem>>) dst(%dma_wait3A_1051 : memref<1024xf32, #tpu.memory_space<hbm>>)
      %parallel_loop3A_1052 = arith.constant 0 : i32
      %parallel_loop3A_1053 = arith.constant 1024 : i32
      %parallel_loop3A_1054 = arith.constant 16 : i32
      scf.for %parallel_loop3A_1183 = %parallel_loop3A_1052 to %parallel_loop3A_1053 step %parallel_loop3A_1054  : i32 {
        %parallel_loop3A_1184 = arith.constant 2 : i32
        %parallel_loop3A_1185 = arith.index_cast %parallel_loop3A_1184 : i32 to index
        %parallel_loop3A_1186 = arith.index_cast %parallel_loop3A_1183 : i32 to index
        %parallel_loop3A_1187 = tpu.vector_load %arg7[%parallel_loop3A_1185, %parallel_loop3A_1186] {strides = array<i32>} : memref<8x1024xi32, #tpu.memory_space<vmem>>, vector<16xi32>,
        %parallel_loop3A_1188 = tpu.vector_load_idx %arg5[%parallel_loop3A_1187] : memref<100000xf32, #tpu.memory_space<vmem>>[vector<16xi32>], vector<16xf32>,
        %parallel_loop3A_1189 = arith.index_cast %parallel_loop3A_1183 : i32 to index
        %parallel_loop3A_1190 = tpu.vector_load %arg10[%parallel_loop3A_1189] {strides = array<i32>} : memref<1024xf32, #tpu.memory_space<vmem>>, vector<16xf32>,
        tpu.vector_store %arg10[%parallel_loop3A_1189], %parallel_loop3A_1188 {strides = array<i32>} : memref<1024xf32, #tpu.memory_space<vmem>>, vector<16xf32>,
      } {sc.loop_unroll_factor = 8 : i64, sc.parallel_access}
      %mul3A_1055 = arith.constant 8 : i32
      %mul3A_1056 = arith.muli %select_n3A_964, %mul3A_1055 : i32
      %add3A_1057 = arith.constant 2 : i32
      %add3A_1058 = arith.addi %mul3A_1056, %add3A_1057 : i32
      %mul3A_1059 = arith.constant 1024 : i32
      %mul3A_1060 = arith.muli %rem3A_966, %mul3A_1059 : i32
      %add3A_1061 = arith.addi %mul3A_0, %mul3A_1060 : i32
      %dma_start3A_1062 = tpu.memref_slice %arg4[%add3A_1058, %arg1, %add3A_1061] : memref<100x16x16384xf32, #tpu.memory_space<hbm>> -> memref<1x1x1024xf32, #tpu.memory_space<hbm>>
      %dma_start3A_1063 = tpu.memref_squeeze %dma_start3A_1062 : memref<1x1x1024xf32, #tpu.memory_space<hbm>> -> memref<1024xf32, #tpu.memory_space<hbm>>
      %dma_start3A_1064 = tpu.memref_slice %arg4[%add3A_1058, %arg1, %add3A_1061] : memref<100x16x16384xf32, #tpu.memory_space<hbm>> -> memref<1x1x1024xf32, #tpu.memory_space<hbm>>
      %dma_start3A_1065 = tpu.memref_squeeze %dma_start3A_1064 : memref<1x1x1024xf32, #tpu.memory_space<hbm>> -> memref<1024xf32, #tpu.memory_space<hbm>>
      tpu.enqueue_dma source(%arg10 : memref<1024xf32, #tpu.memory_space<vmem>>) target(%dma_start3A_1065 : memref<1024xf32, #tpu.memory_space<hbm>>) target_semaphore(%arg14 : memref<!tpu.dma_semaphore, #tpu.memory_space<semaphore_mem>>)
      %dma_wait3A_1066 = arith.constant 0 : i32
      %dma_wait3A_1067 = arith.constant 0 : i32
      %dma_wait3A_1068 = arith.constant 0 : i32
      %dma_wait3A_1069 = tpu.memref_slice %arg4[%dma_wait3A_1066, %dma_wait3A_1067, %dma_wait3A_1068] : memref<100x16x16384xf32, #tpu.memory_space<hbm>> -> memref<1x1x1024xf32, #tpu.memory_space<hbm>>
      %dma_wait3A_1070 = tpu.memref_squeeze %dma_wait3A_1069 : memref<1x1x1024xf32, #tpu.memory_space<hbm>> -> memref<1024xf32, #tpu.memory_space<hbm>>
      %dma_wait3A_1071 = arith.constant 0 : i32
      %dma_wait3A_1072 = tpu.memref_slice %arg4[%dma_wait3A_1066, %dma_wait3A_1067, %dma_wait3A_1071] : memref<100x16x16384xf32, #tpu.memory_space<hbm>> -> memref<1x1x1024xf32, #tpu.memory_space<hbm>>
      %dma_wait3A_1073 = tpu.memref_squeeze %dma_wait3A_1072 : memref<1x1x1024xf32, #tpu.memory_space<hbm>> -> memref<1024xf32, #tpu.memory_space<hbm>>
      tpu.wait_dma2 semaphore(%arg15 : memref<!tpu.dma_semaphore, #tpu.memory_space<semaphore_mem>>) src(%arg11 : memref<1024xf32, #tpu.memory_space<vmem>>) dst(%dma_wait3A_1073 : memref<1024xf32, #tpu.memory_space<hbm>>)
      %parallel_loop3A_1074 = arith.constant 0 : i32
      %parallel_loop3A_1075 = arith.constant 1024 : i32
      %parallel_loop3A_1076 = arith.constant 16 : i32
      scf.for %parallel_loop3A_1183 = %parallel_loop3A_1074 to %parallel_loop3A_1075 step %parallel_loop3A_1076  : i32 {
        %parallel_loop3A_1184 = arith.constant 3 : i32
        %parallel_loop3A_1185 = arith.index_cast %parallel_loop3A_1184 : i32 to index
        %parallel_loop3A_1186 = arith.index_cast %parallel_loop3A_1183 : i32 to index
        %parallel_loop3A_1187 = tpu.vector_load %arg7[%parallel_loop3A_1185, %parallel_loop3A_1186] {strides = array<i32>} : memref<8x1024xi32, #tpu.memory_space<vmem>>, vector<16xi32>,
        %parallel_loop3A_1188 = tpu.vector_load_idx %arg5[%parallel_loop3A_1187] : memref<100000xf32, #tpu.memory_space<vmem>>[vector<16xi32>], vector<16xf32>,
        %parallel_loop3A_1189 = arith.index_cast %parallel_loop3A_1183 : i32 to index
        %parallel_loop3A_1190 = tpu.vector_load %arg11[%parallel_loop3A_1189] {strides = array<i32>} : memref<1024xf32, #tpu.memory_space<vmem>>, vector<16xf32>,
        tpu.vector_store %arg11[%parallel_loop3A_1189], %parallel_loop3A_1188 {strides = array<i32>} : memref<1024xf32, #tpu.memory_space<vmem>>, vector<16xf32>,
      } {sc.loop_unroll_factor = 8 : i64, sc.parallel_access}
      %mul3A_1077 = arith.constant 8 : i32
      %mul3A_1078 = arith.muli %select_n3A_964, %mul3A_1077 : i32
      %add3A_1079 = arith.constant 3 : i32
      %add3A_1080 = arith.addi %mul3A_1078, %add3A_1079 : i32
      %mul3A_1081 = arith.constant 1024 : i32
      %mul3A_1082 = arith.muli %rem3A_966, %mul3A_1081 : i32
      %add3A_1083 = arith.addi %mul3A_0, %mul3A_1082 : i32
      %dma_start3A_1084 = tpu.memref_slice %arg4[%add3A_1080, %arg1, %add3A_1083] : memref<100x16x16384xf32, #tpu.memory_space<hbm>> -> memref<1x1x1024xf32, #tpu.memory_space<hbm>>
      %dma_start3A_1085 = tpu.memref_squeeze %dma_start3A_1084 : memref<1x1x1024xf32, #tpu.memory_space<hbm>> -> memref<1024xf32, #tpu.memory_space<hbm>>
      %dma_start3A_1086 = tpu.memref_slice %arg4[%add3A_1080, %arg1, %add3A_1083] : memref<100x16x16384xf32, #tpu.memory_space<hbm>> -> memref<1x1x1024xf32, #tpu.memory_space<hbm>>
      %dma_start3A_1087 = tpu.memref_squeeze %dma_start3A_1086 : memref<1x1x1024xf32, #tpu.memory_space<hbm>> -> memref<1024xf32, #tpu.memory_space<hbm>>
      tpu.enqueue_dma source(%arg11 : memref<1024xf32, #tpu.memory_space<vmem>>) target(%dma_start3A_1087 : memref<1024xf32, #tpu.memory_space<hbm>>) target_semaphore(%arg15 : memref<!tpu.dma_semaphore, #tpu.memory_space<semaphore_mem>>)
      %dma_wait3A_1088 = arith.constant 0 : i32
      %dma_wait3A_1089 = arith.constant 0 : i32
      %dma_wait3A_1090 = arith.constant 0 : i32
      %dma_wait3A_1091 = tpu.memref_slice %arg4[%dma_wait3A_1088, %dma_wait3A_1089, %dma_wait3A_1090] : memref<100x16x16384xf32, #tpu.memory_space<hbm>> -> memref<1x1x1024xf32, #tpu.memory_space<hbm>>
      %dma_wait3A_1092 = tpu.memref_squeeze %dma_wait3A_1091 : memref<1x1x1024xf32, #tpu.memory_space<hbm>> -> memref<1024xf32, #tpu.memory_space<hbm>>
      %dma_wait3A_1093 = arith.constant 0 : i32
      %dma_wait3A_1094 = tpu.memref_slice %arg4[%dma_wait3A_1088, %dma_wait3A_1089, %dma_wait3A_1093] : memref<100x16x16384xf32, #tpu.memory_space<hbm>> -> memref<1x1x1024xf32, #tpu.memory_space<hbm>>
      %dma_wait3A_1095 = tpu.memref_squeeze %dma_wait3A_1094 : memref<1x1x1024xf32, #tpu.memory_space<hbm>> -> memref<1024xf32, #tpu.memory_space<hbm>>
      tpu.wait_dma2 semaphore(%arg14 : memref<!tpu.dma_semaphore, #tpu.memory_space<semaphore_mem>>) src(%arg10 : memref<1024xf32, #tpu.memory_space<vmem>>) dst(%dma_wait3A_1095 : memref<1024xf32, #tpu.memory_space<hbm>>)
      %parallel_loop3A_1096 = arith.constant 0 : i32
      %parallel_loop3A_1097 = arith.constant 1024 : i32
      %parallel_loop3A_1098 = arith.constant 16 : i32
      scf.for %parallel_loop3A_1183 = %parallel_loop3A_1096 to %parallel_loop3A_1097 step %parallel_loop3A_1098  : i32 {
        %parallel_loop3A_1184 = arith.constant 4 : i32
        %parallel_loop3A_1185 = arith.index_cast %parallel_loop3A_1184 : i32 to index
        %parallel_loop3A_1186 = arith.index_cast %parallel_loop3A_1183 : i32 to index
        %parallel_loop3A_1187 = tpu.vector_load %arg7[%parallel_loop3A_1185, %parallel_loop3A_1186] {strides = array<i32>} : memref<8x1024xi32, #tpu.memory_space<vmem>>, vector<16xi32>,
        %parallel_loop3A_1188 = tpu.vector_load_idx %arg5[%parallel_loop3A_1187] : memref<100000xf32, #tpu.memory_space<vmem>>[vector<16xi32>], vector<16xf32>,
        %parallel_loop3A_1189 = arith.index_cast %parallel_loop3A_1183 : i32 to index
        %parallel_loop3A_1190 = tpu.vector_load %arg10[%parallel_loop3A_1189] {strides = array<i32>} : memref<1024xf32, #tpu.memory_space<vmem>>, vector<16xf32>,
        tpu.vector_store %arg10[%parallel_loop3A_1189], %parallel_loop3A_1188 {strides = array<i32>} : memref<1024xf32, #tpu.memory_space<vmem>>, vector<16xf32>,
      } {sc.loop_unroll_factor = 8 : i64, sc.parallel_access}
      %mul3A_1099 = arith.constant 8 : i32
      %mul3A_1100 = arith.muli %select_n3A_964, %mul3A_1099 : i32
      %add3A_1101 = arith.constant 4 : i32
      %add3A_1102 = arith.addi %mul3A_1100, %add3A_1101 : i32
      %mul3A_1103 = arith.constant 1024 : i32
      %mul3A_1104 = arith.muli %rem3A_966, %mul3A_1103 : i32
      %add3A_1105 = arith.addi %mul3A_0, %mul3A_1104 : i32
      %dma_start3A_1106 = tpu.memref_slice %arg4[%add3A_1102, %arg1, %add3A_1105] : memref<100x16x16384xf32, #tpu.memory_space<hbm>> -> memref<1x1x1024xf32, #tpu.memory_space<hbm>>
      %dma_start3A_1107 = tpu.memref_squeeze %dma_start3A_1106 : memref<1x1x1024xf32, #tpu.memory_space<hbm>> -> memref<1024xf32, #tpu.memory_space<hbm>>
      %dma_start3A_1108 = tpu.memref_slice %arg4[%add3A_1102, %arg1, %add3A_1105] : memref<100x16x16384xf32, #tpu.memory_space<hbm>> -> memref<1x1x1024xf32, #tpu.memory_space<hbm>>
      %dma_start3A_1109 = tpu.memref_squeeze %dma_start3A_1108 : memref<1x1x1024xf32, #tpu.memory_space<hbm>> -> memref<1024xf32, #tpu.memory_space<hbm>>
      tpu.enqueue_dma source(%arg10 : memref<1024xf32, #tpu.memory_space<vmem>>) target(%dma_start3A_1109 : memref<1024xf32, #tpu.memory_space<hbm>>) target_semaphore(%arg14 : memref<!tpu.dma_semaphore, #tpu.memory_space<semaphore_mem>>)
      %dma_wait3A_1110 = arith.constant 0 : i32
      %dma_wait3A_1111 = arith.constant 0 : i32
      %dma_wait3A_1112 = arith.constant 0 : i32
      %dma_wait3A_1113 = tpu.memref_slice %arg4[%dma_wait3A_1110, %dma_wait3A_1111, %dma_wait3A_1112] : memref<100x16x16384xf32, #tpu.memory_space<hbm>> -> memref<1x1x1024xf32, #tpu.memory_space<hbm>>
      %dma_wait3A_1114 = tpu.memref_squeeze %dma_wait3A_1113 : memref<1x1x1024xf32, #tpu.memory_space<hbm>> -> memref<1024xf32, #tpu.memory_space<hbm>>
      %dma_wait3A_1115 = arith.constant 0 : i32
      %dma_wait3A_1116 = tpu.memref_slice %arg4[%dma_wait3A_1110, %dma_wait3A_1111, %dma_wait3A_1115] : memref<100x16x16384xf32, #tpu.memory_space<hbm>> -> memref<1x1x1024xf32, #tpu.memory_space<hbm>>
      %dma_wait3A_1117 = tpu.memref_squeeze %dma_wait3A_1116 : memref<1x1x1024xf32, #tpu.memory_space<hbm>> -> memref<1024xf32, #tpu.memory_space<hbm>>
      tpu.wait_dma2 semaphore(%arg15 : memref<!tpu.dma_semaphore, #tpu.memory_space<semaphore_mem>>) src(%arg11 : memref<1024xf32, #tpu.memory_space<vmem>>) dst(%dma_wait3A_1117 : memref<1024xf32, #tpu.memory_space<hbm>>)
      %parallel_loop3A_1118 = arith.constant 0 : i32
      %parallel_loop3A_1119 = arith.constant 1024 : i32
      %parallel_loop3A_1120 = arith.constant 16 : i32
      scf.for %parallel_loop3A_1183 = %parallel_loop3A_1118 to %parallel_loop3A_1119 step %parallel_loop3A_1120  : i32 {
        %parallel_loop3A_1184 = arith.constant 5 : i32
        %parallel_loop3A_1185 = arith.index_cast %parallel_loop3A_1184 : i32 to index
        %parallel_loop3A_1186 = arith.index_cast %parallel_loop3A_1183 : i32 to index
        %parallel_loop3A_1187 = tpu.vector_load %arg7[%parallel_loop3A_1185, %parallel_loop3A_1186] {strides = array<i32>} : memref<8x1024xi32, #tpu.memory_space<vmem>>, vector<16xi32>,
        %parallel_loop3A_1188 = tpu.vector_load_idx %arg5[%parallel_loop3A_1187] : memref<100000xf32, #tpu.memory_space<vmem>>[vector<16xi32>], vector<16xf32>,
        %parallel_loop3A_1189 = arith.index_cast %parallel_loop3A_1183 : i32 to index
        %parallel_loop3A_1190 = tpu.vector_load %arg11[%parallel_loop3A_1189] {strides = array<i32>} : memref<1024xf32, #tpu.memory_space<vmem>>, vector<16xf32>,
        tpu.vector_store %arg11[%parallel_loop3A_1189], %parallel_loop3A_1188 {strides = array<i32>} : memref<1024xf32, #tpu.memory_space<vmem>>, vector<16xf32>,
      } {sc.loop_unroll_factor = 8 : i64, sc.parallel_access}
      %mul3A_1121 = arith.constant 8 : i32
      %mul3A_1122 = arith.muli %select_n3A_964, %mul3A_1121 : i32
      %add3A_1123 = arith.constant 5 : i32
      %add3A_1124 = arith.addi %mul3A_1122, %add3A_1123 : i32
      %mul3A_1125 = arith.constant 1024 : i32
      %mul3A_1126 = arith.muli %rem3A_966, %mul3A_1125 : i32
      %add3A_1127 = arith.addi %mul3A_0, %mul3A_1126 : i32
      %dma_start3A_1128 = tpu.memref_slice %arg4[%add3A_1124, %arg1, %add3A_1127] : memref<100x16x16384xf32, #tpu.memory_space<hbm>> -> memref<1x1x1024xf32, #tpu.memory_space<hbm>>
      %dma_start3A_1129 = tpu.memref_squeeze %dma_start3A_1128 : memref<1x1x1024xf32, #tpu.memory_space<hbm>> -> memref<1024xf32, #tpu.memory_space<hbm>>
      %dma_start3A_1130 = tpu.memref_slice %arg4[%add3A_1124, %arg1, %add3A_1127] : memref<100x16x16384xf32, #tpu.memory_space<hbm>> -> memref<1x1x1024xf32, #tpu.memory_space<hbm>>
      %dma_start3A_1131 = tpu.memref_squeeze %dma_start3A_1130 : memref<1x1x1024xf32, #tpu.memory_space<hbm>> -> memref<1024xf32, #tpu.memory_space<hbm>>
      tpu.enqueue_dma source(%arg11 : memref<1024xf32, #tpu.memory_space<vmem>>) target(%dma_start3A_1131 : memref<1024xf32, #tpu.memory_space<hbm>>) target_semaphore(%arg15 : memref<!tpu.dma_semaphore, #tpu.memory_space<semaphore_mem>>)
      %dma_wait3A_1132 = arith.constant 0 : i32
      %dma_wait3A_1133 = arith.constant 0 : i32
      %dma_wait3A_1134 = arith.constant 0 : i32
      %dma_wait3A_1135 = tpu.memref_slice %arg4[%dma_wait3A_1132, %dma_wait3A_1133, %dma_wait3A_1134] : memref<100x16x16384xf32, #tpu.memory_space<hbm>> -> memref<1x1x1024xf32, #tpu.memory_space<hbm>>
      %dma_wait3A_1136 = tpu.memref_squeeze %dma_wait3A_1135 : memref<1x1x1024xf32, #tpu.memory_space<hbm>> -> memref<1024xf32, #tpu.memory_space<hbm>>
      %dma_wait3A_1137 = arith.constant 0 : i32
      %dma_wait3A_1138 = tpu.memref_slice %arg4[%dma_wait3A_1132, %dma_wait3A_1133, %dma_wait3A_1137] : memref<100x16x16384xf32, #tpu.memory_space<hbm>> -> memref<1x1x1024xf32, #tpu.memory_space<hbm>>
      %dma_wait3A_1139 = tpu.memref_squeeze %dma_wait3A_1138 : memref<1x1x1024xf32, #tpu.memory_space<hbm>> -> memref<1024xf32, #tpu.memory_space<hbm>>
      tpu.wait_dma2 semaphore(%arg14 : memref<!tpu.dma_semaphore, #tpu.memory_space<semaphore_mem>>) src(%arg10 : memref<1024xf32, #tpu.memory_space<vmem>>) dst(%dma_wait3A_1139 : memref<1024xf32, #tpu.memory_space<hbm>>)
      %parallel_loop3A_1140 = arith.constant 0 : i32
      %parallel_loop3A_1141 = arith.constant 1024 : i32
      %parallel_loop3A_1142 = arith.constant 16 : i32
      scf.for %parallel_loop3A_1183 = %parallel_loop3A_1140 to %parallel_loop3A_1141 step %parallel_loop3A_1142  : i32 {
        %parallel_loop3A_1184 = arith.constant 6 : i32
        %parallel_loop3A_1185 = arith.index_cast %parallel_loop3A_1184 : i32 to index
        %parallel_loop3A_1186 = arith.index_cast %parallel_loop3A_1183 : i32 to index
        %parallel_loop3A_1187 = tpu.vector_load %arg7[%parallel_loop3A_1185, %parallel_loop3A_1186] {strides = array<i32>} : memref<8x1024xi32, #tpu.memory_space<vmem>>, vector<16xi32>,
        %parallel_loop3A_1188 = tpu.vector_load_idx %arg5[%parallel_loop3A_1187] : memref<100000xf32, #tpu.memory_space<vmem>>[vector<16xi32>], vector<16xf32>,
        %parallel_loop3A_1189 = arith.index_cast %parallel_loop3A_1183 : i32 to index
        %parallel_loop3A_1190 = tpu.vector_load %arg10[%parallel_loop3A_1189] {strides = array<i32>} : memref<1024xf32, #tpu.memory_space<vmem>>, vector<16xf32>,
        tpu.vector_store %arg10[%parallel_loop3A_1189], %parallel_loop3A_1188 {strides = array<i32>} : memref<1024xf32, #tpu.memory_space<vmem>>, vector<16xf32>,
      } {sc.loop_unroll_factor = 8 : i64, sc.parallel_access}
      %mul3A_1143 = arith.constant 8 : i32
      %mul3A_1144 = arith.muli %select_n3A_964, %mul3A_1143 : i32
      %add3A_1145 = arith.constant 6 : i32
      %add3A_1146 = arith.addi %mul3A_1144, %add3A_1145 : i32
      %mul3A_1147 = arith.constant 1024 : i32
      %mul3A_1148 = arith.muli %rem3A_966, %mul3A_1147 : i32
      %add3A_1149 = arith.addi %mul3A_0, %mul3A_1148 : i32
      %dma_start3A_1150 = tpu.memref_slice %arg4[%add3A_1146, %arg1, %add3A_1149] : memref<100x16x16384xf32, #tpu.memory_space<hbm>> -> memref<1x1x1024xf32, #tpu.memory_space<hbm>>
      %dma_start3A_1151 = tpu.memref_squeeze %dma_start3A_1150 : memref<1x1x1024xf32, #tpu.memory_space<hbm>> -> memref<1024xf32, #tpu.memory_space<hbm>>
      %dma_start3A_1152 = tpu.memref_slice %arg4[%add3A_1146, %arg1, %add3A_1149] : memref<100x16x16384xf32, #tpu.memory_space<hbm>> -> memref<1x1x1024xf32, #tpu.memory_space<hbm>>
      %dma_start3A_1153 = tpu.memref_squeeze %dma_start3A_1152 : memref<1x1x1024xf32, #tpu.memory_space<hbm>> -> memref<1024xf32, #tpu.memory_space<hbm>>
      tpu.enqueue_dma source(%arg10 : memref<1024xf32, #tpu.memory_space<vmem>>) target(%dma_start3A_1153 : memref<1024xf32, #tpu.memory_space<hbm>>) target_semaphore(%arg14 : memref<!tpu.dma_semaphore, #tpu.memory_space<semaphore_mem>>)
      %dma_wait3A_1154 = arith.constant 0 : i32
      %dma_wait3A_1155 = arith.constant 0 : i32
      %dma_wait3A_1156 = arith.constant 0 : i32
      %dma_wait3A_1157 = tpu.memref_slice %arg4[%dma_wait3A_1154, %dma_wait3A_1155, %dma_wait3A_1156] : memref<100x16x16384xf32, #tpu.memory_space<hbm>> -> memref<1x1x1024xf32, #tpu.memory_space<hbm>>
      %dma_wait3A_1158 = tpu.memref_squeeze %dma_wait3A_1157 : memref<1x1x1024xf32, #tpu.memory_space<hbm>> -> memref<1024xf32, #tpu.memory_space<hbm>>
      %dma_wait3A_1159 = arith.constant 0 : i32
      %dma_wait3A_1160 = tpu.memref_slice %arg4[%dma_wait3A_1154, %dma_wait3A_1155, %dma_wait3A_1159] : memref<100x16x16384xf32, #tpu.memory_space<hbm>> -> memref<1x1x1024xf32, #tpu.memory_space<hbm>>
      %dma_wait3A_1161 = tpu.memref_squeeze %dma_wait3A_1160 : memref<1x1x1024xf32, #tpu.memory_space<hbm>> -> memref<1024xf32, #tpu.memory_space<hbm>>
      tpu.wait_dma2 semaphore(%arg15 : memref<!tpu.dma_semaphore, #tpu.memory_space<semaphore_mem>>) src(%arg11 : memref<1024xf32, #tpu.memory_space<vmem>>) dst(%dma_wait3A_1161 : memref<1024xf32, #tpu.memory_space<hbm>>)
      %parallel_loop3A_1162 = arith.constant 0 : i32
      %parallel_loop3A_1163 = arith.constant 1024 : i32
      %parallel_loop3A_1164 = arith.constant 16 : i32
      scf.for %parallel_loop3A_1183 = %parallel_loop3A_1162 to %parallel_loop3A_1163 step %parallel_loop3A_1164  : i32 {
        %parallel_loop3A_1184 = arith.constant 7 : i32
        %parallel_loop3A_1185 = arith.index_cast %parallel_loop3A_1184 : i32 to index
        %parallel_loop3A_1186 = arith.index_cast %parallel_loop3A_1183 : i32 to index
        %parallel_loop3A_1187 = tpu.vector_load %arg7[%parallel_loop3A_1185, %parallel_loop3A_1186] {strides = array<i32>} : memref<8x1024xi32, #tpu.memory_space<vmem>>, vector<16xi32>,
        %parallel_loop3A_1188 = tpu.vector_load_idx %arg5[%parallel_loop3A_1187] : memref<100000xf32, #tpu.memory_space<vmem>>[vector<16xi32>], vector<16xf32>,
        %parallel_loop3A_1189 = arith.index_cast %parallel_loop3A_1183 : i32 to index
        %parallel_loop3A_1190 = tpu.vector_load %arg11[%parallel_loop3A_1189] {strides = array<i32>} : memref<1024xf32, #tpu.memory_space<vmem>>, vector<16xf32>,
        tpu.vector_store %arg11[%parallel_loop3A_1189], %parallel_loop3A_1188 {strides = array<i32>} : memref<1024xf32, #tpu.memory_space<vmem>>, vector<16xf32>,
      } {sc.loop_unroll_factor = 8 : i64, sc.parallel_access}
      %mul3A_1165 = arith.constant 8 : i32
      %mul3A_1166 = arith.muli %select_n3A_964, %mul3A_1165 : i32
      %add3A_1167 = arith.constant 7 : i32
      %add3A_1168 = arith.addi %mul3A_1166, %add3A_1167 : i32
      %mul3A_1169 = arith.constant 1024 : i32
      %mul3A_1170 = arith.muli %rem3A_966, %mul3A_1169 : i32
      %add3A_1171 = arith.addi %mul3A_0, %mul3A_1170 : i32
      %dma_start3A_1172 = tpu.memref_slice %arg4[%add3A_1168, %arg1, %add3A_1171] : memref<100x16x16384xf32, #tpu.memory_space<hbm>> -> memref<1x1x1024xf32, #tpu.memory_space<hbm>>
      %dma_start3A_1173 = tpu.memref_squeeze %dma_start3A_1172 : memref<1x1x1024xf32, #tpu.memory_space<hbm>> -> memref<1024xf32, #tpu.memory_space<hbm>>
      %dma_start3A_1174 = tpu.memref_slice %arg4[%add3A_1168, %arg1, %add3A_1171] : memref<100x16x16384xf32, #tpu.memory_space<hbm>> -> memref<1x1x1024xf32, #tpu.memory_space<hbm>>
      %dma_start3A_1175 = tpu.memref_squeeze %dma_start3A_1174 : memref<1x1x1024xf32, #tpu.memory_space<hbm>> -> memref<1024xf32, #tpu.memory_space<hbm>>
      tpu.enqueue_dma source(%arg11 : memref<1024xf32, #tpu.memory_space<vmem>>) target(%dma_start3A_1175 : memref<1024xf32, #tpu.memory_space<hbm>>) target_semaphore(%arg15 : memref<!tpu.dma_semaphore, #tpu.memory_space<semaphore_mem>>)
      %add3A_1176 = arith.constant 2 : i32
      %add3A_1177 = arith.addi %add3A_940, %add3A_1176 : i32
      %lt3A_1178 = arith.constant 96 : i32
      %lt3A_1179 = arith.cmpi slt, %add3A_1177, %lt3A_1178 : i32
      %convert_element_type3A_1180 = arith.extui %lt3A_1179 : i1 to i32
      %cond3A_1181 = arith.constant 0 : i32
      %cond3A_1182 = arith.cmpi ne, %convert_element_type3A_1180, %cond3A_1181 : i32
      scf.if %cond3A_1182 {
        %add3A_1183 = arith.constant 2 : i32
        %add3A_1184 = arith.addi %add3A_940, %add3A_1183 : i32
        %jit3A_1185 = arith.constant 8 : i32
        %div3A_1186 = arith.divsi %add3A_1184, %jit3A_1185 : i32
        %sign3A_1187 = arith.constant 0 : i32
        %sign3A_1188 = arith.cmpi sgt, %add3A_1184, %sign3A_1187 : i32
        %sign3A_1189 = arith.extui %sign3A_1188 : i1 to i32
        %sign3A_1190 = arith.constant 0 : i32
        %sign3A_1191 = arith.cmpi slt, %add3A_1184, %sign3A_1190 : i32
        %sign3A_1192 = arith.extui %sign3A_1191 : i1 to i32
        %sign3A_1193 = arith.subi %sign3A_1189, %sign3A_1192 : i32
        %sign3A_1194 = arith.constant 0 : i32
        %sign3A_1195 = arith.cmpi sgt, %jit3A_1185, %sign3A_1194 : i32
        %sign3A_1196 = arith.extui %sign3A_1195 : i1 to i32
        %sign3A_1197 = arith.constant 0 : i32
        %sign3A_1198 = arith.cmpi slt, %jit3A_1185, %sign3A_1197 : i32
        %sign3A_1199 = arith.extui %sign3A_1198 : i1 to i32
        %sign3A_1200 = arith.subi %sign3A_1196, %sign3A_1199 : i32
        %ne3A_1201 = arith.cmpi ne, %sign3A_1193, %sign3A_1200 : i32
        %rem3A_1202 = arith.remsi %add3A_1184, %jit3A_1185 : i32
        %ne3A_1203 = arith.constant 0 : i32
        %ne3A_1204 = arith.cmpi ne, %rem3A_1202, %ne3A_1203 : i32
        %and3A_1205 = arith.andi %ne3A_1201, %ne3A_1204 : i1
        %sub3A_1206 = arith.constant 1 : i32
        %sub3A_1207 = arith.subi %div3A_1186, %sub3A_1206 : i32
        %select_n3A_1208 = arith.select %and3A_1205, %sub3A_1207, %div3A_1186 : i32
        %rem3A_1209 = arith.constant 8 : i32
        %rem3A_1210 = arith.remsi %add3A_1184, %rem3A_1209 : i32
        %mul3A_1211 = arith.constant 8 : i32
        %mul3A_1212 = arith.muli %select_n3A_1208, %mul3A_1211 : i32
        %mul3A_1213 = arith.constant 1024 : i32
        %mul3A_1214 = arith.muli %rem3A_1210, %mul3A_1213 : i32
        %add3A_1215 = arith.addi %mul3A_0, %mul3A_1214 : i32
        %dma_start3A_1216 = tpu.memref_slice %arg2[%mul3A_1212, %add3A_1215] : memref<100x16384xi32, #tpu.memory_space<hbm>> -> memref<8x1024xi32, #tpu.memory_space<hbm>>
        %dma_start3A_1217 = tpu.memref_slice %arg2[%mul3A_1212, %add3A_1215] : memref<100x16384xi32, #tpu.memory_space<hbm>> -> memref<8x1024xi32, #tpu.memory_space<hbm>>
        tpu.enqueue_dma source(%dma_start3A_1217 : memref<8x1024xi32, #tpu.memory_space<hbm>>) target(%arg7 : memref<8x1024xi32, #tpu.memory_space<vmem>>) target_semaphore(%arg13 : memref<!tpu.dma_semaphore, #tpu.memory_space<semaphore_mem>>)
      } else {
      }
    }
    %scan3A_21 = arith.constant 48 : i32
    %add3A_22 = arith.constant 0 : i32
    %add3A_23 = arith.addi %mul3A_0, %add3A_22 : i32
    %run_scoped3A = arith.constant 96 : i32
    "tpu.region"() ({
      %run_scoped3A_707 = tpu.sem_alloc : memref<!tpu.dma_semaphore, #tpu.memory_space<semaphore_mem>>
      %dma_start3A_708 = tpu.memref_slice %arg2[%run_scoped3A, %add3A_23] : memref<100x16384xi32, #tpu.memory_space<hbm>> -> memref<1x1024xi32, #tpu.memory_space<hbm>>
      %dma_start3A_709 = tpu.memref_squeeze %dma_start3A_708 : memref<1x1024xi32, #tpu.memory_space<hbm>> -> memref<1024xi32, #tpu.memory_space<hbm>>
      %dma_start3A_710 = tpu.memref_slice %arg2[%run_scoped3A, %add3A_23] : memref<100x16384xi32, #tpu.memory_space<hbm>> -> memref<1x1024xi32, #tpu.memory_space<hbm>>
      %dma_start3A_711 = tpu.memref_squeeze %dma_start3A_710 : memref<1x1024xi32, #tpu.memory_space<hbm>> -> memref<1024xi32, #tpu.memory_space<hbm>>
      tpu.enqueue_dma source(%dma_start3A_711 : memref<1024xi32, #tpu.memory_space<hbm>>) target(%arg8 : memref<1024xi32, #tpu.memory_space<vmem>>) target_semaphore(%run_scoped3A_707 : memref<!tpu.dma_semaphore, #tpu.memory_space<semaphore_mem>>)
      %dma_wait3A_712 = tpu.memref_slice %arg2[%run_scoped3A, %add3A_23] : memref<100x16384xi32, #tpu.memory_space<hbm>> -> memref<1x1024xi32, #tpu.memory_space<hbm>>
      %dma_wait3A_713 = tpu.memref_squeeze %dma_wait3A_712 : memref<1x1024xi32, #tpu.memory_space<hbm>> -> memref<1024xi32, #tpu.memory_space<hbm>>
      %dma_wait3A_714 = tpu.memref_slice %arg2[%run_scoped3A, %add3A_23] : memref<100x16384xi32, #tpu.memory_space<hbm>> -> memref<1x1024xi32, #tpu.memory_space<hbm>>
      %dma_wait3A_715 = tpu.memref_squeeze %dma_wait3A_714 : memref<1x1024xi32, #tpu.memory_space<hbm>> -> memref<1024xi32, #tpu.memory_space<hbm>>
      tpu.wait_dma2 semaphore(%run_scoped3A_707 : memref<!tpu.dma_semaphore, #tpu.memory_space<semaphore_mem>>) src(%dma_wait3A_715 : memref<1024xi32, #tpu.memory_space<hbm>>) dst(%arg8 : memref<1024xi32, #tpu.memory_space<vmem>>)
      tpu.yield
    }) : () -> ()
    %dma_wait3A = arith.constant 0 : i32
    %dma_wait3A_24 = arith.constant 0 : i32
    %dma_wait3A_25 = arith.constant 0 : i32
    %dma_wait3A_26 = tpu.memref_slice %arg4[%dma_wait3A, %dma_wait3A_24, %dma_wait3A_25] : memref<100x16x16384xf32, #tpu.memory_space<hbm>> -> memref<1x1x1024xf32, #tpu.memory_space<hbm>>
    %dma_wait3A_27 = tpu.memref_squeeze %dma_wait3A_26 : memref<1x1x1024xf32, #tpu.memory_space<hbm>> -> memref<1024xf32, #tpu.memory_space<hbm>>
    %dma_wait3A_28 = arith.constant 0 : i32
    %dma_wait3A_29 = tpu.memref_slice %arg4[%dma_wait3A, %dma_wait3A_24, %dma_wait3A_28] : memref<100x16x16384xf32, #tpu.memory_space<hbm>> -> memref<1x1x1024xf32, #tpu.memory_space<hbm>>
    %dma_wait3A_30 = tpu.memref_squeeze %dma_wait3A_29 : memref<1x1x1024xf32, #tpu.memory_space<hbm>> -> memref<1024xf32, #tpu.memory_space<hbm>>
    tpu.wait_dma2 semaphore(%arg14 : memref<!tpu.dma_semaphore, #tpu.memory_space<semaphore_mem>>) src(%arg10 : memref<1024xf32, #tpu.memory_space<vmem>>) dst(%dma_wait3A_30 : memref<1024xf32, #tpu.memory_space<hbm>>)
    %parallel_loop3A = arith.constant 0 : i32
    %parallel_loop3A_31 = arith.constant 1024 : i32
    %parallel_loop3A_32 = arith.constant 16 : i32
    scf.for %parallel_loop3A_707 = %parallel_loop3A to %parallel_loop3A_31 step %parallel_loop3A_32  : i32 {
      %parallel_loop3A_708 = arith.index_cast %parallel_loop3A_707 : i32 to index
      %parallel_loop3A_709 = tpu.vector_load %arg8[%parallel_loop3A_708] {strides = array<i32>} : memref<1024xi32, #tpu.memory_space<vmem>>, vector<16xi32>,
      %parallel_loop3A_710 = tpu.vector_load_idx %arg5[%parallel_loop3A_709] : memref<100000xf32, #tpu.memory_space<vmem>>[vector<16xi32>], vector<16xf32>,
      %parallel_loop3A_711 = arith.index_cast %parallel_loop3A_707 : i32 to index
      %parallel_loop3A_712 = tpu.vector_load %arg10[%parallel_loop3A_711] {strides = array<i32>} : memref<1024xf32, #tpu.memory_space<vmem>>, vector<16xf32>,
      tpu.vector_store %arg10[%parallel_loop3A_711], %parallel_loop3A_710 {strides = array<i32>} : memref<1024xf32, #tpu.memory_space<vmem>>, vector<16xf32>,
    } {sc.loop_unroll_factor = 8 : i64, sc.parallel_access}
    %add3A_33 = arith.constant 0 : i32
    %add3A_34 = arith.addi %mul3A_0, %add3A_33 : i32
    %dma_start3A_35 = arith.constant 96 : i32
    %dma_start3A_36 = tpu.memref_slice %arg4[%dma_start3A_35, %arg1, %add3A_34] : memref<100x16x16384xf32, #tpu.memory_space<hbm>> -> memref<1x1x1024xf32, #tpu.memory_space<hbm>>
    %dma_start3A_37 = tpu.memref_squeeze %dma_start3A_36 : memref<1x1x1024xf32, #tpu.memory_space<hbm>> -> memref<1024xf32, #tpu.memory_space<hbm>>
    %dma_start3A_38 = tpu.memref_slice %arg4[%dma_start3A_35, %arg1, %add3A_34] : memref<100x16x16384xf32, #tpu.memory_space<hbm>> -> memref<1x1x1024xf32, #tpu.memory_space<hbm>>
    %dma_start3A_39 = tpu.memref_squeeze %dma_start3A_38 : memref<1x1x1024xf32, #tpu.memory_space<hbm>> -> memref<1024xf32, #tpu.memory_space<hbm>>
    tpu.enqueue_dma source(%arg10 : memref<1024xf32, #tpu.memory_space<vmem>>) target(%dma_start3A_39 : memref<1024xf32, #tpu.memory_space<hbm>>) target_semaphore(%arg14 : memref<!tpu.dma_semaphore, #tpu.memory_space<semaphore_mem>>)
    %add3A_40 = arith.constant 1024 : i32
    %add3A_41 = arith.addi %mul3A_0, %add3A_40 : i32
    %run_scoped3A_42 = arith.constant 96 : i32
    "tpu.region"() ({
      %run_scoped3A_707 = tpu.sem_alloc : memref<!tpu.dma_semaphore, #tpu.memory_space<semaphore_mem>>
      %dma_start3A_708 = tpu.memref_slice %arg2[%run_scoped3A_42, %add3A_41] : memref<100x16384xi32, #tpu.memory_space<hbm>> -> memref<1x1024xi32, #tpu.memory_space<hbm>>
      %dma_start3A_709 = tpu.memref_squeeze %dma_start3A_708 : memref<1x1024xi32, #tpu.memory_space<hbm>> -> memref<1024xi32, #tpu.memory_space<hbm>>
      %dma_start3A_710 = tpu.memref_slice %arg2[%run_scoped3A_42, %add3A_41] : memref<100x16384xi32, #tpu.memory_space<hbm>> -> memref<1x1024xi32, #tpu.memory_space<hbm>>
      %dma_start3A_711 = tpu.memref_squeeze %dma_start3A_710 : memref<1x1024xi32, #tpu.memory_space<hbm>> -> memref<1024xi32, #tpu.memory_space<hbm>>
      tpu.enqueue_dma source(%dma_start3A_711 : memref<1024xi32, #tpu.memory_space<hbm>>) target(%arg9 : memref<1024xi32, #tpu.memory_space<vmem>>) target_semaphore(%run_scoped3A_707 : memref<!tpu.dma_semaphore, #tpu.memory_space<semaphore_mem>>)
      %dma_wait3A_712 = tpu.memref_slice %arg2[%run_scoped3A_42, %add3A_41] : memref<100x16384xi32, #tpu.memory_space<hbm>> -> memref<1x1024xi32, #tpu.memory_space<hbm>>
      %dma_wait3A_713 = tpu.memref_squeeze %dma_wait3A_712 : memref<1x1024xi32, #tpu.memory_space<hbm>> -> memref<1024xi32, #tpu.memory_space<hbm>>
      %dma_wait3A_714 = tpu.memref_slice %arg2[%run_scoped3A_42, %add3A_41] : memref<100x16384xi32, #tpu.memory_space<hbm>> -> memref<1x1024xi32, #tpu.memory_space<hbm>>
      %dma_wait3A_715 = tpu.memref_squeeze %dma_wait3A_714 : memref<1x1024xi32, #tpu.memory_space<hbm>> -> memref<1024xi32, #tpu.memory_space<hbm>>
      tpu.wait_dma2 semaphore(%run_scoped3A_707 : memref<!tpu.dma_semaphore, #tpu.memory_space<semaphore_mem>>) src(%dma_wait3A_715 : memref<1024xi32, #tpu.memory_space<hbm>>) dst(%arg9 : memref<1024xi32, #tpu.memory_space<vmem>>)
      tpu.yield
    }) : () -> ()
    %dma_wait3A_43 = arith.constant 0 : i32
    %dma_wait3A_44 = arith.constant 0 : i32
    %dma_wait3A_45 = arith.constant 0 : i32
    %dma_wait3A_46 = tpu.memref_slice %arg4[%dma_wait3A_43, %dma_wait3A_44, %dma_wait3A_45] : memref<100x16x16384xf32, #tpu.memory_space<hbm>> -> memref<1x1x1024xf32, #tpu.memory_space<hbm>>
    %dma_wait3A_47 = tpu.memref_squeeze %dma_wait3A_46 : memref<1x1x1024xf32, #tpu.memory_space<hbm>> -> memref<1024xf32, #tpu.memory_space<hbm>>
    %dma_wait3A_48 = arith.constant 0 : i32
    %dma_wait3A_49 = tpu.memref_slice %arg4[%dma_wait3A_43, %dma_wait3A_44, %dma_wait3A_48] : memref<100x16x16384xf32, #tpu.memory_space<hbm>> -> memref<1x1x1024xf32, #tpu.memory_space<hbm>>
    %dma_wait3A_50 = tpu.memref_squeeze %dma_wait3A_49 : memref<1x1x1024xf32, #tpu.memory_space<hbm>> -> memref<1024xf32, #tpu.memory_space<hbm>>
    tpu.wait_dma2 semaphore(%arg15 : memref<!tpu.dma_semaphore, #tpu.memory_space<semaphore_mem>>) src(%arg11 : memref<1024xf32, #tpu.memory_space<vmem>>) dst(%dma_wait3A_50 : memref<1024xf32, #tpu.memory_space<hbm>>)
    %parallel_loop3A_51 = arith.constant 0 : i32
    %parallel_loop3A_52 = arith.constant 1024 : i32
    %parallel_loop3A_53 = arith.constant 16 : i32
    scf.for %parallel_loop3A_707 = %parallel_loop3A_51 to %parallel_loop3A_52 step %parallel_loop3A_53  : i32 {
      %parallel_loop3A_708 = arith.index_cast %parallel_loop3A_707 : i32 to index
      %parallel_loop3A_709 = tpu.vector_load %arg9[%parallel_loop3A_708] {strides = array<i32>} : memref<1024xi32, #tpu.memory_space<vmem>>, vector<16xi32>,
      %parallel_loop3A_710 = tpu.vector_load_idx %arg5[%parallel_loop3A_709] : memref<100000xf32, #tpu.memory_space<vmem>>[vector<16xi32>], vector<16xf32>,
      %parallel_loop3A_711 = arith.index_cast %parallel_loop3A_707 : i32 to index
      %parallel_loop3A_712 = tpu.vector_load %arg11[%parallel_loop3A_711] {strides = array<i32>} : memref<1024xf32, #tpu.memory_space<vmem>>, vector<16xf32>,
      tpu.vector_store %arg11[%parallel_loop3A_711], %parallel_loop3A_710 {strides = array<i32>} : memref<1024xf32, #tpu.memory_space<vmem>>, vector<16xf32>,
    } {sc.loop_unroll_factor = 8 : i64, sc.parallel_access}
    %add3A_54 = arith.constant 1024 : i32
    %add3A_55 = arith.addi %mul3A_0, %add3A_54 : i32
    %dma_start3A_56 = arith.constant 96 : i32
    %dma_start3A_57 = tpu.memref_slice %arg4[%dma_start3A_56, %arg1, %add3A_55] : memref<100x16x16384xf32, #tpu.memory_space<hbm>> -> memref<1x1x1024xf32, #tpu.memory_space<hbm>>
    %dma_start3A_58 = tpu.memref_squeeze %dma_start3A_57 : memref<1x1x1024xf32, #tpu.memory_space<hbm>> -> memref<1024xf32, #tpu.memory_space<hbm>>
    %dma_start3A_59 = tpu.memref_slice %arg4[%dma_start3A_56, %arg1, %add3A_55] : memref<100x16x16384xf32, #tpu.memory_space<hbm>> -> memref<1x1x1024xf32, #tpu.memory_space<hbm>>
    %dma_start3A_60 = tpu.memref_squeeze %dma_start3A_59 : memref<1x1x1024xf32, #tpu.memory_space<hbm>> -> memref<1024xf32, #tpu.memory_space<hbm>>
    tpu.enqueue_dma source(%arg11 : memref<1024xf32, #tpu.memory_space<vmem>>) target(%dma_start3A_60 : memref<1024xf32, #tpu.memory_space<hbm>>) target_semaphore(%arg15 : memref<!tpu.dma_semaphore, #tpu.memory_space<semaphore_mem>>)
    %add3A_61 = arith.constant 2048 : i32
    %add3A_62 = arith.addi %mul3A_0, %add3A_61 : i32
    %run_scoped3A_63 = arith.constant 96 : i32
    "tpu.region"() ({
      %run_scoped3A_707 = tpu.sem_alloc : memref<!tpu.dma_semaphore, #tpu.memory_space<semaphore_mem>>
      %dma_start3A_708 = tpu.memref_slice %arg2[%run_scoped3A_63, %add3A_62] : memref<100x16384xi32, #tpu.memory_space<hbm>> -> memref<1x1024xi32, #tpu.memory_space<hbm>>
      %dma_start3A_709 = tpu.memref_squeeze %dma_start3A_708 : memref<1x1024xi32, #tpu.memory_space<hbm>> -> memref<1024xi32, #tpu.memory_space<hbm>>
      %dma_start3A_710 = tpu.memref_slice %arg2[%run_scoped3A_63, %add3A_62] : memref<100x16384xi32, #tpu.memory_space<hbm>> -> memref<1x1024xi32, #tpu.memory_space<hbm>>
      %dma_start3A_711 = tpu.memref_squeeze %dma_start3A_710 : memref<1x1024xi32, #tpu.memory_space<hbm>> -> memref<1024xi32, #tpu.memory_space<hbm>>
      tpu.enqueue_dma source(%dma_start3A_711 : memref<1024xi32, #tpu.memory_space<hbm>>) target(%arg8 : memref<1024xi32, #tpu.memory_space<vmem>>) target_semaphore(%run_scoped3A_707 : memref<!tpu.dma_semaphore, #tpu.memory_space<semaphore_mem>>)
      %dma_wait3A_712 = tpu.memref_slice %arg2[%run_scoped3A_63, %add3A_62] : memref<100x16384xi32, #tpu.memory_space<hbm>> -> memref<1x1024xi32, #tpu.memory_space<hbm>>
      %dma_wait3A_713 = tpu.memref_squeeze %dma_wait3A_712 : memref<1x1024xi32, #tpu.memory_space<hbm>> -> memref<1024xi32, #tpu.memory_space<hbm>>
      %dma_wait3A_714 = tpu.memref_slice %arg2[%run_scoped3A_63, %add3A_62] : memref<100x16384xi32, #tpu.memory_space<hbm>> -> memref<1x1024xi32, #tpu.memory_space<hbm>>
      %dma_wait3A_715 = tpu.memref_squeeze %dma_wait3A_714 : memref<1x1024xi32, #tpu.memory_space<hbm>> -> memref<1024xi32, #tpu.memory_space<hbm>>
      tpu.wait_dma2 semaphore(%run_scoped3A_707 : memref<!tpu.dma_semaphore, #tpu.memory_space<semaphore_mem>>) src(%dma_wait3A_715 : memref<1024xi32, #tpu.memory_space<hbm>>) dst(%arg8 : memref<1024xi32, #tpu.memory_space<vmem>>)
      tpu.yield
    }) : () -> ()
    %dma_wait3A_64 = arith.constant 0 : i32
    %dma_wait3A_65 = arith.constant 0 : i32
    %dma_wait3A_66 = arith.constant 0 : i32
    %dma_wait3A_67 = tpu.memref_slice %arg4[%dma_wait3A_64, %dma_wait3A_65, %dma_wait3A_66] : memref<100x16x16384xf32, #tpu.memory_space<hbm>> -> memref<1x1x1024xf32, #tpu.memory_space<hbm>>
    %dma_wait3A_68 = tpu.memref_squeeze %dma_wait3A_67 : memref<1x1x1024xf32, #tpu.memory_space<hbm>> -> memref<1024xf32, #tpu.memory_space<hbm>>
    %dma_wait3A_69 = arith.constant 0 : i32
    %dma_wait3A_70 = tpu.memref_slice %arg4[%dma_wait3A_64, %dma_wait3A_65, %dma_wait3A_69] : memref<100x16x16384xf32, #tpu.memory_space<hbm>> -> memref<1x1x1024xf32, #tpu.memory_space<hbm>>
    %dma_wait3A_71 = tpu.memref_squeeze %dma_wait3A_70 : memref<1x1x1024xf32, #tpu.memory_space<hbm>> -> memref<1024xf32, #tpu.memory_space<hbm>>
    tpu.wait_dma2 semaphore(%arg14 : memref<!tpu.dma_semaphore, #tpu.memory_space<semaphore_mem>>) src(%arg10 : memref<1024xf32, #tpu.memory_space<vmem>>) dst(%dma_wait3A_71 : memref<1024xf32, #tpu.memory_space<hbm>>)
    %parallel_loop3A_72 = arith.constant 0 : i32
    %parallel_loop3A_73 = arith.constant 1024 : i32
    %parallel_loop3A_74 = arith.constant 16 : i32
    scf.for %parallel_loop3A_707 = %parallel_loop3A_72 to %parallel_loop3A_73 step %parallel_loop3A_74  : i32 {
      %parallel_loop3A_708 = arith.index_cast %parallel_loop3A_707 : i32 to index
      %parallel_loop3A_709 = tpu.vector_load %arg8[%parallel_loop3A_708] {strides = array<i32>} : memref<1024xi32, #tpu.memory_space<vmem>>, vector<16xi32>,
      %parallel_loop3A_710 = tpu.vector_load_idx %arg5[%parallel_loop3A_709] : memref<100000xf32, #tpu.memory_space<vmem>>[vector<16xi32>], vector<16xf32>,
      %parallel_loop3A_711 = arith.index_cast %parallel_loop3A_707 : i32 to index
      %parallel_loop3A_712 = tpu.vector_load %arg10[%parallel_loop3A_711] {strides = array<i32>} : memref<1024xf32, #tpu.memory_space<vmem>>, vector<16xf32>,
      tpu.vector_store %arg10[%parallel_loop3A_711], %parallel_loop3A_710 {strides = array<i32>} : memref<1024xf32, #tpu.memory_space<vmem>>, vector<16xf32>,
    } {sc.loop_unroll_factor = 8 : i64, sc.parallel_access}
    %add3A_75 = arith.constant 2048 : i32
    %add3A_76 = arith.addi %mul3A_0, %add3A_75 : i32
    %dma_start3A_77 = arith.constant 96 : i32
    %dma_start3A_78 = tpu.memref_slice %arg4[%dma_start3A_77, %arg1, %add3A_76] : memref<100x16x16384xf32, #tpu.memory_space<hbm>> -> memref<1x1x1024xf32, #tpu.memory_space<hbm>>
    %dma_start3A_79 = tpu.memref_squeeze %dma_start3A_78 : memref<1x1x1024xf32, #tpu.memory_space<hbm>> -> memref<1024xf32, #tpu.memory_space<hbm>>
    %dma_start3A_80 = tpu.memref_slice %arg4[%dma_start3A_77, %arg1, %add3A_76] : memref<100x16x16384xf32, #tpu.memory_space<hbm>> -> memref<1x1x1024xf32, #tpu.memory_space<hbm>>
    %dma_start3A_81 = tpu.memref_squeeze %dma_start3A_80 : memref<1x1x1024xf32, #tpu.memory_space<hbm>> -> memref<1024xf32, #tpu.memory_space<hbm>>
    tpu.enqueue_dma source(%arg10 : memref<1024xf32, #tpu.memory_space<vmem>>) target(%dma_start3A_81 : memref<1024xf32, #tpu.memory_space<hbm>>) target_semaphore(%arg14 : memref<!tpu.dma_semaphore, #tpu.memory_space<semaphore_mem>>)
    %add3A_82 = arith.constant 3072 : i32
    %add3A_83 = arith.addi %mul3A_0, %add3A_82 : i32
    %run_scoped3A_84 = arith.constant 96 : i32
    "tpu.region"() ({
      %run_scoped3A_707 = tpu.sem_alloc : memref<!tpu.dma_semaphore, #tpu.memory_space<semaphore_mem>>
      %dma_start3A_708 = tpu.memref_slice %arg2[%run_scoped3A_84, %add3A_83] : memref<100x16384xi32, #tpu.memory_space<hbm>> -> memref<1x1024xi32, #tpu.memory_space<hbm>>
      %dma_start3A_709 = tpu.memref_squeeze %dma_start3A_708 : memref<1x1024xi32, #tpu.memory_space<hbm>> -> memref<1024xi32, #tpu.memory_space<hbm>>
      %dma_start3A_710 = tpu.memref_slice %arg2[%run_scoped3A_84, %add3A_83] : memref<100x16384xi32, #tpu.memory_space<hbm>> -> memref<1x1024xi32, #tpu.memory_space<hbm>>
      %dma_start3A_711 = tpu.memref_squeeze %dma_start3A_710 : memref<1x1024xi32, #tpu.memory_space<hbm>> -> memref<1024xi32, #tpu.memory_space<hbm>>
      tpu.enqueue_dma source(%dma_start3A_711 : memref<1024xi32, #tpu.memory_space<hbm>>) target(%arg9 : memref<1024xi32, #tpu.memory_space<vmem>>) target_semaphore(%run_scoped3A_707 : memref<!tpu.dma_semaphore, #tpu.memory_space<semaphore_mem>>)
      %dma_wait3A_712 = tpu.memref_slice %arg2[%run_scoped3A_84, %add3A_83] : memref<100x16384xi32, #tpu.memory_space<hbm>> -> memref<1x1024xi32, #tpu.memory_space<hbm>>
      %dma_wait3A_713 = tpu.memref_squeeze %dma_wait3A_712 : memref<1x1024xi32, #tpu.memory_space<hbm>> -> memref<1024xi32, #tpu.memory_space<hbm>>
      %dma_wait3A_714 = tpu.memref_slice %arg2[%run_scoped3A_84, %add3A_83] : memref<100x16384xi32, #tpu.memory_space<hbm>> -> memref<1x1024xi32, #tpu.memory_space<hbm>>
      %dma_wait3A_715 = tpu.memref_squeeze %dma_wait3A_714 : memref<1x1024xi32, #tpu.memory_space<hbm>> -> memref<1024xi32, #tpu.memory_space<hbm>>
      tpu.wait_dma2 semaphore(%run_scoped3A_707 : memref<!tpu.dma_semaphore, #tpu.memory_space<semaphore_mem>>) src(%dma_wait3A_715 : memref<1024xi32, #tpu.memory_space<hbm>>) dst(%arg9 : memref<1024xi32, #tpu.memory_space<vmem>>)
      tpu.yield
    }) : () -> ()
    %dma_wait3A_85 = arith.constant 0 : i32
    %dma_wait3A_86 = arith.constant 0 : i32
    %dma_wait3A_87 = arith.constant 0 : i32
    %dma_wait3A_88 = tpu.memref_slice %arg4[%dma_wait3A_85, %dma_wait3A_86, %dma_wait3A_87] : memref<100x16x16384xf32, #tpu.memory_space<hbm>> -> memref<1x1x1024xf32, #tpu.memory_space<hbm>>
    %dma_wait3A_89 = tpu.memref_squeeze %dma_wait3A_88 : memref<1x1x1024xf32, #tpu.memory_space<hbm>> -> memref<1024xf32, #tpu.memory_space<hbm>>
    %dma_wait3A_90 = arith.constant 0 : i32
    %dma_wait3A_91 = tpu.memref_slice %arg4[%dma_wait3A_85, %dma_wait3A_86, %dma_wait3A_90] : memref<100x16x16384xf32, #tpu.memory_space<hbm>> -> memref<1x1x1024xf32, #tpu.memory_space<hbm>>
    %dma_wait3A_92 = tpu.memref_squeeze %dma_wait3A_91 : memref<1x1x1024xf32, #tpu.memory_space<hbm>> -> memref<1024xf32, #tpu.memory_space<hbm>>
    tpu.wait_dma2 semaphore(%arg15 : memref<!tpu.dma_semaphore, #tpu.memory_space<semaphore_mem>>) src(%arg11 : memref<1024xf32, #tpu.memory_space<vmem>>) dst(%dma_wait3A_92 : memref<1024xf32, #tpu.memory_space<hbm>>)
    %parallel_loop3A_93 = arith.constant 0 : i32
    %parallel_loop3A_94 = arith.constant 1024 : i32
    %parallel_loop3A_95 = arith.constant 16 : i32
    scf.for %parallel_loop3A_707 = %parallel_loop3A_93 to %parallel_loop3A_94 step %parallel_loop3A_95  : i32 {
      %parallel_loop3A_708 = arith.index_cast %parallel_loop3A_707 : i32 to index
      %parallel_loop3A_709 = tpu.vector_load %arg9[%parallel_loop3A_708] {strides = array<i32>} : memref<1024xi32, #tpu.memory_space<vmem>>, vector<16xi32>,
      %parallel_loop3A_710 = tpu.vector_load_idx %arg5[%parallel_loop3A_709] : memref<100000xf32, #tpu.memory_space<vmem>>[vector<16xi32>], vector<16xf32>,
      %parallel_loop3A_711 = arith.index_cast %parallel_loop3A_707 : i32 to index
      %parallel_loop3A_712 = tpu.vector_load %arg11[%parallel_loop3A_711] {strides = array<i32>} : memref<1024xf32, #tpu.memory_space<vmem>>, vector<16xf32>,
      tpu.vector_store %arg11[%parallel_loop3A_711], %parallel_loop3A_710 {strides = array<i32>} : memref<1024xf32, #tpu.memory_space<vmem>>, vector<16xf32>,
    } {sc.loop_unroll_factor = 8 : i64, sc.parallel_access}
    %add3A_96 = arith.constant 3072 : i32
    %add3A_97 = arith.addi %mul3A_0, %add3A_96 : i32
    %dma_start3A_98 = arith.constant 96 : i32
    %dma_start3A_99 = tpu.memref_slice %arg4[%dma_start3A_98, %arg1, %add3A_97] : memref<100x16x16384xf32, #tpu.memory_space<hbm>> -> memref<1x1x1024xf32, #tpu.memory_space<hbm>>
    %dma_start3A_100 = tpu.memref_squeeze %dma_start3A_99 : memref<1x1x1024xf32, #tpu.memory_space<hbm>> -> memref<1024xf32, #tpu.memory_space<hbm>>
    %dma_start3A_101 = tpu.memref_slice %arg4[%dma_start3A_98, %arg1, %add3A_97] : memref<100x16x16384xf32, #tpu.memory_space<hbm>> -> memref<1x1x1024xf32, #tpu.memory_space<hbm>>
    %dma_start3A_102 = tpu.memref_squeeze %dma_start3A_101 : memref<1x1x1024xf32, #tpu.memory_space<hbm>> -> memref<1024xf32, #tpu.memory_space<hbm>>
    tpu.enqueue_dma source(%arg11 : memref<1024xf32, #tpu.memory_space<vmem>>) target(%dma_start3A_102 : memref<1024xf32, #tpu.memory_space<hbm>>) target_semaphore(%arg15 : memref<!tpu.dma_semaphore, #tpu.memory_space<semaphore_mem>>)
    %add3A_103 = arith.constant 4096 : i32
    %add3A_104 = arith.addi %mul3A_0, %add3A_103 : i32
    %run_scoped3A_105 = arith.constant 96 : i32
    "tpu.region"() ({
      %run_scoped3A_707 = tpu.sem_alloc : memref<!tpu.dma_semaphore, #tpu.memory_space<semaphore_mem>>
      %dma_start3A_708 = tpu.memref_slice %arg2[%run_scoped3A_105, %add3A_104] : memref<100x16384xi32, #tpu.memory_space<hbm>> -> memref<1x1024xi32, #tpu.memory_space<hbm>>
      %dma_start3A_709 = tpu.memref_squeeze %dma_start3A_708 : memref<1x1024xi32, #tpu.memory_space<hbm>> -> memref<1024xi32, #tpu.memory_space<hbm>>
      %dma_start3A_710 = tpu.memref_slice %arg2[%run_scoped3A_105, %add3A_104] : memref<100x16384xi32, #tpu.memory_space<hbm>> -> memref<1x1024xi32, #tpu.memory_space<hbm>>
      %dma_start3A_711 = tpu.memref_squeeze %dma_start3A_710 : memref<1x1024xi32, #tpu.memory_space<hbm>> -> memref<1024xi32, #tpu.memory_space<hbm>>
      tpu.enqueue_dma source(%dma_start3A_711 : memref<1024xi32, #tpu.memory_space<hbm>>) target(%arg8 : memref<1024xi32, #tpu.memory_space<vmem>>) target_semaphore(%run_scoped3A_707 : memref<!tpu.dma_semaphore, #tpu.memory_space<semaphore_mem>>)
      %dma_wait3A_712 = tpu.memref_slice %arg2[%run_scoped3A_105, %add3A_104] : memref<100x16384xi32, #tpu.memory_space<hbm>> -> memref<1x1024xi32, #tpu.memory_space<hbm>>
      %dma_wait3A_713 = tpu.memref_squeeze %dma_wait3A_712 : memref<1x1024xi32, #tpu.memory_space<hbm>> -> memref<1024xi32, #tpu.memory_space<hbm>>
      %dma_wait3A_714 = tpu.memref_slice %arg2[%run_scoped3A_105, %add3A_104] : memref<100x16384xi32, #tpu.memory_space<hbm>> -> memref<1x1024xi32, #tpu.memory_space<hbm>>
      %dma_wait3A_715 = tpu.memref_squeeze %dma_wait3A_714 : memref<1x1024xi32, #tpu.memory_space<hbm>> -> memref<1024xi32, #tpu.memory_space<hbm>>
      tpu.wait_dma2 semaphore(%run_scoped3A_707 : memref<!tpu.dma_semaphore, #tpu.memory_space<semaphore_mem>>) src(%dma_wait3A_715 : memref<1024xi32, #tpu.memory_space<hbm>>) dst(%arg8 : memref<1024xi32, #tpu.memory_space<vmem>>)
      tpu.yield
    }) : () -> ()
    %dma_wait3A_106 = arith.constant 0 : i32
    %dma_wait3A_107 = arith.constant 0 : i32
    %dma_wait3A_108 = arith.constant 0 : i32
    %dma_wait3A_109 = tpu.memref_slice %arg4[%dma_wait3A_106, %dma_wait3A_107, %dma_wait3A_108] : memref<100x16x16384xf32, #tpu.memory_space<hbm>> -> memref<1x1x1024xf32, #tpu.memory_space<hbm>>
    %dma_wait3A_110 = tpu.memref_squeeze %dma_wait3A_109 : memref<1x1x1024xf32, #tpu.memory_space<hbm>> -> memref<1024xf32, #tpu.memory_space<hbm>>
    %dma_wait3A_111 = arith.constant 0 : i32
    %dma_wait3A_112 = tpu.memref_slice %arg4[%dma_wait3A_106, %dma_wait3A_107, %dma_wait3A_111] : memref<100x16x16384xf32, #tpu.memory_space<hbm>> -> memref<1x1x1024xf32, #tpu.memory_space<hbm>>
    %dma_wait3A_113 = tpu.memref_squeeze %dma_wait3A_112 : memref<1x1x1024xf32, #tpu.memory_space<hbm>> -> memref<1024xf32, #tpu.memory_space<hbm>>
    tpu.wait_dma2 semaphore(%arg14 : memref<!tpu.dma_semaphore, #tpu.memory_space<semaphore_mem>>) src(%arg10 : memref<1024xf32, #tpu.memory_space<vmem>>) dst(%dma_wait3A_113 : memref<1024xf32, #tpu.memory_space<hbm>>)
    %parallel_loop3A_114 = arith.constant 0 : i32
    %parallel_loop3A_115 = arith.constant 1024 : i32
    %parallel_loop3A_116 = arith.constant 16 : i32
    scf.for %parallel_loop3A_707 = %parallel_loop3A_114 to %parallel_loop3A_115 step %parallel_loop3A_116  : i32 {
      %parallel_loop3A_708 = arith.index_cast %parallel_loop3A_707 : i32 to index
      %parallel_loop3A_709 = tpu.vector_load %arg8[%parallel_loop3A_708] {strides = array<i32>} : memref<1024xi32, #tpu.memory_space<vmem>>, vector<16xi32>,
      %parallel_loop3A_710 = tpu.vector_load_idx %arg5[%parallel_loop3A_709] : memref<100000xf32, #tpu.memory_space<vmem>>[vector<16xi32>], vector<16xf32>,
      %parallel_loop3A_711 = arith.index_cast %parallel_loop3A_707 : i32 to index
      %parallel_loop3A_712 = tpu.vector_load %arg10[%parallel_loop3A_711] {strides = array<i32>} : memref<1024xf32, #tpu.memory_space<vmem>>, vector<16xf32>,
      tpu.vector_store %arg10[%parallel_loop3A_711], %parallel_loop3A_710 {strides = array<i32>} : memref<1024xf32, #tpu.memory_space<vmem>>, vector<16xf32>,
    } {sc.loop_unroll_factor = 8 : i64, sc.parallel_access}
    %add3A_117 = arith.constant 4096 : i32
    %add3A_118 = arith.addi %mul3A_0, %add3A_117 : i32
    %dma_start3A_119 = arith.constant 96 : i32
    %dma_start3A_120 = tpu.memref_slice %arg4[%dma_start3A_119, %arg1, %add3A_118] : memref<100x16x16384xf32, #tpu.memory_space<hbm>> -> memref<1x1x1024xf32, #tpu.memory_space<hbm>>
    %dma_start3A_121 = tpu.memref_squeeze %dma_start3A_120 : memref<1x1x1024xf32, #tpu.memory_space<hbm>> -> memref<1024xf32, #tpu.memory_space<hbm>>
    %dma_start3A_122 = tpu.memref_slice %arg4[%dma_start3A_119, %arg1, %add3A_118] : memref<100x16x16384xf32, #tpu.memory_space<hbm>> -> memref<1x1x1024xf32, #tpu.memory_space<hbm>>
    %dma_start3A_123 = tpu.memref_squeeze %dma_start3A_122 : memref<1x1x1024xf32, #tpu.memory_space<hbm>> -> memref<1024xf32, #tpu.memory_space<hbm>>
    tpu.enqueue_dma source(%arg10 : memref<1024xf32, #tpu.memory_space<vmem>>) target(%dma_start3A_123 : memref<1024xf32, #tpu.memory_space<hbm>>) target_semaphore(%arg14 : memref<!tpu.dma_semaphore, #tpu.memory_space<semaphore_mem>>)
    %add3A_124 = arith.constant 5120 : i32
    %add3A_125 = arith.addi %mul3A_0, %add3A_124 : i32
    %run_scoped3A_126 = arith.constant 96 : i32
    "tpu.region"() ({
      %run_scoped3A_707 = tpu.sem_alloc : memref<!tpu.dma_semaphore, #tpu.memory_space<semaphore_mem>>
      %dma_start3A_708 = tpu.memref_slice %arg2[%run_scoped3A_126, %add3A_125] : memref<100x16384xi32, #tpu.memory_space<hbm>> -> memref<1x1024xi32, #tpu.memory_space<hbm>>
      %dma_start3A_709 = tpu.memref_squeeze %dma_start3A_708 : memref<1x1024xi32, #tpu.memory_space<hbm>> -> memref<1024xi32, #tpu.memory_space<hbm>>
      %dma_start3A_710 = tpu.memref_slice %arg2[%run_scoped3A_126, %add3A_125] : memref<100x16384xi32, #tpu.memory_space<hbm>> -> memref<1x1024xi32, #tpu.memory_space<hbm>>
      %dma_start3A_711 = tpu.memref_squeeze %dma_start3A_710 : memref<1x1024xi32, #tpu.memory_space<hbm>> -> memref<1024xi32, #tpu.memory_space<hbm>>
      tpu.enqueue_dma source(%dma_start3A_711 : memref<1024xi32, #tpu.memory_space<hbm>>) target(%arg9 : memref<1024xi32, #tpu.memory_space<vmem>>) target_semaphore(%run_scoped3A_707 : memref<!tpu.dma_semaphore, #tpu.memory_space<semaphore_mem>>)
      %dma_wait3A_712 = tpu.memref_slice %arg2[%run_scoped3A_126, %add3A_125] : memref<100x16384xi32, #tpu.memory_space<hbm>> -> memref<1x1024xi32, #tpu.memory_space<hbm>>
      %dma_wait3A_713 = tpu.memref_squeeze %dma_wait3A_712 : memref<1x1024xi32, #tpu.memory_space<hbm>> -> memref<1024xi32, #tpu.memory_space<hbm>>
      %dma_wait3A_714 = tpu.memref_slice %arg2[%run_scoped3A_126, %add3A_125] : memref<100x16384xi32, #tpu.memory_space<hbm>> -> memref<1x1024xi32, #tpu.memory_space<hbm>>
      %dma_wait3A_715 = tpu.memref_squeeze %dma_wait3A_714 : memref<1x1024xi32, #tpu.memory_space<hbm>> -> memref<1024xi32, #tpu.memory_space<hbm>>
      tpu.wait_dma2 semaphore(%run_scoped3A_707 : memref<!tpu.dma_semaphore, #tpu.memory_space<semaphore_mem>>) src(%dma_wait3A_715 : memref<1024xi32, #tpu.memory_space<hbm>>) dst(%arg9 : memref<1024xi32, #tpu.memory_space<vmem>>)
      tpu.yield
    }) : () -> ()
    %dma_wait3A_127 = arith.constant 0 : i32
    %dma_wait3A_128 = arith.constant 0 : i32
    %dma_wait3A_129 = arith.constant 0 : i32
    %dma_wait3A_130 = tpu.memref_slice %arg4[%dma_wait3A_127, %dma_wait3A_128, %dma_wait3A_129] : memref<100x16x16384xf32, #tpu.memory_space<hbm>> -> memref<1x1x1024xf32, #tpu.memory_space<hbm>>
    %dma_wait3A_131 = tpu.memref_squeeze %dma_wait3A_130 : memref<1x1x1024xf32, #tpu.memory_space<hbm>> -> memref<1024xf32, #tpu.memory_space<hbm>>
    %dma_wait3A_132 = arith.constant 0 : i32
    %dma_wait3A_133 = tpu.memref_slice %arg4[%dma_wait3A_127, %dma_wait3A_128, %dma_wait3A_132] : memref<100x16x16384xf32, #tpu.memory_space<hbm>> -> memref<1x1x1024xf32, #tpu.memory_space<hbm>>
    %dma_wait3A_134 = tpu.memref_squeeze %dma_wait3A_133 : memref<1x1x1024xf32, #tpu.memory_space<hbm>> -> memref<1024xf32, #tpu.memory_space<hbm>>
    tpu.wait_dma2 semaphore(%arg15 : memref<!tpu.dma_semaphore, #tpu.memory_space<semaphore_mem>>) src(%arg11 : memref<1024xf32, #tpu.memory_space<vmem>>) dst(%dma_wait3A_134 : memref<1024xf32, #tpu.memory_space<hbm>>)
    %parallel_loop3A_135 = arith.constant 0 : i32
    %parallel_loop3A_136 = arith.constant 1024 : i32
    %parallel_loop3A_137 = arith.constant 16 : i32
    scf.for %parallel_loop3A_707 = %parallel_loop3A_135 to %parallel_loop3A_136 step %parallel_loop3A_137  : i32 {
      %parallel_loop3A_708 = arith.index_cast %parallel_loop3A_707 : i32 to index
      %parallel_loop3A_709 = tpu.vector_load %arg9[%parallel_loop3A_708] {strides = array<i32>} : memref<1024xi32, #tpu.memory_space<vmem>>, vector<16xi32>,
      %parallel_loop3A_710 = tpu.vector_load_idx %arg5[%parallel_loop3A_709] : memref<100000xf32, #tpu.memory_space<vmem>>[vector<16xi32>], vector<16xf32>,
      %parallel_loop3A_711 = arith.index_cast %parallel_loop3A_707 : i32 to index
      %parallel_loop3A_712 = tpu.vector_load %arg11[%parallel_loop3A_711] {strides = array<i32>} : memref<1024xf32, #tpu.memory_space<vmem>>, vector<16xf32>,
      tpu.vector_store %arg11[%parallel_loop3A_711], %parallel_loop3A_710 {strides = array<i32>} : memref<1024xf32, #tpu.memory_space<vmem>>, vector<16xf32>,
    } {sc.loop_unroll_factor = 8 : i64, sc.parallel_access}
    %add3A_138 = arith.constant 5120 : i32
    %add3A_139 = arith.addi %mul3A_0, %add3A_138 : i32
    %dma_start3A_140 = arith.constant 96 : i32
    %dma_start3A_141 = tpu.memref_slice %arg4[%dma_start3A_140, %arg1, %add3A_139] : memref<100x16x16384xf32, #tpu.memory_space<hbm>> -> memref<1x1x1024xf32, #tpu.memory_space<hbm>>
    %dma_start3A_142 = tpu.memref_squeeze %dma_start3A_141 : memref<1x1x1024xf32, #tpu.memory_space<hbm>> -> memref<1024xf32, #tpu.memory_space<hbm>>
    %dma_start3A_143 = tpu.memref_slice %arg4[%dma_start3A_140, %arg1, %add3A_139] : memref<100x16x16384xf32, #tpu.memory_space<hbm>> -> memref<1x1x1024xf32, #tpu.memory_space<hbm>>
    %dma_start3A_144 = tpu.memref_squeeze %dma_start3A_143 : memref<1x1x1024xf32, #tpu.memory_space<hbm>> -> memref<1024xf32, #tpu.memory_space<hbm>>
    tpu.enqueue_dma source(%arg11 : memref<1024xf32, #tpu.memory_space<vmem>>) target(%dma_start3A_144 : memref<1024xf32, #tpu.memory_space<hbm>>) target_semaphore(%arg15 : memref<!tpu.dma_semaphore, #tpu.memory_space<semaphore_mem>>)
    %add3A_145 = arith.constant 6144 : i32
    %add3A_146 = arith.addi %mul3A_0, %add3A_145 : i32
    %run_scoped3A_147 = arith.constant 96 : i32
    "tpu.region"() ({
      %run_scoped3A_707 = tpu.sem_alloc : memref<!tpu.dma_semaphore, #tpu.memory_space<semaphore_mem>>
      %dma_start3A_708 = tpu.memref_slice %arg2[%run_scoped3A_147, %add3A_146] : memref<100x16384xi32, #tpu.memory_space<hbm>> -> memref<1x1024xi32, #tpu.memory_space<hbm>>
      %dma_start3A_709 = tpu.memref_squeeze %dma_start3A_708 : memref<1x1024xi32, #tpu.memory_space<hbm>> -> memref<1024xi32, #tpu.memory_space<hbm>>
      %dma_start3A_710 = tpu.memref_slice %arg2[%run_scoped3A_147, %add3A_146] : memref<100x16384xi32, #tpu.memory_space<hbm>> -> memref<1x1024xi32, #tpu.memory_space<hbm>>
      %dma_start3A_711 = tpu.memref_squeeze %dma_start3A_710 : memref<1x1024xi32, #tpu.memory_space<hbm>> -> memref<1024xi32, #tpu.memory_space<hbm>>
      tpu.enqueue_dma source(%dma_start3A_711 : memref<1024xi32, #tpu.memory_space<hbm>>) target(%arg8 : memref<1024xi32, #tpu.memory_space<vmem>>) target_semaphore(%run_scoped3A_707 : memref<!tpu.dma_semaphore, #tpu.memory_space<semaphore_mem>>)
      %dma_wait3A_712 = tpu.memref_slice %arg2[%run_scoped3A_147, %add3A_146] : memref<100x16384xi32, #tpu.memory_space<hbm>> -> memref<1x1024xi32, #tpu.memory_space<hbm>>
      %dma_wait3A_713 = tpu.memref_squeeze %dma_wait3A_712 : memref<1x1024xi32, #tpu.memory_space<hbm>> -> memref<1024xi32, #tpu.memory_space<hbm>>
      %dma_wait3A_714 = tpu.memref_slice %arg2[%run_scoped3A_147, %add3A_146] : memref<100x16384xi32, #tpu.memory_space<hbm>> -> memref<1x1024xi32, #tpu.memory_space<hbm>>
      %dma_wait3A_715 = tpu.memref_squeeze %dma_wait3A_714 : memref<1x1024xi32, #tpu.memory_space<hbm>> -> memref<1024xi32, #tpu.memory_space<hbm>>
      tpu.wait_dma2 semaphore(%run_scoped3A_707 : memref<!tpu.dma_semaphore, #tpu.memory_space<semaphore_mem>>) src(%dma_wait3A_715 : memref<1024xi32, #tpu.memory_space<hbm>>) dst(%arg8 : memref<1024xi32, #tpu.memory_space<vmem>>)
      tpu.yield
    }) : () -> ()
    %dma_wait3A_148 = arith.constant 0 : i32
    %dma_wait3A_149 = arith.constant 0 : i32
    %dma_wait3A_150 = arith.constant 0 : i32
    %dma_wait3A_151 = tpu.memref_slice %arg4[%dma_wait3A_148, %dma_wait3A_149, %dma_wait3A_150] : memref<100x16x16384xf32, #tpu.memory_space<hbm>> -> memref<1x1x1024xf32, #tpu.memory_space<hbm>>
    %dma_wait3A_152 = tpu.memref_squeeze %dma_wait3A_151 : memref<1x1x1024xf32, #tpu.memory_space<hbm>> -> memref<1024xf32, #tpu.memory_space<hbm>>
    %dma_wait3A_153 = arith.constant 0 : i32
    %dma_wait3A_154 = tpu.memref_slice %arg4[%dma_wait3A_148, %dma_wait3A_149, %dma_wait3A_153] : memref<100x16x16384xf32, #tpu.memory_space<hbm>> -> memref<1x1x1024xf32, #tpu.memory_space<hbm>>
    %dma_wait3A_155 = tpu.memref_squeeze %dma_wait3A_154 : memref<1x1x1024xf32, #tpu.memory_space<hbm>> -> memref<1024xf32, #tpu.memory_space<hbm>>
    tpu.wait_dma2 semaphore(%arg14 : memref<!tpu.dma_semaphore, #tpu.memory_space<semaphore_mem>>) src(%arg10 : memref<1024xf32, #tpu.memory_space<vmem>>) dst(%dma_wait3A_155 : memref<1024xf32, #tpu.memory_space<hbm>>)
    %parallel_loop3A_156 = arith.constant 0 : i32
    %parallel_loop3A_157 = arith.constant 1024 : i32
    %parallel_loop3A_158 = arith.constant 16 : i32
    scf.for %parallel_loop3A_707 = %parallel_loop3A_156 to %parallel_loop3A_157 step %parallel_loop3A_158  : i32 {
      %parallel_loop3A_708 = arith.index_cast %parallel_loop3A_707 : i32 to index
      %parallel_loop3A_709 = tpu.vector_load %arg8[%parallel_loop3A_708] {strides = array<i32>} : memref<1024xi32, #tpu.memory_space<vmem>>, vector<16xi32>,
      %parallel_loop3A_710 = tpu.vector_load_idx %arg5[%parallel_loop3A_709] : memref<100000xf32, #tpu.memory_space<vmem>>[vector<16xi32>], vector<16xf32>,
      %parallel_loop3A_711 = arith.index_cast %parallel_loop3A_707 : i32 to index
      %parallel_loop3A_712 = tpu.vector_load %arg10[%parallel_loop3A_711] {strides = array<i32>} : memref<1024xf32, #tpu.memory_space<vmem>>, vector<16xf32>,
      tpu.vector_store %arg10[%parallel_loop3A_711], %parallel_loop3A_710 {strides = array<i32>} : memref<1024xf32, #tpu.memory_space<vmem>>, vector<16xf32>,
    } {sc.loop_unroll_factor = 8 : i64, sc.parallel_access}
    %add3A_159 = arith.constant 6144 : i32
    %add3A_160 = arith.addi %mul3A_0, %add3A_159 : i32
    %dma_start3A_161 = arith.constant 96 : i32
    %dma_start3A_162 = tpu.memref_slice %arg4[%dma_start3A_161, %arg1, %add3A_160] : memref<100x16x16384xf32, #tpu.memory_space<hbm>> -> memref<1x1x1024xf32, #tpu.memory_space<hbm>>
    %dma_start3A_163 = tpu.memref_squeeze %dma_start3A_162 : memref<1x1x1024xf32, #tpu.memory_space<hbm>> -> memref<1024xf32, #tpu.memory_space<hbm>>
    %dma_start3A_164 = tpu.memref_slice %arg4[%dma_start3A_161, %arg1, %add3A_160] : memref<100x16x16384xf32, #tpu.memory_space<hbm>> -> memref<1x1x1024xf32, #tpu.memory_space<hbm>>
    %dma_start3A_165 = tpu.memref_squeeze %dma_start3A_164 : memref<1x1x1024xf32, #tpu.memory_space<hbm>> -> memref<1024xf32, #tpu.memory_space<hbm>>
    tpu.enqueue_dma source(%arg10 : memref<1024xf32, #tpu.memory_space<vmem>>) target(%dma_start3A_165 : memref<1024xf32, #tpu.memory_space<hbm>>) target_semaphore(%arg14 : memref<!tpu.dma_semaphore, #tpu.memory_space<semaphore_mem>>)
    %add3A_166 = arith.constant 7168 : i32
    %add3A_167 = arith.addi %mul3A_0, %add3A_166 : i32
    %run_scoped3A_168 = arith.constant 96 : i32
    "tpu.region"() ({
      %run_scoped3A_707 = tpu.sem_alloc : memref<!tpu.dma_semaphore, #tpu.memory_space<semaphore_mem>>
      %dma_start3A_708 = tpu.memref_slice %arg2[%run_scoped3A_168, %add3A_167] : memref<100x16384xi32, #tpu.memory_space<hbm>> -> memref<1x1024xi32, #tpu.memory_space<hbm>>
      %dma_start3A_709 = tpu.memref_squeeze %dma_start3A_708 : memref<1x1024xi32, #tpu.memory_space<hbm>> -> memref<1024xi32, #tpu.memory_space<hbm>>
      %dma_start3A_710 = tpu.memref_slice %arg2[%run_scoped3A_168, %add3A_167] : memref<100x16384xi32, #tpu.memory_space<hbm>> -> memref<1x1024xi32, #tpu.memory_space<hbm>>
      %dma_start3A_711 = tpu.memref_squeeze %dma_start3A_710 : memref<1x1024xi32, #tpu.memory_space<hbm>> -> memref<1024xi32, #tpu.memory_space<hbm>>
      tpu.enqueue_dma source(%dma_start3A_711 : memref<1024xi32, #tpu.memory_space<hbm>>) target(%arg9 : memref<1024xi32, #tpu.memory_space<vmem>>) target_semaphore(%run_scoped3A_707 : memref<!tpu.dma_semaphore, #tpu.memory_space<semaphore_mem>>)
      %dma_wait3A_712 = tpu.memref_slice %arg2[%run_scoped3A_168, %add3A_167] : memref<100x16384xi32, #tpu.memory_space<hbm>> -> memref<1x1024xi32, #tpu.memory_space<hbm>>
      %dma_wait3A_713 = tpu.memref_squeeze %dma_wait3A_712 : memref<1x1024xi32, #tpu.memory_space<hbm>> -> memref<1024xi32, #tpu.memory_space<hbm>>
      %dma_wait3A_714 = tpu.memref_slice %arg2[%run_scoped3A_168, %add3A_167] : memref<100x16384xi32, #tpu.memory_space<hbm>> -> memref<1x1024xi32, #tpu.memory_space<hbm>>
      %dma_wait3A_715 = tpu.memref_squeeze %dma_wait3A_714 : memref<1x1024xi32, #tpu.memory_space<hbm>> -> memref<1024xi32, #tpu.memory_space<hbm>>
      tpu.wait_dma2 semaphore(%run_scoped3A_707 : memref<!tpu.dma_semaphore, #tpu.memory_space<semaphore_mem>>) src(%dma_wait3A_715 : memref<1024xi32, #tpu.memory_space<hbm>>) dst(%arg9 : memref<1024xi32, #tpu.memory_space<vmem>>)
      tpu.yield
    }) : () -> ()
    %dma_wait3A_169 = arith.constant 0 : i32
    %dma_wait3A_170 = arith.constant 0 : i32
    %dma_wait3A_171 = arith.constant 0 : i32
    %dma_wait3A_172 = tpu.memref_slice %arg4[%dma_wait3A_169, %dma_wait3A_170, %dma_wait3A_171] : memref<100x16x16384xf32, #tpu.memory_space<hbm>> -> memref<1x1x1024xf32, #tpu.memory_space<hbm>>
    %dma_wait3A_173 = tpu.memref_squeeze %dma_wait3A_172 : memref<1x1x1024xf32, #tpu.memory_space<hbm>> -> memref<1024xf32, #tpu.memory_space<hbm>>
    %dma_wait3A_174 = arith.constant 0 : i32
    %dma_wait3A_175 = tpu.memref_slice %arg4[%dma_wait3A_169, %dma_wait3A_170, %dma_wait3A_174] : memref<100x16x16384xf32, #tpu.memory_space<hbm>> -> memref<1x1x1024xf32, #tpu.memory_space<hbm>>
    %dma_wait3A_176 = tpu.memref_squeeze %dma_wait3A_175 : memref<1x1x1024xf32, #tpu.memory_space<hbm>> -> memref<1024xf32, #tpu.memory_space<hbm>>
    tpu.wait_dma2 semaphore(%arg15 : memref<!tpu.dma_semaphore, #tpu.memory_space<semaphore_mem>>) src(%arg11 : memref<1024xf32, #tpu.memory_space<vmem>>) dst(%dma_wait3A_176 : memref<1024xf32, #tpu.memory_space<hbm>>)
    %parallel_loop3A_177 = arith.constant 0 : i32
    %parallel_loop3A_178 = arith.constant 1024 : i32
    %parallel_loop3A_179 = arith.constant 16 : i32
    scf.for %parallel_loop3A_707 = %parallel_loop3A_177 to %parallel_loop3A_178 step %parallel_loop3A_179  : i32 {
      %parallel_loop3A_708 = arith.index_cast %parallel_loop3A_707 : i32 to index
      %parallel_loop3A_709 = tpu.vector_load %arg9[%parallel_loop3A_708] {strides = array<i32>} : memref<1024xi32, #tpu.memory_space<vmem>>, vector<16xi32>,
      %parallel_loop3A_710 = tpu.vector_load_idx %arg5[%parallel_loop3A_709] : memref<100000xf32, #tpu.memory_space<vmem>>[vector<16xi32>], vector<16xf32>,
      %parallel_loop3A_711 = arith.index_cast %parallel_loop3A_707 : i32 to index
      %parallel_loop3A_712 = tpu.vector_load %arg11[%parallel_loop3A_711] {strides = array<i32>} : memref<1024xf32, #tpu.memory_space<vmem>>, vector<16xf32>,
      tpu.vector_store %arg11[%parallel_loop3A_711], %parallel_loop3A_710 {strides = array<i32>} : memref<1024xf32, #tpu.memory_space<vmem>>, vector<16xf32>,
    } {sc.loop_unroll_factor = 8 : i64, sc.parallel_access}
    %add3A_180 = arith.constant 7168 : i32
    %add3A_181 = arith.addi %mul3A_0, %add3A_180 : i32
    %dma_start3A_182 = arith.constant 96 : i32
    %dma_start3A_183 = tpu.memref_slice %arg4[%dma_start3A_182, %arg1, %add3A_181] : memref<100x16x16384xf32, #tpu.memory_space<hbm>> -> memref<1x1x1024xf32, #tpu.memory_space<hbm>>
    %dma_start3A_184 = tpu.memref_squeeze %dma_start3A_183 : memref<1x1x1024xf32, #tpu.memory_space<hbm>> -> memref<1024xf32, #tpu.memory_space<hbm>>
    %dma_start3A_185 = tpu.memref_slice %arg4[%dma_start3A_182, %arg1, %add3A_181] : memref<100x16x16384xf32, #tpu.memory_space<hbm>> -> memref<1x1x1024xf32, #tpu.memory_space<hbm>>
    %dma_start3A_186 = tpu.memref_squeeze %dma_start3A_185 : memref<1x1x1024xf32, #tpu.memory_space<hbm>> -> memref<1024xf32, #tpu.memory_space<hbm>>
    tpu.enqueue_dma source(%arg11 : memref<1024xf32, #tpu.memory_space<vmem>>) target(%dma_start3A_186 : memref<1024xf32, #tpu.memory_space<hbm>>) target_semaphore(%arg15 : memref<!tpu.dma_semaphore, #tpu.memory_space<semaphore_mem>>)
    %add3A_187 = arith.constant 0 : i32
    %add3A_188 = arith.addi %mul3A_0, %add3A_187 : i32
    %run_scoped3A_189 = arith.constant 97 : i32
    "tpu.region"() ({
      %run_scoped3A_707 = tpu.sem_alloc : memref<!tpu.dma_semaphore, #tpu.memory_space<semaphore_mem>>
      %dma_start3A_708 = tpu.memref_slice %arg2[%run_scoped3A_189, %add3A_188] : memref<100x16384xi32, #tpu.memory_space<hbm>> -> memref<1x1024xi32, #tpu.memory_space<hbm>>
      %dma_start3A_709 = tpu.memref_squeeze %dma_start3A_708 : memref<1x1024xi32, #tpu.memory_space<hbm>> -> memref<1024xi32, #tpu.memory_space<hbm>>
      %dma_start3A_710 = tpu.memref_slice %arg2[%run_scoped3A_189, %add3A_188] : memref<100x16384xi32, #tpu.memory_space<hbm>> -> memref<1x1024xi32, #tpu.memory_space<hbm>>
      %dma_start3A_711 = tpu.memref_squeeze %dma_start3A_710 : memref<1x1024xi32, #tpu.memory_space<hbm>> -> memref<1024xi32, #tpu.memory_space<hbm>>
      tpu.enqueue_dma source(%dma_start3A_711 : memref<1024xi32, #tpu.memory_space<hbm>>) target(%arg8 : memref<1024xi32, #tpu.memory_space<vmem>>) target_semaphore(%run_scoped3A_707 : memref<!tpu.dma_semaphore, #tpu.memory_space<semaphore_mem>>)
      %dma_wait3A_712 = tpu.memref_slice %arg2[%run_scoped3A_189, %add3A_188] : memref<100x16384xi32, #tpu.memory_space<hbm>> -> memref<1x1024xi32, #tpu.memory_space<hbm>>
      %dma_wait3A_713 = tpu.memref_squeeze %dma_wait3A_712 : memref<1x1024xi32, #tpu.memory_space<hbm>> -> memref<1024xi32, #tpu.memory_space<hbm>>
      %dma_wait3A_714 = tpu.memref_slice %arg2[%run_scoped3A_189, %add3A_188] : memref<100x16384xi32, #tpu.memory_space<hbm>> -> memref<1x1024xi32, #tpu.memory_space<hbm>>
      %dma_wait3A_715 = tpu.memref_squeeze %dma_wait3A_714 : memref<1x1024xi32, #tpu.memory_space<hbm>> -> memref<1024xi32, #tpu.memory_space<hbm>>
      tpu.wait_dma2 semaphore(%run_scoped3A_707 : memref<!tpu.dma_semaphore, #tpu.memory_space<semaphore_mem>>) src(%dma_wait3A_715 : memref<1024xi32, #tpu.memory_space<hbm>>) dst(%arg8 : memref<1024xi32, #tpu.memory_space<vmem>>)
      tpu.yield
    }) : () -> ()
    %dma_wait3A_190 = arith.constant 0 : i32
    %dma_wait3A_191 = arith.constant 0 : i32
    %dma_wait3A_192 = arith.constant 0 : i32
    %dma_wait3A_193 = tpu.memref_slice %arg4[%dma_wait3A_190, %dma_wait3A_191, %dma_wait3A_192] : memref<100x16x16384xf32, #tpu.memory_space<hbm>> -> memref<1x1x1024xf32, #tpu.memory_space<hbm>>
    %dma_wait3A_194 = tpu.memref_squeeze %dma_wait3A_193 : memref<1x1x1024xf32, #tpu.memory_space<hbm>> -> memref<1024xf32, #tpu.memory_space<hbm>>
    %dma_wait3A_195 = arith.constant 0 : i32
    %dma_wait3A_196 = tpu.memref_slice %arg4[%dma_wait3A_190, %dma_wait3A_191, %dma_wait3A_195] : memref<100x16x16384xf32, #tpu.memory_space<hbm>> -> memref<1x1x1024xf32, #tpu.memory_space<hbm>>
    %dma_wait3A_197 = tpu.memref_squeeze %dma_wait3A_196 : memref<1x1x1024xf32, #tpu.memory_space<hbm>> -> memref<1024xf32, #tpu.memory_space<hbm>>
    tpu.wait_dma2 semaphore(%arg14 : memref<!tpu.dma_semaphore, #tpu.memory_space<semaphore_mem>>) src(%arg10 : memref<1024xf32, #tpu.memory_space<vmem>>) dst(%dma_wait3A_197 : memref<1024xf32, #tpu.memory_space<hbm>>)
    %parallel_loop3A_198 = arith.constant 0 : i32
    %parallel_loop3A_199 = arith.constant 1024 : i32
    %parallel_loop3A_200 = arith.constant 16 : i32
    scf.for %parallel_loop3A_707 = %parallel_loop3A_198 to %parallel_loop3A_199 step %parallel_loop3A_200  : i32 {
      %parallel_loop3A_708 = arith.index_cast %parallel_loop3A_707 : i32 to index
      %parallel_loop3A_709 = tpu.vector_load %arg8[%parallel_loop3A_708] {strides = array<i32>} : memref<1024xi32, #tpu.memory_space<vmem>>, vector<16xi32>,
      %parallel_loop3A_710 = tpu.vector_load_idx %arg5[%parallel_loop3A_709] : memref<100000xf32, #tpu.memory_space<vmem>>[vector<16xi32>], vector<16xf32>,
      %parallel_loop3A_711 = arith.index_cast %parallel_loop3A_707 : i32 to index
      %parallel_loop3A_712 = tpu.vector_load %arg10[%parallel_loop3A_711] {strides = array<i32>} : memref<1024xf32, #tpu.memory_space<vmem>>, vector<16xf32>,
      tpu.vector_store %arg10[%parallel_loop3A_711], %parallel_loop3A_710 {strides = array<i32>} : memref<1024xf32, #tpu.memory_space<vmem>>, vector<16xf32>,
    } {sc.loop_unroll_factor = 8 : i64, sc.parallel_access}
    %add3A_201 = arith.constant 0 : i32
    %add3A_202 = arith.addi %mul3A_0, %add3A_201 : i32
    %dma_start3A_203 = arith.constant 97 : i32
    %dma_start3A_204 = tpu.memref_slice %arg4[%dma_start3A_203, %arg1, %add3A_202] : memref<100x16x16384xf32, #tpu.memory_space<hbm>> -> memref<1x1x1024xf32, #tpu.memory_space<hbm>>
    %dma_start3A_205 = tpu.memref_squeeze %dma_start3A_204 : memref<1x1x1024xf32, #tpu.memory_space<hbm>> -> memref<1024xf32, #tpu.memory_space<hbm>>
    %dma_start3A_206 = tpu.memref_slice %arg4[%dma_start3A_203, %arg1, %add3A_202] : memref<100x16x16384xf32, #tpu.memory_space<hbm>> -> memref<1x1x1024xf32, #tpu.memory_space<hbm>>
    %dma_start3A_207 = tpu.memref_squeeze %dma_start3A_206 : memref<1x1x1024xf32, #tpu.memory_space<hbm>> -> memref<1024xf32, #tpu.memory_space<hbm>>
    tpu.enqueue_dma source(%arg10 : memref<1024xf32, #tpu.memory_space<vmem>>) target(%dma_start3A_207 : memref<1024xf32, #tpu.memory_space<hbm>>) target_semaphore(%arg14 : memref<!tpu.dma_semaphore, #tpu.memory_space<semaphore_mem>>)
    %add3A_208 = arith.constant 1024 : i32
    %add3A_209 = arith.addi %mul3A_0, %add3A_208 : i32
    %run_scoped3A_210 = arith.constant 97 : i32
    "tpu.region"() ({
      %run_scoped3A_707 = tpu.sem_alloc : memref<!tpu.dma_semaphore, #tpu.memory_space<semaphore_mem>>
      %dma_start3A_708 = tpu.memref_slice %arg2[%run_scoped3A_210, %add3A_209] : memref<100x16384xi32, #tpu.memory_space<hbm>> -> memref<1x1024xi32, #tpu.memory_space<hbm>>
      %dma_start3A_709 = tpu.memref_squeeze %dma_start3A_708 : memref<1x1024xi32, #tpu.memory_space<hbm>> -> memref<1024xi32, #tpu.memory_space<hbm>>
      %dma_start3A_710 = tpu.memref_slice %arg2[%run_scoped3A_210, %add3A_209] : memref<100x16384xi32, #tpu.memory_space<hbm>> -> memref<1x1024xi32, #tpu.memory_space<hbm>>
      %dma_start3A_711 = tpu.memref_squeeze %dma_start3A_710 : memref<1x1024xi32, #tpu.memory_space<hbm>> -> memref<1024xi32, #tpu.memory_space<hbm>>
      tpu.enqueue_dma source(%dma_start3A_711 : memref<1024xi32, #tpu.memory_space<hbm>>) target(%arg9 : memref<1024xi32, #tpu.memory_space<vmem>>) target_semaphore(%run_scoped3A_707 : memref<!tpu.dma_semaphore, #tpu.memory_space<semaphore_mem>>)
      %dma_wait3A_712 = tpu.memref_slice %arg2[%run_scoped3A_210, %add3A_209] : memref<100x16384xi32, #tpu.memory_space<hbm>> -> memref<1x1024xi32, #tpu.memory_space<hbm>>
      %dma_wait3A_713 = tpu.memref_squeeze %dma_wait3A_712 : memref<1x1024xi32, #tpu.memory_space<hbm>> -> memref<1024xi32, #tpu.memory_space<hbm>>
      %dma_wait3A_714 = tpu.memref_slice %arg2[%run_scoped3A_210, %add3A_209] : memref<100x16384xi32, #tpu.memory_space<hbm>> -> memref<1x1024xi32, #tpu.memory_space<hbm>>
      %dma_wait3A_715 = tpu.memref_squeeze %dma_wait3A_714 : memref<1x1024xi32, #tpu.memory_space<hbm>> -> memref<1024xi32, #tpu.memory_space<hbm>>
      tpu.wait_dma2 semaphore(%run_scoped3A_707 : memref<!tpu.dma_semaphore, #tpu.memory_space<semaphore_mem>>) src(%dma_wait3A_715 : memref<1024xi32, #tpu.memory_space<hbm>>) dst(%arg9 : memref<1024xi32, #tpu.memory_space<vmem>>)
      tpu.yield
    }) : () -> ()
    %dma_wait3A_211 = arith.constant 0 : i32
    %dma_wait3A_212 = arith.constant 0 : i32
    %dma_wait3A_213 = arith.constant 0 : i32
    %dma_wait3A_214 = tpu.memref_slice %arg4[%dma_wait3A_211, %dma_wait3A_212, %dma_wait3A_213] : memref<100x16x16384xf32, #tpu.memory_space<hbm>> -> memref<1x1x1024xf32, #tpu.memory_space<hbm>>
    %dma_wait3A_215 = tpu.memref_squeeze %dma_wait3A_214 : memref<1x1x1024xf32, #tpu.memory_space<hbm>> -> memref<1024xf32, #tpu.memory_space<hbm>>
    %dma_wait3A_216 = arith.constant 0 : i32
    %dma_wait3A_217 = tpu.memref_slice %arg4[%dma_wait3A_211, %dma_wait3A_212, %dma_wait3A_216] : memref<100x16x16384xf32, #tpu.memory_space<hbm>> -> memref<1x1x1024xf32, #tpu.memory_space<hbm>>
    %dma_wait3A_218 = tpu.memref_squeeze %dma_wait3A_217 : memref<1x1x1024xf32, #tpu.memory_space<hbm>> -> memref<1024xf32, #tpu.memory_space<hbm>>
    tpu.wait_dma2 semaphore(%arg15 : memref<!tpu.dma_semaphore, #tpu.memory_space<semaphore_mem>>) src(%arg11 : memref<1024xf32, #tpu.memory_space<vmem>>) dst(%dma_wait3A_218 : memref<1024xf32, #tpu.memory_space<hbm>>)
    %parallel_loop3A_219 = arith.constant 0 : i32
    %parallel_loop3A_220 = arith.constant 1024 : i32
    %parallel_loop3A_221 = arith.constant 16 : i32
    scf.for %parallel_loop3A_707 = %parallel_loop3A_219 to %parallel_loop3A_220 step %parallel_loop3A_221  : i32 {
      %parallel_loop3A_708 = arith.index_cast %parallel_loop3A_707 : i32 to index
      %parallel_loop3A_709 = tpu.vector_load %arg9[%parallel_loop3A_708] {strides = array<i32>} : memref<1024xi32, #tpu.memory_space<vmem>>, vector<16xi32>,
      %parallel_loop3A_710 = tpu.vector_load_idx %arg5[%parallel_loop3A_709] : memref<100000xf32, #tpu.memory_space<vmem>>[vector<16xi32>], vector<16xf32>,
      %parallel_loop3A_711 = arith.index_cast %parallel_loop3A_707 : i32 to index
      %parallel_loop3A_712 = tpu.vector_load %arg11[%parallel_loop3A_711] {strides = array<i32>} : memref<1024xf32, #tpu.memory_space<vmem>>, vector<16xf32>,
      tpu.vector_store %arg11[%parallel_loop3A_711], %parallel_loop3A_710 {strides = array<i32>} : memref<1024xf32, #tpu.memory_space<vmem>>, vector<16xf32>,
    } {sc.loop_unroll_factor = 8 : i64, sc.parallel_access}
    %add3A_222 = arith.constant 1024 : i32
    %add3A_223 = arith.addi %mul3A_0, %add3A_222 : i32
    %dma_start3A_224 = arith.constant 97 : i32
    %dma_start3A_225 = tpu.memref_slice %arg4[%dma_start3A_224, %arg1, %add3A_223] : memref<100x16x16384xf32, #tpu.memory_space<hbm>> -> memref<1x1x1024xf32, #tpu.memory_space<hbm>>
    %dma_start3A_226 = tpu.memref_squeeze %dma_start3A_225 : memref<1x1x1024xf32, #tpu.memory_space<hbm>> -> memref<1024xf32, #tpu.memory_space<hbm>>
    %dma_start3A_227 = tpu.memref_slice %arg4[%dma_start3A_224, %arg1, %add3A_223] : memref<100x16x16384xf32, #tpu.memory_space<hbm>> -> memref<1x1x1024xf32, #tpu.memory_space<hbm>>
    %dma_start3A_228 = tpu.memref_squeeze %dma_start3A_227 : memref<1x1x1024xf32, #tpu.memory_space<hbm>> -> memref<1024xf32, #tpu.memory_space<hbm>>
    tpu.enqueue_dma source(%arg11 : memref<1024xf32, #tpu.memory_space<vmem>>) target(%dma_start3A_228 : memref<1024xf32, #tpu.memory_space<hbm>>) target_semaphore(%arg15 : memref<!tpu.dma_semaphore, #tpu.memory_space<semaphore_mem>>)
    %add3A_229 = arith.constant 2048 : i32
    %add3A_230 = arith.addi %mul3A_0, %add3A_229 : i32
    %run_scoped3A_231 = arith.constant 97 : i32
    "tpu.region"() ({
      %run_scoped3A_707 = tpu.sem_alloc : memref<!tpu.dma_semaphore, #tpu.memory_space<semaphore_mem>>
      %dma_start3A_708 = tpu.memref_slice %arg2[%run_scoped3A_231, %add3A_230] : memref<100x16384xi32, #tpu.memory_space<hbm>> -> memref<1x1024xi32, #tpu.memory_space<hbm>>
      %dma_start3A_709 = tpu.memref_squeeze %dma_start3A_708 : memref<1x1024xi32, #tpu.memory_space<hbm>> -> memref<1024xi32, #tpu.memory_space<hbm>>
      %dma_start3A_710 = tpu.memref_slice %arg2[%run_scoped3A_231, %add3A_230] : memref<100x16384xi32, #tpu.memory_space<hbm>> -> memref<1x1024xi32, #tpu.memory_space<hbm>>
      %dma_start3A_711 = tpu.memref_squeeze %dma_start3A_710 : memref<1x1024xi32, #tpu.memory_space<hbm>> -> memref<1024xi32, #tpu.memory_space<hbm>>
      tpu.enqueue_dma source(%dma_start3A_711 : memref<1024xi32, #tpu.memory_space<hbm>>) target(%arg8 : memref<1024xi32, #tpu.memory_space<vmem>>) target_semaphore(%run_scoped3A_707 : memref<!tpu.dma_semaphore, #tpu.memory_space<semaphore_mem>>)
      %dma_wait3A_712 = tpu.memref_slice %arg2[%run_scoped3A_231, %add3A_230] : memref<100x16384xi32, #tpu.memory_space<hbm>> -> memref<1x1024xi32, #tpu.memory_space<hbm>>
      %dma_wait3A_713 = tpu.memref_squeeze %dma_wait3A_712 : memref<1x1024xi32, #tpu.memory_space<hbm>> -> memref<1024xi32, #tpu.memory_space<hbm>>
      %dma_wait3A_714 = tpu.memref_slice %arg2[%run_scoped3A_231, %add3A_230] : memref<100x16384xi32, #tpu.memory_space<hbm>> -> memref<1x1024xi32, #tpu.memory_space<hbm>>
      %dma_wait3A_715 = tpu.memref_squeeze %dma_wait3A_714 : memref<1x1024xi32, #tpu.memory_space<hbm>> -> memref<1024xi32, #tpu.memory_space<hbm>>
      tpu.wait_dma2 semaphore(%run_scoped3A_707 : memref<!tpu.dma_semaphore, #tpu.memory_space<semaphore_mem>>) src(%dma_wait3A_715 : memref<1024xi32, #tpu.memory_space<hbm>>) dst(%arg8 : memref<1024xi32, #tpu.memory_space<vmem>>)
      tpu.yield
    }) : () -> ()
    %dma_wait3A_232 = arith.constant 0 : i32
    %dma_wait3A_233 = arith.constant 0 : i32
    %dma_wait3A_234 = arith.constant 0 : i32
    %dma_wait3A_235 = tpu.memref_slice %arg4[%dma_wait3A_232, %dma_wait3A_233, %dma_wait3A_234] : memref<100x16x16384xf32, #tpu.memory_space<hbm>> -> memref<1x1x1024xf32, #tpu.memory_space<hbm>>
    %dma_wait3A_236 = tpu.memref_squeeze %dma_wait3A_235 : memref<1x1x1024xf32, #tpu.memory_space<hbm>> -> memref<1024xf32, #tpu.memory_space<hbm>>
    %dma_wait3A_237 = arith.constant 0 : i32
    %dma_wait3A_238 = tpu.memref_slice %arg4[%dma_wait3A_232, %dma_wait3A_233, %dma_wait3A_237] : memref<100x16x16384xf32, #tpu.memory_space<hbm>> -> memref<1x1x1024xf32, #tpu.memory_space<hbm>>
    %dma_wait3A_239 = tpu.memref_squeeze %dma_wait3A_238 : memref<1x1x1024xf32, #tpu.memory_space<hbm>> -> memref<1024xf32, #tpu.memory_space<hbm>>
    tpu.wait_dma2 semaphore(%arg14 : memref<!tpu.dma_semaphore, #tpu.memory_space<semaphore_mem>>) src(%arg10 : memref<1024xf32, #tpu.memory_space<vmem>>) dst(%dma_wait3A_239 : memref<1024xf32, #tpu.memory_space<hbm>>)
    %parallel_loop3A_240 = arith.constant 0 : i32
    %parallel_loop3A_241 = arith.constant 1024 : i32
    %parallel_loop3A_242 = arith.constant 16 : i32
    scf.for %parallel_loop3A_707 = %parallel_loop3A_240 to %parallel_loop3A_241 step %parallel_loop3A_242  : i32 {
      %parallel_loop3A_708 = arith.index_cast %parallel_loop3A_707 : i32 to index
      %parallel_loop3A_709 = tpu.vector_load %arg8[%parallel_loop3A_708] {strides = array<i32>} : memref<1024xi32, #tpu.memory_space<vmem>>, vector<16xi32>,
      %parallel_loop3A_710 = tpu.vector_load_idx %arg5[%parallel_loop3A_709] : memref<100000xf32, #tpu.memory_space<vmem>>[vector<16xi32>], vector<16xf32>,
      %parallel_loop3A_711 = arith.index_cast %parallel_loop3A_707 : i32 to index
      %parallel_loop3A_712 = tpu.vector_load %arg10[%parallel_loop3A_711] {strides = array<i32>} : memref<1024xf32, #tpu.memory_space<vmem>>, vector<16xf32>,
      tpu.vector_store %arg10[%parallel_loop3A_711], %parallel_loop3A_710 {strides = array<i32>} : memref<1024xf32, #tpu.memory_space<vmem>>, vector<16xf32>,
    } {sc.loop_unroll_factor = 8 : i64, sc.parallel_access}
    %add3A_243 = arith.constant 2048 : i32
    %add3A_244 = arith.addi %mul3A_0, %add3A_243 : i32
    %dma_start3A_245 = arith.constant 97 : i32
    %dma_start3A_246 = tpu.memref_slice %arg4[%dma_start3A_245, %arg1, %add3A_244] : memref<100x16x16384xf32, #tpu.memory_space<hbm>> -> memref<1x1x1024xf32, #tpu.memory_space<hbm>>
    %dma_start3A_247 = tpu.memref_squeeze %dma_start3A_246 : memref<1x1x1024xf32, #tpu.memory_space<hbm>> -> memref<1024xf32, #tpu.memory_space<hbm>>
    %dma_start3A_248 = tpu.memref_slice %arg4[%dma_start3A_245, %arg1, %add3A_244] : memref<100x16x16384xf32, #tpu.memory_space<hbm>> -> memref<1x1x1024xf32, #tpu.memory_space<hbm>>
    %dma_start3A_249 = tpu.memref_squeeze %dma_start3A_248 : memref<1x1x1024xf32, #tpu.memory_space<hbm>> -> memref<1024xf32, #tpu.memory_space<hbm>>
    tpu.enqueue_dma source(%arg10 : memref<1024xf32, #tpu.memory_space<vmem>>) target(%dma_start3A_249 : memref<1024xf32, #tpu.memory_space<hbm>>) target_semaphore(%arg14 : memref<!tpu.dma_semaphore, #tpu.memory_space<semaphore_mem>>)
    %add3A_250 = arith.constant 3072 : i32
    %add3A_251 = arith.addi %mul3A_0, %add3A_250 : i32
    %run_scoped3A_252 = arith.constant 97 : i32
    "tpu.region"() ({
      %run_scoped3A_707 = tpu.sem_alloc : memref<!tpu.dma_semaphore, #tpu.memory_space<semaphore_mem>>
      %dma_start3A_708 = tpu.memref_slice %arg2[%run_scoped3A_252, %add3A_251] : memref<100x16384xi32, #tpu.memory_space<hbm>> -> memref<1x1024xi32, #tpu.memory_space<hbm>>
      %dma_start3A_709 = tpu.memref_squeeze %dma_start3A_708 : memref<1x1024xi32, #tpu.memory_space<hbm>> -> memref<1024xi32, #tpu.memory_space<hbm>>
      %dma_start3A_710 = tpu.memref_slice %arg2[%run_scoped3A_252, %add3A_251] : memref<100x16384xi32, #tpu.memory_space<hbm>> -> memref<1x1024xi32, #tpu.memory_space<hbm>>
      %dma_start3A_711 = tpu.memref_squeeze %dma_start3A_710 : memref<1x1024xi32, #tpu.memory_space<hbm>> -> memref<1024xi32, #tpu.memory_space<hbm>>
      tpu.enqueue_dma source(%dma_start3A_711 : memref<1024xi32, #tpu.memory_space<hbm>>) target(%arg9 : memref<1024xi32, #tpu.memory_space<vmem>>) target_semaphore(%run_scoped3A_707 : memref<!tpu.dma_semaphore, #tpu.memory_space<semaphore_mem>>)
      %dma_wait3A_712 = tpu.memref_slice %arg2[%run_scoped3A_252, %add3A_251] : memref<100x16384xi32, #tpu.memory_space<hbm>> -> memref<1x1024xi32, #tpu.memory_space<hbm>>
      %dma_wait3A_713 = tpu.memref_squeeze %dma_wait3A_712 : memref<1x1024xi32, #tpu.memory_space<hbm>> -> memref<1024xi32, #tpu.memory_space<hbm>>
      %dma_wait3A_714 = tpu.memref_slice %arg2[%run_scoped3A_252, %add3A_251] : memref<100x16384xi32, #tpu.memory_space<hbm>> -> memref<1x1024xi32, #tpu.memory_space<hbm>>
      %dma_wait3A_715 = tpu.memref_squeeze %dma_wait3A_714 : memref<1x1024xi32, #tpu.memory_space<hbm>> -> memref<1024xi32, #tpu.memory_space<hbm>>
      tpu.wait_dma2 semaphore(%run_scoped3A_707 : memref<!tpu.dma_semaphore, #tpu.memory_space<semaphore_mem>>) src(%dma_wait3A_715 : memref<1024xi32, #tpu.memory_space<hbm>>) dst(%arg9 : memref<1024xi32, #tpu.memory_space<vmem>>)
      tpu.yield
    }) : () -> ()
    %dma_wait3A_253 = arith.constant 0 : i32
    %dma_wait3A_254 = arith.constant 0 : i32
    %dma_wait3A_255 = arith.constant 0 : i32
    %dma_wait3A_256 = tpu.memref_slice %arg4[%dma_wait3A_253, %dma_wait3A_254, %dma_wait3A_255] : memref<100x16x16384xf32, #tpu.memory_space<hbm>> -> memref<1x1x1024xf32, #tpu.memory_space<hbm>>
    %dma_wait3A_257 = tpu.memref_squeeze %dma_wait3A_256 : memref<1x1x1024xf32, #tpu.memory_space<hbm>> -> memref<1024xf32, #tpu.memory_space<hbm>>
    %dma_wait3A_258 = arith.constant 0 : i32
    %dma_wait3A_259 = tpu.memref_slice %arg4[%dma_wait3A_253, %dma_wait3A_254, %dma_wait3A_258] : memref<100x16x16384xf32, #tpu.memory_space<hbm>> -> memref<1x1x1024xf32, #tpu.memory_space<hbm>>
    %dma_wait3A_260 = tpu.memref_squeeze %dma_wait3A_259 : memref<1x1x1024xf32, #tpu.memory_space<hbm>> -> memref<1024xf32, #tpu.memory_space<hbm>>
    tpu.wait_dma2 semaphore(%arg15 : memref<!tpu.dma_semaphore, #tpu.memory_space<semaphore_mem>>) src(%arg11 : memref<1024xf32, #tpu.memory_space<vmem>>) dst(%dma_wait3A_260 : memref<1024xf32, #tpu.memory_space<hbm>>)
    %parallel_loop3A_261 = arith.constant 0 : i32
    %parallel_loop3A_262 = arith.constant 1024 : i32
    %parallel_loop3A_263 = arith.constant 16 : i32
    scf.for %parallel_loop3A_707 = %parallel_loop3A_261 to %parallel_loop3A_262 step %parallel_loop3A_263  : i32 {
      %parallel_loop3A_708 = arith.index_cast %parallel_loop3A_707 : i32 to index
      %parallel_loop3A_709 = tpu.vector_load %arg9[%parallel_loop3A_708] {strides = array<i32>} : memref<1024xi32, #tpu.memory_space<vmem>>, vector<16xi32>,
      %parallel_loop3A_710 = tpu.vector_load_idx %arg5[%parallel_loop3A_709] : memref<100000xf32, #tpu.memory_space<vmem>>[vector<16xi32>], vector<16xf32>,
      %parallel_loop3A_711 = arith.index_cast %parallel_loop3A_707 : i32 to index
      %parallel_loop3A_712 = tpu.vector_load %arg11[%parallel_loop3A_711] {strides = array<i32>} : memref<1024xf32, #tpu.memory_space<vmem>>, vector<16xf32>,
      tpu.vector_store %arg11[%parallel_loop3A_711], %parallel_loop3A_710 {strides = array<i32>} : memref<1024xf32, #tpu.memory_space<vmem>>, vector<16xf32>,
    } {sc.loop_unroll_factor = 8 : i64, sc.parallel_access}
    %add3A_264 = arith.constant 3072 : i32
    %add3A_265 = arith.addi %mul3A_0, %add3A_264 : i32
    %dma_start3A_266 = arith.constant 97 : i32
    %dma_start3A_267 = tpu.memref_slice %arg4[%dma_start3A_266, %arg1, %add3A_265] : memref<100x16x16384xf32, #tpu.memory_space<hbm>> -> memref<1x1x1024xf32, #tpu.memory_space<hbm>>
    %dma_start3A_268 = tpu.memref_squeeze %dma_start3A_267 : memref<1x1x1024xf32, #tpu.memory_space<hbm>> -> memref<1024xf32, #tpu.memory_space<hbm>>
    %dma_start3A_269 = tpu.memref_slice %arg4[%dma_start3A_266, %arg1, %add3A_265] : memref<100x16x16384xf32, #tpu.memory_space<hbm>> -> memref<1x1x1024xf32, #tpu.memory_space<hbm>>
    %dma_start3A_270 = tpu.memref_squeeze %dma_start3A_269 : memref<1x1x1024xf32, #tpu.memory_space<hbm>> -> memref<1024xf32, #tpu.memory_space<hbm>>
    tpu.enqueue_dma source(%arg11 : memref<1024xf32, #tpu.memory_space<vmem>>) target(%dma_start3A_270 : memref<1024xf32, #tpu.memory_space<hbm>>) target_semaphore(%arg15 : memref<!tpu.dma_semaphore, #tpu.memory_space<semaphore_mem>>)
    %add3A_271 = arith.constant 4096 : i32
    %add3A_272 = arith.addi %mul3A_0, %add3A_271 : i32
    %run_scoped3A_273 = arith.constant 97 : i32
    "tpu.region"() ({
      %run_scoped3A_707 = tpu.sem_alloc : memref<!tpu.dma_semaphore, #tpu.memory_space<semaphore_mem>>
      %dma_start3A_708 = tpu.memref_slice %arg2[%run_scoped3A_273, %add3A_272] : memref<100x16384xi32, #tpu.memory_space<hbm>> -> memref<1x1024xi32, #tpu.memory_space<hbm>>
      %dma_start3A_709 = tpu.memref_squeeze %dma_start3A_708 : memref<1x1024xi32, #tpu.memory_space<hbm>> -> memref<1024xi32, #tpu.memory_space<hbm>>
      %dma_start3A_710 = tpu.memref_slice %arg2[%run_scoped3A_273, %add3A_272] : memref<100x16384xi32, #tpu.memory_space<hbm>> -> memref<1x1024xi32, #tpu.memory_space<hbm>>
      %dma_start3A_711 = tpu.memref_squeeze %dma_start3A_710 : memref<1x1024xi32, #tpu.memory_space<hbm>> -> memref<1024xi32, #tpu.memory_space<hbm>>
      tpu.enqueue_dma source(%dma_start3A_711 : memref<1024xi32, #tpu.memory_space<hbm>>) target(%arg8 : memref<1024xi32, #tpu.memory_space<vmem>>) target_semaphore(%run_scoped3A_707 : memref<!tpu.dma_semaphore, #tpu.memory_space<semaphore_mem>>)
      %dma_wait3A_712 = tpu.memref_slice %arg2[%run_scoped3A_273, %add3A_272] : memref<100x16384xi32, #tpu.memory_space<hbm>> -> memref<1x1024xi32, #tpu.memory_space<hbm>>
      %dma_wait3A_713 = tpu.memref_squeeze %dma_wait3A_712 : memref<1x1024xi32, #tpu.memory_space<hbm>> -> memref<1024xi32, #tpu.memory_space<hbm>>
      %dma_wait3A_714 = tpu.memref_slice %arg2[%run_scoped3A_273, %add3A_272] : memref<100x16384xi32, #tpu.memory_space<hbm>> -> memref<1x1024xi32, #tpu.memory_space<hbm>>
      %dma_wait3A_715 = tpu.memref_squeeze %dma_wait3A_714 : memref<1x1024xi32, #tpu.memory_space<hbm>> -> memref<1024xi32, #tpu.memory_space<hbm>>
      tpu.wait_dma2 semaphore(%run_scoped3A_707 : memref<!tpu.dma_semaphore, #tpu.memory_space<semaphore_mem>>) src(%dma_wait3A_715 : memref<1024xi32, #tpu.memory_space<hbm>>) dst(%arg8 : memref<1024xi32, #tpu.memory_space<vmem>>)
      tpu.yield
    }) : () -> ()
    %dma_wait3A_274 = arith.constant 0 : i32
    %dma_wait3A_275 = arith.constant 0 : i32
    %dma_wait3A_276 = arith.constant 0 : i32
    %dma_wait3A_277 = tpu.memref_slice %arg4[%dma_wait3A_274, %dma_wait3A_275, %dma_wait3A_276] : memref<100x16x16384xf32, #tpu.memory_space<hbm>> -> memref<1x1x1024xf32, #tpu.memory_space<hbm>>
    %dma_wait3A_278 = tpu.memref_squeeze %dma_wait3A_277 : memref<1x1x1024xf32, #tpu.memory_space<hbm>> -> memref<1024xf32, #tpu.memory_space<hbm>>
    %dma_wait3A_279 = arith.constant 0 : i32
    %dma_wait3A_280 = tpu.memref_slice %arg4[%dma_wait3A_274, %dma_wait3A_275, %dma_wait3A_279] : memref<100x16x16384xf32, #tpu.memory_space<hbm>> -> memref<1x1x1024xf32, #tpu.memory_space<hbm>>
    %dma_wait3A_281 = tpu.memref_squeeze %dma_wait3A_280 : memref<1x1x1024xf32, #tpu.memory_space<hbm>> -> memref<1024xf32, #tpu.memory_space<hbm>>
    tpu.wait_dma2 semaphore(%arg14 : memref<!tpu.dma_semaphore, #tpu.memory_space<semaphore_mem>>) src(%arg10 : memref<1024xf32, #tpu.memory_space<vmem>>) dst(%dma_wait3A_281 : memref<1024xf32, #tpu.memory_space<hbm>>)
    %parallel_loop3A_282 = arith.constant 0 : i32
    %parallel_loop3A_283 = arith.constant 1024 : i32
    %parallel_loop3A_284 = arith.constant 16 : i32
    scf.for %parallel_loop3A_707 = %parallel_loop3A_282 to %parallel_loop3A_283 step %parallel_loop3A_284  : i32 {
      %parallel_loop3A_708 = arith.index_cast %parallel_loop3A_707 : i32 to index
      %parallel_loop3A_709 = tpu.vector_load %arg8[%parallel_loop3A_708] {strides = array<i32>} : memref<1024xi32, #tpu.memory_space<vmem>>, vector<16xi32>,
      %parallel_loop3A_710 = tpu.vector_load_idx %arg5[%parallel_loop3A_709] : memref<100000xf32, #tpu.memory_space<vmem>>[vector<16xi32>], vector<16xf32>,
      %parallel_loop3A_711 = arith.index_cast %parallel_loop3A_707 : i32 to index
      %parallel_loop3A_712 = tpu.vector_load %arg10[%parallel_loop3A_711] {strides = array<i32>} : memref<1024xf32, #tpu.memory_space<vmem>>, vector<16xf32>,
      tpu.vector_store %arg10[%parallel_loop3A_711], %parallel_loop3A_710 {strides = array<i32>} : memref<1024xf32, #tpu.memory_space<vmem>>, vector<16xf32>,
    } {sc.loop_unroll_factor = 8 : i64, sc.parallel_access}
    %add3A_285 = arith.constant 4096 : i32
    %add3A_286 = arith.addi %mul3A_0, %add3A_285 : i32
    %dma_start3A_287 = arith.constant 97 : i32
    %dma_start3A_288 = tpu.memref_slice %arg4[%dma_start3A_287, %arg1, %add3A_286] : memref<100x16x16384xf32, #tpu.memory_space<hbm>> -> memref<1x1x1024xf32, #tpu.memory_space<hbm>>
    %dma_start3A_289 = tpu.memref_squeeze %dma_start3A_288 : memref<1x1x1024xf32, #tpu.memory_space<hbm>> -> memref<1024xf32, #tpu.memory_space<hbm>>
    %dma_start3A_290 = tpu.memref_slice %arg4[%dma_start3A_287, %arg1, %add3A_286] : memref<100x16x16384xf32, #tpu.memory_space<hbm>> -> memref<1x1x1024xf32, #tpu.memory_space<hbm>>
    %dma_start3A_291 = tpu.memref_squeeze %dma_start3A_290 : memref<1x1x1024xf32, #tpu.memory_space<hbm>> -> memref<1024xf32, #tpu.memory_space<hbm>>
    tpu.enqueue_dma source(%arg10 : memref<1024xf32, #tpu.memory_space<vmem>>) target(%dma_start3A_291 : memref<1024xf32, #tpu.memory_space<hbm>>) target_semaphore(%arg14 : memref<!tpu.dma_semaphore, #tpu.memory_space<semaphore_mem>>)
    %add3A_292 = arith.constant 5120 : i32
    %add3A_293 = arith.addi %mul3A_0, %add3A_292 : i32
    %run_scoped3A_294 = arith.constant 97 : i32
    "tpu.region"() ({
      %run_scoped3A_707 = tpu.sem_alloc : memref<!tpu.dma_semaphore, #tpu.memory_space<semaphore_mem>>
      %dma_start3A_708 = tpu.memref_slice %arg2[%run_scoped3A_294, %add3A_293] : memref<100x16384xi32, #tpu.memory_space<hbm>> -> memref<1x1024xi32, #tpu.memory_space<hbm>>
      %dma_start3A_709 = tpu.memref_squeeze %dma_start3A_708 : memref<1x1024xi32, #tpu.memory_space<hbm>> -> memref<1024xi32, #tpu.memory_space<hbm>>
      %dma_start3A_710 = tpu.memref_slice %arg2[%run_scoped3A_294, %add3A_293] : memref<100x16384xi32, #tpu.memory_space<hbm>> -> memref<1x1024xi32, #tpu.memory_space<hbm>>
      %dma_start3A_711 = tpu.memref_squeeze %dma_start3A_710 : memref<1x1024xi32, #tpu.memory_space<hbm>> -> memref<1024xi32, #tpu.memory_space<hbm>>
      tpu.enqueue_dma source(%dma_start3A_711 : memref<1024xi32, #tpu.memory_space<hbm>>) target(%arg9 : memref<1024xi32, #tpu.memory_space<vmem>>) target_semaphore(%run_scoped3A_707 : memref<!tpu.dma_semaphore, #tpu.memory_space<semaphore_mem>>)
      %dma_wait3A_712 = tpu.memref_slice %arg2[%run_scoped3A_294, %add3A_293] : memref<100x16384xi32, #tpu.memory_space<hbm>> -> memref<1x1024xi32, #tpu.memory_space<hbm>>
      %dma_wait3A_713 = tpu.memref_squeeze %dma_wait3A_712 : memref<1x1024xi32, #tpu.memory_space<hbm>> -> memref<1024xi32, #tpu.memory_space<hbm>>
      %dma_wait3A_714 = tpu.memref_slice %arg2[%run_scoped3A_294, %add3A_293] : memref<100x16384xi32, #tpu.memory_space<hbm>> -> memref<1x1024xi32, #tpu.memory_space<hbm>>
      %dma_wait3A_715 = tpu.memref_squeeze %dma_wait3A_714 : memref<1x1024xi32, #tpu.memory_space<hbm>> -> memref<1024xi32, #tpu.memory_space<hbm>>
      tpu.wait_dma2 semaphore(%run_scoped3A_707 : memref<!tpu.dma_semaphore, #tpu.memory_space<semaphore_mem>>) src(%dma_wait3A_715 : memref<1024xi32, #tpu.memory_space<hbm>>) dst(%arg9 : memref<1024xi32, #tpu.memory_space<vmem>>)
      tpu.yield
    }) : () -> ()
    %dma_wait3A_295 = arith.constant 0 : i32
    %dma_wait3A_296 = arith.constant 0 : i32
    %dma_wait3A_297 = arith.constant 0 : i32
    %dma_wait3A_298 = tpu.memref_slice %arg4[%dma_wait3A_295, %dma_wait3A_296, %dma_wait3A_297] : memref<100x16x16384xf32, #tpu.memory_space<hbm>> -> memref<1x1x1024xf32, #tpu.memory_space<hbm>>
    %dma_wait3A_299 = tpu.memref_squeeze %dma_wait3A_298 : memref<1x1x1024xf32, #tpu.memory_space<hbm>> -> memref<1024xf32, #tpu.memory_space<hbm>>
    %dma_wait3A_300 = arith.constant 0 : i32
    %dma_wait3A_301 = tpu.memref_slice %arg4[%dma_wait3A_295, %dma_wait3A_296, %dma_wait3A_300] : memref<100x16x16384xf32, #tpu.memory_space<hbm>> -> memref<1x1x1024xf32, #tpu.memory_space<hbm>>
    %dma_wait3A_302 = tpu.memref_squeeze %dma_wait3A_301 : memref<1x1x1024xf32, #tpu.memory_space<hbm>> -> memref<1024xf32, #tpu.memory_space<hbm>>
    tpu.wait_dma2 semaphore(%arg15 : memref<!tpu.dma_semaphore, #tpu.memory_space<semaphore_mem>>) src(%arg11 : memref<1024xf32, #tpu.memory_space<vmem>>) dst(%dma_wait3A_302 : memref<1024xf32, #tpu.memory_space<hbm>>)
    %parallel_loop3A_303 = arith.constant 0 : i32
    %parallel_loop3A_304 = arith.constant 1024 : i32
    %parallel_loop3A_305 = arith.constant 16 : i32
    scf.for %parallel_loop3A_707 = %parallel_loop3A_303 to %parallel_loop3A_304 step %parallel_loop3A_305  : i32 {
      %parallel_loop3A_708 = arith.index_cast %parallel_loop3A_707 : i32 to index
      %parallel_loop3A_709 = tpu.vector_load %arg9[%parallel_loop3A_708] {strides = array<i32>} : memref<1024xi32, #tpu.memory_space<vmem>>, vector<16xi32>,
      %parallel_loop3A_710 = tpu.vector_load_idx %arg5[%parallel_loop3A_709] : memref<100000xf32, #tpu.memory_space<vmem>>[vector<16xi32>], vector<16xf32>,
      %parallel_loop3A_711 = arith.index_cast %parallel_loop3A_707 : i32 to index
      %parallel_loop3A_712 = tpu.vector_load %arg11[%parallel_loop3A_711] {strides = array<i32>} : memref<1024xf32, #tpu.memory_space<vmem>>, vector<16xf32>,
      tpu.vector_store %arg11[%parallel_loop3A_711], %parallel_loop3A_710 {strides = array<i32>} : memref<1024xf32, #tpu.memory_space<vmem>>, vector<16xf32>,
    } {sc.loop_unroll_factor = 8 : i64, sc.parallel_access}
    %add3A_306 = arith.constant 5120 : i32
    %add3A_307 = arith.addi %mul3A_0, %add3A_306 : i32
    %dma_start3A_308 = arith.constant 97 : i32
    %dma_start3A_309 = tpu.memref_slice %arg4[%dma_start3A_308, %arg1, %add3A_307] : memref<100x16x16384xf32, #tpu.memory_space<hbm>> -> memref<1x1x1024xf32, #tpu.memory_space<hbm>>
    %dma_start3A_310 = tpu.memref_squeeze %dma_start3A_309 : memref<1x1x1024xf32, #tpu.memory_space<hbm>> -> memref<1024xf32, #tpu.memory_space<hbm>>
    %dma_start3A_311 = tpu.memref_slice %arg4[%dma_start3A_308, %arg1, %add3A_307] : memref<100x16x16384xf32, #tpu.memory_space<hbm>> -> memref<1x1x1024xf32, #tpu.memory_space<hbm>>
    %dma_start3A_312 = tpu.memref_squeeze %dma_start3A_311 : memref<1x1x1024xf32, #tpu.memory_space<hbm>> -> memref<1024xf32, #tpu.memory_space<hbm>>
    tpu.enqueue_dma source(%arg11 : memref<1024xf32, #tpu.memory_space<vmem>>) target(%dma_start3A_312 : memref<1024xf32, #tpu.memory_space<hbm>>) target_semaphore(%arg15 : memref<!tpu.dma_semaphore, #tpu.memory_space<semaphore_mem>>)
    %add3A_313 = arith.constant 6144 : i32
    %add3A_314 = arith.addi %mul3A_0, %add3A_313 : i32
    %run_scoped3A_315 = arith.constant 97 : i32
    "tpu.region"() ({
      %run_scoped3A_707 = tpu.sem_alloc : memref<!tpu.dma_semaphore, #tpu.memory_space<semaphore_mem>>
      %dma_start3A_708 = tpu.memref_slice %arg2[%run_scoped3A_315, %add3A_314] : memref<100x16384xi32, #tpu.memory_space<hbm>> -> memref<1x1024xi32, #tpu.memory_space<hbm>>
      %dma_start3A_709 = tpu.memref_squeeze %dma_start3A_708 : memref<1x1024xi32, #tpu.memory_space<hbm>> -> memref<1024xi32, #tpu.memory_space<hbm>>
      %dma_start3A_710 = tpu.memref_slice %arg2[%run_scoped3A_315, %add3A_314] : memref<100x16384xi32, #tpu.memory_space<hbm>> -> memref<1x1024xi32, #tpu.memory_space<hbm>>
      %dma_start3A_711 = tpu.memref_squeeze %dma_start3A_710 : memref<1x1024xi32, #tpu.memory_space<hbm>> -> memref<1024xi32, #tpu.memory_space<hbm>>
      tpu.enqueue_dma source(%dma_start3A_711 : memref<1024xi32, #tpu.memory_space<hbm>>) target(%arg8 : memref<1024xi32, #tpu.memory_space<vmem>>) target_semaphore(%run_scoped3A_707 : memref<!tpu.dma_semaphore, #tpu.memory_space<semaphore_mem>>)
      %dma_wait3A_712 = tpu.memref_slice %arg2[%run_scoped3A_315, %add3A_314] : memref<100x16384xi32, #tpu.memory_space<hbm>> -> memref<1x1024xi32, #tpu.memory_space<hbm>>
      %dma_wait3A_713 = tpu.memref_squeeze %dma_wait3A_712 : memref<1x1024xi32, #tpu.memory_space<hbm>> -> memref<1024xi32, #tpu.memory_space<hbm>>
      %dma_wait3A_714 = tpu.memref_slice %arg2[%run_scoped3A_315, %add3A_314] : memref<100x16384xi32, #tpu.memory_space<hbm>> -> memref<1x1024xi32, #tpu.memory_space<hbm>>
      %dma_wait3A_715 = tpu.memref_squeeze %dma_wait3A_714 : memref<1x1024xi32, #tpu.memory_space<hbm>> -> memref<1024xi32, #tpu.memory_space<hbm>>
      tpu.wait_dma2 semaphore(%run_scoped3A_707 : memref<!tpu.dma_semaphore, #tpu.memory_space<semaphore_mem>>) src(%dma_wait3A_715 : memref<1024xi32, #tpu.memory_space<hbm>>) dst(%arg8 : memref<1024xi32, #tpu.memory_space<vmem>>)
      tpu.yield
    }) : () -> ()
    %dma_wait3A_316 = arith.constant 0 : i32
    %dma_wait3A_317 = arith.constant 0 : i32
    %dma_wait3A_318 = arith.constant 0 : i32
    %dma_wait3A_319 = tpu.memref_slice %arg4[%dma_wait3A_316, %dma_wait3A_317, %dma_wait3A_318] : memref<100x16x16384xf32, #tpu.memory_space<hbm>> -> memref<1x1x1024xf32, #tpu.memory_space<hbm>>
    %dma_wait3A_320 = tpu.memref_squeeze %dma_wait3A_319 : memref<1x1x1024xf32, #tpu.memory_space<hbm>> -> memref<1024xf32, #tpu.memory_space<hbm>>
    %dma_wait3A_321 = arith.constant 0 : i32
    %dma_wait3A_322 = tpu.memref_slice %arg4[%dma_wait3A_316, %dma_wait3A_317, %dma_wait3A_321] : memref<100x16x16384xf32, #tpu.memory_space<hbm>> -> memref<1x1x1024xf32, #tpu.memory_space<hbm>>
    %dma_wait3A_323 = tpu.memref_squeeze %dma_wait3A_322 : memref<1x1x1024xf32, #tpu.memory_space<hbm>> -> memref<1024xf32, #tpu.memory_space<hbm>>
    tpu.wait_dma2 semaphore(%arg14 : memref<!tpu.dma_semaphore, #tpu.memory_space<semaphore_mem>>) src(%arg10 : memref<1024xf32, #tpu.memory_space<vmem>>) dst(%dma_wait3A_323 : memref<1024xf32, #tpu.memory_space<hbm>>)
    %parallel_loop3A_324 = arith.constant 0 : i32
    %parallel_loop3A_325 = arith.constant 1024 : i32
    %parallel_loop3A_326 = arith.constant 16 : i32
    scf.for %parallel_loop3A_707 = %parallel_loop3A_324 to %parallel_loop3A_325 step %parallel_loop3A_326  : i32 {
      %parallel_loop3A_708 = arith.index_cast %parallel_loop3A_707 : i32 to index
      %parallel_loop3A_709 = tpu.vector_load %arg8[%parallel_loop3A_708] {strides = array<i32>} : memref<1024xi32, #tpu.memory_space<vmem>>, vector<16xi32>,
      %parallel_loop3A_710 = tpu.vector_load_idx %arg5[%parallel_loop3A_709] : memref<100000xf32, #tpu.memory_space<vmem>>[vector<16xi32>], vector<16xf32>,
      %parallel_loop3A_711 = arith.index_cast %parallel_loop3A_707 : i32 to index
      %parallel_loop3A_712 = tpu.vector_load %arg10[%parallel_loop3A_711] {strides = array<i32>} : memref<1024xf32, #tpu.memory_space<vmem>>, vector<16xf32>,
      tpu.vector_store %arg10[%parallel_loop3A_711], %parallel_loop3A_710 {strides = array<i32>} : memref<1024xf32, #tpu.memory_space<vmem>>, vector<16xf32>,
    } {sc.loop_unroll_factor = 8 : i64, sc.parallel_access}
    %add3A_327 = arith.constant 6144 : i32
    %add3A_328 = arith.addi %mul3A_0, %add3A_327 : i32
    %dma_start3A_329 = arith.constant 97 : i32
    %dma_start3A_330 = tpu.memref_slice %arg4[%dma_start3A_329, %arg1, %add3A_328] : memref<100x16x16384xf32, #tpu.memory_space<hbm>> -> memref<1x1x1024xf32, #tpu.memory_space<hbm>>
    %dma_start3A_331 = tpu.memref_squeeze %dma_start3A_330 : memref<1x1x1024xf32, #tpu.memory_space<hbm>> -> memref<1024xf32, #tpu.memory_space<hbm>>
    %dma_start3A_332 = tpu.memref_slice %arg4[%dma_start3A_329, %arg1, %add3A_328] : memref<100x16x16384xf32, #tpu.memory_space<hbm>> -> memref<1x1x1024xf32, #tpu.memory_space<hbm>>
    %dma_start3A_333 = tpu.memref_squeeze %dma_start3A_332 : memref<1x1x1024xf32, #tpu.memory_space<hbm>> -> memref<1024xf32, #tpu.memory_space<hbm>>
    tpu.enqueue_dma source(%arg10 : memref<1024xf32, #tpu.memory_space<vmem>>) target(%dma_start3A_333 : memref<1024xf32, #tpu.memory_space<hbm>>) target_semaphore(%arg14 : memref<!tpu.dma_semaphore, #tpu.memory_space<semaphore_mem>>)
    %add3A_334 = arith.constant 7168 : i32
    %add3A_335 = arith.addi %mul3A_0, %add3A_334 : i32
    %run_scoped3A_336 = arith.constant 97 : i32
    "tpu.region"() ({
      %run_scoped3A_707 = tpu.sem_alloc : memref<!tpu.dma_semaphore, #tpu.memory_space<semaphore_mem>>
      %dma_start3A_708 = tpu.memref_slice %arg2[%run_scoped3A_336, %add3A_335] : memref<100x16384xi32, #tpu.memory_space<hbm>> -> memref<1x1024xi32, #tpu.memory_space<hbm>>
      %dma_start3A_709 = tpu.memref_squeeze %dma_start3A_708 : memref<1x1024xi32, #tpu.memory_space<hbm>> -> memref<1024xi32, #tpu.memory_space<hbm>>
      %dma_start3A_710 = tpu.memref_slice %arg2[%run_scoped3A_336, %add3A_335] : memref<100x16384xi32, #tpu.memory_space<hbm>> -> memref<1x1024xi32, #tpu.memory_space<hbm>>
      %dma_start3A_711 = tpu.memref_squeeze %dma_start3A_710 : memref<1x1024xi32, #tpu.memory_space<hbm>> -> memref<1024xi32, #tpu.memory_space<hbm>>
      tpu.enqueue_dma source(%dma_start3A_711 : memref<1024xi32, #tpu.memory_space<hbm>>) target(%arg9 : memref<1024xi32, #tpu.memory_space<vmem>>) target_semaphore(%run_scoped3A_707 : memref<!tpu.dma_semaphore, #tpu.memory_space<semaphore_mem>>)
      %dma_wait3A_712 = tpu.memref_slice %arg2[%run_scoped3A_336, %add3A_335] : memref<100x16384xi32, #tpu.memory_space<hbm>> -> memref<1x1024xi32, #tpu.memory_space<hbm>>
      %dma_wait3A_713 = tpu.memref_squeeze %dma_wait3A_712 : memref<1x1024xi32, #tpu.memory_space<hbm>> -> memref<1024xi32, #tpu.memory_space<hbm>>
      %dma_wait3A_714 = tpu.memref_slice %arg2[%run_scoped3A_336, %add3A_335] : memref<100x16384xi32, #tpu.memory_space<hbm>> -> memref<1x1024xi32, #tpu.memory_space<hbm>>
      %dma_wait3A_715 = tpu.memref_squeeze %dma_wait3A_714 : memref<1x1024xi32, #tpu.memory_space<hbm>> -> memref<1024xi32, #tpu.memory_space<hbm>>
      tpu.wait_dma2 semaphore(%run_scoped3A_707 : memref<!tpu.dma_semaphore, #tpu.memory_space<semaphore_mem>>) src(%dma_wait3A_715 : memref<1024xi32, #tpu.memory_space<hbm>>) dst(%arg9 : memref<1024xi32, #tpu.memory_space<vmem>>)
      tpu.yield
    }) : () -> ()
    %dma_wait3A_337 = arith.constant 0 : i32
    %dma_wait3A_338 = arith.constant 0 : i32
    %dma_wait3A_339 = arith.constant 0 : i32
    %dma_wait3A_340 = tpu.memref_slice %arg4[%dma_wait3A_337, %dma_wait3A_338, %dma_wait3A_339] : memref<100x16x16384xf32, #tpu.memory_space<hbm>> -> memref<1x1x1024xf32, #tpu.memory_space<hbm>>
    %dma_wait3A_341 = tpu.memref_squeeze %dma_wait3A_340 : memref<1x1x1024xf32, #tpu.memory_space<hbm>> -> memref<1024xf32, #tpu.memory_space<hbm>>
    %dma_wait3A_342 = arith.constant 0 : i32
    %dma_wait3A_343 = tpu.memref_slice %arg4[%dma_wait3A_337, %dma_wait3A_338, %dma_wait3A_342] : memref<100x16x16384xf32, #tpu.memory_space<hbm>> -> memref<1x1x1024xf32, #tpu.memory_space<hbm>>
    %dma_wait3A_344 = tpu.memref_squeeze %dma_wait3A_343 : memref<1x1x1024xf32, #tpu.memory_space<hbm>> -> memref<1024xf32, #tpu.memory_space<hbm>>
    tpu.wait_dma2 semaphore(%arg15 : memref<!tpu.dma_semaphore, #tpu.memory_space<semaphore_mem>>) src(%arg11 : memref<1024xf32, #tpu.memory_space<vmem>>) dst(%dma_wait3A_344 : memref<1024xf32, #tpu.memory_space<hbm>>)
    %parallel_loop3A_345 = arith.constant 0 : i32
    %parallel_loop3A_346 = arith.constant 1024 : i32
    %parallel_loop3A_347 = arith.constant 16 : i32
    scf.for %parallel_loop3A_707 = %parallel_loop3A_345 to %parallel_loop3A_346 step %parallel_loop3A_347  : i32 {
      %parallel_loop3A_708 = arith.index_cast %parallel_loop3A_707 : i32 to index
      %parallel_loop3A_709 = tpu.vector_load %arg9[%parallel_loop3A_708] {strides = array<i32>} : memref<1024xi32, #tpu.memory_space<vmem>>, vector<16xi32>,
      %parallel_loop3A_710 = tpu.vector_load_idx %arg5[%parallel_loop3A_709] : memref<100000xf32, #tpu.memory_space<vmem>>[vector<16xi32>], vector<16xf32>,
      %parallel_loop3A_711 = arith.index_cast %parallel_loop3A_707 : i32 to index
      %parallel_loop3A_712 = tpu.vector_load %arg11[%parallel_loop3A_711] {strides = array<i32>} : memref<1024xf32, #tpu.memory_space<vmem>>, vector<16xf32>,
      tpu.vector_store %arg11[%parallel_loop3A_711], %parallel_loop3A_710 {strides = array<i32>} : memref<1024xf32, #tpu.memory_space<vmem>>, vector<16xf32>,
    } {sc.loop_unroll_factor = 8 : i64, sc.parallel_access}
    %add3A_348 = arith.constant 7168 : i32
    %add3A_349 = arith.addi %mul3A_0, %add3A_348 : i32
    %dma_start3A_350 = arith.constant 97 : i32
    %dma_start3A_351 = tpu.memref_slice %arg4[%dma_start3A_350, %arg1, %add3A_349] : memref<100x16x16384xf32, #tpu.memory_space<hbm>> -> memref<1x1x1024xf32, #tpu.memory_space<hbm>>
    %dma_start3A_352 = tpu.memref_squeeze %dma_start3A_351 : memref<1x1x1024xf32, #tpu.memory_space<hbm>> -> memref<1024xf32, #tpu.memory_space<hbm>>
    %dma_start3A_353 = tpu.memref_slice %arg4[%dma_start3A_350, %arg1, %add3A_349] : memref<100x16x16384xf32, #tpu.memory_space<hbm>> -> memref<1x1x1024xf32, #tpu.memory_space<hbm>>
    %dma_start3A_354 = tpu.memref_squeeze %dma_start3A_353 : memref<1x1x1024xf32, #tpu.memory_space<hbm>> -> memref<1024xf32, #tpu.memory_space<hbm>>
    tpu.enqueue_dma source(%arg11 : memref<1024xf32, #tpu.memory_space<vmem>>) target(%dma_start3A_354 : memref<1024xf32, #tpu.memory_space<hbm>>) target_semaphore(%arg15 : memref<!tpu.dma_semaphore, #tpu.memory_space<semaphore_mem>>)
    %add3A_355 = arith.constant 0 : i32
    %add3A_356 = arith.addi %mul3A_0, %add3A_355 : i32
    %run_scoped3A_357 = arith.constant 98 : i32
    "tpu.region"() ({
      %run_scoped3A_707 = tpu.sem_alloc : memref<!tpu.dma_semaphore, #tpu.memory_space<semaphore_mem>>
      %dma_start3A_708 = tpu.memref_slice %arg2[%run_scoped3A_357, %add3A_356] : memref<100x16384xi32, #tpu.memory_space<hbm>> -> memref<1x1024xi32, #tpu.memory_space<hbm>>
      %dma_start3A_709 = tpu.memref_squeeze %dma_start3A_708 : memref<1x1024xi32, #tpu.memory_space<hbm>> -> memref<1024xi32, #tpu.memory_space<hbm>>
      %dma_start3A_710 = tpu.memref_slice %arg2[%run_scoped3A_357, %add3A_356] : memref<100x16384xi32, #tpu.memory_space<hbm>> -> memref<1x1024xi32, #tpu.memory_space<hbm>>
      %dma_start3A_711 = tpu.memref_squeeze %dma_start3A_710 : memref<1x1024xi32, #tpu.memory_space<hbm>> -> memref<1024xi32, #tpu.memory_space<hbm>>
      tpu.enqueue_dma source(%dma_start3A_711 : memref<1024xi32, #tpu.memory_space<hbm>>) target(%arg8 : memref<1024xi32, #tpu.memory_space<vmem>>) target_semaphore(%run_scoped3A_707 : memref<!tpu.dma_semaphore, #tpu.memory_space<semaphore_mem>>)
      %dma_wait3A_712 = tpu.memref_slice %arg2[%run_scoped3A_357, %add3A_356] : memref<100x16384xi32, #tpu.memory_space<hbm>> -> memref<1x1024xi32, #tpu.memory_space<hbm>>
      %dma_wait3A_713 = tpu.memref_squeeze %dma_wait3A_712 : memref<1x1024xi32, #tpu.memory_space<hbm>> -> memref<1024xi32, #tpu.memory_space<hbm>>
      %dma_wait3A_714 = tpu.memref_slice %arg2[%run_scoped3A_357, %add3A_356] : memref<100x16384xi32, #tpu.memory_space<hbm>> -> memref<1x1024xi32, #tpu.memory_space<hbm>>
      %dma_wait3A_715 = tpu.memref_squeeze %dma_wait3A_714 : memref<1x1024xi32, #tpu.memory_space<hbm>> -> memref<1024xi32, #tpu.memory_space<hbm>>
      tpu.wait_dma2 semaphore(%run_scoped3A_707 : memref<!tpu.dma_semaphore, #tpu.memory_space<semaphore_mem>>) src(%dma_wait3A_715 : memref<1024xi32, #tpu.memory_space<hbm>>) dst(%arg8 : memref<1024xi32, #tpu.memory_space<vmem>>)
      tpu.yield
    }) : () -> ()
    %dma_wait3A_358 = arith.constant 0 : i32
    %dma_wait3A_359 = arith.constant 0 : i32
    %dma_wait3A_360 = arith.constant 0 : i32
    %dma_wait3A_361 = tpu.memref_slice %arg4[%dma_wait3A_358, %dma_wait3A_359, %dma_wait3A_360] : memref<100x16x16384xf32, #tpu.memory_space<hbm>> -> memref<1x1x1024xf32, #tpu.memory_space<hbm>>
    %dma_wait3A_362 = tpu.memref_squeeze %dma_wait3A_361 : memref<1x1x1024xf32, #tpu.memory_space<hbm>> -> memref<1024xf32, #tpu.memory_space<hbm>>
    %dma_wait3A_363 = arith.constant 0 : i32
    %dma_wait3A_364 = tpu.memref_slice %arg4[%dma_wait3A_358, %dma_wait3A_359, %dma_wait3A_363] : memref<100x16x16384xf32, #tpu.memory_space<hbm>> -> memref<1x1x1024xf32, #tpu.memory_space<hbm>>
    %dma_wait3A_365 = tpu.memref_squeeze %dma_wait3A_364 : memref<1x1x1024xf32, #tpu.memory_space<hbm>> -> memref<1024xf32, #tpu.memory_space<hbm>>
    tpu.wait_dma2 semaphore(%arg14 : memref<!tpu.dma_semaphore, #tpu.memory_space<semaphore_mem>>) src(%arg10 : memref<1024xf32, #tpu.memory_space<vmem>>) dst(%dma_wait3A_365 : memref<1024xf32, #tpu.memory_space<hbm>>)
    %parallel_loop3A_366 = arith.constant 0 : i32
    %parallel_loop3A_367 = arith.constant 1024 : i32
    %parallel_loop3A_368 = arith.constant 16 : i32
    scf.for %parallel_loop3A_707 = %parallel_loop3A_366 to %parallel_loop3A_367 step %parallel_loop3A_368  : i32 {
      %parallel_loop3A_708 = arith.index_cast %parallel_loop3A_707 : i32 to index
      %parallel_loop3A_709 = tpu.vector_load %arg8[%parallel_loop3A_708] {strides = array<i32>} : memref<1024xi32, #tpu.memory_space<vmem>>, vector<16xi32>,
      %parallel_loop3A_710 = tpu.vector_load_idx %arg5[%parallel_loop3A_709] : memref<100000xf32, #tpu.memory_space<vmem>>[vector<16xi32>], vector<16xf32>,
      %parallel_loop3A_711 = arith.index_cast %parallel_loop3A_707 : i32 to index
      %parallel_loop3A_712 = tpu.vector_load %arg10[%parallel_loop3A_711] {strides = array<i32>} : memref<1024xf32, #tpu.memory_space<vmem>>, vector<16xf32>,
      tpu.vector_store %arg10[%parallel_loop3A_711], %parallel_loop3A_710 {strides = array<i32>} : memref<1024xf32, #tpu.memory_space<vmem>>, vector<16xf32>,
    } {sc.loop_unroll_factor = 8 : i64, sc.parallel_access}
    %add3A_369 = arith.constant 0 : i32
    %add3A_370 = arith.addi %mul3A_0, %add3A_369 : i32
    %dma_start3A_371 = arith.constant 98 : i32
    %dma_start3A_372 = tpu.memref_slice %arg4[%dma_start3A_371, %arg1, %add3A_370] : memref<100x16x16384xf32, #tpu.memory_space<hbm>> -> memref<1x1x1024xf32, #tpu.memory_space<hbm>>
    %dma_start3A_373 = tpu.memref_squeeze %dma_start3A_372 : memref<1x1x1024xf32, #tpu.memory_space<hbm>> -> memref<1024xf32, #tpu.memory_space<hbm>>
    %dma_start3A_374 = tpu.memref_slice %arg4[%dma_start3A_371, %arg1, %add3A_370] : memref<100x16x16384xf32, #tpu.memory_space<hbm>> -> memref<1x1x1024xf32, #tpu.memory_space<hbm>>
    %dma_start3A_375 = tpu.memref_squeeze %dma_start3A_374 : memref<1x1x1024xf32, #tpu.memory_space<hbm>> -> memref<1024xf32, #tpu.memory_space<hbm>>
    tpu.enqueue_dma source(%arg10 : memref<1024xf32, #tpu.memory_space<vmem>>) target(%dma_start3A_375 : memref<1024xf32, #tpu.memory_space<hbm>>) target_semaphore(%arg14 : memref<!tpu.dma_semaphore, #tpu.memory_space<semaphore_mem>>)
    %add3A_376 = arith.constant 1024 : i32
    %add3A_377 = arith.addi %mul3A_0, %add3A_376 : i32
    %run_scoped3A_378 = arith.constant 98 : i32
    "tpu.region"() ({
      %run_scoped3A_707 = tpu.sem_alloc : memref<!tpu.dma_semaphore, #tpu.memory_space<semaphore_mem>>
      %dma_start3A_708 = tpu.memref_slice %arg2[%run_scoped3A_378, %add3A_377] : memref<100x16384xi32, #tpu.memory_space<hbm>> -> memref<1x1024xi32, #tpu.memory_space<hbm>>
      %dma_start3A_709 = tpu.memref_squeeze %dma_start3A_708 : memref<1x1024xi32, #tpu.memory_space<hbm>> -> memref<1024xi32, #tpu.memory_space<hbm>>
      %dma_start3A_710 = tpu.memref_slice %arg2[%run_scoped3A_378, %add3A_377] : memref<100x16384xi32, #tpu.memory_space<hbm>> -> memref<1x1024xi32, #tpu.memory_space<hbm>>
      %dma_start3A_711 = tpu.memref_squeeze %dma_start3A_710 : memref<1x1024xi32, #tpu.memory_space<hbm>> -> memref<1024xi32, #tpu.memory_space<hbm>>
      tpu.enqueue_dma source(%dma_start3A_711 : memref<1024xi32, #tpu.memory_space<hbm>>) target(%arg9 : memref<1024xi32, #tpu.memory_space<vmem>>) target_semaphore(%run_scoped3A_707 : memref<!tpu.dma_semaphore, #tpu.memory_space<semaphore_mem>>)
      %dma_wait3A_712 = tpu.memref_slice %arg2[%run_scoped3A_378, %add3A_377] : memref<100x16384xi32, #tpu.memory_space<hbm>> -> memref<1x1024xi32, #tpu.memory_space<hbm>>
      %dma_wait3A_713 = tpu.memref_squeeze %dma_wait3A_712 : memref<1x1024xi32, #tpu.memory_space<hbm>> -> memref<1024xi32, #tpu.memory_space<hbm>>
      %dma_wait3A_714 = tpu.memref_slice %arg2[%run_scoped3A_378, %add3A_377] : memref<100x16384xi32, #tpu.memory_space<hbm>> -> memref<1x1024xi32, #tpu.memory_space<hbm>>
      %dma_wait3A_715 = tpu.memref_squeeze %dma_wait3A_714 : memref<1x1024xi32, #tpu.memory_space<hbm>> -> memref<1024xi32, #tpu.memory_space<hbm>>
      tpu.wait_dma2 semaphore(%run_scoped3A_707 : memref<!tpu.dma_semaphore, #tpu.memory_space<semaphore_mem>>) src(%dma_wait3A_715 : memref<1024xi32, #tpu.memory_space<hbm>>) dst(%arg9 : memref<1024xi32, #tpu.memory_space<vmem>>)
      tpu.yield
    }) : () -> ()
    %dma_wait3A_379 = arith.constant 0 : i32
    %dma_wait3A_380 = arith.constant 0 : i32
    %dma_wait3A_381 = arith.constant 0 : i32
    %dma_wait3A_382 = tpu.memref_slice %arg4[%dma_wait3A_379, %dma_wait3A_380, %dma_wait3A_381] : memref<100x16x16384xf32, #tpu.memory_space<hbm>> -> memref<1x1x1024xf32, #tpu.memory_space<hbm>>
    %dma_wait3A_383 = tpu.memref_squeeze %dma_wait3A_382 : memref<1x1x1024xf32, #tpu.memory_space<hbm>> -> memref<1024xf32, #tpu.memory_space<hbm>>
    %dma_wait3A_384 = arith.constant 0 : i32
    %dma_wait3A_385 = tpu.memref_slice %arg4[%dma_wait3A_379, %dma_wait3A_380, %dma_wait3A_384] : memref<100x16x16384xf32, #tpu.memory_space<hbm>> -> memref<1x1x1024xf32, #tpu.memory_space<hbm>>
    %dma_wait3A_386 = tpu.memref_squeeze %dma_wait3A_385 : memref<1x1x1024xf32, #tpu.memory_space<hbm>> -> memref<1024xf32, #tpu.memory_space<hbm>>
    tpu.wait_dma2 semaphore(%arg15 : memref<!tpu.dma_semaphore, #tpu.memory_space<semaphore_mem>>) src(%arg11 : memref<1024xf32, #tpu.memory_space<vmem>>) dst(%dma_wait3A_386 : memref<1024xf32, #tpu.memory_space<hbm>>)
    %parallel_loop3A_387 = arith.constant 0 : i32
    %parallel_loop3A_388 = arith.constant 1024 : i32
    %parallel_loop3A_389 = arith.constant 16 : i32
    scf.for %parallel_loop3A_707 = %parallel_loop3A_387 to %parallel_loop3A_388 step %parallel_loop3A_389  : i32 {
      %parallel_loop3A_708 = arith.index_cast %parallel_loop3A_707 : i32 to index
      %parallel_loop3A_709 = tpu.vector_load %arg9[%parallel_loop3A_708] {strides = array<i32>} : memref<1024xi32, #tpu.memory_space<vmem>>, vector<16xi32>,
      %parallel_loop3A_710 = tpu.vector_load_idx %arg5[%parallel_loop3A_709] : memref<100000xf32, #tpu.memory_space<vmem>>[vector<16xi32>], vector<16xf32>,
      %parallel_loop3A_711 = arith.index_cast %parallel_loop3A_707 : i32 to index
      %parallel_loop3A_712 = tpu.vector_load %arg11[%parallel_loop3A_711] {strides = array<i32>} : memref<1024xf32, #tpu.memory_space<vmem>>, vector<16xf32>,
      tpu.vector_store %arg11[%parallel_loop3A_711], %parallel_loop3A_710 {strides = array<i32>} : memref<1024xf32, #tpu.memory_space<vmem>>, vector<16xf32>,
    } {sc.loop_unroll_factor = 8 : i64, sc.parallel_access}
    %add3A_390 = arith.constant 1024 : i32
    %add3A_391 = arith.addi %mul3A_0, %add3A_390 : i32
    %dma_start3A_392 = arith.constant 98 : i32
    %dma_start3A_393 = tpu.memref_slice %arg4[%dma_start3A_392, %arg1, %add3A_391] : memref<100x16x16384xf32, #tpu.memory_space<hbm>> -> memref<1x1x1024xf32, #tpu.memory_space<hbm>>
    %dma_start3A_394 = tpu.memref_squeeze %dma_start3A_393 : memref<1x1x1024xf32, #tpu.memory_space<hbm>> -> memref<1024xf32, #tpu.memory_space<hbm>>
    %dma_start3A_395 = tpu.memref_slice %arg4[%dma_start3A_392, %arg1, %add3A_391] : memref<100x16x16384xf32, #tpu.memory_space<hbm>> -> memref<1x1x1024xf32, #tpu.memory_space<hbm>>
    %dma_start3A_396 = tpu.memref_squeeze %dma_start3A_395 : memref<1x1x1024xf32, #tpu.memory_space<hbm>> -> memref<1024xf32, #tpu.memory_space<hbm>>
    tpu.enqueue_dma source(%arg11 : memref<1024xf32, #tpu.memory_space<vmem>>) target(%dma_start3A_396 : memref<1024xf32, #tpu.memory_space<hbm>>) target_semaphore(%arg15 : memref<!tpu.dma_semaphore, #tpu.memory_space<semaphore_mem>>)
    %add3A_397 = arith.constant 2048 : i32
    %add3A_398 = arith.addi %mul3A_0, %add3A_397 : i32
    %run_scoped3A_399 = arith.constant 98 : i32
    "tpu.region"() ({
      %run_scoped3A_707 = tpu.sem_alloc : memref<!tpu.dma_semaphore, #tpu.memory_space<semaphore_mem>>
      %dma_start3A_708 = tpu.memref_slice %arg2[%run_scoped3A_399, %add3A_398] : memref<100x16384xi32, #tpu.memory_space<hbm>> -> memref<1x1024xi32, #tpu.memory_space<hbm>>
      %dma_start3A_709 = tpu.memref_squeeze %dma_start3A_708 : memref<1x1024xi32, #tpu.memory_space<hbm>> -> memref<1024xi32, #tpu.memory_space<hbm>>
      %dma_start3A_710 = tpu.memref_slice %arg2[%run_scoped3A_399, %add3A_398] : memref<100x16384xi32, #tpu.memory_space<hbm>> -> memref<1x1024xi32, #tpu.memory_space<hbm>>
      %dma_start3A_711 = tpu.memref_squeeze %dma_start3A_710 : memref<1x1024xi32, #tpu.memory_space<hbm>> -> memref<1024xi32, #tpu.memory_space<hbm>>
      tpu.enqueue_dma source(%dma_start3A_711 : memref<1024xi32, #tpu.memory_space<hbm>>) target(%arg8 : memref<1024xi32, #tpu.memory_space<vmem>>) target_semaphore(%run_scoped3A_707 : memref<!tpu.dma_semaphore, #tpu.memory_space<semaphore_mem>>)
      %dma_wait3A_712 = tpu.memref_slice %arg2[%run_scoped3A_399, %add3A_398] : memref<100x16384xi32, #tpu.memory_space<hbm>> -> memref<1x1024xi32, #tpu.memory_space<hbm>>
      %dma_wait3A_713 = tpu.memref_squeeze %dma_wait3A_712 : memref<1x1024xi32, #tpu.memory_space<hbm>> -> memref<1024xi32, #tpu.memory_space<hbm>>
      %dma_wait3A_714 = tpu.memref_slice %arg2[%run_scoped3A_399, %add3A_398] : memref<100x16384xi32, #tpu.memory_space<hbm>> -> memref<1x1024xi32, #tpu.memory_space<hbm>>
      %dma_wait3A_715 = tpu.memref_squeeze %dma_wait3A_714 : memref<1x1024xi32, #tpu.memory_space<hbm>> -> memref<1024xi32, #tpu.memory_space<hbm>>
      tpu.wait_dma2 semaphore(%run_scoped3A_707 : memref<!tpu.dma_semaphore, #tpu.memory_space<semaphore_mem>>) src(%dma_wait3A_715 : memref<1024xi32, #tpu.memory_space<hbm>>) dst(%arg8 : memref<1024xi32, #tpu.memory_space<vmem>>)
      tpu.yield
    }) : () -> ()
    %dma_wait3A_400 = arith.constant 0 : i32
    %dma_wait3A_401 = arith.constant 0 : i32
    %dma_wait3A_402 = arith.constant 0 : i32
    %dma_wait3A_403 = tpu.memref_slice %arg4[%dma_wait3A_400, %dma_wait3A_401, %dma_wait3A_402] : memref<100x16x16384xf32, #tpu.memory_space<hbm>> -> memref<1x1x1024xf32, #tpu.memory_space<hbm>>
    %dma_wait3A_404 = tpu.memref_squeeze %dma_wait3A_403 : memref<1x1x1024xf32, #tpu.memory_space<hbm>> -> memref<1024xf32, #tpu.memory_space<hbm>>
    %dma_wait3A_405 = arith.constant 0 : i32
    %dma_wait3A_406 = tpu.memref_slice %arg4[%dma_wait3A_400, %dma_wait3A_401, %dma_wait3A_405] : memref<100x16x16384xf32, #tpu.memory_space<hbm>> -> memref<1x1x1024xf32, #tpu.memory_space<hbm>>
    %dma_wait3A_407 = tpu.memref_squeeze %dma_wait3A_406 : memref<1x1x1024xf32, #tpu.memory_space<hbm>> -> memref<1024xf32, #tpu.memory_space<hbm>>
    tpu.wait_dma2 semaphore(%arg14 : memref<!tpu.dma_semaphore, #tpu.memory_space<semaphore_mem>>) src(%arg10 : memref<1024xf32, #tpu.memory_space<vmem>>) dst(%dma_wait3A_407 : memref<1024xf32, #tpu.memory_space<hbm>>)
    %parallel_loop3A_408 = arith.constant 0 : i32
    %parallel_loop3A_409 = arith.constant 1024 : i32
    %parallel_loop3A_410 = arith.constant 16 : i32
    scf.for %parallel_loop3A_707 = %parallel_loop3A_408 to %parallel_loop3A_409 step %parallel_loop3A_410  : i32 {
      %parallel_loop3A_708 = arith.index_cast %parallel_loop3A_707 : i32 to index
      %parallel_loop3A_709 = tpu.vector_load %arg8[%parallel_loop3A_708] {strides = array<i32>} : memref<1024xi32, #tpu.memory_space<vmem>>, vector<16xi32>,
      %parallel_loop3A_710 = tpu.vector_load_idx %arg5[%parallel_loop3A_709] : memref<100000xf32, #tpu.memory_space<vmem>>[vector<16xi32>], vector<16xf32>,
      %parallel_loop3A_711 = arith.index_cast %parallel_loop3A_707 : i32 to index
      %parallel_loop3A_712 = tpu.vector_load %arg10[%parallel_loop3A_711] {strides = array<i32>} : memref<1024xf32, #tpu.memory_space<vmem>>, vector<16xf32>,
      tpu.vector_store %arg10[%parallel_loop3A_711], %parallel_loop3A_710 {strides = array<i32>} : memref<1024xf32, #tpu.memory_space<vmem>>, vector<16xf32>,
    } {sc.loop_unroll_factor = 8 : i64, sc.parallel_access}
    %add3A_411 = arith.constant 2048 : i32
    %add3A_412 = arith.addi %mul3A_0, %add3A_411 : i32
    %dma_start3A_413 = arith.constant 98 : i32
    %dma_start3A_414 = tpu.memref_slice %arg4[%dma_start3A_413, %arg1, %add3A_412] : memref<100x16x16384xf32, #tpu.memory_space<hbm>> -> memref<1x1x1024xf32, #tpu.memory_space<hbm>>
    %dma_start3A_415 = tpu.memref_squeeze %dma_start3A_414 : memref<1x1x1024xf32, #tpu.memory_space<hbm>> -> memref<1024xf32, #tpu.memory_space<hbm>>
    %dma_start3A_416 = tpu.memref_slice %arg4[%dma_start3A_413, %arg1, %add3A_412] : memref<100x16x16384xf32, #tpu.memory_space<hbm>> -> memref<1x1x1024xf32, #tpu.memory_space<hbm>>
    %dma_start3A_417 = tpu.memref_squeeze %dma_start3A_416 : memref<1x1x1024xf32, #tpu.memory_space<hbm>> -> memref<1024xf32, #tpu.memory_space<hbm>>
    tpu.enqueue_dma source(%arg10 : memref<1024xf32, #tpu.memory_space<vmem>>) target(%dma_start3A_417 : memref<1024xf32, #tpu.memory_space<hbm>>) target_semaphore(%arg14 : memref<!tpu.dma_semaphore, #tpu.memory_space<semaphore_mem>>)
    %add3A_418 = arith.constant 3072 : i32
    %add3A_419 = arith.addi %mul3A_0, %add3A_418 : i32
    %run_scoped3A_420 = arith.constant 98 : i32
    "tpu.region"() ({
      %run_scoped3A_707 = tpu.sem_alloc : memref<!tpu.dma_semaphore, #tpu.memory_space<semaphore_mem>>
      %dma_start3A_708 = tpu.memref_slice %arg2[%run_scoped3A_420, %add3A_419] : memref<100x16384xi32, #tpu.memory_space<hbm>> -> memref<1x1024xi32, #tpu.memory_space<hbm>>
      %dma_start3A_709 = tpu.memref_squeeze %dma_start3A_708 : memref<1x1024xi32, #tpu.memory_space<hbm>> -> memref<1024xi32, #tpu.memory_space<hbm>>
      %dma_start3A_710 = tpu.memref_slice %arg2[%run_scoped3A_420, %add3A_419] : memref<100x16384xi32, #tpu.memory_space<hbm>> -> memref<1x1024xi32, #tpu.memory_space<hbm>>
      %dma_start3A_711 = tpu.memref_squeeze %dma_start3A_710 : memref<1x1024xi32, #tpu.memory_space<hbm>> -> memref<1024xi32, #tpu.memory_space<hbm>>
      tpu.enqueue_dma source(%dma_start3A_711 : memref<1024xi32, #tpu.memory_space<hbm>>) target(%arg9 : memref<1024xi32, #tpu.memory_space<vmem>>) target_semaphore(%run_scoped3A_707 : memref<!tpu.dma_semaphore, #tpu.memory_space<semaphore_mem>>)
      %dma_wait3A_712 = tpu.memref_slice %arg2[%run_scoped3A_420, %add3A_419] : memref<100x16384xi32, #tpu.memory_space<hbm>> -> memref<1x1024xi32, #tpu.memory_space<hbm>>
      %dma_wait3A_713 = tpu.memref_squeeze %dma_wait3A_712 : memref<1x1024xi32, #tpu.memory_space<hbm>> -> memref<1024xi32, #tpu.memory_space<hbm>>
      %dma_wait3A_714 = tpu.memref_slice %arg2[%run_scoped3A_420, %add3A_419] : memref<100x16384xi32, #tpu.memory_space<hbm>> -> memref<1x1024xi32, #tpu.memory_space<hbm>>
      %dma_wait3A_715 = tpu.memref_squeeze %dma_wait3A_714 : memref<1x1024xi32, #tpu.memory_space<hbm>> -> memref<1024xi32, #tpu.memory_space<hbm>>
      tpu.wait_dma2 semaphore(%run_scoped3A_707 : memref<!tpu.dma_semaphore, #tpu.memory_space<semaphore_mem>>) src(%dma_wait3A_715 : memref<1024xi32, #tpu.memory_space<hbm>>) dst(%arg9 : memref<1024xi32, #tpu.memory_space<vmem>>)
      tpu.yield
    }) : () -> ()
    %dma_wait3A_421 = arith.constant 0 : i32
    %dma_wait3A_422 = arith.constant 0 : i32
    %dma_wait3A_423 = arith.constant 0 : i32
    %dma_wait3A_424 = tpu.memref_slice %arg4[%dma_wait3A_421, %dma_wait3A_422, %dma_wait3A_423] : memref<100x16x16384xf32, #tpu.memory_space<hbm>> -> memref<1x1x1024xf32, #tpu.memory_space<hbm>>
    %dma_wait3A_425 = tpu.memref_squeeze %dma_wait3A_424 : memref<1x1x1024xf32, #tpu.memory_space<hbm>> -> memref<1024xf32, #tpu.memory_space<hbm>>
    %dma_wait3A_426 = arith.constant 0 : i32
    %dma_wait3A_427 = tpu.memref_slice %arg4[%dma_wait3A_421, %dma_wait3A_422, %dma_wait3A_426] : memref<100x16x16384xf32, #tpu.memory_space<hbm>> -> memref<1x1x1024xf32, #tpu.memory_space<hbm>>
    %dma_wait3A_428 = tpu.memref_squeeze %dma_wait3A_427 : memref<1x1x1024xf32, #tpu.memory_space<hbm>> -> memref<1024xf32, #tpu.memory_space<hbm>>
    tpu.wait_dma2 semaphore(%arg15 : memref<!tpu.dma_semaphore, #tpu.memory_space<semaphore_mem>>) src(%arg11 : memref<1024xf32, #tpu.memory_space<vmem>>) dst(%dma_wait3A_428 : memref<1024xf32, #tpu.memory_space<hbm>>)
    %parallel_loop3A_429 = arith.constant 0 : i32
    %parallel_loop3A_430 = arith.constant 1024 : i32
    %parallel_loop3A_431 = arith.constant 16 : i32
    scf.for %parallel_loop3A_707 = %parallel_loop3A_429 to %parallel_loop3A_430 step %parallel_loop3A_431  : i32 {
      %parallel_loop3A_708 = arith.index_cast %parallel_loop3A_707 : i32 to index
      %parallel_loop3A_709 = tpu.vector_load %arg9[%parallel_loop3A_708] {strides = array<i32>} : memref<1024xi32, #tpu.memory_space<vmem>>, vector<16xi32>,
      %parallel_loop3A_710 = tpu.vector_load_idx %arg5[%parallel_loop3A_709] : memref<100000xf32, #tpu.memory_space<vmem>>[vector<16xi32>], vector<16xf32>,
      %parallel_loop3A_711 = arith.index_cast %parallel_loop3A_707 : i32 to index
      %parallel_loop3A_712 = tpu.vector_load %arg11[%parallel_loop3A_711] {strides = array<i32>} : memref<1024xf32, #tpu.memory_space<vmem>>, vector<16xf32>,
      tpu.vector_store %arg11[%parallel_loop3A_711], %parallel_loop3A_710 {strides = array<i32>} : memref<1024xf32, #tpu.memory_space<vmem>>, vector<16xf32>,
    } {sc.loop_unroll_factor = 8 : i64, sc.parallel_access}
    %add3A_432 = arith.constant 3072 : i32
    %add3A_433 = arith.addi %mul3A_0, %add3A_432 : i32
    %dma_start3A_434 = arith.constant 98 : i32
    %dma_start3A_435 = tpu.memref_slice %arg4[%dma_start3A_434, %arg1, %add3A_433] : memref<100x16x16384xf32, #tpu.memory_space<hbm>> -> memref<1x1x1024xf32, #tpu.memory_space<hbm>>
    %dma_start3A_436 = tpu.memref_squeeze %dma_start3A_435 : memref<1x1x1024xf32, #tpu.memory_space<hbm>> -> memref<1024xf32, #tpu.memory_space<hbm>>
    %dma_start3A_437 = tpu.memref_slice %arg4[%dma_start3A_434, %arg1, %add3A_433] : memref<100x16x16384xf32, #tpu.memory_space<hbm>> -> memref<1x1x1024xf32, #tpu.memory_space<hbm>>
    %dma_start3A_438 = tpu.memref_squeeze %dma_start3A_437 : memref<1x1x1024xf32, #tpu.memory_space<hbm>> -> memref<1024xf32, #tpu.memory_space<hbm>>
    tpu.enqueue_dma source(%arg11 : memref<1024xf32, #tpu.memory_space<vmem>>) target(%dma_start3A_438 : memref<1024xf32, #tpu.memory_space<hbm>>) target_semaphore(%arg15 : memref<!tpu.dma_semaphore, #tpu.memory_space<semaphore_mem>>)
    %add3A_439 = arith.constant 4096 : i32
    %add3A_440 = arith.addi %mul3A_0, %add3A_439 : i32
    %run_scoped3A_441 = arith.constant 98 : i32
    "tpu.region"() ({
      %run_scoped3A_707 = tpu.sem_alloc : memref<!tpu.dma_semaphore, #tpu.memory_space<semaphore_mem>>
      %dma_start3A_708 = tpu.memref_slice %arg2[%run_scoped3A_441, %add3A_440] : memref<100x16384xi32, #tpu.memory_space<hbm>> -> memref<1x1024xi32, #tpu.memory_space<hbm>>
      %dma_start3A_709 = tpu.memref_squeeze %dma_start3A_708 : memref<1x1024xi32, #tpu.memory_space<hbm>> -> memref<1024xi32, #tpu.memory_space<hbm>>
      %dma_start3A_710 = tpu.memref_slice %arg2[%run_scoped3A_441, %add3A_440] : memref<100x16384xi32, #tpu.memory_space<hbm>> -> memref<1x1024xi32, #tpu.memory_space<hbm>>
      %dma_start3A_711 = tpu.memref_squeeze %dma_start3A_710 : memref<1x1024xi32, #tpu.memory_space<hbm>> -> memref<1024xi32, #tpu.memory_space<hbm>>
      tpu.enqueue_dma source(%dma_start3A_711 : memref<1024xi32, #tpu.memory_space<hbm>>) target(%arg8 : memref<1024xi32, #tpu.memory_space<vmem>>) target_semaphore(%run_scoped3A_707 : memref<!tpu.dma_semaphore, #tpu.memory_space<semaphore_mem>>)
      %dma_wait3A_712 = tpu.memref_slice %arg2[%run_scoped3A_441, %add3A_440] : memref<100x16384xi32, #tpu.memory_space<hbm>> -> memref<1x1024xi32, #tpu.memory_space<hbm>>
      %dma_wait3A_713 = tpu.memref_squeeze %dma_wait3A_712 : memref<1x1024xi32, #tpu.memory_space<hbm>> -> memref<1024xi32, #tpu.memory_space<hbm>>
      %dma_wait3A_714 = tpu.memref_slice %arg2[%run_scoped3A_441, %add3A_440] : memref<100x16384xi32, #tpu.memory_space<hbm>> -> memref<1x1024xi32, #tpu.memory_space<hbm>>
      %dma_wait3A_715 = tpu.memref_squeeze %dma_wait3A_714 : memref<1x1024xi32, #tpu.memory_space<hbm>> -> memref<1024xi32, #tpu.memory_space<hbm>>
      tpu.wait_dma2 semaphore(%run_scoped3A_707 : memref<!tpu.dma_semaphore, #tpu.memory_space<semaphore_mem>>) src(%dma_wait3A_715 : memref<1024xi32, #tpu.memory_space<hbm>>) dst(%arg8 : memref<1024xi32, #tpu.memory_space<vmem>>)
      tpu.yield
    }) : () -> ()
    %dma_wait3A_442 = arith.constant 0 : i32
    %dma_wait3A_443 = arith.constant 0 : i32
    %dma_wait3A_444 = arith.constant 0 : i32
    %dma_wait3A_445 = tpu.memref_slice %arg4[%dma_wait3A_442, %dma_wait3A_443, %dma_wait3A_444] : memref<100x16x16384xf32, #tpu.memory_space<hbm>> -> memref<1x1x1024xf32, #tpu.memory_space<hbm>>
    %dma_wait3A_446 = tpu.memref_squeeze %dma_wait3A_445 : memref<1x1x1024xf32, #tpu.memory_space<hbm>> -> memref<1024xf32, #tpu.memory_space<hbm>>
    %dma_wait3A_447 = arith.constant 0 : i32
    %dma_wait3A_448 = tpu.memref_slice %arg4[%dma_wait3A_442, %dma_wait3A_443, %dma_wait3A_447] : memref<100x16x16384xf32, #tpu.memory_space<hbm>> -> memref<1x1x1024xf32, #tpu.memory_space<hbm>>
    %dma_wait3A_449 = tpu.memref_squeeze %dma_wait3A_448 : memref<1x1x1024xf32, #tpu.memory_space<hbm>> -> memref<1024xf32, #tpu.memory_space<hbm>>
    tpu.wait_dma2 semaphore(%arg14 : memref<!tpu.dma_semaphore, #tpu.memory_space<semaphore_mem>>) src(%arg10 : memref<1024xf32, #tpu.memory_space<vmem>>) dst(%dma_wait3A_449 : memref<1024xf32, #tpu.memory_space<hbm>>)
    %parallel_loop3A_450 = arith.constant 0 : i32
    %parallel_loop3A_451 = arith.constant 1024 : i32
    %parallel_loop3A_452 = arith.constant 16 : i32
    scf.for %parallel_loop3A_707 = %parallel_loop3A_450 to %parallel_loop3A_451 step %parallel_loop3A_452  : i32 {
      %parallel_loop3A_708 = arith.index_cast %parallel_loop3A_707 : i32 to index
      %parallel_loop3A_709 = tpu.vector_load %arg8[%parallel_loop3A_708] {strides = array<i32>} : memref<1024xi32, #tpu.memory_space<vmem>>, vector<16xi32>,
      %parallel_loop3A_710 = tpu.vector_load_idx %arg5[%parallel_loop3A_709] : memref<100000xf32, #tpu.memory_space<vmem>>[vector<16xi32>], vector<16xf32>,
      %parallel_loop3A_711 = arith.index_cast %parallel_loop3A_707 : i32 to index
      %parallel_loop3A_712 = tpu.vector_load %arg10[%parallel_loop3A_711] {strides = array<i32>} : memref<1024xf32, #tpu.memory_space<vmem>>, vector<16xf32>,
      tpu.vector_store %arg10[%parallel_loop3A_711], %parallel_loop3A_710 {strides = array<i32>} : memref<1024xf32, #tpu.memory_space<vmem>>, vector<16xf32>,
    } {sc.loop_unroll_factor = 8 : i64, sc.parallel_access}
    %add3A_453 = arith.constant 4096 : i32
    %add3A_454 = arith.addi %mul3A_0, %add3A_453 : i32
    %dma_start3A_455 = arith.constant 98 : i32
    %dma_start3A_456 = tpu.memref_slice %arg4[%dma_start3A_455, %arg1, %add3A_454] : memref<100x16x16384xf32, #tpu.memory_space<hbm>> -> memref<1x1x1024xf32, #tpu.memory_space<hbm>>
    %dma_start3A_457 = tpu.memref_squeeze %dma_start3A_456 : memref<1x1x1024xf32, #tpu.memory_space<hbm>> -> memref<1024xf32, #tpu.memory_space<hbm>>
    %dma_start3A_458 = tpu.memref_slice %arg4[%dma_start3A_455, %arg1, %add3A_454] : memref<100x16x16384xf32, #tpu.memory_space<hbm>> -> memref<1x1x1024xf32, #tpu.memory_space<hbm>>
    %dma_start3A_459 = tpu.memref_squeeze %dma_start3A_458 : memref<1x1x1024xf32, #tpu.memory_space<hbm>> -> memref<1024xf32, #tpu.memory_space<hbm>>
    tpu.enqueue_dma source(%arg10 : memref<1024xf32, #tpu.memory_space<vmem>>) target(%dma_start3A_459 : memref<1024xf32, #tpu.memory_space<hbm>>) target_semaphore(%arg14 : memref<!tpu.dma_semaphore, #tpu.memory_space<semaphore_mem>>)
    %add3A_460 = arith.constant 5120 : i32
    %add3A_461 = arith.addi %mul3A_0, %add3A_460 : i32
    %run_scoped3A_462 = arith.constant 98 : i32
    "tpu.region"() ({
      %run_scoped3A_707 = tpu.sem_alloc : memref<!tpu.dma_semaphore, #tpu.memory_space<semaphore_mem>>
      %dma_start3A_708 = tpu.memref_slice %arg2[%run_scoped3A_462, %add3A_461] : memref<100x16384xi32, #tpu.memory_space<hbm>> -> memref<1x1024xi32, #tpu.memory_space<hbm>>
      %dma_start3A_709 = tpu.memref_squeeze %dma_start3A_708 : memref<1x1024xi32, #tpu.memory_space<hbm>> -> memref<1024xi32, #tpu.memory_space<hbm>>
      %dma_start3A_710 = tpu.memref_slice %arg2[%run_scoped3A_462, %add3A_461] : memref<100x16384xi32, #tpu.memory_space<hbm>> -> memref<1x1024xi32, #tpu.memory_space<hbm>>
      %dma_start3A_711 = tpu.memref_squeeze %dma_start3A_710 : memref<1x1024xi32, #tpu.memory_space<hbm>> -> memref<1024xi32, #tpu.memory_space<hbm>>
      tpu.enqueue_dma source(%dma_start3A_711 : memref<1024xi32, #tpu.memory_space<hbm>>) target(%arg9 : memref<1024xi32, #tpu.memory_space<vmem>>) target_semaphore(%run_scoped3A_707 : memref<!tpu.dma_semaphore, #tpu.memory_space<semaphore_mem>>)
      %dma_wait3A_712 = tpu.memref_slice %arg2[%run_scoped3A_462, %add3A_461] : memref<100x16384xi32, #tpu.memory_space<hbm>> -> memref<1x1024xi32, #tpu.memory_space<hbm>>
      %dma_wait3A_713 = tpu.memref_squeeze %dma_wait3A_712 : memref<1x1024xi32, #tpu.memory_space<hbm>> -> memref<1024xi32, #tpu.memory_space<hbm>>
      %dma_wait3A_714 = tpu.memref_slice %arg2[%run_scoped3A_462, %add3A_461] : memref<100x16384xi32, #tpu.memory_space<hbm>> -> memref<1x1024xi32, #tpu.memory_space<hbm>>
      %dma_wait3A_715 = tpu.memref_squeeze %dma_wait3A_714 : memref<1x1024xi32, #tpu.memory_space<hbm>> -> memref<1024xi32, #tpu.memory_space<hbm>>
      tpu.wait_dma2 semaphore(%run_scoped3A_707 : memref<!tpu.dma_semaphore, #tpu.memory_space<semaphore_mem>>) src(%dma_wait3A_715 : memref<1024xi32, #tpu.memory_space<hbm>>) dst(%arg9 : memref<1024xi32, #tpu.memory_space<vmem>>)
      tpu.yield
    }) : () -> ()
    %dma_wait3A_463 = arith.constant 0 : i32
    %dma_wait3A_464 = arith.constant 0 : i32
    %dma_wait3A_465 = arith.constant 0 : i32
    %dma_wait3A_466 = tpu.memref_slice %arg4[%dma_wait3A_463, %dma_wait3A_464, %dma_wait3A_465] : memref<100x16x16384xf32, #tpu.memory_space<hbm>> -> memref<1x1x1024xf32, #tpu.memory_space<hbm>>
    %dma_wait3A_467 = tpu.memref_squeeze %dma_wait3A_466 : memref<1x1x1024xf32, #tpu.memory_space<hbm>> -> memref<1024xf32, #tpu.memory_space<hbm>>
    %dma_wait3A_468 = arith.constant 0 : i32
    %dma_wait3A_469 = tpu.memref_slice %arg4[%dma_wait3A_463, %dma_wait3A_464, %dma_wait3A_468] : memref<100x16x16384xf32, #tpu.memory_space<hbm>> -> memref<1x1x1024xf32, #tpu.memory_space<hbm>>
    %dma_wait3A_470 = tpu.memref_squeeze %dma_wait3A_469 : memref<1x1x1024xf32, #tpu.memory_space<hbm>> -> memref<1024xf32, #tpu.memory_space<hbm>>
    tpu.wait_dma2 semaphore(%arg15 : memref<!tpu.dma_semaphore, #tpu.memory_space<semaphore_mem>>) src(%arg11 : memref<1024xf32, #tpu.memory_space<vmem>>) dst(%dma_wait3A_470 : memref<1024xf32, #tpu.memory_space<hbm>>)
    %parallel_loop3A_471 = arith.constant 0 : i32
    %parallel_loop3A_472 = arith.constant 1024 : i32
    %parallel_loop3A_473 = arith.constant 16 : i32
    scf.for %parallel_loop3A_707 = %parallel_loop3A_471 to %parallel_loop3A_472 step %parallel_loop3A_473  : i32 {
      %parallel_loop3A_708 = arith.index_cast %parallel_loop3A_707 : i32 to index
      %parallel_loop3A_709 = tpu.vector_load %arg9[%parallel_loop3A_708] {strides = array<i32>} : memref<1024xi32, #tpu.memory_space<vmem>>, vector<16xi32>,
      %parallel_loop3A_710 = tpu.vector_load_idx %arg5[%parallel_loop3A_709] : memref<100000xf32, #tpu.memory_space<vmem>>[vector<16xi32>], vector<16xf32>,
      %parallel_loop3A_711 = arith.index_cast %parallel_loop3A_707 : i32 to index
      %parallel_loop3A_712 = tpu.vector_load %arg11[%parallel_loop3A_711] {strides = array<i32>} : memref<1024xf32, #tpu.memory_space<vmem>>, vector<16xf32>,
      tpu.vector_store %arg11[%parallel_loop3A_711], %parallel_loop3A_710 {strides = array<i32>} : memref<1024xf32, #tpu.memory_space<vmem>>, vector<16xf32>,
    } {sc.loop_unroll_factor = 8 : i64, sc.parallel_access}
    %add3A_474 = arith.constant 5120 : i32
    %add3A_475 = arith.addi %mul3A_0, %add3A_474 : i32
    %dma_start3A_476 = arith.constant 98 : i32
    %dma_start3A_477 = tpu.memref_slice %arg4[%dma_start3A_476, %arg1, %add3A_475] : memref<100x16x16384xf32, #tpu.memory_space<hbm>> -> memref<1x1x1024xf32, #tpu.memory_space<hbm>>
    %dma_start3A_478 = tpu.memref_squeeze %dma_start3A_477 : memref<1x1x1024xf32, #tpu.memory_space<hbm>> -> memref<1024xf32, #tpu.memory_space<hbm>>
    %dma_start3A_479 = tpu.memref_slice %arg4[%dma_start3A_476, %arg1, %add3A_475] : memref<100x16x16384xf32, #tpu.memory_space<hbm>> -> memref<1x1x1024xf32, #tpu.memory_space<hbm>>
    %dma_start3A_480 = tpu.memref_squeeze %dma_start3A_479 : memref<1x1x1024xf32, #tpu.memory_space<hbm>> -> memref<1024xf32, #tpu.memory_space<hbm>>
    tpu.enqueue_dma source(%arg11 : memref<1024xf32, #tpu.memory_space<vmem>>) target(%dma_start3A_480 : memref<1024xf32, #tpu.memory_space<hbm>>) target_semaphore(%arg15 : memref<!tpu.dma_semaphore, #tpu.memory_space<semaphore_mem>>)
    %add3A_481 = arith.constant 6144 : i32
    %add3A_482 = arith.addi %mul3A_0, %add3A_481 : i32
    %run_scoped3A_483 = arith.constant 98 : i32
    "tpu.region"() ({
      %run_scoped3A_707 = tpu.sem_alloc : memref<!tpu.dma_semaphore, #tpu.memory_space<semaphore_mem>>
      %dma_start3A_708 = tpu.memref_slice %arg2[%run_scoped3A_483, %add3A_482] : memref<100x16384xi32, #tpu.memory_space<hbm>> -> memref<1x1024xi32, #tpu.memory_space<hbm>>
      %dma_start3A_709 = tpu.memref_squeeze %dma_start3A_708 : memref<1x1024xi32, #tpu.memory_space<hbm>> -> memref<1024xi32, #tpu.memory_space<hbm>>
      %dma_start3A_710 = tpu.memref_slice %arg2[%run_scoped3A_483, %add3A_482] : memref<100x16384xi32, #tpu.memory_space<hbm>> -> memref<1x1024xi32, #tpu.memory_space<hbm>>
      %dma_start3A_711 = tpu.memref_squeeze %dma_start3A_710 : memref<1x1024xi32, #tpu.memory_space<hbm>> -> memref<1024xi32, #tpu.memory_space<hbm>>
      tpu.enqueue_dma source(%dma_start3A_711 : memref<1024xi32, #tpu.memory_space<hbm>>) target(%arg8 : memref<1024xi32, #tpu.memory_space<vmem>>) target_semaphore(%run_scoped3A_707 : memref<!tpu.dma_semaphore, #tpu.memory_space<semaphore_mem>>)
      %dma_wait3A_712 = tpu.memref_slice %arg2[%run_scoped3A_483, %add3A_482] : memref<100x16384xi32, #tpu.memory_space<hbm>> -> memref<1x1024xi32, #tpu.memory_space<hbm>>
      %dma_wait3A_713 = tpu.memref_squeeze %dma_wait3A_712 : memref<1x1024xi32, #tpu.memory_space<hbm>> -> memref<1024xi32, #tpu.memory_space<hbm>>
      %dma_wait3A_714 = tpu.memref_slice %arg2[%run_scoped3A_483, %add3A_482] : memref<100x16384xi32, #tpu.memory_space<hbm>> -> memref<1x1024xi32, #tpu.memory_space<hbm>>
      %dma_wait3A_715 = tpu.memref_squeeze %dma_wait3A_714 : memref<1x1024xi32, #tpu.memory_space<hbm>> -> memref<1024xi32, #tpu.memory_space<hbm>>
      tpu.wait_dma2 semaphore(%run_scoped3A_707 : memref<!tpu.dma_semaphore, #tpu.memory_space<semaphore_mem>>) src(%dma_wait3A_715 : memref<1024xi32, #tpu.memory_space<hbm>>) dst(%arg8 : memref<1024xi32, #tpu.memory_space<vmem>>)
      tpu.yield
    }) : () -> ()
    %dma_wait3A_484 = arith.constant 0 : i32
    %dma_wait3A_485 = arith.constant 0 : i32
    %dma_wait3A_486 = arith.constant 0 : i32
    %dma_wait3A_487 = tpu.memref_slice %arg4[%dma_wait3A_484, %dma_wait3A_485, %dma_wait3A_486] : memref<100x16x16384xf32, #tpu.memory_space<hbm>> -> memref<1x1x1024xf32, #tpu.memory_space<hbm>>
    %dma_wait3A_488 = tpu.memref_squeeze %dma_wait3A_487 : memref<1x1x1024xf32, #tpu.memory_space<hbm>> -> memref<1024xf32, #tpu.memory_space<hbm>>
    %dma_wait3A_489 = arith.constant 0 : i32
    %dma_wait3A_490 = tpu.memref_slice %arg4[%dma_wait3A_484, %dma_wait3A_485, %dma_wait3A_489] : memref<100x16x16384xf32, #tpu.memory_space<hbm>> -> memref<1x1x1024xf32, #tpu.memory_space<hbm>>
    %dma_wait3A_491 = tpu.memref_squeeze %dma_wait3A_490 : memref<1x1x1024xf32, #tpu.memory_space<hbm>> -> memref<1024xf32, #tpu.memory_space<hbm>>
    tpu.wait_dma2 semaphore(%arg14 : memref<!tpu.dma_semaphore, #tpu.memory_space<semaphore_mem>>) src(%arg10 : memref<1024xf32, #tpu.memory_space<vmem>>) dst(%dma_wait3A_491 : memref<1024xf32, #tpu.memory_space<hbm>>)
    %parallel_loop3A_492 = arith.constant 0 : i32
    %parallel_loop3A_493 = arith.constant 1024 : i32
    %parallel_loop3A_494 = arith.constant 16 : i32
    scf.for %parallel_loop3A_707 = %parallel_loop3A_492 to %parallel_loop3A_493 step %parallel_loop3A_494  : i32 {
      %parallel_loop3A_708 = arith.index_cast %parallel_loop3A_707 : i32 to index
      %parallel_loop3A_709 = tpu.vector_load %arg8[%parallel_loop3A_708] {strides = array<i32>} : memref<1024xi32, #tpu.memory_space<vmem>>, vector<16xi32>,
      %parallel_loop3A_710 = tpu.vector_load_idx %arg5[%parallel_loop3A_709] : memref<100000xf32, #tpu.memory_space<vmem>>[vector<16xi32>], vector<16xf32>,
      %parallel_loop3A_711 = arith.index_cast %parallel_loop3A_707 : i32 to index
      %parallel_loop3A_712 = tpu.vector_load %arg10[%parallel_loop3A_711] {strides = array<i32>} : memref<1024xf32, #tpu.memory_space<vmem>>, vector<16xf32>,
      tpu.vector_store %arg10[%parallel_loop3A_711], %parallel_loop3A_710 {strides = array<i32>} : memref<1024xf32, #tpu.memory_space<vmem>>, vector<16xf32>,
    } {sc.loop_unroll_factor = 8 : i64, sc.parallel_access}
    %add3A_495 = arith.constant 6144 : i32
    %add3A_496 = arith.addi %mul3A_0, %add3A_495 : i32
    %dma_start3A_497 = arith.constant 98 : i32
    %dma_start3A_498 = tpu.memref_slice %arg4[%dma_start3A_497, %arg1, %add3A_496] : memref<100x16x16384xf32, #tpu.memory_space<hbm>> -> memref<1x1x1024xf32, #tpu.memory_space<hbm>>
    %dma_start3A_499 = tpu.memref_squeeze %dma_start3A_498 : memref<1x1x1024xf32, #tpu.memory_space<hbm>> -> memref<1024xf32, #tpu.memory_space<hbm>>
    %dma_start3A_500 = tpu.memref_slice %arg4[%dma_start3A_497, %arg1, %add3A_496] : memref<100x16x16384xf32, #tpu.memory_space<hbm>> -> memref<1x1x1024xf32, #tpu.memory_space<hbm>>
    %dma_start3A_501 = tpu.memref_squeeze %dma_start3A_500 : memref<1x1x1024xf32, #tpu.memory_space<hbm>> -> memref<1024xf32, #tpu.memory_space<hbm>>
    tpu.enqueue_dma source(%arg10 : memref<1024xf32, #tpu.memory_space<vmem>>) target(%dma_start3A_501 : memref<1024xf32, #tpu.memory_space<hbm>>) target_semaphore(%arg14 : memref<!tpu.dma_semaphore, #tpu.memory_space<semaphore_mem>>)
    %add3A_502 = arith.constant 7168 : i32
    %add3A_503 = arith.addi %mul3A_0, %add3A_502 : i32
    %run_scoped3A_504 = arith.constant 98 : i32
    "tpu.region"() ({
      %run_scoped3A_707 = tpu.sem_alloc : memref<!tpu.dma_semaphore, #tpu.memory_space<semaphore_mem>>
      %dma_start3A_708 = tpu.memref_slice %arg2[%run_scoped3A_504, %add3A_503] : memref<100x16384xi32, #tpu.memory_space<hbm>> -> memref<1x1024xi32, #tpu.memory_space<hbm>>
      %dma_start3A_709 = tpu.memref_squeeze %dma_start3A_708 : memref<1x1024xi32, #tpu.memory_space<hbm>> -> memref<1024xi32, #tpu.memory_space<hbm>>
      %dma_start3A_710 = tpu.memref_slice %arg2[%run_scoped3A_504, %add3A_503] : memref<100x16384xi32, #tpu.memory_space<hbm>> -> memref<1x1024xi32, #tpu.memory_space<hbm>>
      %dma_start3A_711 = tpu.memref_squeeze %dma_start3A_710 : memref<1x1024xi32, #tpu.memory_space<hbm>> -> memref<1024xi32, #tpu.memory_space<hbm>>
      tpu.enqueue_dma source(%dma_start3A_711 : memref<1024xi32, #tpu.memory_space<hbm>>) target(%arg9 : memref<1024xi32, #tpu.memory_space<vmem>>) target_semaphore(%run_scoped3A_707 : memref<!tpu.dma_semaphore, #tpu.memory_space<semaphore_mem>>)
      %dma_wait3A_712 = tpu.memref_slice %arg2[%run_scoped3A_504, %add3A_503] : memref<100x16384xi32, #tpu.memory_space<hbm>> -> memref<1x1024xi32, #tpu.memory_space<hbm>>
      %dma_wait3A_713 = tpu.memref_squeeze %dma_wait3A_712 : memref<1x1024xi32, #tpu.memory_space<hbm>> -> memref<1024xi32, #tpu.memory_space<hbm>>
      %dma_wait3A_714 = tpu.memref_slice %arg2[%run_scoped3A_504, %add3A_503] : memref<100x16384xi32, #tpu.memory_space<hbm>> -> memref<1x1024xi32, #tpu.memory_space<hbm>>
      %dma_wait3A_715 = tpu.memref_squeeze %dma_wait3A_714 : memref<1x1024xi32, #tpu.memory_space<hbm>> -> memref<1024xi32, #tpu.memory_space<hbm>>
      tpu.wait_dma2 semaphore(%run_scoped3A_707 : memref<!tpu.dma_semaphore, #tpu.memory_space<semaphore_mem>>) src(%dma_wait3A_715 : memref<1024xi32, #tpu.memory_space<hbm>>) dst(%arg9 : memref<1024xi32, #tpu.memory_space<vmem>>)
      tpu.yield
    }) : () -> ()
    %dma_wait3A_505 = arith.constant 0 : i32
    %dma_wait3A_506 = arith.constant 0 : i32
    %dma_wait3A_507 = arith.constant 0 : i32
    %dma_wait3A_508 = tpu.memref_slice %arg4[%dma_wait3A_505, %dma_wait3A_506, %dma_wait3A_507] : memref<100x16x16384xf32, #tpu.memory_space<hbm>> -> memref<1x1x1024xf32, #tpu.memory_space<hbm>>
    %dma_wait3A_509 = tpu.memref_squeeze %dma_wait3A_508 : memref<1x1x1024xf32, #tpu.memory_space<hbm>> -> memref<1024xf32, #tpu.memory_space<hbm>>
    %dma_wait3A_510 = arith.constant 0 : i32
    %dma_wait3A_511 = tpu.memref_slice %arg4[%dma_wait3A_505, %dma_wait3A_506, %dma_wait3A_510] : memref<100x16x16384xf32, #tpu.memory_space<hbm>> -> memref<1x1x1024xf32, #tpu.memory_space<hbm>>
    %dma_wait3A_512 = tpu.memref_squeeze %dma_wait3A_511 : memref<1x1x1024xf32, #tpu.memory_space<hbm>> -> memref<1024xf32, #tpu.memory_space<hbm>>
    tpu.wait_dma2 semaphore(%arg15 : memref<!tpu.dma_semaphore, #tpu.memory_space<semaphore_mem>>) src(%arg11 : memref<1024xf32, #tpu.memory_space<vmem>>) dst(%dma_wait3A_512 : memref<1024xf32, #tpu.memory_space<hbm>>)
    %parallel_loop3A_513 = arith.constant 0 : i32
    %parallel_loop3A_514 = arith.constant 1024 : i32
    %parallel_loop3A_515 = arith.constant 16 : i32
    scf.for %parallel_loop3A_707 = %parallel_loop3A_513 to %parallel_loop3A_514 step %parallel_loop3A_515  : i32 {
      %parallel_loop3A_708 = arith.index_cast %parallel_loop3A_707 : i32 to index
      %parallel_loop3A_709 = tpu.vector_load %arg9[%parallel_loop3A_708] {strides = array<i32>} : memref<1024xi32, #tpu.memory_space<vmem>>, vector<16xi32>,
      %parallel_loop3A_710 = tpu.vector_load_idx %arg5[%parallel_loop3A_709] : memref<100000xf32, #tpu.memory_space<vmem>>[vector<16xi32>], vector<16xf32>,
      %parallel_loop3A_711 = arith.index_cast %parallel_loop3A_707 : i32 to index
      %parallel_loop3A_712 = tpu.vector_load %arg11[%parallel_loop3A_711] {strides = array<i32>} : memref<1024xf32, #tpu.memory_space<vmem>>, vector<16xf32>,
      tpu.vector_store %arg11[%parallel_loop3A_711], %parallel_loop3A_710 {strides = array<i32>} : memref<1024xf32, #tpu.memory_space<vmem>>, vector<16xf32>,
    } {sc.loop_unroll_factor = 8 : i64, sc.parallel_access}
    %add3A_516 = arith.constant 7168 : i32
    %add3A_517 = arith.addi %mul3A_0, %add3A_516 : i32
    %dma_start3A_518 = arith.constant 98 : i32
    %dma_start3A_519 = tpu.memref_slice %arg4[%dma_start3A_518, %arg1, %add3A_517] : memref<100x16x16384xf32, #tpu.memory_space<hbm>> -> memref<1x1x1024xf32, #tpu.memory_space<hbm>>
    %dma_start3A_520 = tpu.memref_squeeze %dma_start3A_519 : memref<1x1x1024xf32, #tpu.memory_space<hbm>> -> memref<1024xf32, #tpu.memory_space<hbm>>
    %dma_start3A_521 = tpu.memref_slice %arg4[%dma_start3A_518, %arg1, %add3A_517] : memref<100x16x16384xf32, #tpu.memory_space<hbm>> -> memref<1x1x1024xf32, #tpu.memory_space<hbm>>
    %dma_start3A_522 = tpu.memref_squeeze %dma_start3A_521 : memref<1x1x1024xf32, #tpu.memory_space<hbm>> -> memref<1024xf32, #tpu.memory_space<hbm>>
    tpu.enqueue_dma source(%arg11 : memref<1024xf32, #tpu.memory_space<vmem>>) target(%dma_start3A_522 : memref<1024xf32, #tpu.memory_space<hbm>>) target_semaphore(%arg15 : memref<!tpu.dma_semaphore, #tpu.memory_space<semaphore_mem>>)
    %add3A_523 = arith.constant 0 : i32
    %add3A_524 = arith.addi %mul3A_0, %add3A_523 : i32
    %run_scoped3A_525 = arith.constant 99 : i32
    "tpu.region"() ({
      %run_scoped3A_707 = tpu.sem_alloc : memref<!tpu.dma_semaphore, #tpu.memory_space<semaphore_mem>>
      %dma_start3A_708 = tpu.memref_slice %arg2[%run_scoped3A_525, %add3A_524] : memref<100x16384xi32, #tpu.memory_space<hbm>> -> memref<1x1024xi32, #tpu.memory_space<hbm>>
      %dma_start3A_709 = tpu.memref_squeeze %dma_start3A_708 : memref<1x1024xi32, #tpu.memory_space<hbm>> -> memref<1024xi32, #tpu.memory_space<hbm>>
      %dma_start3A_710 = tpu.memref_slice %arg2[%run_scoped3A_525, %add3A_524] : memref<100x16384xi32, #tpu.memory_space<hbm>> -> memref<1x1024xi32, #tpu.memory_space<hbm>>
      %dma_start3A_711 = tpu.memref_squeeze %dma_start3A_710 : memref<1x1024xi32, #tpu.memory_space<hbm>> -> memref<1024xi32, #tpu.memory_space<hbm>>
      tpu.enqueue_dma source(%dma_start3A_711 : memref<1024xi32, #tpu.memory_space<hbm>>) target(%arg8 : memref<1024xi32, #tpu.memory_space<vmem>>) target_semaphore(%run_scoped3A_707 : memref<!tpu.dma_semaphore, #tpu.memory_space<semaphore_mem>>)
      %dma_wait3A_712 = tpu.memref_slice %arg2[%run_scoped3A_525, %add3A_524] : memref<100x16384xi32, #tpu.memory_space<hbm>> -> memref<1x1024xi32, #tpu.memory_space<hbm>>
      %dma_wait3A_713 = tpu.memref_squeeze %dma_wait3A_712 : memref<1x1024xi32, #tpu.memory_space<hbm>> -> memref<1024xi32, #tpu.memory_space<hbm>>
      %dma_wait3A_714 = tpu.memref_slice %arg2[%run_scoped3A_525, %add3A_524] : memref<100x16384xi32, #tpu.memory_space<hbm>> -> memref<1x1024xi32, #tpu.memory_space<hbm>>
      %dma_wait3A_715 = tpu.memref_squeeze %dma_wait3A_714 : memref<1x1024xi32, #tpu.memory_space<hbm>> -> memref<1024xi32, #tpu.memory_space<hbm>>
      tpu.wait_dma2 semaphore(%run_scoped3A_707 : memref<!tpu.dma_semaphore, #tpu.memory_space<semaphore_mem>>) src(%dma_wait3A_715 : memref<1024xi32, #tpu.memory_space<hbm>>) dst(%arg8 : memref<1024xi32, #tpu.memory_space<vmem>>)
      tpu.yield
    }) : () -> ()
    %dma_wait3A_526 = arith.constant 0 : i32
    %dma_wait3A_527 = arith.constant 0 : i32
    %dma_wait3A_528 = arith.constant 0 : i32
    %dma_wait3A_529 = tpu.memref_slice %arg4[%dma_wait3A_526, %dma_wait3A_527, %dma_wait3A_528] : memref<100x16x16384xf32, #tpu.memory_space<hbm>> -> memref<1x1x1024xf32, #tpu.memory_space<hbm>>
    %dma_wait3A_530 = tpu.memref_squeeze %dma_wait3A_529 : memref<1x1x1024xf32, #tpu.memory_space<hbm>> -> memref<1024xf32, #tpu.memory_space<hbm>>
    %dma_wait3A_531 = arith.constant 0 : i32
    %dma_wait3A_532 = tpu.memref_slice %arg4[%dma_wait3A_526, %dma_wait3A_527, %dma_wait3A_531] : memref<100x16x16384xf32, #tpu.memory_space<hbm>> -> memref<1x1x1024xf32, #tpu.memory_space<hbm>>
    %dma_wait3A_533 = tpu.memref_squeeze %dma_wait3A_532 : memref<1x1x1024xf32, #tpu.memory_space<hbm>> -> memref<1024xf32, #tpu.memory_space<hbm>>
    tpu.wait_dma2 semaphore(%arg14 : memref<!tpu.dma_semaphore, #tpu.memory_space<semaphore_mem>>) src(%arg10 : memref<1024xf32, #tpu.memory_space<vmem>>) dst(%dma_wait3A_533 : memref<1024xf32, #tpu.memory_space<hbm>>)
    %parallel_loop3A_534 = arith.constant 0 : i32
    %parallel_loop3A_535 = arith.constant 1024 : i32
    %parallel_loop3A_536 = arith.constant 16 : i32
    scf.for %parallel_loop3A_707 = %parallel_loop3A_534 to %parallel_loop3A_535 step %parallel_loop3A_536  : i32 {
      %parallel_loop3A_708 = arith.index_cast %parallel_loop3A_707 : i32 to index
      %parallel_loop3A_709 = tpu.vector_load %arg8[%parallel_loop3A_708] {strides = array<i32>} : memref<1024xi32, #tpu.memory_space<vmem>>, vector<16xi32>,
      %parallel_loop3A_710 = tpu.vector_load_idx %arg5[%parallel_loop3A_709] : memref<100000xf32, #tpu.memory_space<vmem>>[vector<16xi32>], vector<16xf32>,
      %parallel_loop3A_711 = arith.index_cast %parallel_loop3A_707 : i32 to index
      %parallel_loop3A_712 = tpu.vector_load %arg10[%parallel_loop3A_711] {strides = array<i32>} : memref<1024xf32, #tpu.memory_space<vmem>>, vector<16xf32>,
      tpu.vector_store %arg10[%parallel_loop3A_711], %parallel_loop3A_710 {strides = array<i32>} : memref<1024xf32, #tpu.memory_space<vmem>>, vector<16xf32>,
    } {sc.loop_unroll_factor = 8 : i64, sc.parallel_access}
    %add3A_537 = arith.constant 0 : i32
    %add3A_538 = arith.addi %mul3A_0, %add3A_537 : i32
    %dma_start3A_539 = arith.constant 99 : i32
    %dma_start3A_540 = tpu.memref_slice %arg4[%dma_start3A_539, %arg1, %add3A_538] : memref<100x16x16384xf32, #tpu.memory_space<hbm>> -> memref<1x1x1024xf32, #tpu.memory_space<hbm>>
    %dma_start3A_541 = tpu.memref_squeeze %dma_start3A_540 : memref<1x1x1024xf32, #tpu.memory_space<hbm>> -> memref<1024xf32, #tpu.memory_space<hbm>>
    %dma_start3A_542 = tpu.memref_slice %arg4[%dma_start3A_539, %arg1, %add3A_538] : memref<100x16x16384xf32, #tpu.memory_space<hbm>> -> memref<1x1x1024xf32, #tpu.memory_space<hbm>>
    %dma_start3A_543 = tpu.memref_squeeze %dma_start3A_542 : memref<1x1x1024xf32, #tpu.memory_space<hbm>> -> memref<1024xf32, #tpu.memory_space<hbm>>
    tpu.enqueue_dma source(%arg10 : memref<1024xf32, #tpu.memory_space<vmem>>) target(%dma_start3A_543 : memref<1024xf32, #tpu.memory_space<hbm>>) target_semaphore(%arg14 : memref<!tpu.dma_semaphore, #tpu.memory_space<semaphore_mem>>)
    %add3A_544 = arith.constant 1024 : i32
    %add3A_545 = arith.addi %mul3A_0, %add3A_544 : i32
    %run_scoped3A_546 = arith.constant 99 : i32
    "tpu.region"() ({
      %run_scoped3A_707 = tpu.sem_alloc : memref<!tpu.dma_semaphore, #tpu.memory_space<semaphore_mem>>
      %dma_start3A_708 = tpu.memref_slice %arg2[%run_scoped3A_546, %add3A_545] : memref<100x16384xi32, #tpu.memory_space<hbm>> -> memref<1x1024xi32, #tpu.memory_space<hbm>>
      %dma_start3A_709 = tpu.memref_squeeze %dma_start3A_708 : memref<1x1024xi32, #tpu.memory_space<hbm>> -> memref<1024xi32, #tpu.memory_space<hbm>>
      %dma_start3A_710 = tpu.memref_slice %arg2[%run_scoped3A_546, %add3A_545] : memref<100x16384xi32, #tpu.memory_space<hbm>> -> memref<1x1024xi32, #tpu.memory_space<hbm>>
      %dma_start3A_711 = tpu.memref_squeeze %dma_start3A_710 : memref<1x1024xi32, #tpu.memory_space<hbm>> -> memref<1024xi32, #tpu.memory_space<hbm>>
      tpu.enqueue_dma source(%dma_start3A_711 : memref<1024xi32, #tpu.memory_space<hbm>>) target(%arg9 : memref<1024xi32, #tpu.memory_space<vmem>>) target_semaphore(%run_scoped3A_707 : memref<!tpu.dma_semaphore, #tpu.memory_space<semaphore_mem>>)
      %dma_wait3A_712 = tpu.memref_slice %arg2[%run_scoped3A_546, %add3A_545] : memref<100x16384xi32, #tpu.memory_space<hbm>> -> memref<1x1024xi32, #tpu.memory_space<hbm>>
      %dma_wait3A_713 = tpu.memref_squeeze %dma_wait3A_712 : memref<1x1024xi32, #tpu.memory_space<hbm>> -> memref<1024xi32, #tpu.memory_space<hbm>>
      %dma_wait3A_714 = tpu.memref_slice %arg2[%run_scoped3A_546, %add3A_545] : memref<100x16384xi32, #tpu.memory_space<hbm>> -> memref<1x1024xi32, #tpu.memory_space<hbm>>
      %dma_wait3A_715 = tpu.memref_squeeze %dma_wait3A_714 : memref<1x1024xi32, #tpu.memory_space<hbm>> -> memref<1024xi32, #tpu.memory_space<hbm>>
      tpu.wait_dma2 semaphore(%run_scoped3A_707 : memref<!tpu.dma_semaphore, #tpu.memory_space<semaphore_mem>>) src(%dma_wait3A_715 : memref<1024xi32, #tpu.memory_space<hbm>>) dst(%arg9 : memref<1024xi32, #tpu.memory_space<vmem>>)
      tpu.yield
    }) : () -> ()
    %dma_wait3A_547 = arith.constant 0 : i32
    %dma_wait3A_548 = arith.constant 0 : i32
    %dma_wait3A_549 = arith.constant 0 : i32
    %dma_wait3A_550 = tpu.memref_slice %arg4[%dma_wait3A_547, %dma_wait3A_548, %dma_wait3A_549] : memref<100x16x16384xf32, #tpu.memory_space<hbm>> -> memref<1x1x1024xf32, #tpu.memory_space<hbm>>
    %dma_wait3A_551 = tpu.memref_squeeze %dma_wait3A_550 : memref<1x1x1024xf32, #tpu.memory_space<hbm>> -> memref<1024xf32, #tpu.memory_space<hbm>>
    %dma_wait3A_552 = arith.constant 0 : i32
    %dma_wait3A_553 = tpu.memref_slice %arg4[%dma_wait3A_547, %dma_wait3A_548, %dma_wait3A_552] : memref<100x16x16384xf32, #tpu.memory_space<hbm>> -> memref<1x1x1024xf32, #tpu.memory_space<hbm>>
    %dma_wait3A_554 = tpu.memref_squeeze %dma_wait3A_553 : memref<1x1x1024xf32, #tpu.memory_space<hbm>> -> memref<1024xf32, #tpu.memory_space<hbm>>
    tpu.wait_dma2 semaphore(%arg15 : memref<!tpu.dma_semaphore, #tpu.memory_space<semaphore_mem>>) src(%arg11 : memref<1024xf32, #tpu.memory_space<vmem>>) dst(%dma_wait3A_554 : memref<1024xf32, #tpu.memory_space<hbm>>)
    %parallel_loop3A_555 = arith.constant 0 : i32
    %parallel_loop3A_556 = arith.constant 1024 : i32
    %parallel_loop3A_557 = arith.constant 16 : i32
    scf.for %parallel_loop3A_707 = %parallel_loop3A_555 to %parallel_loop3A_556 step %parallel_loop3A_557  : i32 {
      %parallel_loop3A_708 = arith.index_cast %parallel_loop3A_707 : i32 to index
      %parallel_loop3A_709 = tpu.vector_load %arg9[%parallel_loop3A_708] {strides = array<i32>} : memref<1024xi32, #tpu.memory_space<vmem>>, vector<16xi32>,
      %parallel_loop3A_710 = tpu.vector_load_idx %arg5[%parallel_loop3A_709] : memref<100000xf32, #tpu.memory_space<vmem>>[vector<16xi32>], vector<16xf32>,
      %parallel_loop3A_711 = arith.index_cast %parallel_loop3A_707 : i32 to index
      %parallel_loop3A_712 = tpu.vector_load %arg11[%parallel_loop3A_711] {strides = array<i32>} : memref<1024xf32, #tpu.memory_space<vmem>>, vector<16xf32>,
      tpu.vector_store %arg11[%parallel_loop3A_711], %parallel_loop3A_710 {strides = array<i32>} : memref<1024xf32, #tpu.memory_space<vmem>>, vector<16xf32>,
    } {sc.loop_unroll_factor = 8 : i64, sc.parallel_access}
    %add3A_558 = arith.constant 1024 : i32
    %add3A_559 = arith.addi %mul3A_0, %add3A_558 : i32
    %dma_start3A_560 = arith.constant 99 : i32
    %dma_start3A_561 = tpu.memref_slice %arg4[%dma_start3A_560, %arg1, %add3A_559] : memref<100x16x16384xf32, #tpu.memory_space<hbm>> -> memref<1x1x1024xf32, #tpu.memory_space<hbm>>
    %dma_start3A_562 = tpu.memref_squeeze %dma_start3A_561 : memref<1x1x1024xf32, #tpu.memory_space<hbm>> -> memref<1024xf32, #tpu.memory_space<hbm>>
    %dma_start3A_563 = tpu.memref_slice %arg4[%dma_start3A_560, %arg1, %add3A_559] : memref<100x16x16384xf32, #tpu.memory_space<hbm>> -> memref<1x1x1024xf32, #tpu.memory_space<hbm>>
    %dma_start3A_564 = tpu.memref_squeeze %dma_start3A_563 : memref<1x1x1024xf32, #tpu.memory_space<hbm>> -> memref<1024xf32, #tpu.memory_space<hbm>>
    tpu.enqueue_dma source(%arg11 : memref<1024xf32, #tpu.memory_space<vmem>>) target(%dma_start3A_564 : memref<1024xf32, #tpu.memory_space<hbm>>) target_semaphore(%arg15 : memref<!tpu.dma_semaphore, #tpu.memory_space<semaphore_mem>>)
    %add3A_565 = arith.constant 2048 : i32
    %add3A_566 = arith.addi %mul3A_0, %add3A_565 : i32
    %run_scoped3A_567 = arith.constant 99 : i32
    "tpu.region"() ({
      %run_scoped3A_707 = tpu.sem_alloc : memref<!tpu.dma_semaphore, #tpu.memory_space<semaphore_mem>>
      %dma_start3A_708 = tpu.memref_slice %arg2[%run_scoped3A_567, %add3A_566] : memref<100x16384xi32, #tpu.memory_space<hbm>> -> memref<1x1024xi32, #tpu.memory_space<hbm>>
      %dma_start3A_709 = tpu.memref_squeeze %dma_start3A_708 : memref<1x1024xi32, #tpu.memory_space<hbm>> -> memref<1024xi32, #tpu.memory_space<hbm>>
      %dma_start3A_710 = tpu.memref_slice %arg2[%run_scoped3A_567, %add3A_566] : memref<100x16384xi32, #tpu.memory_space<hbm>> -> memref<1x1024xi32, #tpu.memory_space<hbm>>
      %dma_start3A_711 = tpu.memref_squeeze %dma_start3A_710 : memref<1x1024xi32, #tpu.memory_space<hbm>> -> memref<1024xi32, #tpu.memory_space<hbm>>
      tpu.enqueue_dma source(%dma_start3A_711 : memref<1024xi32, #tpu.memory_space<hbm>>) target(%arg8 : memref<1024xi32, #tpu.memory_space<vmem>>) target_semaphore(%run_scoped3A_707 : memref<!tpu.dma_semaphore, #tpu.memory_space<semaphore_mem>>)
      %dma_wait3A_712 = tpu.memref_slice %arg2[%run_scoped3A_567, %add3A_566] : memref<100x16384xi32, #tpu.memory_space<hbm>> -> memref<1x1024xi32, #tpu.memory_space<hbm>>
      %dma_wait3A_713 = tpu.memref_squeeze %dma_wait3A_712 : memref<1x1024xi32, #tpu.memory_space<hbm>> -> memref<1024xi32, #tpu.memory_space<hbm>>
      %dma_wait3A_714 = tpu.memref_slice %arg2[%run_scoped3A_567, %add3A_566] : memref<100x16384xi32, #tpu.memory_space<hbm>> -> memref<1x1024xi32, #tpu.memory_space<hbm>>
      %dma_wait3A_715 = tpu.memref_squeeze %dma_wait3A_714 : memref<1x1024xi32, #tpu.memory_space<hbm>> -> memref<1024xi32, #tpu.memory_space<hbm>>
      tpu.wait_dma2 semaphore(%run_scoped3A_707 : memref<!tpu.dma_semaphore, #tpu.memory_space<semaphore_mem>>) src(%dma_wait3A_715 : memref<1024xi32, #tpu.memory_space<hbm>>) dst(%arg8 : memref<1024xi32, #tpu.memory_space<vmem>>)
      tpu.yield
    }) : () -> ()
    %dma_wait3A_568 = arith.constant 0 : i32
    %dma_wait3A_569 = arith.constant 0 : i32
    %dma_wait3A_570 = arith.constant 0 : i32
    %dma_wait3A_571 = tpu.memref_slice %arg4[%dma_wait3A_568, %dma_wait3A_569, %dma_wait3A_570] : memref<100x16x16384xf32, #tpu.memory_space<hbm>> -> memref<1x1x1024xf32, #tpu.memory_space<hbm>>
    %dma_wait3A_572 = tpu.memref_squeeze %dma_wait3A_571 : memref<1x1x1024xf32, #tpu.memory_space<hbm>> -> memref<1024xf32, #tpu.memory_space<hbm>>
    %dma_wait3A_573 = arith.constant 0 : i32
    %dma_wait3A_574 = tpu.memref_slice %arg4[%dma_wait3A_568, %dma_wait3A_569, %dma_wait3A_573] : memref<100x16x16384xf32, #tpu.memory_space<hbm>> -> memref<1x1x1024xf32, #tpu.memory_space<hbm>>
    %dma_wait3A_575 = tpu.memref_squeeze %dma_wait3A_574 : memref<1x1x1024xf32, #tpu.memory_space<hbm>> -> memref<1024xf32, #tpu.memory_space<hbm>>
    tpu.wait_dma2 semaphore(%arg14 : memref<!tpu.dma_semaphore, #tpu.memory_space<semaphore_mem>>) src(%arg10 : memref<1024xf32, #tpu.memory_space<vmem>>) dst(%dma_wait3A_575 : memref<1024xf32, #tpu.memory_space<hbm>>)
    %parallel_loop3A_576 = arith.constant 0 : i32
    %parallel_loop3A_577 = arith.constant 1024 : i32
    %parallel_loop3A_578 = arith.constant 16 : i32
    scf.for %parallel_loop3A_707 = %parallel_loop3A_576 to %parallel_loop3A_577 step %parallel_loop3A_578  : i32 {
      %parallel_loop3A_708 = arith.index_cast %parallel_loop3A_707 : i32 to index
      %parallel_loop3A_709 = tpu.vector_load %arg8[%parallel_loop3A_708] {strides = array<i32>} : memref<1024xi32, #tpu.memory_space<vmem>>, vector<16xi32>,
      %parallel_loop3A_710 = tpu.vector_load_idx %arg5[%parallel_loop3A_709] : memref<100000xf32, #tpu.memory_space<vmem>>[vector<16xi32>], vector<16xf32>,
      %parallel_loop3A_711 = arith.index_cast %parallel_loop3A_707 : i32 to index
      %parallel_loop3A_712 = tpu.vector_load %arg10[%parallel_loop3A_711] {strides = array<i32>} : memref<1024xf32, #tpu.memory_space<vmem>>, vector<16xf32>,
      tpu.vector_store %arg10[%parallel_loop3A_711], %parallel_loop3A_710 {strides = array<i32>} : memref<1024xf32, #tpu.memory_space<vmem>>, vector<16xf32>,
    } {sc.loop_unroll_factor = 8 : i64, sc.parallel_access}
    %add3A_579 = arith.constant 2048 : i32
    %add3A_580 = arith.addi %mul3A_0, %add3A_579 : i32
    %dma_start3A_581 = arith.constant 99 : i32
    %dma_start3A_582 = tpu.memref_slice %arg4[%dma_start3A_581, %arg1, %add3A_580] : memref<100x16x16384xf32, #tpu.memory_space<hbm>> -> memref<1x1x1024xf32, #tpu.memory_space<hbm>>
    %dma_start3A_583 = tpu.memref_squeeze %dma_start3A_582 : memref<1x1x1024xf32, #tpu.memory_space<hbm>> -> memref<1024xf32, #tpu.memory_space<hbm>>
    %dma_start3A_584 = tpu.memref_slice %arg4[%dma_start3A_581, %arg1, %add3A_580] : memref<100x16x16384xf32, #tpu.memory_space<hbm>> -> memref<1x1x1024xf32, #tpu.memory_space<hbm>>
    %dma_start3A_585 = tpu.memref_squeeze %dma_start3A_584 : memref<1x1x1024xf32, #tpu.memory_space<hbm>> -> memref<1024xf32, #tpu.memory_space<hbm>>
    tpu.enqueue_dma source(%arg10 : memref<1024xf32, #tpu.memory_space<vmem>>) target(%dma_start3A_585 : memref<1024xf32, #tpu.memory_space<hbm>>) target_semaphore(%arg14 : memref<!tpu.dma_semaphore, #tpu.memory_space<semaphore_mem>>)
    %add3A_586 = arith.constant 3072 : i32
    %add3A_587 = arith.addi %mul3A_0, %add3A_586 : i32
    %run_scoped3A_588 = arith.constant 99 : i32
    "tpu.region"() ({
      %run_scoped3A_707 = tpu.sem_alloc : memref<!tpu.dma_semaphore, #tpu.memory_space<semaphore_mem>>
      %dma_start3A_708 = tpu.memref_slice %arg2[%run_scoped3A_588, %add3A_587] : memref<100x16384xi32, #tpu.memory_space<hbm>> -> memref<1x1024xi32, #tpu.memory_space<hbm>>
      %dma_start3A_709 = tpu.memref_squeeze %dma_start3A_708 : memref<1x1024xi32, #tpu.memory_space<hbm>> -> memref<1024xi32, #tpu.memory_space<hbm>>
      %dma_start3A_710 = tpu.memref_slice %arg2[%run_scoped3A_588, %add3A_587] : memref<100x16384xi32, #tpu.memory_space<hbm>> -> memref<1x1024xi32, #tpu.memory_space<hbm>>
      %dma_start3A_711 = tpu.memref_squeeze %dma_start3A_710 : memref<1x1024xi32, #tpu.memory_space<hbm>> -> memref<1024xi32, #tpu.memory_space<hbm>>
      tpu.enqueue_dma source(%dma_start3A_711 : memref<1024xi32, #tpu.memory_space<hbm>>) target(%arg9 : memref<1024xi32, #tpu.memory_space<vmem>>) target_semaphore(%run_scoped3A_707 : memref<!tpu.dma_semaphore, #tpu.memory_space<semaphore_mem>>)
      %dma_wait3A_712 = tpu.memref_slice %arg2[%run_scoped3A_588, %add3A_587] : memref<100x16384xi32, #tpu.memory_space<hbm>> -> memref<1x1024xi32, #tpu.memory_space<hbm>>
      %dma_wait3A_713 = tpu.memref_squeeze %dma_wait3A_712 : memref<1x1024xi32, #tpu.memory_space<hbm>> -> memref<1024xi32, #tpu.memory_space<hbm>>
      %dma_wait3A_714 = tpu.memref_slice %arg2[%run_scoped3A_588, %add3A_587] : memref<100x16384xi32, #tpu.memory_space<hbm>> -> memref<1x1024xi32, #tpu.memory_space<hbm>>
      %dma_wait3A_715 = tpu.memref_squeeze %dma_wait3A_714 : memref<1x1024xi32, #tpu.memory_space<hbm>> -> memref<1024xi32, #tpu.memory_space<hbm>>
      tpu.wait_dma2 semaphore(%run_scoped3A_707 : memref<!tpu.dma_semaphore, #tpu.memory_space<semaphore_mem>>) src(%dma_wait3A_715 : memref<1024xi32, #tpu.memory_space<hbm>>) dst(%arg9 : memref<1024xi32, #tpu.memory_space<vmem>>)
      tpu.yield
    }) : () -> ()
    %dma_wait3A_589 = arith.constant 0 : i32
    %dma_wait3A_590 = arith.constant 0 : i32
    %dma_wait3A_591 = arith.constant 0 : i32
    %dma_wait3A_592 = tpu.memref_slice %arg4[%dma_wait3A_589, %dma_wait3A_590, %dma_wait3A_591] : memref<100x16x16384xf32, #tpu.memory_space<hbm>> -> memref<1x1x1024xf32, #tpu.memory_space<hbm>>
    %dma_wait3A_593 = tpu.memref_squeeze %dma_wait3A_592 : memref<1x1x1024xf32, #tpu.memory_space<hbm>> -> memref<1024xf32, #tpu.memory_space<hbm>>
    %dma_wait3A_594 = arith.constant 0 : i32
    %dma_wait3A_595 = tpu.memref_slice %arg4[%dma_wait3A_589, %dma_wait3A_590, %dma_wait3A_594] : memref<100x16x16384xf32, #tpu.memory_space<hbm>> -> memref<1x1x1024xf32, #tpu.memory_space<hbm>>
    %dma_wait3A_596 = tpu.memref_squeeze %dma_wait3A_595 : memref<1x1x1024xf32, #tpu.memory_space<hbm>> -> memref<1024xf32, #tpu.memory_space<hbm>>
    tpu.wait_dma2 semaphore(%arg15 : memref<!tpu.dma_semaphore, #tpu.memory_space<semaphore_mem>>) src(%arg11 : memref<1024xf32, #tpu.memory_space<vmem>>) dst(%dma_wait3A_596 : memref<1024xf32, #tpu.memory_space<hbm>>)
    %parallel_loop3A_597 = arith.constant 0 : i32
    %parallel_loop3A_598 = arith.constant 1024 : i32
    %parallel_loop3A_599 = arith.constant 16 : i32
    scf.for %parallel_loop3A_707 = %parallel_loop3A_597 to %parallel_loop3A_598 step %parallel_loop3A_599  : i32 {
      %parallel_loop3A_708 = arith.index_cast %parallel_loop3A_707 : i32 to index
      %parallel_loop3A_709 = tpu.vector_load %arg9[%parallel_loop3A_708] {strides = array<i32>} : memref<1024xi32, #tpu.memory_space<vmem>>, vector<16xi32>,
      %parallel_loop3A_710 = tpu.vector_load_idx %arg5[%parallel_loop3A_709] : memref<100000xf32, #tpu.memory_space<vmem>>[vector<16xi32>], vector<16xf32>,
      %parallel_loop3A_711 = arith.index_cast %parallel_loop3A_707 : i32 to index
      %parallel_loop3A_712 = tpu.vector_load %arg11[%parallel_loop3A_711] {strides = array<i32>} : memref<1024xf32, #tpu.memory_space<vmem>>, vector<16xf32>,
      tpu.vector_store %arg11[%parallel_loop3A_711], %parallel_loop3A_710 {strides = array<i32>} : memref<1024xf32, #tpu.memory_space<vmem>>, vector<16xf32>,
    } {sc.loop_unroll_factor = 8 : i64, sc.parallel_access}
    %add3A_600 = arith.constant 3072 : i32
    %add3A_601 = arith.addi %mul3A_0, %add3A_600 : i32
    %dma_start3A_602 = arith.constant 99 : i32
    %dma_start3A_603 = tpu.memref_slice %arg4[%dma_start3A_602, %arg1, %add3A_601] : memref<100x16x16384xf32, #tpu.memory_space<hbm>> -> memref<1x1x1024xf32, #tpu.memory_space<hbm>>
    %dma_start3A_604 = tpu.memref_squeeze %dma_start3A_603 : memref<1x1x1024xf32, #tpu.memory_space<hbm>> -> memref<1024xf32, #tpu.memory_space<hbm>>
    %dma_start3A_605 = tpu.memref_slice %arg4[%dma_start3A_602, %arg1, %add3A_601] : memref<100x16x16384xf32, #tpu.memory_space<hbm>> -> memref<1x1x1024xf32, #tpu.memory_space<hbm>>
    %dma_start3A_606 = tpu.memref_squeeze %dma_start3A_605 : memref<1x1x1024xf32, #tpu.memory_space<hbm>> -> memref<1024xf32, #tpu.memory_space<hbm>>
    tpu.enqueue_dma source(%arg11 : memref<1024xf32, #tpu.memory_space<vmem>>) target(%dma_start3A_606 : memref<1024xf32, #tpu.memory_space<hbm>>) target_semaphore(%arg15 : memref<!tpu.dma_semaphore, #tpu.memory_space<semaphore_mem>>)
    %add3A_607 = arith.constant 4096 : i32
    %add3A_608 = arith.addi %mul3A_0, %add3A_607 : i32
    %run_scoped3A_609 = arith.constant 99 : i32
    "tpu.region"() ({
      %run_scoped3A_707 = tpu.sem_alloc : memref<!tpu.dma_semaphore, #tpu.memory_space<semaphore_mem>>
      %dma_start3A_708 = tpu.memref_slice %arg2[%run_scoped3A_609, %add3A_608] : memref<100x16384xi32, #tpu.memory_space<hbm>> -> memref<1x1024xi32, #tpu.memory_space<hbm>>
      %dma_start3A_709 = tpu.memref_squeeze %dma_start3A_708 : memref<1x1024xi32, #tpu.memory_space<hbm>> -> memref<1024xi32, #tpu.memory_space<hbm>>
      %dma_start3A_710 = tpu.memref_slice %arg2[%run_scoped3A_609, %add3A_608] : memref<100x16384xi32, #tpu.memory_space<hbm>> -> memref<1x1024xi32, #tpu.memory_space<hbm>>
      %dma_start3A_711 = tpu.memref_squeeze %dma_start3A_710 : memref<1x1024xi32, #tpu.memory_space<hbm>> -> memref<1024xi32, #tpu.memory_space<hbm>>
      tpu.enqueue_dma source(%dma_start3A_711 : memref<1024xi32, #tpu.memory_space<hbm>>) target(%arg8 : memref<1024xi32, #tpu.memory_space<vmem>>) target_semaphore(%run_scoped3A_707 : memref<!tpu.dma_semaphore, #tpu.memory_space<semaphore_mem>>)
      %dma_wait3A_712 = tpu.memref_slice %arg2[%run_scoped3A_609, %add3A_608] : memref<100x16384xi32, #tpu.memory_space<hbm>> -> memref<1x1024xi32, #tpu.memory_space<hbm>>
      %dma_wait3A_713 = tpu.memref_squeeze %dma_wait3A_712 : memref<1x1024xi32, #tpu.memory_space<hbm>> -> memref<1024xi32, #tpu.memory_space<hbm>>
      %dma_wait3A_714 = tpu.memref_slice %arg2[%run_scoped3A_609, %add3A_608] : memref<100x16384xi32, #tpu.memory_space<hbm>> -> memref<1x1024xi32, #tpu.memory_space<hbm>>
      %dma_wait3A_715 = tpu.memref_squeeze %dma_wait3A_714 : memref<1x1024xi32, #tpu.memory_space<hbm>> -> memref<1024xi32, #tpu.memory_space<hbm>>
      tpu.wait_dma2 semaphore(%run_scoped3A_707 : memref<!tpu.dma_semaphore, #tpu.memory_space<semaphore_mem>>) src(%dma_wait3A_715 : memref<1024xi32, #tpu.memory_space<hbm>>) dst(%arg8 : memref<1024xi32, #tpu.memory_space<vmem>>)
      tpu.yield
    }) : () -> ()
    %dma_wait3A_610 = arith.constant 0 : i32
    %dma_wait3A_611 = arith.constant 0 : i32
    %dma_wait3A_612 = arith.constant 0 : i32
    %dma_wait3A_613 = tpu.memref_slice %arg4[%dma_wait3A_610, %dma_wait3A_611, %dma_wait3A_612] : memref<100x16x16384xf32, #tpu.memory_space<hbm>> -> memref<1x1x1024xf32, #tpu.memory_space<hbm>>
    %dma_wait3A_614 = tpu.memref_squeeze %dma_wait3A_613 : memref<1x1x1024xf32, #tpu.memory_space<hbm>> -> memref<1024xf32, #tpu.memory_space<hbm>>
    %dma_wait3A_615 = arith.constant 0 : i32
    %dma_wait3A_616 = tpu.memref_slice %arg4[%dma_wait3A_610, %dma_wait3A_611, %dma_wait3A_615] : memref<100x16x16384xf32, #tpu.memory_space<hbm>> -> memref<1x1x1024xf32, #tpu.memory_space<hbm>>
    %dma_wait3A_617 = tpu.memref_squeeze %dma_wait3A_616 : memref<1x1x1024xf32, #tpu.memory_space<hbm>> -> memref<1024xf32, #tpu.memory_space<hbm>>
    tpu.wait_dma2 semaphore(%arg14 : memref<!tpu.dma_semaphore, #tpu.memory_space<semaphore_mem>>) src(%arg10 : memref<1024xf32, #tpu.memory_space<vmem>>) dst(%dma_wait3A_617 : memref<1024xf32, #tpu.memory_space<hbm>>)
    %parallel_loop3A_618 = arith.constant 0 : i32
    %parallel_loop3A_619 = arith.constant 1024 : i32
    %parallel_loop3A_620 = arith.constant 16 : i32
    scf.for %parallel_loop3A_707 = %parallel_loop3A_618 to %parallel_loop3A_619 step %parallel_loop3A_620  : i32 {
      %parallel_loop3A_708 = arith.index_cast %parallel_loop3A_707 : i32 to index
      %parallel_loop3A_709 = tpu.vector_load %arg8[%parallel_loop3A_708] {strides = array<i32>} : memref<1024xi32, #tpu.memory_space<vmem>>, vector<16xi32>,
      %parallel_loop3A_710 = tpu.vector_load_idx %arg5[%parallel_loop3A_709] : memref<100000xf32, #tpu.memory_space<vmem>>[vector<16xi32>], vector<16xf32>,
      %parallel_loop3A_711 = arith.index_cast %parallel_loop3A_707 : i32 to index
      %parallel_loop3A_712 = tpu.vector_load %arg10[%parallel_loop3A_711] {strides = array<i32>} : memref<1024xf32, #tpu.memory_space<vmem>>, vector<16xf32>,
      tpu.vector_store %arg10[%parallel_loop3A_711], %parallel_loop3A_710 {strides = array<i32>} : memref<1024xf32, #tpu.memory_space<vmem>>, vector<16xf32>,
    } {sc.loop_unroll_factor = 8 : i64, sc.parallel_access}
    %add3A_621 = arith.constant 4096 : i32
    %add3A_622 = arith.addi %mul3A_0, %add3A_621 : i32
    %dma_start3A_623 = arith.constant 99 : i32
    %dma_start3A_624 = tpu.memref_slice %arg4[%dma_start3A_623, %arg1, %add3A_622] : memref<100x16x16384xf32, #tpu.memory_space<hbm>> -> memref<1x1x1024xf32, #tpu.memory_space<hbm>>
    %dma_start3A_625 = tpu.memref_squeeze %dma_start3A_624 : memref<1x1x1024xf32, #tpu.memory_space<hbm>> -> memref<1024xf32, #tpu.memory_space<hbm>>
    %dma_start3A_626 = tpu.memref_slice %arg4[%dma_start3A_623, %arg1, %add3A_622] : memref<100x16x16384xf32, #tpu.memory_space<hbm>> -> memref<1x1x1024xf32, #tpu.memory_space<hbm>>
    %dma_start3A_627 = tpu.memref_squeeze %dma_start3A_626 : memref<1x1x1024xf32, #tpu.memory_space<hbm>> -> memref<1024xf32, #tpu.memory_space<hbm>>
    tpu.enqueue_dma source(%arg10 : memref<1024xf32, #tpu.memory_space<vmem>>) target(%dma_start3A_627 : memref<1024xf32, #tpu.memory_space<hbm>>) target_semaphore(%arg14 : memref<!tpu.dma_semaphore, #tpu.memory_space<semaphore_mem>>)
    %add3A_628 = arith.constant 5120 : i32
    %add3A_629 = arith.addi %mul3A_0, %add3A_628 : i32
    %run_scoped3A_630 = arith.constant 99 : i32
    "tpu.region"() ({
      %run_scoped3A_707 = tpu.sem_alloc : memref<!tpu.dma_semaphore, #tpu.memory_space<semaphore_mem>>
      %dma_start3A_708 = tpu.memref_slice %arg2[%run_scoped3A_630, %add3A_629] : memref<100x16384xi32, #tpu.memory_space<hbm>> -> memref<1x1024xi32, #tpu.memory_space<hbm>>
      %dma_start3A_709 = tpu.memref_squeeze %dma_start3A_708 : memref<1x1024xi32, #tpu.memory_space<hbm>> -> memref<1024xi32, #tpu.memory_space<hbm>>
      %dma_start3A_710 = tpu.memref_slice %arg2[%run_scoped3A_630, %add3A_629] : memref<100x16384xi32, #tpu.memory_space<hbm>> -> memref<1x1024xi32, #tpu.memory_space<hbm>>
      %dma_start3A_711 = tpu.memref_squeeze %dma_start3A_710 : memref<1x1024xi32, #tpu.memory_space<hbm>> -> memref<1024xi32, #tpu.memory_space<hbm>>
      tpu.enqueue_dma source(%dma_start3A_711 : memref<1024xi32, #tpu.memory_space<hbm>>) target(%arg9 : memref<1024xi32, #tpu.memory_space<vmem>>) target_semaphore(%run_scoped3A_707 : memref<!tpu.dma_semaphore, #tpu.memory_space<semaphore_mem>>)
      %dma_wait3A_712 = tpu.memref_slice %arg2[%run_scoped3A_630, %add3A_629] : memref<100x16384xi32, #tpu.memory_space<hbm>> -> memref<1x1024xi32, #tpu.memory_space<hbm>>
      %dma_wait3A_713 = tpu.memref_squeeze %dma_wait3A_712 : memref<1x1024xi32, #tpu.memory_space<hbm>> -> memref<1024xi32, #tpu.memory_space<hbm>>
      %dma_wait3A_714 = tpu.memref_slice %arg2[%run_scoped3A_630, %add3A_629] : memref<100x16384xi32, #tpu.memory_space<hbm>> -> memref<1x1024xi32, #tpu.memory_space<hbm>>
      %dma_wait3A_715 = tpu.memref_squeeze %dma_wait3A_714 : memref<1x1024xi32, #tpu.memory_space<hbm>> -> memref<1024xi32, #tpu.memory_space<hbm>>
      tpu.wait_dma2 semaphore(%run_scoped3A_707 : memref<!tpu.dma_semaphore, #tpu.memory_space<semaphore_mem>>) src(%dma_wait3A_715 : memref<1024xi32, #tpu.memory_space<hbm>>) dst(%arg9 : memref<1024xi32, #tpu.memory_space<vmem>>)
      tpu.yield
    }) : () -> ()
    %dma_wait3A_631 = arith.constant 0 : i32
    %dma_wait3A_632 = arith.constant 0 : i32
    %dma_wait3A_633 = arith.constant 0 : i32
    %dma_wait3A_634 = tpu.memref_slice %arg4[%dma_wait3A_631, %dma_wait3A_632, %dma_wait3A_633] : memref<100x16x16384xf32, #tpu.memory_space<hbm>> -> memref<1x1x1024xf32, #tpu.memory_space<hbm>>
    %dma_wait3A_635 = tpu.memref_squeeze %dma_wait3A_634 : memref<1x1x1024xf32, #tpu.memory_space<hbm>> -> memref<1024xf32, #tpu.memory_space<hbm>>
    %dma_wait3A_636 = arith.constant 0 : i32
    %dma_wait3A_637 = tpu.memref_slice %arg4[%dma_wait3A_631, %dma_wait3A_632, %dma_wait3A_636] : memref<100x16x16384xf32, #tpu.memory_space<hbm>> -> memref<1x1x1024xf32, #tpu.memory_space<hbm>>
    %dma_wait3A_638 = tpu.memref_squeeze %dma_wait3A_637 : memref<1x1x1024xf32, #tpu.memory_space<hbm>> -> memref<1024xf32, #tpu.memory_space<hbm>>
    tpu.wait_dma2 semaphore(%arg15 : memref<!tpu.dma_semaphore, #tpu.memory_space<semaphore_mem>>) src(%arg11 : memref<1024xf32, #tpu.memory_space<vmem>>) dst(%dma_wait3A_638 : memref<1024xf32, #tpu.memory_space<hbm>>)
    %parallel_loop3A_639 = arith.constant 0 : i32
    %parallel_loop3A_640 = arith.constant 1024 : i32
    %parallel_loop3A_641 = arith.constant 16 : i32
    scf.for %parallel_loop3A_707 = %parallel_loop3A_639 to %parallel_loop3A_640 step %parallel_loop3A_641  : i32 {
      %parallel_loop3A_708 = arith.index_cast %parallel_loop3A_707 : i32 to index
      %parallel_loop3A_709 = tpu.vector_load %arg9[%parallel_loop3A_708] {strides = array<i32>} : memref<1024xi32, #tpu.memory_space<vmem>>, vector<16xi32>,
      %parallel_loop3A_710 = tpu.vector_load_idx %arg5[%parallel_loop3A_709] : memref<100000xf32, #tpu.memory_space<vmem>>[vector<16xi32>], vector<16xf32>,
      %parallel_loop3A_711 = arith.index_cast %parallel_loop3A_707 : i32 to index
      %parallel_loop3A_712 = tpu.vector_load %arg11[%parallel_loop3A_711] {strides = array<i32>} : memref<1024xf32, #tpu.memory_space<vmem>>, vector<16xf32>,
      tpu.vector_store %arg11[%parallel_loop3A_711], %parallel_loop3A_710 {strides = array<i32>} : memref<1024xf32, #tpu.memory_space<vmem>>, vector<16xf32>,
    } {sc.loop_unroll_factor = 8 : i64, sc.parallel_access}
    %add3A_642 = arith.constant 5120 : i32
    %add3A_643 = arith.addi %mul3A_0, %add3A_642 : i32
    %dma_start3A_644 = arith.constant 99 : i32
    %dma_start3A_645 = tpu.memref_slice %arg4[%dma_start3A_644, %arg1, %add3A_643] : memref<100x16x16384xf32, #tpu.memory_space<hbm>> -> memref<1x1x1024xf32, #tpu.memory_space<hbm>>
    %dma_start3A_646 = tpu.memref_squeeze %dma_start3A_645 : memref<1x1x1024xf32, #tpu.memory_space<hbm>> -> memref<1024xf32, #tpu.memory_space<hbm>>
    %dma_start3A_647 = tpu.memref_slice %arg4[%dma_start3A_644, %arg1, %add3A_643] : memref<100x16x16384xf32, #tpu.memory_space<hbm>> -> memref<1x1x1024xf32, #tpu.memory_space<hbm>>
    %dma_start3A_648 = tpu.memref_squeeze %dma_start3A_647 : memref<1x1x1024xf32, #tpu.memory_space<hbm>> -> memref<1024xf32, #tpu.memory_space<hbm>>
    tpu.enqueue_dma source(%arg11 : memref<1024xf32, #tpu.memory_space<vmem>>) target(%dma_start3A_648 : memref<1024xf32, #tpu.memory_space<hbm>>) target_semaphore(%arg15 : memref<!tpu.dma_semaphore, #tpu.memory_space<semaphore_mem>>)
    %add3A_649 = arith.constant 6144 : i32
    %add3A_650 = arith.addi %mul3A_0, %add3A_649 : i32
    %run_scoped3A_651 = arith.constant 99 : i32
    "tpu.region"() ({
      %run_scoped3A_707 = tpu.sem_alloc : memref<!tpu.dma_semaphore, #tpu.memory_space<semaphore_mem>>
      %dma_start3A_708 = tpu.memref_slice %arg2[%run_scoped3A_651, %add3A_650] : memref<100x16384xi32, #tpu.memory_space<hbm>> -> memref<1x1024xi32, #tpu.memory_space<hbm>>
      %dma_start3A_709 = tpu.memref_squeeze %dma_start3A_708 : memref<1x1024xi32, #tpu.memory_space<hbm>> -> memref<1024xi32, #tpu.memory_space<hbm>>
      %dma_start3A_710 = tpu.memref_slice %arg2[%run_scoped3A_651, %add3A_650] : memref<100x16384xi32, #tpu.memory_space<hbm>> -> memref<1x1024xi32, #tpu.memory_space<hbm>>
      %dma_start3A_711 = tpu.memref_squeeze %dma_start3A_710 : memref<1x1024xi32, #tpu.memory_space<hbm>> -> memref<1024xi32, #tpu.memory_space<hbm>>
      tpu.enqueue_dma source(%dma_start3A_711 : memref<1024xi32, #tpu.memory_space<hbm>>) target(%arg8 : memref<1024xi32, #tpu.memory_space<vmem>>) target_semaphore(%run_scoped3A_707 : memref<!tpu.dma_semaphore, #tpu.memory_space<semaphore_mem>>)
      %dma_wait3A_712 = tpu.memref_slice %arg2[%run_scoped3A_651, %add3A_650] : memref<100x16384xi32, #tpu.memory_space<hbm>> -> memref<1x1024xi32, #tpu.memory_space<hbm>>
      %dma_wait3A_713 = tpu.memref_squeeze %dma_wait3A_712 : memref<1x1024xi32, #tpu.memory_space<hbm>> -> memref<1024xi32, #tpu.memory_space<hbm>>
      %dma_wait3A_714 = tpu.memref_slice %arg2[%run_scoped3A_651, %add3A_650] : memref<100x16384xi32, #tpu.memory_space<hbm>> -> memref<1x1024xi32, #tpu.memory_space<hbm>>
      %dma_wait3A_715 = tpu.memref_squeeze %dma_wait3A_714 : memref<1x1024xi32, #tpu.memory_space<hbm>> -> memref<1024xi32, #tpu.memory_space<hbm>>
      tpu.wait_dma2 semaphore(%run_scoped3A_707 : memref<!tpu.dma_semaphore, #tpu.memory_space<semaphore_mem>>) src(%dma_wait3A_715 : memref<1024xi32, #tpu.memory_space<hbm>>) dst(%arg8 : memref<1024xi32, #tpu.memory_space<vmem>>)
      tpu.yield
    }) : () -> ()
    %dma_wait3A_652 = arith.constant 0 : i32
    %dma_wait3A_653 = arith.constant 0 : i32
    %dma_wait3A_654 = arith.constant 0 : i32
    %dma_wait3A_655 = tpu.memref_slice %arg4[%dma_wait3A_652, %dma_wait3A_653, %dma_wait3A_654] : memref<100x16x16384xf32, #tpu.memory_space<hbm>> -> memref<1x1x1024xf32, #tpu.memory_space<hbm>>
    %dma_wait3A_656 = tpu.memref_squeeze %dma_wait3A_655 : memref<1x1x1024xf32, #tpu.memory_space<hbm>> -> memref<1024xf32, #tpu.memory_space<hbm>>
    %dma_wait3A_657 = arith.constant 0 : i32
    %dma_wait3A_658 = tpu.memref_slice %arg4[%dma_wait3A_652, %dma_wait3A_653, %dma_wait3A_657] : memref<100x16x16384xf32, #tpu.memory_space<hbm>> -> memref<1x1x1024xf32, #tpu.memory_space<hbm>>
    %dma_wait3A_659 = tpu.memref_squeeze %dma_wait3A_658 : memref<1x1x1024xf32, #tpu.memory_space<hbm>> -> memref<1024xf32, #tpu.memory_space<hbm>>
    tpu.wait_dma2 semaphore(%arg14 : memref<!tpu.dma_semaphore, #tpu.memory_space<semaphore_mem>>) src(%arg10 : memref<1024xf32, #tpu.memory_space<vmem>>) dst(%dma_wait3A_659 : memref<1024xf32, #tpu.memory_space<hbm>>)
    %parallel_loop3A_660 = arith.constant 0 : i32
    %parallel_loop3A_661 = arith.constant 1024 : i32
    %parallel_loop3A_662 = arith.constant 16 : i32
    scf.for %parallel_loop3A_707 = %parallel_loop3A_660 to %parallel_loop3A_661 step %parallel_loop3A_662  : i32 {
      %parallel_loop3A_708 = arith.index_cast %parallel_loop3A_707 : i32 to index
      %parallel_loop3A_709 = tpu.vector_load %arg8[%parallel_loop3A_708] {strides = array<i32>} : memref<1024xi32, #tpu.memory_space<vmem>>, vector<16xi32>,
      %parallel_loop3A_710 = tpu.vector_load_idx %arg5[%parallel_loop3A_709] : memref<100000xf32, #tpu.memory_space<vmem>>[vector<16xi32>], vector<16xf32>,
      %parallel_loop3A_711 = arith.index_cast %parallel_loop3A_707 : i32 to index
      %parallel_loop3A_712 = tpu.vector_load %arg10[%parallel_loop3A_711] {strides = array<i32>} : memref<1024xf32, #tpu.memory_space<vmem>>, vector<16xf32>,
      tpu.vector_store %arg10[%parallel_loop3A_711], %parallel_loop3A_710 {strides = array<i32>} : memref<1024xf32, #tpu.memory_space<vmem>>, vector<16xf32>,
    } {sc.loop_unroll_factor = 8 : i64, sc.parallel_access}
    %add3A_663 = arith.constant 6144 : i32
    %add3A_664 = arith.addi %mul3A_0, %add3A_663 : i32
    %dma_start3A_665 = arith.constant 99 : i32
    %dma_start3A_666 = tpu.memref_slice %arg4[%dma_start3A_665, %arg1, %add3A_664] : memref<100x16x16384xf32, #tpu.memory_space<hbm>> -> memref<1x1x1024xf32, #tpu.memory_space<hbm>>
    %dma_start3A_667 = tpu.memref_squeeze %dma_start3A_666 : memref<1x1x1024xf32, #tpu.memory_space<hbm>> -> memref<1024xf32, #tpu.memory_space<hbm>>
    %dma_start3A_668 = tpu.memref_slice %arg4[%dma_start3A_665, %arg1, %add3A_664] : memref<100x16x16384xf32, #tpu.memory_space<hbm>> -> memref<1x1x1024xf32, #tpu.memory_space<hbm>>
    %dma_start3A_669 = tpu.memref_squeeze %dma_start3A_668 : memref<1x1x1024xf32, #tpu.memory_space<hbm>> -> memref<1024xf32, #tpu.memory_space<hbm>>
    tpu.enqueue_dma source(%arg10 : memref<1024xf32, #tpu.memory_space<vmem>>) target(%dma_start3A_669 : memref<1024xf32, #tpu.memory_space<hbm>>) target_semaphore(%arg14 : memref<!tpu.dma_semaphore, #tpu.memory_space<semaphore_mem>>)
    %add3A_670 = arith.constant 7168 : i32
    %add3A_671 = arith.addi %mul3A_0, %add3A_670 : i32
    %run_scoped3A_672 = arith.constant 99 : i32
    "tpu.region"() ({
      %run_scoped3A_707 = tpu.sem_alloc : memref<!tpu.dma_semaphore, #tpu.memory_space<semaphore_mem>>
      %dma_start3A_708 = tpu.memref_slice %arg2[%run_scoped3A_672, %add3A_671] : memref<100x16384xi32, #tpu.memory_space<hbm>> -> memref<1x1024xi32, #tpu.memory_space<hbm>>
      %dma_start3A_709 = tpu.memref_squeeze %dma_start3A_708 : memref<1x1024xi32, #tpu.memory_space<hbm>> -> memref<1024xi32, #tpu.memory_space<hbm>>
      %dma_start3A_710 = tpu.memref_slice %arg2[%run_scoped3A_672, %add3A_671] : memref<100x16384xi32, #tpu.memory_space<hbm>> -> memref<1x1024xi32, #tpu.memory_space<hbm>>
      %dma_start3A_711 = tpu.memref_squeeze %dma_start3A_710 : memref<1x1024xi32, #tpu.memory_space<hbm>> -> memref<1024xi32, #tpu.memory_space<hbm>>
      tpu.enqueue_dma source(%dma_start3A_711 : memref<1024xi32, #tpu.memory_space<hbm>>) target(%arg9 : memref<1024xi32, #tpu.memory_space<vmem>>) target_semaphore(%run_scoped3A_707 : memref<!tpu.dma_semaphore, #tpu.memory_space<semaphore_mem>>)
      %dma_wait3A_712 = tpu.memref_slice %arg2[%run_scoped3A_672, %add3A_671] : memref<100x16384xi32, #tpu.memory_space<hbm>> -> memref<1x1024xi32, #tpu.memory_space<hbm>>
      %dma_wait3A_713 = tpu.memref_squeeze %dma_wait3A_712 : memref<1x1024xi32, #tpu.memory_space<hbm>> -> memref<1024xi32, #tpu.memory_space<hbm>>
      %dma_wait3A_714 = tpu.memref_slice %arg2[%run_scoped3A_672, %add3A_671] : memref<100x16384xi32, #tpu.memory_space<hbm>> -> memref<1x1024xi32, #tpu.memory_space<hbm>>
      %dma_wait3A_715 = tpu.memref_squeeze %dma_wait3A_714 : memref<1x1024xi32, #tpu.memory_space<hbm>> -> memref<1024xi32, #tpu.memory_space<hbm>>
      tpu.wait_dma2 semaphore(%run_scoped3A_707 : memref<!tpu.dma_semaphore, #tpu.memory_space<semaphore_mem>>) src(%dma_wait3A_715 : memref<1024xi32, #tpu.memory_space<hbm>>) dst(%arg9 : memref<1024xi32, #tpu.memory_space<vmem>>)
      tpu.yield
    }) : () -> ()
    %dma_wait3A_673 = arith.constant 0 : i32
    %dma_wait3A_674 = arith.constant 0 : i32
    %dma_wait3A_675 = arith.constant 0 : i32
    %dma_wait3A_676 = tpu.memref_slice %arg4[%dma_wait3A_673, %dma_wait3A_674, %dma_wait3A_675] : memref<100x16x16384xf32, #tpu.memory_space<hbm>> -> memref<1x1x1024xf32, #tpu.memory_space<hbm>>
    %dma_wait3A_677 = tpu.memref_squeeze %dma_wait3A_676 : memref<1x1x1024xf32, #tpu.memory_space<hbm>> -> memref<1024xf32, #tpu.memory_space<hbm>>
    %dma_wait3A_678 = arith.constant 0 : i32
    %dma_wait3A_679 = tpu.memref_slice %arg4[%dma_wait3A_673, %dma_wait3A_674, %dma_wait3A_678] : memref<100x16x16384xf32, #tpu.memory_space<hbm>> -> memref<1x1x1024xf32, #tpu.memory_space<hbm>>
    %dma_wait3A_680 = tpu.memref_squeeze %dma_wait3A_679 : memref<1x1x1024xf32, #tpu.memory_space<hbm>> -> memref<1024xf32, #tpu.memory_space<hbm>>
    tpu.wait_dma2 semaphore(%arg15 : memref<!tpu.dma_semaphore, #tpu.memory_space<semaphore_mem>>) src(%arg11 : memref<1024xf32, #tpu.memory_space<vmem>>) dst(%dma_wait3A_680 : memref<1024xf32, #tpu.memory_space<hbm>>)
    %parallel_loop3A_681 = arith.constant 0 : i32
    %parallel_loop3A_682 = arith.constant 1024 : i32
    %parallel_loop3A_683 = arith.constant 16 : i32
    scf.for %parallel_loop3A_707 = %parallel_loop3A_681 to %parallel_loop3A_682 step %parallel_loop3A_683  : i32 {
      %parallel_loop3A_708 = arith.index_cast %parallel_loop3A_707 : i32 to index
      %parallel_loop3A_709 = tpu.vector_load %arg9[%parallel_loop3A_708] {strides = array<i32>} : memref<1024xi32, #tpu.memory_space<vmem>>, vector<16xi32>,
      %parallel_loop3A_710 = tpu.vector_load_idx %arg5[%parallel_loop3A_709] : memref<100000xf32, #tpu.memory_space<vmem>>[vector<16xi32>], vector<16xf32>,
      %parallel_loop3A_711 = arith.index_cast %parallel_loop3A_707 : i32 to index
      %parallel_loop3A_712 = tpu.vector_load %arg11[%parallel_loop3A_711] {strides = array<i32>} : memref<1024xf32, #tpu.memory_space<vmem>>, vector<16xf32>,
      tpu.vector_store %arg11[%parallel_loop3A_711], %parallel_loop3A_710 {strides = array<i32>} : memref<1024xf32, #tpu.memory_space<vmem>>, vector<16xf32>,
    } {sc.loop_unroll_factor = 8 : i64, sc.parallel_access}
    %add3A_684 = arith.constant 7168 : i32
    %add3A_685 = arith.addi %mul3A_0, %add3A_684 : i32
    %dma_start3A_686 = arith.constant 99 : i32
    %dma_start3A_687 = tpu.memref_slice %arg4[%dma_start3A_686, %arg1, %add3A_685] : memref<100x16x16384xf32, #tpu.memory_space<hbm>> -> memref<1x1x1024xf32, #tpu.memory_space<hbm>>
    %dma_start3A_688 = tpu.memref_squeeze %dma_start3A_687 : memref<1x1x1024xf32, #tpu.memory_space<hbm>> -> memref<1024xf32, #tpu.memory_space<hbm>>
    %dma_start3A_689 = tpu.memref_slice %arg4[%dma_start3A_686, %arg1, %add3A_685] : memref<100x16x16384xf32, #tpu.memory_space<hbm>> -> memref<1x1x1024xf32, #tpu.memory_space<hbm>>
    %dma_start3A_690 = tpu.memref_squeeze %dma_start3A_689 : memref<1x1x1024xf32, #tpu.memory_space<hbm>> -> memref<1024xf32, #tpu.memory_space<hbm>>
    tpu.enqueue_dma source(%arg11 : memref<1024xf32, #tpu.memory_space<vmem>>) target(%dma_start3A_690 : memref<1024xf32, #tpu.memory_space<hbm>>) target_semaphore(%arg15 : memref<!tpu.dma_semaphore, #tpu.memory_space<semaphore_mem>>)
    %dma_wait3A_691 = arith.constant 0 : i32
    %dma_wait3A_692 = arith.constant 0 : i32
    %dma_wait3A_693 = arith.constant 0 : i32
    %dma_wait3A_694 = tpu.memref_slice %arg4[%dma_wait3A_691, %dma_wait3A_692, %dma_wait3A_693] : memref<100x16x16384xf32, #tpu.memory_space<hbm>> -> memref<1x1x1024xf32, #tpu.memory_space<hbm>>
    %dma_wait3A_695 = tpu.memref_squeeze %dma_wait3A_694 : memref<1x1x1024xf32, #tpu.memory_space<hbm>> -> memref<1024xf32, #tpu.memory_space<hbm>>
    %dma_wait3A_696 = arith.constant 0 : i32
    %dma_wait3A_697 = tpu.memref_slice %arg4[%dma_wait3A_691, %dma_wait3A_692, %dma_wait3A_696] : memref<100x16x16384xf32, #tpu.memory_space<hbm>> -> memref<1x1x1024xf32, #tpu.memory_space<hbm>>
    %dma_wait3A_698 = tpu.memref_squeeze %dma_wait3A_697 : memref<1x1x1024xf32, #tpu.memory_space<hbm>> -> memref<1024xf32, #tpu.memory_space<hbm>>
    tpu.wait_dma2 semaphore(%arg14 : memref<!tpu.dma_semaphore, #tpu.memory_space<semaphore_mem>>) src(%arg10 : memref<1024xf32, #tpu.memory_space<vmem>>) dst(%dma_wait3A_698 : memref<1024xf32, #tpu.memory_space<hbm>>)
    %dma_wait3A_699 = arith.constant 0 : i32
    %dma_wait3A_700 = arith.constant 0 : i32
    %dma_wait3A_701 = arith.constant 0 : i32
    %dma_wait3A_702 = tpu.memref_slice %arg4[%dma_wait3A_699, %dma_wait3A_700, %dma_wait3A_701] : memref<100x16x16384xf32, #tpu.memory_space<hbm>> -> memref<1x1x1024xf32, #tpu.memory_space<hbm>>
    %dma_wait3A_703 = tpu.memref_squeeze %dma_wait3A_702 : memref<1x1x1024xf32, #tpu.memory_space<hbm>> -> memref<1024xf32, #tpu.memory_space<hbm>>
    %dma_wait3A_704 = arith.constant 0 : i32
    %dma_wait3A_705 = tpu.memref_slice %arg4[%dma_wait3A_699, %dma_wait3A_700, %dma_wait3A_704] : memref<100x16x16384xf32, #tpu.memory_space<hbm>> -> memref<1x1x1024xf32, #tpu.memory_space<hbm>>
    %dma_wait3A_706 = tpu.memref_squeeze %dma_wait3A_705 : memref<1x1x1024xf32, #tpu.memory_space<hbm>> -> memref<1024xf32, #tpu.memory_space<hbm>>
    tpu.wait_dma2 semaphore(%arg15 : memref<!tpu.dma_semaphore, #tpu.memory_space<semaphore_mem>>) src(%arg11 : memref<1024xf32, #tpu.memory_space<vmem>>) dst(%dma_wait3A_706 : memref<1024xf32, #tpu.memory_space<hbm>>)
    return
  }
}

</mosaic_0001>

<sc_bundles>
// kernel: kernel.3.cloned.1.call-start
scs
__scs_entry_jumppad:
0x0: {  	(pc) =	sbr.rel $0x88, $3  }
0x1: {  	(tag) =	ssettag $0x0;
	lr =	simm.s32 $0x1  }
0x2: {  	[smem:$0x3F9F] =	sst lr;
	_ =	strace $0xD0000000  }
0x3: {  	_ = 	snop  }
0x4: {  	_ = 	snop  }
0x5: {  	_ = 	snop  }
0x6: {  	_ = 	snop  }
0x7: {  	_ = 	snop  }
__scs_overlays_trampoline_lowered:
0x8: {  	[smem:$0x3FAE] =	sst s0  }
0x9: {  	[smem:$0x3FAF] =	sst s1  }
0xa: {  	[smem:$0x3FB0] =	sst s2  }
0xb: {  	[smem:$0x3FB1] =	sst s3  }
0xc: {  	[smem:$0x3FB2] =	sst s4  }
0xd: {  	[smem:$0x3FB3] =	sst s5  }
0xe: {  	[smem:$0x3FB4] =	sst s6  }
0xf: {  	[smem:$0x3FB5] =	sst s7  }
0x10: {  	[smem:$0x3FB6] =	sst s8  }
0x11: {  	[smem:$0x3FB7] =	sst s9;
	s0 =	simm.s32 @!p0 $0x0  }
0x12: {  	s1 =	sld [smem:$0x3F9D];
	s0 =	simm.s32 @p0 $0x1  }
0x13: {  	[smem:$0x3FB8] =	sst s0;
	s0 =	simm.s32 @!p1 $0x0  }
0x14: {  	s2 =	sld [smem:$0x3F9C];
	s0 =	simm.s32 @p1 $0x1  }
0x15: {  	[smem:$0x3FB9] =	sst s0;
	s0 =	simm.s32 @!p2 $0x0  }
0x16: {  	s3 =	sld [smem:$0x3FDB];
	s0 =	simm.s32 @p2 $0x1  }
0x17: {  	s4 =	simm.s32 $0x1BF5;
	[smem:$0x3FBB] =	sst s0  }
0x18: {  	s0 =	sld [smem:$0x3F9E];
	_ =	swait.ge [sflag:s4], $0x0  }
0x19: {  	s7 =	sld [smem:$0x3F9F]  }
0x1a: {  	s8 =	sadd.s32 $0xFFFFE003, lr  }
0x1b: {  	s9 =	sadd.s32 $0xFFFFFEF7, lr;
	s5 =	simm.s32 $0xFFFFFFFF;
	p2 =	slt.u32 s8, $0xFFFFF086  }
0x1c: {  	p1 =	slt.u32 s9, $0xF7A;
	s5 =	simm.s32 @!p2 $0x0  }
0x1d: {  	s5 =	simm.s32 @p1 $0x1;
	p0 =	seq.s32 s7, s2  }
0x1e: {  	s7 =	smul.u32 @!p0 $0xF7A, s2;
	p2 =	seq.s32 @!p0 s5, $0x0  }
0x1f: {  	s9 =	smul.u32 $0xF7A, s1;
	s8 =	simm.s32 @!p0 $0x1BF5;
	p2 =	por !p2, p0  }
0x20: {  	[sflag:s8] =	ssyncset.s32 @!p0 $0xFFFFF086;
	s6 =	sadd.s32 @!p0 s3, s7;
	s7 =	simm.s32 @!p0 $0x108  }
0x21: {  	s3 =	sadd.s32 s3, s9;
	s6 =	sadd.s32 @!p0 $0x88, s6;
	s7 =	simm.s32 @p2 $0x1082  }
0x22: {  	[simem:s7], [sflag:s8] =	dma.local @!p0 [hbm:s6], $0xF7A  }
0x23: {  	s9 =	sor.u32 $0xD0000000, s2;
	s6 =	simm.s32 $0x108;
	_ =	swait.ge @!p0 [sflag:s8], $0x0  }
0x24: {  	s3 =	sadd.s32 $0x88, s3;
	s6 =	simm.s32 @!p1 $0x1082;
	[sflag:s4] =	ssyncset.s32 $0xFFFFF086  }
0x25: {  	[simem:s6], [sflag:s4] =	dma.local [hbm:s3], $0xF7A  }
0x26: {  	[smem:$0x3F9F] =	sst s1;
	(tag) =	ssettag s2;
	_ =	strace s9  }
0x27: {  	s1 =	sld [smem:$0x3FAF]  }
0x28: {  	s2 =	sld [smem:$0x3FB0]  }
0x29: {  	s4 =	sld [smem:$0x3FB2]  }
0x2a: {  	p0 =	seq.s32 s5, $0x0;
	s5 =	sld [smem:$0x3FB3]  }
0x2b: {  	s6 =	sld [smem:$0x3FB4]  }
0x2c: {  	s7 =	sld [smem:$0x3FB5]  }
0x2d: {  	s3 =	simm.s32 $0x108;
	s8 =	sld [smem:$0x3FB6]  }
0x2e: {  	s3 =	simm.s32 @!p0 $0x1082;
	s9 =	sld [smem:$0x3FB7]  }
0x2f: {  	lr =	sadd.s32 s0, s3;
	s0 =	sld [smem:$0x3FAE]  }
0x30: {  	s3 =	sld [smem:$0x3FB1]  }
0x31: {  	[smem:$0x3FBA] =	sst s10  }
0x32: {  	s10 =	sld [smem:$0x3FB8];
	_ =	sdelay $0x3  }
0x33: {  	p0 =	seq.s32 s10, $0x1;
	s10 =	sld [smem:$0x3FBA];
	_ =	sdelay $0x3  }
0x34: {  	[smem:$0x3FBA] =	sst s10  }
0x35: {  	s10 =	sld [smem:$0x3FB9];
	_ =	sdelay $0x3  }
0x36: {  	p1 =	seq.s32 s10, $0x1;
	s10 =	sld [smem:$0x3FBA];
	_ =	sdelay $0x3  }
0x37: {  	[smem:$0x3FBA] =	sst s10  }
0x38: {  	s10 =	sld [smem:$0x3FBB]  }
0x39: {  	_ = 	snop;
	(pc) =	sbr.ind lr, $3  }
0x3a: {  	_ = 	snop  }
0x3b: {  	_ = 	snop  }
0x3c: {  	p2 =	seq.s32 s10, $0x1;
	s10 =	sld [smem:$0x3FBA]  }
0x3d: {  	_ =	shalt  }
0x3e: {  	_ =	shalt  }
0x3f: {  	_ =	shalt  }
0x40: {  	_ =	shalt  }
0x41: {  	_ =	shalt  }
0x42: {  	_ =	shalt  }
0x43: {  	_ =	shalt  }
0x44: {  	_ =	shalt  }
0x45: {  	_ =	shalt  }
0x46: {  	_ =	shalt  }
0x47: {  	_ =	shalt  }
0x48: {  	_ =	shalt  }
0x49: {  	_ =	shalt  }
0x4a: {  	_ =	shalt  }
0x4b: {  	_ =	shalt  }
0x4c: {  	_ =	shalt  }
0x4d: {  	_ =	shalt  }
0x4e: {  	_ =	shalt  }
0x4f: {  	_ =	shalt  }
0x50: {  	_ =	shalt  }
0x51: {  	_ =	shalt  }
0x52: {  	_ =	shalt  }
0x53: {  	_ =	shalt  }
0x54: {  	_ =	shalt  }
0x55: {  	_ =	shalt  }
0x56: {  	_ =	shalt  }
0x57: {  	_ =	shalt  }
0x58: {  	_ =	shalt  }
0x59: {  	_ =	shalt  }
0x5a: {  	_ =	shalt  }
0x5b: {  	_ =	shalt  }
0x5c: {  	_ =	shalt  }
0x5d: {  	_ =	shalt  }
0x5e: {  	_ =	shalt  }
0x5f: {  	_ =	shalt  }
0x60: {  	_ =	shalt  }
0x61: {  	_ =	shalt  }
0x62: {  	_ =	shalt  }
0x63: {  	_ =	shalt  }
0x64: {  	_ =	shalt  }
0x65: {  	_ =	shalt  }
0x66: {  	_ =	shalt  }
0x67: {  	_ =	shalt  }
0x68: {  	_ =	shalt  }
0x69: {  	_ =	shalt  }
0x6a: {  	_ =	shalt  }
0x6b: {  	_ =	shalt  }
0x6c: {  	_ =	shalt  }
0x6d: {  	_ =	shalt  }
0x6e: {  	_ =	shalt  }
0x6f: {  	_ =	shalt  }
0x70: {  	_ =	shalt  }
0x71: {  	_ =	shalt  }
0x72: {  	_ =	shalt  }
0x73: {  	_ =	shalt  }
0x74: {  	_ =	shalt  }
0x75: {  	_ =	shalt  }
0x76: {  	_ =	shalt  }
0x77: {  	_ =	shalt  }
0x78: {  	_ =	shalt  }
0x79: {  	_ =	shalt  }
0x7a: {  	_ =	shalt  }
0x7b: {  	_ =	shalt  }
0x7c: {  	_ =	shalt  }
0x7d: {  	_ =	shalt  }
0x7e: {  	_ =	shalt  }
0x7f: {  	_ =	shalt  }
0x80: {  	_ =	shalt  }
0x81: {  	_ =	shalt  }
0x82: {  	_ =	shalt  }
0x83: {  	_ =	shalt  }
0x84: {  	_ =	shalt  }
0x85: {  	_ =	shalt  }
0x86: {  	_ =	shalt  }
0x87: {  	_ =	shalt  }
.Lfunc_end0:
.L_simem_size_0:
called_computation_lowered:
.L_overlay_start_0:
0x88: {  	s2 =	sld [smem:$0x3FD9]  }
0x89: {  	s3 =	sld [smem:$0x3FFE];
	_ =	sdelay $0x1  }
0x8a: {  	s1 =	srdreg.scid  }
0x8b: {  	s0 =	sand.u32 $0x1, s1  }
0x8c: {  	s18 =	sshll.u32 s0, $0xA;
	s2 =	sadd.s32 s3, s2  }
0x8d: {  	s2 =	sadd.s32 s2, s18  }
0x8e: {  	[smem:$0x3FC6] =	sst s2  }
0x8f: {  	_ = 	snop  }
0x90: {  	s2 =	sld [smem:$0x3FC9]  }
0x91: {  	s19 =	sld [smem:$0x3FC8]  }
0x92: {  	s4 =	sld [smem:$0x3FD0];
	(tm) =	ssettm $0x1  }
0x93: {  	s5 =	sld [smem:$0x3FFB];
	_ =	sdelay $0x3  }
0x94: {  	_ =	strace s5  }
0x95: {  	s5 =	sld [smem:$0x3FFC];
	_ =	sdelay $0x3  }
0x96: {  	_ =	strace s5  }
0x97: {  	s5 =	sld [smem:$0x3FFD];
	_ =	sdelay $0x3  }
0x98: {  	_ =	strace s5  }
0x99: {  	_ =	strace $0x8FFFFFFF  }
0x9a: {  	s20 =	sld [smem:$0x3FDB];
	_ =	sdelay $0x1  }
0x9b: {  	s6 =	simm.s32 $_scs_section_size  }
0x9c: {  	s7 =	simm.s32 $_size__tile_overlayer_lowered;
	s8 =	simm.s32 $_tile_overlayer_lowered  }
0x9d: {  	s23 =	simm.s32 $0x1BFF;
	s22 =	sshll.u32 s8, $0x1;
	s5 =	sadd.s32 s6, s20  }
0x9e: {  	s9 =	simm.s32 $0x0;
	s21 =	sshll.u32 s7, $0x1;
	s7 =	sadd.s32 s22, s5  }
0x9f: {  	[timem:s9], [sflag:s23] =	dma.local [hbm:s7], s21  }
0xa0: {  	_ =	swait.ge [sflag:s23], s21  }
0xa1: {  	s6 =	ssub.s32 $0x0, s21;
	[sflag:s23] =	ssyncset.done $0x0  }
0xa2: {  	[sflag:s23] =	ssyncadd.s32 s6;
	_ =	sdelay $0x1  }
0xa3: {  	s24 =	simm.s32 $0x1B8B  }
0xa4: {  	_ =	swait.ge [sflag:s24], $0x1  }
0xa5: {  	[sflag:s24] =	ssyncset.done $0x0  }
0xa6: {  	s25 =	simm.s32 $0x1B8E;
	[sflag:s24] =	ssyncadd.s32 $0xFFFFFFFF  }
0xa7: {  	s26 =	simm.s32 $execute0_lowered;
	[smem:$0x3FD2] =	sst s25  }
0xa8: {  	s6 =	sshll.u32 s26, $0x1;
	_ =	strace $0x80000046;
	[dreg:$0x1] =	wrdreg $0xFFFFFFFF  }
0xa9: {  	s28 =	simm.s32 $_size_execute0_lowered;
	s5 =	sadd.s32 s5, s6;
	[dreg:$0x0] =	wrdreg $0x0  }
0xaa: {  	s6 =	sshll.u32 s28, $0x1;
	[dreg:$0x2] =	wrdreg s5  }
0xab: {  	[dreg:$0x3] =	wrdreg s6  }
0xac: {  	[dreg:$0x4] =	wrdreg $0xC0  }
0xad: {  	_ =	task [dreg:s9], $0x5FFFF  }
0xae: {  	[dreg:$0x1] =	wrdreg $0xFFFFFFFF  }
0xaf: {  	[dreg:$0x0] =	wrdreg $0x60  }
0xb0: {  	[dreg:$0x2] =	wrdreg s2  }
0xb1: {  	[dreg:$0x3] =	wrdreg s19  }
0xb2: {  	[dreg:$0x4] =	wrdreg s4  }
0xb3: {  	[dreg:$0x5] =	wrdreg $0x9  }
0xb4: {  	_ =	task.clear_ibuf [dreg:s9], $0x6FFFF;
	_ =	strace $0x90000046  }
0xb5: {  	s29 =	simm.s32 $0x9;
	_ =	strace $0x80000048  }
0xb6: {  	_ =	swait.ge [sflag:s29], $0x1  }
0xb7: {  	[sflag:s29] =	ssyncadd.s32 $0xFFFFFFFF  }
0xb8: {  	_ =	strace $0x90000048  }
0xb9: {  	_ =	sfence  }
0xba: {  	s30 =	sld [smem:$0x0];
	_ =	sdelay $0x2  }
0xbb: {  	s31 =	sshll.u32 s1, $0xD;
	s1 =	sshrl.u32 s1, $0x2  }
0xbc: {  	s3 =	sand.u32 $0x4000, s31;
	s1 =	sadd.s32 s1, s30  }
0xbd: {  	s0 =	sor.u32 s3, s0;
	s1 =	sshll.u32 s1, $0x11  }
0xbe: {  	s0 =	sor.u32 s1, s0  }
0xbf: {  	s0 =	sadd.s32 $0x8F2B, s0  }
0xc0: {  	[sflag:s0] =	ssyncadd.remote.s32 $0x1  }
0xc1: {  	_ =	sfence.sel $0xFFFF  }
0xc2: {  	[dreg:$0x0] =	wrdreg $0xFFFFFFFF;
	(pc) =	sbr.abs _section_cstart, $3  }
0xc3: {  	[dreg:$0x1] =	wrdreg $0xFFFFFFFF  }
0xc4: {  	_ =	task.clear_ibuf [dreg:s9], $0x2FFFF;
	_ =	strace $0x9FFFFFFF  }
0xc5: {  	(tm) =	ssettm $0x7FFFFFFF  }
tec
execute0_lowered:
.L_overlay_start_1:
0x0: {  	(tag) =	ssettag $0x1  }
0x1: {  	s2 =	rddreg [dreg:$0x0];
	s1 =	stileid.u32  }
0x2: {  	s3 =	rddreg [dreg:$0x1];
	s0 =	srdreg.scid  }
0x3: {  	s4 =	sshrl.u32 s1, $0x3;
	s5 =	sand.u32 $0x1, s0;
	s25 =	sshll.u32 s1, $0x7  }
0x4: {  	s1 =	simm.s32 $0x0;
	s6 =	smul.u32 $0xC3800, s4;
	s7 =	ssub.s32 $0x2, s5  }
0x5: {  	s8 =	sand.u32 $0x380, s25;
	[smem:$0x7FF] =	sst s1;
	s4 =	sshll.u32 s4, $0x11  }
0x6: {  	s26 =	sshrl.u32 s7, $0x1;
	s22 =	sor.u32 $0x1840000, s4;
	s6 =	sor.u32 s8, s6  }
0x7: {  	s0 =	ssub.s32 s7, s26;
	s7 =	sshll.u32 s5, $0x10;
	s5 =	sshll.u32 s5, $0xD  }
0x8: {  	[smem:$0x7DD] =	sst s0;
	s6 =	sshrl.u32 s6, $0x3;
	s29 =	sor.u32 $0x2000, s7  }
0x9: {  	s0 =	sor.u32 $0x1800000, s4;
	s28 =	sadd.s32 s3, s6;
	s3 =	sadd.s32 s2, s5  }
0xa: {  	s30 =	sshrl.u32 s29, $0x3;
	s5 =	sor.u32 s7, s8;
	s6 =	sor.u32 s29, s8  }
0xb: {  	s7 =	sor.u32 s7, s4;
	[dreg:$0x4] =	wrdreg s28;
	s31 =	sadd.s32 s2, s30  }
0xc: {  	s9 =	sor.u32 s0, s5;
	s10 =	sor.u32 $0x4000, s5;
	s11 =	sor.u32 s0, s6  }
0xd: {  	s13 =	sor.u32 $0x6000, s5;
	s15 =	sor.u32 $0x8000, s5;
	s16 =	sor.u32 $0xA000, s5  }
0xe: {  	s19 =	sor.u32 $0xC000, s5;
	s21 =	sor.u32 $0xE000, s5;
	s24 =	sor.u32 s22, s5  }
0xf: {  	s25 =	sor.u32 s22, s6;
	[dreg:$0x5] =	wrdreg s31;
	s12 =	sor.u32 s0, s10  }
0x10: {  	s14 =	sor.u32 s0, s13;
	s17 =	sor.u32 s0, s15;
	s18 =	sor.u32 s0, s16  }
0x11: {  	s20 =	sor.u32 s0, s19;
	s23 =	sor.u32 s0, s21;
	s26 =	sor.u32 s22, s10  }
0x12: {  	s28 =	sor.u32 s22, s13;
	s29 =	sor.u32 s22, s15;
	s2 =	sor.u32 s22, s21  }
0x13: {  	s30 =	sor.u32 s22, s16;
	[smem:$0x7CF] =	sst s2;
	s2 =	sor.u32 $0x1880000, s4  }
0x14: {  	s31 =	sor.u32 s22, s19;
	s0 =	sor.u32 $0x18C0000, s4;
	s22 =	sor.u32 s2, s6  }
0x15: {  	s9 =	sshrl.u32 s9, $0x3;
	s6 =	sor.u32 s0, s6;
	[smem:$0x7D0] =	sst s22  }
0x16: {  	s23 =	sshrl.u32 s23, $0x3;
	s4 =	sor.u32 s2, s5;
	[smem:$0x7D6] =	sst s6  }
0x17: {  	s22 =	sor.u32 s2, s10;
	s6 =	sor.u32 s8, s7;
	s7 =	rddreg [dreg:$0x2]  }
0x18: {  	s5 =	sor.u32 s0, s5;
	s10 =	sor.u32 s0, s10;
	[smem:$0x7D1] =	sst s22  }
0x19: {  	s22 =	sor.u32 s2, s13;
	s13 =	sor.u32 s0, s13;
	s8 =	sadd.s32 s7, s9  }
0x1a: {  	s9 =	sshrl.u32 s12, $0x3;
	[smem:$0x7D2] =	sst s22;
	s22 =	sor.u32 s2, s15  }
0x1b: {  	s15 =	sor.u32 s0, s15;
	[smem:$0x7D3] =	sst s22;
	s22 =	sor.u32 s2, s16  }
0x1c: {  	s16 =	sor.u32 s0, s16;
	[smem:$0x7D4] =	sst s22;
	s22 =	sor.u32 s2, s19  }
0x1d: {  	s2 =	sor.u32 s2, s21;
	s19 =	sor.u32 s0, s19;
	s0 =	sor.u32 s0, s21  }
0x1e: {  	s21 =	sshrl.u32 s11, $0x3;
	s11 =	sshrl.u32 s14, $0x3;
	[smem:$0x7D5] =	sst s22  }
0x1f: {  	s22 =	sadd.s32 s7, s21;
	_ =	strace $0x80000047;
	[dreg:$0x6] =	wrdreg s8  }
0x20: {  	s12 =	sshrl.u32 s17, $0x3;
	s14 =	sadd.s32 s7, s11;
	[dreg:$0x7] =	wrdreg s22  }
0x21: {  	s4 =	sshrl.u32 s4, $0x3;
	s17 =	sadd.s32 s7, s12;
	[dreg:$0x9] =	wrdreg s14  }
0x22: {  	s4 =	sadd.s32 s7, s4;
	s21 =	sshrl.u32 s18, $0x3;
	[dreg:$0xa] =	wrdreg s17  }
0x23: {  	s18 =	sshrl.u32 s25, $0x3;
	s8 =	sadd.s32 s7, s9;
	[dreg:$0x16] =	wrdreg s4  }
0x24: {  	s25 =	sshrl.u32 s30, $0x3;
	s14 =	sadd.s32 s7, s23;
	[dreg:$0x8] =	wrdreg s8  }
0x25: {  	s23 =	sshrl.u32 s28, $0x3;
	s28 =	sadd.s32 s7, s25;
	[dreg:$0xd] =	wrdreg s14  }
0x26: {  	[dreg:$0x13] =	wrdreg s28  }
0x27: {  	s2 =	sshrl.u32 s2, $0x3;
	s30 =	sld [smem:$0x7CF]  }
0x28: {  	s22 =	sshrl.u32 s20, $0x3;
	s20 =	sshrl.u32 s26, $0x3;
	s11 =	sld [smem:$0x7D1]  }
0x29: {  	s8 =	sadd.s32 s7, s21;
	s21 =	sadd.s32 s7, s18;
	s18 =	sld [smem:$0x7D3]  }
0x2a: {  	s12 =	sadd.s32 s7, s22;
	s22 =	sadd.s32 s7, s20;
	s20 =	sld [smem:$0x7D4]  }
0x2b: {  	s0 =	sshrl.u32 s0, $0x3;
	s2 =	sadd.s32 s7, s2;
	s25 =	sld [smem:$0x7D6]  }
0x2c: {  	s0 =	sadd.s32 s7, s0;
	[dreg:$0x1d] =	wrdreg s2  }
0x2d: {  	[smem:$0x7DC] =	sst s0  }
0x2e: {  	[dreg:$0xb] =	wrdreg s8  }
0x2f: {  	[dreg:$0xc] =	wrdreg s12  }
0x30: {  	s17 =	sshrl.u32 s24, $0x3;
	s24 =	sshrl.u32 s29, $0x3;
	[dreg:$0xf] =	wrdreg s21  }
0x31: {  	s26 =	sadd.s32 s7, s24;
	[dreg:$0x10] =	wrdreg s22  }
0x32: {  	[dreg:$0x12] =	wrdreg s26  }
0x33: {  	s12 =	sld [smem:$0x7D2]  }
0x34: {  	s24 =	sshrl.u32 s5, $0x3;
	s8 =	sadd.s32 s7, s17;
	s21 =	sld [smem:$0x7D5]  }
0x35: {  	s26 =	sadd.s32 s7, s24;
	[dreg:$0xe] =	wrdreg s8  }
0x36: {  	s24 =	sadd.s32 $0x31400, s3;
	[dreg:$0x1e] =	wrdreg s26  }
0x37: {  	s8 =	sadd.s32 s7, s23;
	[smem:$0x7E4] =	sst s24  }
0x38: {  	s26 =	sadd.s32 $0x31C00, s3;
	[dreg:$0x11] =	wrdreg s8  }
0x39: {  	s29 =	sshrl.u32 s31, $0x3;
	s24 =	sadd.s32 $0x30030, s3;
	[smem:$0x7E6] =	sst s26  }
0x3a: {  	s8 =	sadd.s32 s7, s29;
	[smem:$0x7F7] =	sst s24  }
0x3b: {  	s9 =	sshrl.u32 s30, $0x3;
	[dreg:$0x14] =	wrdreg s8  }
0x3c: {  	s30 =	sshrl.u32 s13, $0x3;
	s31 =	sadd.s32 s7, s9;
	s9 =	sld [smem:$0x7D0]  }
0x3d: {  	s13 =	sadd.s32 $0x30400, s3;
	s8 =	sshrl.u32 s11, $0x3;
	s11 =	sld [smem:$0x7DD]  }
0x3e: {  	s5 =	sshrl.u32 s25, $0x3;
	s25 =	sadd.s32 $0x31800, s3;
	[smem:$0x7E0] =	sst s13  }
0x3f: {  	s26 =	sadd.s32 $0x30830, s3;
	[smem:$0x7E5] =	sst s25  }
0x40: {  	[smem:$0x7F9] =	sst s26  }
0x41: {  	s29 =	sshrl.u32 s10, $0x3;
	s28 =	sadd.s32 s7, s5;
	[dreg:$0x15] =	wrdreg s31  }
0x42: {  	s2 =	sadd.s32 s7, s29;
	[dreg:$0x1f] =	wrdreg s28  }
0x43: {  	s29 =	sadd.s32 $0x30410, s3;
	[smem:$0x7D7] =	sst s2  }
0x44: {  	s13 =	sadd.s32 $0x31020, s3;
	[smem:$0x7E8] =	sst s29  }
0x45: {  	s25 =	sadd.s32 $0x30430, s3;
	[smem:$0x7F3] =	sst s13  }
0x46: {  	s14 =	sadd.s32 s7, s8;
	[smem:$0x7F8] =	sst s25  }
0x47: {  	s28 =	sadd.s32 $0x30010, s3;
	[dreg:$0x18] =	wrdreg s14  }
0x48: {  	s8 =	sshrl.u32 s20, $0x3;
	s29 =	sadd.s32 $0x31030, s3;
	[smem:$0x7E7] =	sst s28  }
0x49: {  	s31 =	sshrl.u32 s15, $0x3;
	s22 =	sadd.s32 s7, s8;
	[smem:$0x7FB] =	sst s29  }
0x4a: {  	s5 =	sadd.s32 s7, s31;
	[dreg:$0x1b] =	wrdreg s22  }
0x4b: {  	s31 =	sadd.s32 $0x30C10, s3;
	[smem:$0x7D9] =	sst s5  }
0x4c: {  	s8 =	sshrl.u32 s16, $0x3;
	s28 =	sadd.s32 $0x30C30, s3;
	[smem:$0x7EA] =	sst s31  }
0x4d: {  	s2 =	sadd.s32 s7, s8;
	[smem:$0x7FA] =	sst s28  }
0x4e: {  	s4 =	sshrl.u32 s9, $0x3;
	s0 =	smax.u32 s11, $0x1;
	[smem:$0x7DA] =	sst s2  }
0x4f: {  	s9 =	sshrl.u32 s12, $0x3;
	s12 =	sadd.s32 $0x30000, s3;
	[smem:$0x7DE] =	sst s0  }
0x50: {  	s22 =	sadd.s32 $0x30C00, s3;
	[smem:$0x7DF] =	sst s12  }
0x51: {  	s24 =	simm.s32 $0x1CB00;
	s5 =	sadd.s32 $0x31810, s3;
	[smem:$0x7E2] =	sst s22  }
0x52: {  	s15 =	sadd.s32 $0x10000, s7;
	s8 =	sadd.s32 $0x31C10, s3;
	[smem:$0x7ED] =	sst s5  }
0x53: {  	s20 =	sadd.s32 $0x38000, s7;
	s11 =	sadd.s32 $0x30820, s3;
	[smem:$0x7EE] =	sst s8  }
0x54: {  	s13 =	simm.s32 $0x3;
	s31 =	sadd.s32 $0x31830, s3;
	[smem:$0x7F1] =	sst s11  }
0x55: {  	s25 =	simm.s32 $0x0;
	s4 =	sadd.s32 s7, s4;
	[smem:$0x7FD] =	sst s31  }
0x56: {  	s14 =	sadd.s32 $0x8000, s7;
	s17 =	sadd.s32 s7, s9;
	[dreg:$0x17] =	wrdreg s4  }
0x57: {  	s9 =	sshrl.u32 s21, $0x3;
	s21 =	sadd.s32 $0x30800, s3;
	[dreg:$0x19] =	wrdreg s17  }
0x58: {  	s16 =	sadd.s32 $0x18000, s7;
	s2 =	sadd.s32 $0x31010, s3;
	[smem:$0x7E1] =	sst s21  }
0x59: {  	s12 =	sadd.s32 $0x30C20, s3;
	s22 =	sadd.s32 $0x31820, s3;
	[smem:$0x7EB] =	sst s2  }
0x5a: {  	s0 =	sadd.s32 $0x31C30, s3;
	s8 =	simm.s32 $0x5;
	[smem:$0x7F2] =	sst s12  }
0x5b: {  	s11 =	simm.s32 $0x1CF00;
	s23 =	sadd.s32 s7, s9;
	[smem:$0x7F5] =	sst s22  }
0x5c: {  	s4 =	sshrl.u32 s18, $0x3;
	s21 =	sadd.s32 $0x31420, s3;
	[dreg:$0x1c] =	wrdreg s23  }
0x5d: {  	s9 =	sshrl.u32 s19, $0x3;
	s4 =	sadd.s32 s7, s4;
	[smem:$0x7F4] =	sst s21  }
0x5e: {  	s17 =	sadd.s32 $0x20000, s7;
	s10 =	sadd.s32 s7, s9;
	[dreg:$0x1a] =	wrdreg s4  }
0x5f: {  	s18 =	sadd.s32 $0x28000, s7;
	s23 =	sadd.s32 $0x31000, s3;
	[smem:$0x7DB] =	sst s10  }
0x60: {  	s19 =	sadd.s32 $0x30000, s7;
	s9 =	sadd.s32 $0x30020, s3;
	[smem:$0x7E3] =	sst s23  }
0x61: {  	s2 =	simm.s32 $0x80;
	s4 =	sadd.s32 s7, s30;
	[smem:$0x7EF] =	sst s9  }
0x62: {  	s12 =	simm.s32 $0x1D300;
	s30 =	sadd.s32 $0x30810, s3;
	[smem:$0x7D8] =	sst s4  }
0x63: {  	s22 =	simm.s32 $0x2;
	s10 =	sadd.s32 $0x30420, s3;
	[smem:$0x7E9] =	sst s30  }
0x64: {  	s21 =	simm.s32 $0x4;
	s23 =	sadd.s32 $0x31C20, s3;
	[smem:$0x7F0] =	sst s10  }
0x65: {  	s9 =	simm.s32 $0x1A700;
	s4 =	sadd.s32 $0x31410, s3;
	[smem:$0x7F6] =	sst s23  }
0x66: {  	s30 =	sadd.s32 $0x31430, s3;
	s10 =	simm.s32 $0x1;
	[smem:$0x7EC] =	sst s4  }
0x67: {  	s23 =	simm.s32 $0x1C700;
	[smem:$0x7FC] =	sst s30;
	s4 =	simm.s32 $0x400  }
.LBB2_1:
0x68: {  	s5 =	rddreg [dreg:$0x4]  }
0x69: {  	[tilespmem:s1], [sflag:$0x5] =	stream.strided.gather [hbm4b:s5+s2], $0x18700, s4, s2, $0x38;
	[tilespmem:$0x1D700] =	vst v63  }
0x6a: {  	_ =	swait.ge [sflag:s8], $0x18700  }
0x6b: {  	[sflag:s8] =	ssyncset.done $0x0  }
0x6c: {  	s30 =	simm.s32 $0x18700;
	[sflag:s8] =	ssyncadd.s32 $0xFFFE7900  }
0x6d: {  	[tilespmem:s30], [sflag:$0x1] =	stream.linear.gather [hbm4b:s3+s1], $0x2000, $0x38;
	[tilespmem:$0x1D700] =	vst v63  }
0x6e: {  	s26 =	simm.s32 $0x0;
	s31 =	rddreg [dreg:$0x5]  }
0x6f: {  	[tilespmem:s9], [sflag:$0x2] =	stream.linear.gather [hbm4b:s31+s1], $0x2000, $0x38;
	[tilespmem:$0x1D700] =	vst v63  }
.LBB2_2:
0x70: {  	_ =	swait.ge [sflag:s10], $0x2000  }
0x71: {  	p0 =	seq.s32 s26, $0x0;
	[sflag:s10] =	ssyncset.done $0x0  }
0x72: {  	s5 =	simm.s32 @!p0 $0x3;
	[sflag:s10] =	ssyncadd.s32 $0xFFFFE000  }
0x73: {  	_ =	swait.ge @!p0 [sflag:s5], $0x400  }
0x74: {  	[sflag:s5] =	ssyncset.done @!p0 $0x0  }
0x75: {  	[sflag:s5] =	ssyncadd.s32 @!p0 $0xFFFFFC00;
	s5 =	simm.s32 $0x18740  }
0x76: {  	v0 =	vld [tilespmem:s5+$0x30]  }
0x77: {  	v1 =	vld [tilespmem:s5+$0xFFFFFFD0]  }
0x78: {  	v2 =	vld [tilespmem:s5+$0xFFFFFFE0]  }
0x79: {  	v3 =	vld [tilespmem:s5+$0xFFFFFFF0]  }
0x7a: {  	v4 =	vld [tilespmem:s5+$0x0]  }
0x7b: {  	v6 =	vld [tilespmem:s5+$0x10]  }
0x7c: {  	v7 =	vld [tilespmem:s5+$0x20]  }
0x7d: {  	v8 =	vld [tilespmem:s5+$0xFFFFFFC0]  }
0x7e: {  	v9 =	vld.idx.msk [tilespmem:v0+s1+$0x0], $0xffff  }
0x7f: {  	v10 =	vld.idx.msk [tilespmem:v1+s1+$0x0], $0xffff  }
0x80: {  	v5 =	vld.idx.msk [tilespmem:v2+s1+$0x0], $0xffff  }
0x81: {  	v3 =	vld.idx.msk [tilespmem:v3+s1+$0x0], $0xffff  }
0x82: {  	v1 =	vld.idx.msk [tilespmem:v4+s1+$0x0], $0xffff  }
0x83: {  	s30 =	simm.s32 $0x1CF40;
	v0 =	vld.idx.msk [tilespmem:v6+s1+$0x0], $0xffff  }
0x84: {  	s28 =	sshll.u32 s26, $0x1;
	s5 =	sshll.u32 s26, $0x13;
	v2 =	vld.idx.msk [tilespmem:v7+s1+$0x0], $0xffff;
	[tilespmem:s30+$0x30] =	vst v9  }
0x85: {  	s31 =	simm.s32 $0x0;
	s29 =	sand.u32 $0x1E00000, s5;
	s5 =	simm.s32 $0x18B40;
	v4 =	vld.idx.msk [tilespmem:v8+s1+$0x0], $0xffff;
	[tilespmem:s30+$0xFFFFFFD0] =	vst v10  }
.LBB2_3:
0x86: {  	v6 =	vld [tilespmem:s5+$0x30];
	s31 =	sadd.s32 $0x80, s31;
	[tilespmem:s30+$0xFFFFFFE0] =	vst v5  }
0x87: {  	v5 =	vld [tilespmem:s5+$0xFFFFFFD0];
	p1 =	slt.u32 s31, $0x380;
	[tilespmem:s30+$0xFFFFFFF0] =	vst v3  }
0x88: {  	v3 =	vld [tilespmem:s5+$0xFFFFFFE0];
	[tilespmem:s30+$0x0] =	vst v1  }
0x89: {  	v1 =	vld [tilespmem:s5+$0xFFFFFFF0];
	[tilespmem:s30+$0x10] =	vst v0  }
0x8a: {  	v0 =	vld [tilespmem:s5+$0x0];
	[tilespmem:s30+$0x20] =	vst v2  }
0x8b: {  	v2 =	vld [tilespmem:s5+$0x10];
	[tilespmem:s30+$0xFFFFFFC0] =	vst v4  }
0x8c: {  	v4 =	vld [tilespmem:s5+$0x20]  }
0x8d: {  	v7 =	vld [tilespmem:s5+$0xFFFFFFC0]  }
0x8e: {  	v6 =	vld.idx.msk [tilespmem:v6+s1+$0x0], $0xffff  }
0x8f: {  	v8 =	vld.idx.msk [tilespmem:v5+s1+$0x0], $0xffff  }
0x90: {  	v5 =	vld.idx.msk [tilespmem:v3+s1+$0x0], $0xffff  }
.Ltmp0:
0x91: {  	v3 =	vld.idx.msk [tilespmem:v1+s1+$0x0], $0xffff;
	(pc) =	sbr.rel @p1 .LBB2_3-.Ltmp0, $4  }
0x92: {  	v1 =	vld.idx.msk [tilespmem:v0+s1+$0x0], $0xffff  }
0x93: {  	s30 =	sadd.s32 $0x80, s30;
	v0 =	vld.idx.msk [tilespmem:v2+s1+$0x0], $0xffff  }
0x94: {  	v2 =	vld.idx.msk [tilespmem:v4+s1+$0x0], $0xffff;
	[tilespmem:s30+$0x30] =	vst v6  }
0x95: {  	s5 =	sadd.s32 $0x400, s5;
	v4 =	vld.idx.msk [tilespmem:v7+s1+$0x0], $0xffff;
	[tilespmem:s30+$0xFFFFFFD0] =	vst v8  }
0x96: {  	[tilespmem:s30+$0xFFFFFFE0] =	vst v5;
	s5 =	sshll.u32 s26, $0xE  }
0x97: {  	[tilespmem:s30+$0xFFFFFFF0] =	vst v3;
	s5 =	sand.u32 $0xC000, s5  }
0x98: {  	[tilespmem:s30+$0x0] =	vst v1;
	s5 =	sor.u32 s5, s29  }
0x99: {  	[tilespmem:s30+$0x10] =	vst v0;
	s5 =	sor.u32 s6, s5  }
0x9a: {  	[tilespmem:s30+$0x20] =	vst v2;
	s29 =	sshrl.u32 s5, $0x3  }
0x9b: {  	[tilespmem:s30+$0xFFFFFFC0] =	vst v4;
	s5 =	sadd.s32 s7, s29  }
0x9c: {  	[hbm4b:s5+s2] =	stream.strided.scatter [tilespmem:s11], [sflag:$0x3], $0x400, s4, s2, $0x38;
	[tilespmem:$0x1D700] =	vst v63  }
0x9d: {  	s5 =	simm.s32 @!p0 $0x4  }
0x9e: {  	_ =	swait.ge @!p0 [sflag:s5], $0x400  }
0x9f: {  	[sflag:s5] =	ssyncset.done @!p0 $0x0  }
0xa0: {  	[sflag:s5] =	ssyncadd.s32 @!p0 $0xFFFFFC00;
	s5 =	simm.s32 $0x187F0  }
0xa1: {  	v0 =	vld [tilespmem:s5+$0x0]  }
0xa2: {  	v1 =	vld [tilespmem:s5+$0xFFFFFFA0]  }
0xa3: {  	v2 =	vld [tilespmem:s5+$0xFFFFFFB0]  }
0xa4: {  	v3 =	vld [tilespmem:s5+$0xFFFFFFC0]  }
0xa5: {  	v4 =	vld [tilespmem:s5+$0xFFFFFFD0]  }
0xa6: {  	v6 =	vld [tilespmem:s5+$0xFFFFFFE0]  }
0xa7: {  	v7 =	vld [tilespmem:s5+$0xFFFFFFF0]  }
0xa8: {  	v8 =	vld [tilespmem:s5+$0xFFFFFF90]  }
0xa9: {  	v9 =	vld.idx.msk [tilespmem:v0+s1+$0x0], $0xffff  }
0xaa: {  	v10 =	vld.idx.msk [tilespmem:v1+s1+$0x0], $0xffff  }
0xab: {  	v5 =	vld.idx.msk [tilespmem:v2+s1+$0x0], $0xffff  }
0xac: {  	v3 =	vld.idx.msk [tilespmem:v3+s1+$0x0], $0xffff  }
0xad: {  	v0 =	vld.idx.msk [tilespmem:v4+s1+$0x0], $0xffff  }
0xae: {  	s30 =	simm.s32 $0x1D340;
	v1 =	vld.idx.msk [tilespmem:v6+s1+$0x0], $0xffff  }
0xaf: {  	v2 =	vld.idx.msk [tilespmem:v7+s1+$0x0], $0xffff;
	[tilespmem:s30+$0x30] =	vst v9  }
0xb0: {  	s31 =	simm.s32 $0x0;
	s5 =	simm.s32 $0x18BF0;
	v4 =	vld.idx.msk [tilespmem:v8+s1+$0x0], $0xffff;
	[tilespmem:s30+$0xFFFFFFD0] =	vst v10  }
.LBB2_5:
0xb1: {  	v6 =	vld [tilespmem:s5+$0x0];
	s31 =	sadd.s32 $0x80, s31;
	[tilespmem:s30+$0xFFFFFFE0] =	vst v5  }
0xb2: {  	v5 =	vld [tilespmem:s5+$0xFFFFFFA0];
	p0 =	slt.u32 s31, $0x380;
	[tilespmem:s30+$0xFFFFFFF0] =	vst v3  }
0xb3: {  	v3 =	vld [tilespmem:s5+$0xFFFFFFB0];
	[tilespmem:s30+$0x0] =	vst v0  }
0xb4: {  	v0 =	vld [tilespmem:s5+$0xFFFFFFC0];
	[tilespmem:s30+$0x10] =	vst v1  }
0xb5: {  	v1 =	vld [tilespmem:s5+$0xFFFFFFD0];
	[tilespmem:s30+$0x20] =	vst v2  }
0xb6: {  	v2 =	vld [tilespmem:s5+$0xFFFFFFE0];
	[tilespmem:s30+$0xFFFFFFC0] =	vst v4  }
0xb7: {  	v4 =	vld [tilespmem:s5+$0xFFFFFFF0]  }
0xb8: {  	v7 =	vld [tilespmem:s5+$0xFFFFFF90]  }
0xb9: {  	v6 =	vld.idx.msk [tilespmem:v6+s1+$0x0], $0xffff  }
0xba: {  	v8 =	vld.idx.msk [tilespmem:v5+s1+$0x0], $0xffff  }
0xbb: {  	v5 =	vld.idx.msk [tilespmem:v3+s1+$0x0], $0xffff  }
.Ltmp1:
0xbc: {  	v3 =	vld.idx.msk [tilespmem:v0+s1+$0x0], $0xffff;
	(pc) =	sbr.rel @p0 .LBB2_5-.Ltmp1, $4  }
0xbd: {  	v0 =	vld.idx.msk [tilespmem:v1+s1+$0x0], $0xffff  }
0xbe: {  	s30 =	sadd.s32 $0x80, s30;
	v1 =	vld.idx.msk [tilespmem:v2+s1+$0x0], $0xffff  }
0xbf: {  	v2 =	vld.idx.msk [tilespmem:v4+s1+$0x0], $0xffff;
	[tilespmem:s30+$0x30] =	vst v6  }
0xc0: {  	s5 =	sadd.s32 $0x400, s5;
	v4 =	vld.idx.msk [tilespmem:v7+s1+$0x0], $0xffff;
	[tilespmem:s30+$0xFFFFFFD0] =	vst v8  }
0xc1: {  	[tilespmem:s30+$0xFFFFFFE0] =	vst v5  }
0xc2: {  	[tilespmem:s30+$0xFFFFFFF0] =	vst v3  }
0xc3: {  	[tilespmem:s30+$0x0] =	vst v0  }
0xc4: {  	[tilespmem:s30+$0x10] =	vst v1  }
0xc5: {  	[tilespmem:s30+$0x20] =	vst v2  }
0xc6: {  	s5 =	sadd.s32 s29, s14;
	[tilespmem:s30+$0xFFFFFFC0] =	vst v4  }
0xc7: {  	[hbm4b:s5+s2] =	stream.strided.scatter [tilespmem:s12], [sflag:$0x4], $0x400, s4, s2, $0x38;
	[tilespmem:$0x1D700] =	vst v63  }
0xc8: {  	_ =	swait.ge [sflag:s13], $0x400  }
0xc9: {  	[sflag:s13] =	ssyncset.done $0x0  }
0xca: {  	s5 =	simm.s32 $0x18870;
	[sflag:s13] =	ssyncadd.s32 $0xFFFFFC00  }
0xcb: {  	v0 =	vld [tilespmem:s5+$0x0]  }
0xcc: {  	v1 =	vld [tilespmem:s5+$0xFFFFFFA0]  }
0xcd: {  	v2 =	vld [tilespmem:s5+$0xFFFFFFB0]  }
0xce: {  	v3 =	vld [tilespmem:s5+$0xFFFFFFC0]  }
0xcf: {  	v4 =	vld [tilespmem:s5+$0xFFFFFFD0]  }
0xd0: {  	v6 =	vld [tilespmem:s5+$0xFFFFFFE0]  }
0xd1: {  	v7 =	vld [tilespmem:s5+$0xFFFFFFF0]  }
0xd2: {  	v8 =	vld [tilespmem:s5+$0xFFFFFF90]  }
0xd3: {  	v9 =	vld.idx.msk [tilespmem:v0+s1+$0x0], $0xffff  }
0xd4: {  	v10 =	vld.idx.msk [tilespmem:v1+s1+$0x0], $0xffff  }
0xd5: {  	v5 =	vld.idx.msk [tilespmem:v2+s1+$0x0], $0xffff  }
0xd6: {  	v3 =	vld.idx.msk [tilespmem:v3+s1+$0x0], $0xffff  }
0xd7: {  	v0 =	vld.idx.msk [tilespmem:v4+s1+$0x0], $0xffff  }
0xd8: {  	s30 =	simm.s32 $0x1CF40;
	v1 =	vld.idx.msk [tilespmem:v6+s1+$0x0], $0xffff  }
0xd9: {  	v2 =	vld.idx.msk [tilespmem:v7+s1+$0x0], $0xffff;
	[tilespmem:s30+$0x30] =	vst v9  }
0xda: {  	s31 =	simm.s32 $0x0;
	s5 =	simm.s32 $0x18C70;
	v4 =	vld.idx.msk [tilespmem:v8+s1+$0x0], $0xffff;
	[tilespmem:s30+$0xFFFFFFD0] =	vst v10  }
.LBB2_7:
0xdb: {  	v6 =	vld [tilespmem:s5+$0x0];
	s31 =	sadd.s32 $0x80, s31;
	[tilespmem:s30+$0xFFFFFFE0] =	vst v5  }
0xdc: {  	v5 =	vld [tilespmem:s5+$0xFFFFFFA0];
	p0 =	slt.u32 s31, $0x380;
	[tilespmem:s30+$0xFFFFFFF0] =	vst v3  }
0xdd: {  	v3 =	vld [tilespmem:s5+$0xFFFFFFB0];
	[tilespmem:s30+$0x0] =	vst v0  }
0xde: {  	v0 =	vld [tilespmem:s5+$0xFFFFFFC0];
	[tilespmem:s30+$0x10] =	vst v1  }
0xdf: {  	v1 =	vld [tilespmem:s5+$0xFFFFFFD0];
	[tilespmem:s30+$0x20] =	vst v2  }
0xe0: {  	v2 =	vld [tilespmem:s5+$0xFFFFFFE0];
	[tilespmem:s30+$0xFFFFFFC0] =	vst v4  }
0xe1: {  	v4 =	vld [tilespmem:s5+$0xFFFFFFF0]  }
0xe2: {  	v7 =	vld [tilespmem:s5+$0xFFFFFF90]  }
0xe3: {  	v6 =	vld.idx.msk [tilespmem:v6+s1+$0x0], $0xffff  }
0xe4: {  	v8 =	vld.idx.msk [tilespmem:v5+s1+$0x0], $0xffff  }
0xe5: {  	v5 =	vld.idx.msk [tilespmem:v3+s1+$0x0], $0xffff  }
.Ltmp2:
0xe6: {  	v3 =	vld.idx.msk [tilespmem:v0+s1+$0x0], $0xffff;
	(pc) =	sbr.rel @p0 .LBB2_7-.Ltmp2, $4  }
0xe7: {  	v0 =	vld.idx.msk [tilespmem:v1+s1+$0x0], $0xffff  }
0xe8: {  	s30 =	sadd.s32 $0x80, s30;
	v1 =	vld.idx.msk [tilespmem:v2+s1+$0x0], $0xffff  }
0xe9: {  	v2 =	vld.idx.msk [tilespmem:v4+s1+$0x0], $0xffff;
	[tilespmem:s30+$0x30] =	vst v6  }
0xea: {  	s5 =	sadd.s32 $0x400, s5;
	v4 =	vld.idx.msk [tilespmem:v7+s1+$0x0], $0xffff;
	[tilespmem:s30+$0xFFFFFFD0] =	vst v8  }
0xeb: {  	[tilespmem:s30+$0xFFFFFFE0] =	vst v5  }
0xec: {  	[tilespmem:s30+$0xFFFFFFF0] =	vst v3  }
0xed: {  	[tilespmem:s30+$0x0] =	vst v0  }
0xee: {  	[tilespmem:s30+$0x10] =	vst v1  }
0xef: {  	[tilespmem:s30+$0x20] =	vst v2  }
0xf0: {  	s5 =	sadd.s32 s29, s15;
	[tilespmem:s30+$0xFFFFFFC0] =	vst v4  }
0xf1: {  	[hbm4b:s5+s2] =	stream.strided.scatter [tilespmem:s11], [sflag:$0x3], $0x400, s4, s2, $0x38;
	[tilespmem:$0x1D700] =	vst v63  }
0xf2: {  	_ =	swait.ge [sflag:s21], $0x400  }
0xf3: {  	[sflag:s21] =	ssyncset.done $0x0  }
0xf4: {  	s5 =	simm.s32 $0x188F0;
	[sflag:s21] =	ssyncadd.s32 $0xFFFFFC00  }
0xf5: {  	v0 =	vld [tilespmem:s5+$0x0]  }
0xf6: {  	v1 =	vld [tilespmem:s5+$0xFFFFFFA0]  }
0xf7: {  	v2 =	vld [tilespmem:s5+$0xFFFFFFB0]  }
0xf8: {  	v3 =	vld [tilespmem:s5+$0xFFFFFFC0]  }
0xf9: {  	v4 =	vld [tilespmem:s5+$0xFFFFFFD0]  }
0xfa: {  	v6 =	vld [tilespmem:s5+$0xFFFFFFE0]  }
0xfb: {  	v7 =	vld [tilespmem:s5+$0xFFFFFFF0]  }
0xfc: {  	v8 =	vld [tilespmem:s5+$0xFFFFFF90]  }
0xfd: {  	v9 =	vld.idx.msk [tilespmem:v0+s1+$0x0], $0xffff  }
0xfe: {  	v10 =	vld.idx.msk [tilespmem:v1+s1+$0x0], $0xffff  }
0xff: {  	v5 =	vld.idx.msk [tilespmem:v2+s1+$0x0], $0xffff  }
0x100: {  	v3 =	vld.idx.msk [tilespmem:v3+s1+$0x0], $0xffff  }
0x101: {  	v0 =	vld.idx.msk [tilespmem:v4+s1+$0x0], $0xffff  }
0x102: {  	s30 =	simm.s32 $0x1D340;
	v1 =	vld.idx.msk [tilespmem:v6+s1+$0x0], $0xffff  }
0x103: {  	v2 =	vld.idx.msk [tilespmem:v7+s1+$0x0], $0xffff;
	[tilespmem:s30+$0x30] =	vst v9  }
0x104: {  	s31 =	simm.s32 $0x0;
	s5 =	simm.s32 $0x18CF0;
	v4 =	vld.idx.msk [tilespmem:v8+s1+$0x0], $0xffff;
	[tilespmem:s30+$0xFFFFFFD0] =	vst v10  }
.LBB2_9:
0x105: {  	v6 =	vld [tilespmem:s5+$0x0];
	s31 =	sadd.s32 $0x80, s31;
	[tilespmem:s30+$0xFFFFFFE0] =	vst v5  }
0x106: {  	v5 =	vld [tilespmem:s5+$0xFFFFFFA0];
	p0 =	slt.u32 s31, $0x380;
	[tilespmem:s30+$0xFFFFFFF0] =	vst v3  }
0x107: {  	v3 =	vld [tilespmem:s5+$0xFFFFFFB0];
	[tilespmem:s30+$0x0] =	vst v0  }
0x108: {  	v0 =	vld [tilespmem:s5+$0xFFFFFFC0];
	[tilespmem:s30+$0x10] =	vst v1  }
0x109: {  	v1 =	vld [tilespmem:s5+$0xFFFFFFD0];
	[tilespmem:s30+$0x20] =	vst v2  }
0x10a: {  	v2 =	vld [tilespmem:s5+$0xFFFFFFE0];
	[tilespmem:s30+$0xFFFFFFC0] =	vst v4  }
0x10b: {  	v4 =	vld [tilespmem:s5+$0xFFFFFFF0]  }
0x10c: {  	v7 =	vld [tilespmem:s5+$0xFFFFFF90]  }
0x10d: {  	v6 =	vld.idx.msk [tilespmem:v6+s1+$0x0], $0xffff  }
0x10e: {  	v8 =	vld.idx.msk [tilespmem:v5+s1+$0x0], $0xffff  }
0x10f: {  	v5 =	vld.idx.msk [tilespmem:v3+s1+$0x0], $0xffff  }
.Ltmp3:
0x110: {  	v3 =	vld.idx.msk [tilespmem:v0+s1+$0x0], $0xffff;
	(pc) =	sbr.rel @p0 .LBB2_9-.Ltmp3, $4  }
0x111: {  	v0 =	vld.idx.msk [tilespmem:v1+s1+$0x0], $0xffff  }
0x112: {  	s30 =	sadd.s32 $0x80, s30;
	v1 =	vld.idx.msk [tilespmem:v2+s1+$0x0], $0xffff  }
0x113: {  	v2 =	vld.idx.msk [tilespmem:v4+s1+$0x0], $0xffff;
	[tilespmem:s30+$0x30] =	vst v6  }
0x114: {  	s5 =	sadd.s32 $0x400, s5;
	v4 =	vld.idx.msk [tilespmem:v7+s1+$0x0], $0xffff;
	[tilespmem:s30+$0xFFFFFFD0] =	vst v8  }
0x115: {  	[tilespmem:s30+$0xFFFFFFE0] =	vst v5  }
0x116: {  	[tilespmem:s30+$0xFFFFFFF0] =	vst v3  }
0x117: {  	[tilespmem:s30+$0x0] =	vst v0  }
0x118: {  	[tilespmem:s30+$0x10] =	vst v1  }
0x119: {  	[tilespmem:s30+$0x20] =	vst v2  }
0x11a: {  	s5 =	sadd.s32 s29, s16;
	[tilespmem:s30+$0xFFFFFFC0] =	vst v4  }
0x11b: {  	[hbm4b:s5+s2] =	stream.strided.scatter [tilespmem:s12], [sflag:$0x4], $0x400, s4, s2, $0x38;
	[tilespmem:$0x1D700] =	vst v63  }
0x11c: {  	_ =	swait.ge [sflag:s13], $0x400  }
0x11d: {  	[sflag:s13] =	ssyncset.done $0x0  }
0x11e: {  	s5 =	simm.s32 $0x18970;
	[sflag:s13] =	ssyncadd.s32 $0xFFFFFC00  }
0x11f: {  	v0 =	vld [tilespmem:s5+$0x0]  }
0x120: {  	v1 =	vld [tilespmem:s5+$0xFFFFFFA0]  }
0x121: {  	v2 =	vld [tilespmem:s5+$0xFFFFFFB0]  }
0x122: {  	v3 =	vld [tilespmem:s5+$0xFFFFFFC0]  }
0x123: {  	v4 =	vld [tilespmem:s5+$0xFFFFFFD0]  }
0x124: {  	v6 =	vld [tilespmem:s5+$0xFFFFFFE0]  }
0x125: {  	v7 =	vld [tilespmem:s5+$0xFFFFFFF0]  }
0x126: {  	v8 =	vld [tilespmem:s5+$0xFFFFFF90]  }
0x127: {  	v9 =	vld.idx.msk [tilespmem:v0+s1+$0x0], $0xffff  }
0x128: {  	v10 =	vld.idx.msk [tilespmem:v1+s1+$0x0], $0xffff  }
0x129: {  	v5 =	vld.idx.msk [tilespmem:v2+s1+$0x0], $0xffff  }
0x12a: {  	v3 =	vld.idx.msk [tilespmem:v3+s1+$0x0], $0xffff  }
0x12b: {  	v0 =	vld.idx.msk [tilespmem:v4+s1+$0x0], $0xffff  }
0x12c: {  	s30 =	simm.s32 $0x1CF40;
	v1 =	vld.idx.msk [tilespmem:v6+s1+$0x0], $0xffff  }
0x12d: {  	v2 =	vld.idx.msk [tilespmem:v7+s1+$0x0], $0xffff;
	[tilespmem:s30+$0x30] =	vst v9  }
0x12e: {  	s31 =	simm.s32 $0x0;
	s5 =	simm.s32 $0x18D70;
	v4 =	vld.idx.msk [tilespmem:v8+s1+$0x0], $0xffff;
	[tilespmem:s30+$0xFFFFFFD0] =	vst v10  }
.LBB2_11:
0x12f: {  	v6 =	vld [tilespmem:s5+$0x0];
	s31 =	sadd.s32 $0x80, s31;
	[tilespmem:s30+$0xFFFFFFE0] =	vst v5  }
0x130: {  	v5 =	vld [tilespmem:s5+$0xFFFFFFA0];
	p0 =	slt.u32 s31, $0x380;
	[tilespmem:s30+$0xFFFFFFF0] =	vst v3  }
0x131: {  	v3 =	vld [tilespmem:s5+$0xFFFFFFB0];
	[tilespmem:s30+$0x0] =	vst v0  }
0x132: {  	v0 =	vld [tilespmem:s5+$0xFFFFFFC0];
	[tilespmem:s30+$0x10] =	vst v1  }
0x133: {  	v1 =	vld [tilespmem:s5+$0xFFFFFFD0];
	[tilespmem:s30+$0x20] =	vst v2  }
0x134: {  	v2 =	vld [tilespmem:s5+$0xFFFFFFE0];
	[tilespmem:s30+$0xFFFFFFC0] =	vst v4  }
0x135: {  	v4 =	vld [tilespmem:s5+$0xFFFFFFF0]  }
0x136: {  	v7 =	vld [tilespmem:s5+$0xFFFFFF90]  }
0x137: {  	v6 =	vld.idx.msk [tilespmem:v6+s1+$0x0], $0xffff  }
0x138: {  	v8 =	vld.idx.msk [tilespmem:v5+s1+$0x0], $0xffff  }
0x139: {  	v5 =	vld.idx.msk [tilespmem:v3+s1+$0x0], $0xffff  }
.Ltmp4:
0x13a: {  	v3 =	vld.idx.msk [tilespmem:v0+s1+$0x0], $0xffff;
	(pc) =	sbr.rel @p0 .LBB2_11-.Ltmp4, $4  }
0x13b: {  	v0 =	vld.idx.msk [tilespmem:v1+s1+$0x0], $0xffff  }
0x13c: {  	s30 =	sadd.s32 $0x80, s30;
	v1 =	vld.idx.msk [tilespmem:v2+s1+$0x0], $0xffff  }
0x13d: {  	v2 =	vld.idx.msk [tilespmem:v4+s1+$0x0], $0xffff;
	[tilespmem:s30+$0x30] =	vst v6  }
0x13e: {  	s5 =	sadd.s32 $0x400, s5;
	v4 =	vld.idx.msk [tilespmem:v7+s1+$0x0], $0xffff;
	[tilespmem:s30+$0xFFFFFFD0] =	vst v8  }
0x13f: {  	[tilespmem:s30+$0xFFFFFFE0] =	vst v5  }
0x140: {  	[tilespmem:s30+$0xFFFFFFF0] =	vst v3  }
0x141: {  	[tilespmem:s30+$0x0] =	vst v0  }
0x142: {  	[tilespmem:s30+$0x10] =	vst v1  }
0x143: {  	[tilespmem:s30+$0x20] =	vst v2  }
0x144: {  	s5 =	sadd.s32 s29, s17;
	[tilespmem:s30+$0xFFFFFFC0] =	vst v4  }
0x145: {  	[hbm4b:s5+s2] =	stream.strided.scatter [tilespmem:s11], [sflag:$0x3], $0x400, s4, s2, $0x38;
	[tilespmem:$0x1D700] =	vst v63  }
0x146: {  	_ =	swait.ge [sflag:s21], $0x400  }
0x147: {  	[sflag:s21] =	ssyncset.done $0x0  }
0x148: {  	s5 =	simm.s32 $0x189F0;
	[sflag:s21] =	ssyncadd.s32 $0xFFFFFC00  }
0x149: {  	v0 =	vld [tilespmem:s5+$0x0]  }
0x14a: {  	v1 =	vld [tilespmem:s5+$0xFFFFFFA0]  }
0x14b: {  	v2 =	vld [tilespmem:s5+$0xFFFFFFB0]  }
0x14c: {  	v3 =	vld [tilespmem:s5+$0xFFFFFFC0]  }
0x14d: {  	v4 =	vld [tilespmem:s5+$0xFFFFFFD0]  }
0x14e: {  	v6 =	vld [tilespmem:s5+$0xFFFFFFE0]  }
0x14f: {  	v7 =	vld [tilespmem:s5+$0xFFFFFFF0]  }
0x150: {  	v8 =	vld [tilespmem:s5+$0xFFFFFF90]  }
0x151: {  	v9 =	vld.idx.msk [tilespmem:v0+s1+$0x0], $0xffff  }
0x152: {  	v10 =	vld.idx.msk [tilespmem:v1+s1+$0x0], $0xffff  }
0x153: {  	v5 =	vld.idx.msk [tilespmem:v2+s1+$0x0], $0xffff  }
0x154: {  	v3 =	vld.idx.msk [tilespmem:v3+s1+$0x0], $0xffff  }
0x155: {  	v0 =	vld.idx.msk [tilespmem:v4+s1+$0x0], $0xffff  }
0x156: {  	s30 =	simm.s32 $0x1D340;
	v1 =	vld.idx.msk [tilespmem:v6+s1+$0x0], $0xffff  }
0x157: {  	v2 =	vld.idx.msk [tilespmem:v7+s1+$0x0], $0xffff;
	[tilespmem:s30+$0x30] =	vst v9  }
0x158: {  	s31 =	simm.s32 $0x0;
	s5 =	simm.s32 $0x18DF0;
	v4 =	vld.idx.msk [tilespmem:v8+s1+$0x0], $0xffff;
	[tilespmem:s30+$0xFFFFFFD0] =	vst v10  }
.LBB2_13:
0x159: {  	v6 =	vld [tilespmem:s5+$0x0];
	s31 =	sadd.s32 $0x80, s31;
	[tilespmem:s30+$0xFFFFFFE0] =	vst v5  }
0x15a: {  	v5 =	vld [tilespmem:s5+$0xFFFFFFA0];
	p0 =	slt.u32 s31, $0x380;
	[tilespmem:s30+$0xFFFFFFF0] =	vst v3  }
0x15b: {  	v3 =	vld [tilespmem:s5+$0xFFFFFFB0];
	[tilespmem:s30+$0x0] =	vst v0  }
0x15c: {  	v0 =	vld [tilespmem:s5+$0xFFFFFFC0];
	[tilespmem:s30+$0x10] =	vst v1  }
0x15d: {  	v1 =	vld [tilespmem:s5+$0xFFFFFFD0];
	[tilespmem:s30+$0x20] =	vst v2  }
0x15e: {  	v2 =	vld [tilespmem:s5+$0xFFFFFFE0];
	[tilespmem:s30+$0xFFFFFFC0] =	vst v4  }
0x15f: {  	v4 =	vld [tilespmem:s5+$0xFFFFFFF0]  }
0x160: {  	v7 =	vld [tilespmem:s5+$0xFFFFFF90]  }
0x161: {  	v6 =	vld.idx.msk [tilespmem:v6+s1+$0x0], $0xffff  }
0x162: {  	v8 =	vld.idx.msk [tilespmem:v5+s1+$0x0], $0xffff  }
0x163: {  	v5 =	vld.idx.msk [tilespmem:v3+s1+$0x0], $0xffff  }
.Ltmp5:
0x164: {  	v3 =	vld.idx.msk [tilespmem:v0+s1+$0x0], $0xffff;
	(pc) =	sbr.rel @p0 .LBB2_13-.Ltmp5, $4  }
0x165: {  	v0 =	vld.idx.msk [tilespmem:v1+s1+$0x0], $0xffff  }
0x166: {  	s30 =	sadd.s32 $0x80, s30;
	v1 =	vld.idx.msk [tilespmem:v2+s1+$0x0], $0xffff  }
0x167: {  	v2 =	vld.idx.msk [tilespmem:v4+s1+$0x0], $0xffff;
	[tilespmem:s30+$0x30] =	vst v6  }
0x168: {  	s5 =	sadd.s32 $0x400, s5;
	v4 =	vld.idx.msk [tilespmem:v7+s1+$0x0], $0xffff;
	[tilespmem:s30+$0xFFFFFFD0] =	vst v8  }
0x169: {  	[tilespmem:s30+$0xFFFFFFE0] =	vst v5  }
0x16a: {  	[tilespmem:s30+$0xFFFFFFF0] =	vst v3  }
0x16b: {  	[tilespmem:s30+$0x0] =	vst v0  }
0x16c: {  	[tilespmem:s30+$0x10] =	vst v1  }
0x16d: {  	[tilespmem:s30+$0x20] =	vst v2  }
0x16e: {  	s5 =	sadd.s32 s29, s18;
	[tilespmem:s30+$0xFFFFFFC0] =	vst v4  }
0x16f: {  	[hbm4b:s5+s2] =	stream.strided.scatter [tilespmem:s12], [sflag:$0x4], $0x400, s4, s2, $0x38;
	[tilespmem:$0x1D700] =	vst v63  }
0x170: {  	_ =	swait.ge [sflag:s13], $0x400  }
0x171: {  	[sflag:s13] =	ssyncset.done $0x0  }
0x172: {  	s5 =	simm.s32 $0x18A70;
	[sflag:s13] =	ssyncadd.s32 $0xFFFFFC00  }
0x173: {  	v0 =	vld [tilespmem:s5+$0x0]  }
0x174: {  	v1 =	vld [tilespmem:s5+$0xFFFFFFA0]  }
0x175: {  	v2 =	vld [tilespmem:s5+$0xFFFFFFB0]  }
0x176: {  	v3 =	vld [tilespmem:s5+$0xFFFFFFC0]  }
0x177: {  	v4 =	vld [tilespmem:s5+$0xFFFFFFD0]  }
0x178: {  	v6 =	vld [tilespmem:s5+$0xFFFFFFE0]  }
0x179: {  	v7 =	vld [tilespmem:s5+$0xFFFFFFF0]  }
0x17a: {  	v8 =	vld [tilespmem:s5+$0xFFFFFF90]  }
0x17b: {  	v9 =	vld.idx.msk [tilespmem:v0+s1+$0x0], $0xffff  }
0x17c: {  	v10 =	vld.idx.msk [tilespmem:v1+s1+$0x0], $0xffff  }
0x17d: {  	v5 =	vld.idx.msk [tilespmem:v2+s1+$0x0], $0xffff  }
0x17e: {  	v3 =	vld.idx.msk [tilespmem:v3+s1+$0x0], $0xffff  }
0x17f: {  	v0 =	vld.idx.msk [tilespmem:v4+s1+$0x0], $0xffff  }
0x180: {  	s30 =	simm.s32 $0x1CF40;
	v1 =	vld.idx.msk [tilespmem:v6+s1+$0x0], $0xffff  }
0x181: {  	v2 =	vld.idx.msk [tilespmem:v7+s1+$0x0], $0xffff;
	[tilespmem:s30+$0x30] =	vst v9  }
0x182: {  	s31 =	simm.s32 $0x0;
	s5 =	simm.s32 $0x18E70;
	v4 =	vld.idx.msk [tilespmem:v8+s1+$0x0], $0xffff;
	[tilespmem:s30+$0xFFFFFFD0] =	vst v10  }
.LBB2_15:
0x183: {  	v6 =	vld [tilespmem:s5+$0x0];
	s31 =	sadd.s32 $0x80, s31;
	[tilespmem:s30+$0xFFFFFFE0] =	vst v5  }
0x184: {  	v5 =	vld [tilespmem:s5+$0xFFFFFFA0];
	p0 =	slt.u32 s31, $0x380;
	[tilespmem:s30+$0xFFFFFFF0] =	vst v3  }
0x185: {  	v3 =	vld [tilespmem:s5+$0xFFFFFFB0];
	[tilespmem:s30+$0x0] =	vst v0  }
0x186: {  	v0 =	vld [tilespmem:s5+$0xFFFFFFC0];
	[tilespmem:s30+$0x10] =	vst v1  }
0x187: {  	v1 =	vld [tilespmem:s5+$0xFFFFFFD0];
	[tilespmem:s30+$0x20] =	vst v2  }
0x188: {  	v2 =	vld [tilespmem:s5+$0xFFFFFFE0];
	[tilespmem:s30+$0xFFFFFFC0] =	vst v4  }
0x189: {  	v4 =	vld [tilespmem:s5+$0xFFFFFFF0]  }
0x18a: {  	v7 =	vld [tilespmem:s5+$0xFFFFFF90]  }
0x18b: {  	v6 =	vld.idx.msk [tilespmem:v6+s1+$0x0], $0xffff  }
0x18c: {  	v8 =	vld.idx.msk [tilespmem:v5+s1+$0x0], $0xffff  }
0x18d: {  	v5 =	vld.idx.msk [tilespmem:v3+s1+$0x0], $0xffff  }
.Ltmp6:
0x18e: {  	v3 =	vld.idx.msk [tilespmem:v0+s1+$0x0], $0xffff;
	(pc) =	sbr.rel @p0 .LBB2_15-.Ltmp6, $4  }
0x18f: {  	v0 =	vld.idx.msk [tilespmem:v1+s1+$0x0], $0xffff  }
0x190: {  	s30 =	sadd.s32 $0x80, s30;
	v1 =	vld.idx.msk [tilespmem:v2+s1+$0x0], $0xffff  }
0x191: {  	v2 =	vld.idx.msk [tilespmem:v4+s1+$0x0], $0xffff;
	[tilespmem:s30+$0x30] =	vst v6  }
0x192: {  	s5 =	sadd.s32 $0x400, s5;
	v4 =	vld.idx.msk [tilespmem:v7+s1+$0x0], $0xffff;
	[tilespmem:s30+$0xFFFFFFD0] =	vst v8  }
0x193: {  	[tilespmem:s30+$0xFFFFFFE0] =	vst v5  }
0x194: {  	[tilespmem:s30+$0xFFFFFFF0] =	vst v3  }
0x195: {  	[tilespmem:s30+$0x0] =	vst v0  }
0x196: {  	[tilespmem:s30+$0x10] =	vst v1  }
0x197: {  	[tilespmem:s30+$0x20] =	vst v2  }
0x198: {  	s5 =	sadd.s32 s29, s19;
	[tilespmem:s30+$0xFFFFFFC0] =	vst v4  }
0x199: {  	[hbm4b:s5+s2] =	stream.strided.scatter [tilespmem:s11], [sflag:$0x3], $0x400, s4, s2, $0x38;
	[tilespmem:$0x1D700] =	vst v63  }
0x19a: {  	_ =	swait.ge [sflag:s21], $0x400  }
0x19b: {  	[sflag:s21] =	ssyncset.done $0x0  }
0x19c: {  	s5 =	simm.s32 $0x18AF0;
	[sflag:s21] =	ssyncadd.s32 $0xFFFFFC00  }
0x19d: {  	v0 =	vld [tilespmem:s5+$0x0]  }
0x19e: {  	v1 =	vld [tilespmem:s5+$0xFFFFFFA0]  }
0x19f: {  	v2 =	vld [tilespmem:s5+$0xFFFFFFB0]  }
0x1a0: {  	v3 =	vld [tilespmem:s5+$0xFFFFFFC0]  }
0x1a1: {  	v4 =	vld [tilespmem:s5+$0xFFFFFFD0]  }
0x1a2: {  	v6 =	vld [tilespmem:s5+$0xFFFFFFE0]  }
0x1a3: {  	v7 =	vld [tilespmem:s5+$0xFFFFFFF0]  }
0x1a4: {  	v8 =	vld [tilespmem:s5+$0xFFFFFF90]  }
0x1a5: {  	v9 =	vld.idx.msk [tilespmem:v0+s1+$0x0], $0xffff  }
0x1a6: {  	v10 =	vld.idx.msk [tilespmem:v1+s1+$0x0], $0xffff  }
0x1a7: {  	v5 =	vld.idx.msk [tilespmem:v2+s1+$0x0], $0xffff  }
0x1a8: {  	v3 =	vld.idx.msk [tilespmem:v3+s1+$0x0], $0xffff  }
0x1a9: {  	v0 =	vld.idx.msk [tilespmem:v4+s1+$0x0], $0xffff  }
0x1aa: {  	s30 =	simm.s32 $0x1D340;
	v1 =	vld.idx.msk [tilespmem:v6+s1+$0x0], $0xffff  }
0x1ab: {  	v2 =	vld.idx.msk [tilespmem:v7+s1+$0x0], $0xffff;
	[tilespmem:s30+$0x30] =	vst v9  }
0x1ac: {  	s31 =	simm.s32 $0x0;
	s5 =	simm.s32 $0x18EF0;
	v4 =	vld.idx.msk [tilespmem:v8+s1+$0x0], $0xffff;
	[tilespmem:s30+$0xFFFFFFD0] =	vst v10  }
.LBB2_17:
0x1ad: {  	v6 =	vld [tilespmem:s5+$0x0];
	s31 =	sadd.s32 $0x80, s31;
	[tilespmem:s30+$0xFFFFFFE0] =	vst v5  }
0x1ae: {  	v5 =	vld [tilespmem:s5+$0xFFFFFFA0];
	p0 =	slt.u32 s31, $0x380;
	[tilespmem:s30+$0xFFFFFFF0] =	vst v3  }
0x1af: {  	v3 =	vld [tilespmem:s5+$0xFFFFFFB0];
	[tilespmem:s30+$0x0] =	vst v0  }
0x1b0: {  	v0 =	vld [tilespmem:s5+$0xFFFFFFC0];
	[tilespmem:s30+$0x10] =	vst v1  }
0x1b1: {  	v1 =	vld [tilespmem:s5+$0xFFFFFFD0];
	[tilespmem:s30+$0x20] =	vst v2  }
0x1b2: {  	v2 =	vld [tilespmem:s5+$0xFFFFFFE0];
	[tilespmem:s30+$0xFFFFFFC0] =	vst v4  }
0x1b3: {  	v4 =	vld [tilespmem:s5+$0xFFFFFFF0]  }
0x1b4: {  	v7 =	vld [tilespmem:s5+$0xFFFFFF90]  }
0x1b5: {  	v6 =	vld.idx.msk [tilespmem:v6+s1+$0x0], $0xffff  }
0x1b6: {  	v8 =	vld.idx.msk [tilespmem:v5+s1+$0x0], $0xffff  }
0x1b7: {  	v5 =	vld.idx.msk [tilespmem:v3+s1+$0x0], $0xffff  }
.Ltmp7:
0x1b8: {  	v3 =	vld.idx.msk [tilespmem:v0+s1+$0x0], $0xffff;
	(pc) =	sbr.rel @p0 .LBB2_17-.Ltmp7, $4  }
0x1b9: {  	v0 =	vld.idx.msk [tilespmem:v1+s1+$0x0], $0xffff  }
0x1ba: {  	s30 =	sadd.s32 $0x80, s30;
	v1 =	vld.idx.msk [tilespmem:v2+s1+$0x0], $0xffff  }
0x1bb: {  	v2 =	vld.idx.msk [tilespmem:v4+s1+$0x0], $0xffff;
	[tilespmem:s30+$0x30] =	vst v6  }
0x1bc: {  	s5 =	sadd.s32 $0x400, s5;
	v4 =	vld.idx.msk [tilespmem:v7+s1+$0x0], $0xffff;
	[tilespmem:s30+$0xFFFFFFD0] =	vst v8  }
0x1bd: {  	[tilespmem:s30+$0xFFFFFFE0] =	vst v5  }
0x1be: {  	[tilespmem:s30+$0xFFFFFFF0] =	vst v3  }
0x1bf: {  	[tilespmem:s30+$0x0] =	vst v0  }
0x1c0: {  	[tilespmem:s30+$0x10] =	vst v1  }
0x1c1: {  	[tilespmem:s30+$0x20] =	vst v2  }
0x1c2: {  	s5 =	sadd.s32 s29, s20;
	p0 =	seq.s32 s26, $0x2F;
	[tilespmem:s30+$0xFFFFFFC0] =	vst v4  }
0x1c3: {  	[hbm4b:s5+s2] =	stream.strided.scatter [tilespmem:s12], [sflag:$0x4], $0x400, s4, s2, $0x38;
	[tilespmem:$0x1D700] =	vst v63  }
0x1c4: {  	s5 =	sadd.s32 @!p0 $0x2, s28  }
0x1c5: {  	s30 =	sshll.u32 @!p0 s5, $0xB;
	s5 =	sshll.u32 @!p0 s5, $0xA  }
0x1c6: {  	s30 =	sand.u32 @!p0 $0x7C000, s30;
	s5 =	sand.u32 @!p0 $0x1800, s5  }
0x1c7: {  	s5 =	sor.u32 @!p0 s30, s5  }
0x1c8: {  	s31 =	simm.s32 @!p0 $0x18700;
	s30 =	simm.s32 @!p0 $0x0;
	s5 =	sadd.s32 @!p0 s5, s3  }
0x1c9: {  	[tilespmem:s31], [sflag:$0x1] =	stream.linear.gather @!p0 [hbm4b:s5+s30], $0x2000, $0x38;
	[tilespmem:$0x1D700] =	vst v63  }
0x1ca: {  	_ =	swait.ge [sflag:s22], $0x2000  }
0x1cb: {  	[sflag:s22] =	ssyncset.done $0x0  }
0x1cc: {  	[sflag:s22] =	ssyncadd.s32 $0xFFFFE000  }
0x1cd: {  	_ =	swait.ge [sflag:s13], $0x400  }
0x1ce: {  	[sflag:s13] =	ssyncset.done $0x0  }
0x1cf: {  	s5 =	simm.s32 $0x1A740;
	[sflag:s13] =	ssyncadd.s32 $0xFFFFFC00  }
0x1d0: {  	v0 =	vld [tilespmem:s5+$0x30]  }
0x1d1: {  	v1 =	vld [tilespmem:s5+$0xFFFFFFD0]  }
0x1d2: {  	v2 =	vld [tilespmem:s5+$0xFFFFFFE0]  }
0x1d3: {  	v3 =	vld [tilespmem:s5+$0xFFFFFFF0]  }
0x1d4: {  	v4 =	vld [tilespmem:s5+$0x0]  }
0x1d5: {  	v6 =	vld [tilespmem:s5+$0x10]  }
0x1d6: {  	v7 =	vld [tilespmem:s5+$0x20]  }
0x1d7: {  	v8 =	vld [tilespmem:s5+$0xFFFFFFC0]  }
0x1d8: {  	v9 =	vld.idx.msk [tilespmem:v0+s1+$0x0], $0xffff  }
0x1d9: {  	v10 =	vld.idx.msk [tilespmem:v1+s1+$0x0], $0xffff  }
0x1da: {  	v5 =	vld.idx.msk [tilespmem:v2+s1+$0x0], $0xffff  }
0x1db: {  	v3 =	vld.idx.msk [tilespmem:v3+s1+$0x0], $0xffff  }
0x1dc: {  	v0 =	vld.idx.msk [tilespmem:v4+s1+$0x0], $0xffff  }
0x1dd: {  	s30 =	simm.s32 $0x1CF40;
	v1 =	vld.idx.msk [tilespmem:v6+s1+$0x0], $0xffff  }
0x1de: {  	v2 =	vld.idx.msk [tilespmem:v7+s1+$0x0], $0xffff;
	[tilespmem:s30+$0x30] =	vst v9  }
0x1df: {  	s31 =	simm.s32 $0x0;
	s5 =	simm.s32 $0x1AB40;
	v4 =	vld.idx.msk [tilespmem:v8+s1+$0x0], $0xffff;
	[tilespmem:s30+$0xFFFFFFD0] =	vst v10  }
.LBB2_19:
0x1e0: {  	v6 =	vld [tilespmem:s5+$0x30];
	s31 =	sadd.s32 $0x80, s31;
	[tilespmem:s30+$0xFFFFFFE0] =	vst v5  }
0x1e1: {  	v5 =	vld [tilespmem:s5+$0xFFFFFFD0];
	p1 =	slt.u32 s31, $0x380;
	[tilespmem:s30+$0xFFFFFFF0] =	vst v3  }
0x1e2: {  	v3 =	vld [tilespmem:s5+$0xFFFFFFE0];
	[tilespmem:s30+$0x0] =	vst v0  }
0x1e3: {  	v0 =	vld [tilespmem:s5+$0xFFFFFFF0];
	[tilespmem:s30+$0x10] =	vst v1  }
0x1e4: {  	v1 =	vld [tilespmem:s5+$0x0];
	[tilespmem:s30+$0x20] =	vst v2  }
0x1e5: {  	v2 =	vld [tilespmem:s5+$0x10];
	[tilespmem:s30+$0xFFFFFFC0] =	vst v4  }
0x1e6: {  	v4 =	vld [tilespmem:s5+$0x20]  }
0x1e7: {  	v7 =	vld [tilespmem:s5+$0xFFFFFFC0]  }
0x1e8: {  	v6 =	vld.idx.msk [tilespmem:v6+s1+$0x0], $0xffff  }
0x1e9: {  	v8 =	vld.idx.msk [tilespmem:v5+s1+$0x0], $0xffff  }
0x1ea: {  	v5 =	vld.idx.msk [tilespmem:v3+s1+$0x0], $0xffff  }
.Ltmp8:
0x1eb: {  	v3 =	vld.idx.msk [tilespmem:v0+s1+$0x0], $0xffff;
	(pc) =	sbr.rel @p1 .LBB2_19-.Ltmp8, $4  }
0x1ec: {  	v0 =	vld.idx.msk [tilespmem:v1+s1+$0x0], $0xffff  }
0x1ed: {  	s30 =	sadd.s32 $0x80, s30;
	v1 =	vld.idx.msk [tilespmem:v2+s1+$0x0], $0xffff  }
0x1ee: {  	v2 =	vld.idx.msk [tilespmem:v4+s1+$0x0], $0xffff;
	[tilespmem:s30+$0x30] =	vst v6  }
0x1ef: {  	s5 =	sadd.s32 $0x400, s5;
	v4 =	vld.idx.msk [tilespmem:v7+s1+$0x0], $0xffff;
	[tilespmem:s30+$0xFFFFFFD0] =	vst v8  }
0x1f0: {  	[tilespmem:s30+$0xFFFFFFE0] =	vst v5  }
0x1f1: {  	[tilespmem:s30+$0xFFFFFFF0] =	vst v3  }
0x1f2: {  	[tilespmem:s30+$0x0] =	vst v0  }
0x1f3: {  	[tilespmem:s30+$0x10] =	vst v1  }
0x1f4: {  	s29 =	sor.u32 $0x400, s29;
	[tilespmem:s30+$0x20] =	vst v2  }
0x1f5: {  	s5 =	sadd.s32 s7, s29;
	[tilespmem:s30+$0xFFFFFFC0] =	vst v4  }
0x1f6: {  	[hbm4b:s5+s2] =	stream.strided.scatter [tilespmem:s11], [sflag:$0x3], $0x400, s4, s2, $0x38;
	[tilespmem:$0x1D700] =	vst v63  }
0x1f7: {  	_ =	swait.ge [sflag:s21], $0x400  }
0x1f8: {  	[sflag:s21] =	ssyncset.done $0x0  }
0x1f9: {  	s5 =	simm.s32 $0x1A7F0;
	[sflag:s21] =	ssyncadd.s32 $0xFFFFFC00  }
0x1fa: {  	v0 =	vld [tilespmem:s5+$0x0]  }
0x1fb: {  	v1 =	vld [tilespmem:s5+$0xFFFFFFA0]  }
0x1fc: {  	v2 =	vld [tilespmem:s5+$0xFFFFFFB0]  }
0x1fd: {  	v3 =	vld [tilespmem:s5+$0xFFFFFFC0]  }
0x1fe: {  	v4 =	vld [tilespmem:s5+$0xFFFFFFD0]  }
0x1ff: {  	v6 =	vld [tilespmem:s5+$0xFFFFFFE0]  }
0x200: {  	v7 =	vld [tilespmem:s5+$0xFFFFFFF0]  }
0x201: {  	v8 =	vld [tilespmem:s5+$0xFFFFFF90]  }
0x202: {  	v9 =	vld.idx.msk [tilespmem:v0+s1+$0x0], $0xffff  }
0x203: {  	v10 =	vld.idx.msk [tilespmem:v1+s1+$0x0], $0xffff  }
0x204: {  	v5 =	vld.idx.msk [tilespmem:v2+s1+$0x0], $0xffff  }
0x205: {  	v3 =	vld.idx.msk [tilespmem:v3+s1+$0x0], $0xffff  }
0x206: {  	v0 =	vld.idx.msk [tilespmem:v4+s1+$0x0], $0xffff  }
0x207: {  	s30 =	simm.s32 $0x1D340;
	v1 =	vld.idx.msk [tilespmem:v6+s1+$0x0], $0xffff  }
0x208: {  	v2 =	vld.idx.msk [tilespmem:v7+s1+$0x0], $0xffff;
	[tilespmem:s30+$0x30] =	vst v9  }
0x209: {  	s31 =	simm.s32 $0x0;
	s5 =	simm.s32 $0x1ABF0;
	v4 =	vld.idx.msk [tilespmem:v8+s1+$0x0], $0xffff;
	[tilespmem:s30+$0xFFFFFFD0] =	vst v10  }
.LBB2_21:
0x20a: {  	v6 =	vld [tilespmem:s5+$0x0];
	s31 =	sadd.s32 $0x80, s31;
	[tilespmem:s30+$0xFFFFFFE0] =	vst v5  }
0x20b: {  	v5 =	vld [tilespmem:s5+$0xFFFFFFA0];
	p1 =	slt.u32 s31, $0x380;
	[tilespmem:s30+$0xFFFFFFF0] =	vst v3  }
0x20c: {  	v3 =	vld [tilespmem:s5+$0xFFFFFFB0];
	[tilespmem:s30+$0x0] =	vst v0  }
0x20d: {  	v0 =	vld [tilespmem:s5+$0xFFFFFFC0];
	[tilespmem:s30+$0x10] =	vst v1  }
0x20e: {  	v1 =	vld [tilespmem:s5+$0xFFFFFFD0];
	[tilespmem:s30+$0x20] =	vst v2  }
0x20f: {  	v2 =	vld [tilespmem:s5+$0xFFFFFFE0];
	[tilespmem:s30+$0xFFFFFFC0] =	vst v4  }
0x210: {  	v4 =	vld [tilespmem:s5+$0xFFFFFFF0]  }
0x211: {  	v7 =	vld [tilespmem:s5+$0xFFFFFF90]  }
0x212: {  	v6 =	vld.idx.msk [tilespmem:v6+s1+$0x0], $0xffff  }
0x213: {  	v8 =	vld.idx.msk [tilespmem:v5+s1+$0x0], $0xffff  }
0x214: {  	v5 =	vld.idx.msk [tilespmem:v3+s1+$0x0], $0xffff  }
.Ltmp9:
0x215: {  	v3 =	vld.idx.msk [tilespmem:v0+s1+$0x0], $0xffff;
	(pc) =	sbr.rel @p1 .LBB2_21-.Ltmp9, $4  }
0x216: {  	v0 =	vld.idx.msk [tilespmem:v1+s1+$0x0], $0xffff  }
0x217: {  	s30 =	sadd.s32 $0x80, s30;
	v1 =	vld.idx.msk [tilespmem:v2+s1+$0x0], $0xffff  }
0x218: {  	v2 =	vld.idx.msk [tilespmem:v4+s1+$0x0], $0xffff;
	[tilespmem:s30+$0x30] =	vst v6  }
0x219: {  	s5 =	sadd.s32 $0x400, s5;
	v4 =	vld.idx.msk [tilespmem:v7+s1+$0x0], $0xffff;
	[tilespmem:s30+$0xFFFFFFD0] =	vst v8  }
0x21a: {  	[tilespmem:s30+$0xFFFFFFE0] =	vst v5  }
0x21b: {  	[tilespmem:s30+$0xFFFFFFF0] =	vst v3  }
0x21c: {  	[tilespmem:s30+$0x0] =	vst v0  }
0x21d: {  	[tilespmem:s30+$0x10] =	vst v1  }
0x21e: {  	[tilespmem:s30+$0x20] =	vst v2  }
0x21f: {  	s5 =	sadd.s32 s29, s14;
	[tilespmem:s30+$0xFFFFFFC0] =	vst v4  }
0x220: {  	[hbm4b:s5+s2] =	stream.strided.scatter [tilespmem:s12], [sflag:$0x4], $0x400, s4, s2, $0x38;
	[tilespmem:$0x1D700] =	vst v63  }
0x221: {  	_ =	swait.ge [sflag:s13], $0x400  }
0x222: {  	[sflag:s13] =	ssyncset.done $0x0  }
0x223: {  	s5 =	simm.s32 $0x1A870;
	[sflag:s13] =	ssyncadd.s32 $0xFFFFFC00  }
0x224: {  	v0 =	vld [tilespmem:s5+$0x0]  }
0x225: {  	v1 =	vld [tilespmem:s5+$0xFFFFFFA0]  }
0x226: {  	v2 =	vld [tilespmem:s5+$0xFFFFFFB0]  }
0x227: {  	v3 =	vld [tilespmem:s5+$0xFFFFFFC0]  }
0x228: {  	v4 =	vld [tilespmem:s5+$0xFFFFFFD0]  }
0x229: {  	v6 =	vld [tilespmem:s5+$0xFFFFFFE0]  }
0x22a: {  	v7 =	vld [tilespmem:s5+$0xFFFFFFF0]  }
0x22b: {  	v8 =	vld [tilespmem:s5+$0xFFFFFF90]  }
0x22c: {  	v9 =	vld.idx.msk [tilespmem:v0+s1+$0x0], $0xffff  }
0x22d: {  	v10 =	vld.idx.msk [tilespmem:v1+s1+$0x0], $0xffff  }
0x22e: {  	v5 =	vld.idx.msk [tilespmem:v2+s1+$0x0], $0xffff  }
0x22f: {  	v3 =	vld.idx.msk [tilespmem:v3+s1+$0x0], $0xffff  }
0x230: {  	v0 =	vld.idx.msk [tilespmem:v4+s1+$0x0], $0xffff  }
0x231: {  	s30 =	simm.s32 $0x1CF40;
	v1 =	vld.idx.msk [tilespmem:v6+s1+$0x0], $0xffff  }
0x232: {  	v2 =	vld.idx.msk [tilespmem:v7+s1+$0x0], $0xffff;
	[tilespmem:s30+$0x30] =	vst v9  }
0x233: {  	s31 =	simm.s32 $0x0;
	s5 =	simm.s32 $0x1AC70;
	v4 =	vld.idx.msk [tilespmem:v8+s1+$0x0], $0xffff;
	[tilespmem:s30+$0xFFFFFFD0] =	vst v10  }
.LBB2_23:
0x234: {  	v6 =	vld [tilespmem:s5+$0x0];
	s31 =	sadd.s32 $0x80, s31;
	[tilespmem:s30+$0xFFFFFFE0] =	vst v5  }
0x235: {  	v5 =	vld [tilespmem:s5+$0xFFFFFFA0];
	p1 =	slt.u32 s31, $0x380;
	[tilespmem:s30+$0xFFFFFFF0] =	vst v3  }
0x236: {  	v3 =	vld [tilespmem:s5+$0xFFFFFFB0];
	[tilespmem:s30+$0x0] =	vst v0  }
0x237: {  	v0 =	vld [tilespmem:s5+$0xFFFFFFC0];
	[tilespmem:s30+$0x10] =	vst v1  }
0x238: {  	v1 =	vld [tilespmem:s5+$0xFFFFFFD0];
	[tilespmem:s30+$0x20] =	vst v2  }
0x239: {  	v2 =	vld [tilespmem:s5+$0xFFFFFFE0];
	[tilespmem:s30+$0xFFFFFFC0] =	vst v4  }
0x23a: {  	v4 =	vld [tilespmem:s5+$0xFFFFFFF0]  }
0x23b: {  	v7 =	vld [tilespmem:s5+$0xFFFFFF90]  }
0x23c: {  	v6 =	vld.idx.msk [tilespmem:v6+s1+$0x0], $0xffff  }
0x23d: {  	v8 =	vld.idx.msk [tilespmem:v5+s1+$0x0], $0xffff  }
0x23e: {  	v5 =	vld.idx.msk [tilespmem:v3+s1+$0x0], $0xffff  }
.Ltmp10:
0x23f: {  	v3 =	vld.idx.msk [tilespmem:v0+s1+$0x0], $0xffff;
	(pc) =	sbr.rel @p1 .LBB2_23-.Ltmp10, $4  }
0x240: {  	v0 =	vld.idx.msk [tilespmem:v1+s1+$0x0], $0xffff  }
0x241: {  	s30 =	sadd.s32 $0x80, s30;
	v1 =	vld.idx.msk [tilespmem:v2+s1+$0x0], $0xffff  }
0x242: {  	v2 =	vld.idx.msk [tilespmem:v4+s1+$0x0], $0xffff;
	[tilespmem:s30+$0x30] =	vst v6  }
0x243: {  	s5 =	sadd.s32 $0x400, s5;
	v4 =	vld.idx.msk [tilespmem:v7+s1+$0x0], $0xffff;
	[tilespmem:s30+$0xFFFFFFD0] =	vst v8  }
0x244: {  	[tilespmem:s30+$0xFFFFFFE0] =	vst v5  }
0x245: {  	[tilespmem:s30+$0xFFFFFFF0] =	vst v3  }
0x246: {  	[tilespmem:s30+$0x0] =	vst v0  }
0x247: {  	[tilespmem:s30+$0x10] =	vst v1  }
0x248: {  	[tilespmem:s30+$0x20] =	vst v2  }
0x249: {  	s5 =	sadd.s32 s29, s15;
	[tilespmem:s30+$0xFFFFFFC0] =	vst v4  }
0x24a: {  	[hbm4b:s5+s2] =	stream.strided.scatter [tilespmem:s11], [sflag:$0x3], $0x400, s4, s2, $0x38;
	[tilespmem:$0x1D700] =	vst v63  }
0x24b: {  	_ =	swait.ge [sflag:s21], $0x400  }
0x24c: {  	[sflag:s21] =	ssyncset.done $0x0  }
0x24d: {  	s5 =	simm.s32 $0x1A8F0;
	[sflag:s21] =	ssyncadd.s32 $0xFFFFFC00  }
0x24e: {  	v0 =	vld [tilespmem:s5+$0x0]  }
0x24f: {  	v1 =	vld [tilespmem:s5+$0xFFFFFFA0]  }
0x250: {  	v2 =	vld [tilespmem:s5+$0xFFFFFFB0]  }
0x251: {  	v3 =	vld [tilespmem:s5+$0xFFFFFFC0]  }
0x252: {  	v4 =	vld [tilespmem:s5+$0xFFFFFFD0]  }
0x253: {  	v6 =	vld [tilespmem:s5+$0xFFFFFFE0]  }
0x254: {  	v7 =	vld [tilespmem:s5+$0xFFFFFFF0]  }
0x255: {  	v8 =	vld [tilespmem:s5+$0xFFFFFF90]  }
0x256: {  	v9 =	vld.idx.msk [tilespmem:v0+s1+$0x0], $0xffff  }
0x257: {  	v10 =	vld.idx.msk [tilespmem:v1+s1+$0x0], $0xffff  }
0x258: {  	v5 =	vld.idx.msk [tilespmem:v2+s1+$0x0], $0xffff  }
0x259: {  	v3 =	vld.idx.msk [tilespmem:v3+s1+$0x0], $0xffff  }
0x25a: {  	v0 =	vld.idx.msk [tilespmem:v4+s1+$0x0], $0xffff  }
0x25b: {  	s30 =	simm.s32 $0x1D340;
	v1 =	vld.idx.msk [tilespmem:v6+s1+$0x0], $0xffff  }
0x25c: {  	v2 =	vld.idx.msk [tilespmem:v7+s1+$0x0], $0xffff;
	[tilespmem:s30+$0x30] =	vst v9  }
0x25d: {  	s31 =	simm.s32 $0x0;
	s5 =	simm.s32 $0x1ACF0;
	v4 =	vld.idx.msk [tilespmem:v8+s1+$0x0], $0xffff;
	[tilespmem:s30+$0xFFFFFFD0] =	vst v10  }
.LBB2_25:
0x25e: {  	v6 =	vld [tilespmem:s5+$0x0];
	s31 =	sadd.s32 $0x80, s31;
	[tilespmem:s30+$0xFFFFFFE0] =	vst v5  }
0x25f: {  	v5 =	vld [tilespmem:s5+$0xFFFFFFA0];
	p1 =	slt.u32 s31, $0x380;
	[tilespmem:s30+$0xFFFFFFF0] =	vst v3  }
0x260: {  	v3 =	vld [tilespmem:s5+$0xFFFFFFB0];
	[tilespmem:s30+$0x0] =	vst v0  }
0x261: {  	v0 =	vld [tilespmem:s5+$0xFFFFFFC0];
	[tilespmem:s30+$0x10] =	vst v1  }
0x262: {  	v1 =	vld [tilespmem:s5+$0xFFFFFFD0];
	[tilespmem:s30+$0x20] =	vst v2  }
0x263: {  	v2 =	vld [tilespmem:s5+$0xFFFFFFE0];
	[tilespmem:s30+$0xFFFFFFC0] =	vst v4  }
0x264: {  	v4 =	vld [tilespmem:s5+$0xFFFFFFF0]  }
0x265: {  	v7 =	vld [tilespmem:s5+$0xFFFFFF90]  }
0x266: {  	v6 =	vld.idx.msk [tilespmem:v6+s1+$0x0], $0xffff  }
0x267: {  	v8 =	vld.idx.msk [tilespmem:v5+s1+$0x0], $0xffff  }
0x268: {  	v5 =	vld.idx.msk [tilespmem:v3+s1+$0x0], $0xffff  }
.Ltmp11:
0x269: {  	v3 =	vld.idx.msk [tilespmem:v0+s1+$0x0], $0xffff;
	(pc) =	sbr.rel @p1 .LBB2_25-.Ltmp11, $4  }
0x26a: {  	v0 =	vld.idx.msk [tilespmem:v1+s1+$0x0], $0xffff  }
0x26b: {  	s30 =	sadd.s32 $0x80, s30;
	v1 =	vld.idx.msk [tilespmem:v2+s1+$0x0], $0xffff  }
0x26c: {  	v2 =	vld.idx.msk [tilespmem:v4+s1+$0x0], $0xffff;
	[tilespmem:s30+$0x30] =	vst v6  }
0x26d: {  	s5 =	sadd.s32 $0x400, s5;
	v4 =	vld.idx.msk [tilespmem:v7+s1+$0x0], $0xffff;
	[tilespmem:s30+$0xFFFFFFD0] =	vst v8  }
0x26e: {  	[tilespmem:s30+$0xFFFFFFE0] =	vst v5  }
0x26f: {  	[tilespmem:s30+$0xFFFFFFF0] =	vst v3  }
0x270: {  	[tilespmem:s30+$0x0] =	vst v0  }
0x271: {  	[tilespmem:s30+$0x10] =	vst v1  }
0x272: {  	[tilespmem:s30+$0x20] =	vst v2  }
0x273: {  	s5 =	sadd.s32 s29, s16;
	[tilespmem:s30+$0xFFFFFFC0] =	vst v4  }
0x274: {  	[hbm4b:s5+s2] =	stream.strided.scatter [tilespmem:s12], [sflag:$0x4], $0x400, s4, s2, $0x38;
	[tilespmem:$0x1D700] =	vst v63  }
0x275: {  	_ =	swait.ge [sflag:s13], $0x400  }
0x276: {  	[sflag:s13] =	ssyncset.done $0x0  }
0x277: {  	s5 =	simm.s32 $0x1A970;
	[sflag:s13] =	ssyncadd.s32 $0xFFFFFC00  }
0x278: {  	v0 =	vld [tilespmem:s5+$0x0]  }
0x279: {  	v1 =	vld [tilespmem:s5+$0xFFFFFFA0]  }
0x27a: {  	v2 =	vld [tilespmem:s5+$0xFFFFFFB0]  }
0x27b: {  	v3 =	vld [tilespmem:s5+$0xFFFFFFC0]  }
0x27c: {  	v4 =	vld [tilespmem:s5+$0xFFFFFFD0]  }
0x27d: {  	v6 =	vld [tilespmem:s5+$0xFFFFFFE0]  }
0x27e: {  	v7 =	vld [tilespmem:s5+$0xFFFFFFF0]  }
0x27f: {  	v8 =	vld [tilespmem:s5+$0xFFFFFF90]  }
0x280: {  	v9 =	vld.idx.msk [tilespmem:v0+s1+$0x0], $0xffff  }
0x281: {  	v10 =	vld.idx.msk [tilespmem:v1+s1+$0x0], $0xffff  }
0x282: {  	v5 =	vld.idx.msk [tilespmem:v2+s1+$0x0], $0xffff  }
0x283: {  	v3 =	vld.idx.msk [tilespmem:v3+s1+$0x0], $0xffff  }
0x284: {  	v0 =	vld.idx.msk [tilespmem:v4+s1+$0x0], $0xffff  }
0x285: {  	s30 =	simm.s32 $0x1CF40;
	v1 =	vld.idx.msk [tilespmem:v6+s1+$0x0], $0xffff  }
0x286: {  	v2 =	vld.idx.msk [tilespmem:v7+s1+$0x0], $0xffff;
	[tilespmem:s30+$0x30] =	vst v9  }
0x287: {  	s31 =	simm.s32 $0x0;
	s5 =	simm.s32 $0x1AD70;
	v4 =	vld.idx.msk [tilespmem:v8+s1+$0x0], $0xffff;
	[tilespmem:s30+$0xFFFFFFD0] =	vst v10  }
.LBB2_27:
0x288: {  	v6 =	vld [tilespmem:s5+$0x0];
	s31 =	sadd.s32 $0x80, s31;
	[tilespmem:s30+$0xFFFFFFE0] =	vst v5  }
0x289: {  	v5 =	vld [tilespmem:s5+$0xFFFFFFA0];
	p1 =	slt.u32 s31, $0x380;
	[tilespmem:s30+$0xFFFFFFF0] =	vst v3  }
0x28a: {  	v3 =	vld [tilespmem:s5+$0xFFFFFFB0];
	[tilespmem:s30+$0x0] =	vst v0  }
0x28b: {  	v0 =	vld [tilespmem:s5+$0xFFFFFFC0];
	[tilespmem:s30+$0x10] =	vst v1  }
0x28c: {  	v1 =	vld [tilespmem:s5+$0xFFFFFFD0];
	[tilespmem:s30+$0x20] =	vst v2  }
0x28d: {  	v2 =	vld [tilespmem:s5+$0xFFFFFFE0];
	[tilespmem:s30+$0xFFFFFFC0] =	vst v4  }
0x28e: {  	v4 =	vld [tilespmem:s5+$0xFFFFFFF0]  }
0x28f: {  	v7 =	vld [tilespmem:s5+$0xFFFFFF90]  }
0x290: {  	v6 =	vld.idx.msk [tilespmem:v6+s1+$0x0], $0xffff  }
0x291: {  	v8 =	vld.idx.msk [tilespmem:v5+s1+$0x0], $0xffff  }
0x292: {  	v5 =	vld.idx.msk [tilespmem:v3+s1+$0x0], $0xffff  }
.Ltmp12:
0x293: {  	v3 =	vld.idx.msk [tilespmem:v0+s1+$0x0], $0xffff;
	(pc) =	sbr.rel @p1 .LBB2_27-.Ltmp12, $4  }
0x294: {  	v0 =	vld.idx.msk [tilespmem:v1+s1+$0x0], $0xffff  }
0x295: {  	s30 =	sadd.s32 $0x80, s30;
	v1 =	vld.idx.msk [tilespmem:v2+s1+$0x0], $0xffff  }
0x296: {  	v2 =	vld.idx.msk [tilespmem:v4+s1+$0x0], $0xffff;
	[tilespmem:s30+$0x30] =	vst v6  }
0x297: {  	s5 =	sadd.s32 $0x400, s5;
	v4 =	vld.idx.msk [tilespmem:v7+s1+$0x0], $0xffff;
	[tilespmem:s30+$0xFFFFFFD0] =	vst v8  }
0x298: {  	[tilespmem:s30+$0xFFFFFFE0] =	vst v5  }
0x299: {  	[tilespmem:s30+$0xFFFFFFF0] =	vst v3  }
0x29a: {  	[tilespmem:s30+$0x0] =	vst v0  }
0x29b: {  	[tilespmem:s30+$0x10] =	vst v1  }
0x29c: {  	[tilespmem:s30+$0x20] =	vst v2  }
0x29d: {  	s5 =	sadd.s32 s29, s17;
	[tilespmem:s30+$0xFFFFFFC0] =	vst v4  }
0x29e: {  	[hbm4b:s5+s2] =	stream.strided.scatter [tilespmem:s11], [sflag:$0x3], $0x400, s4, s2, $0x38;
	[tilespmem:$0x1D700] =	vst v63  }
0x29f: {  	_ =	swait.ge [sflag:s21], $0x400  }
0x2a0: {  	[sflag:s21] =	ssyncset.done $0x0  }
0x2a1: {  	s5 =	simm.s32 $0x1A9F0;
	[sflag:s21] =	ssyncadd.s32 $0xFFFFFC00  }
0x2a2: {  	v0 =	vld [tilespmem:s5+$0x0]  }
0x2a3: {  	v1 =	vld [tilespmem:s5+$0xFFFFFFA0]  }
0x2a4: {  	v2 =	vld [tilespmem:s5+$0xFFFFFFB0]  }
0x2a5: {  	v3 =	vld [tilespmem:s5+$0xFFFFFFC0]  }
0x2a6: {  	v4 =	vld [tilespmem:s5+$0xFFFFFFD0]  }
0x2a7: {  	v6 =	vld [tilespmem:s5+$0xFFFFFFE0]  }
0x2a8: {  	v7 =	vld [tilespmem:s5+$0xFFFFFFF0]  }
0x2a9: {  	v8 =	vld [tilespmem:s5+$0xFFFFFF90]  }
0x2aa: {  	v9 =	vld.idx.msk [tilespmem:v0+s1+$0x0], $0xffff  }
0x2ab: {  	v10 =	vld.idx.msk [tilespmem:v1+s1+$0x0], $0xffff  }
0x2ac: {  	v5 =	vld.idx.msk [tilespmem:v2+s1+$0x0], $0xffff  }
0x2ad: {  	v3 =	vld.idx.msk [tilespmem:v3+s1+$0x0], $0xffff  }
0x2ae: {  	v0 =	vld.idx.msk [tilespmem:v4+s1+$0x0], $0xffff  }
0x2af: {  	s30 =	simm.s32 $0x1D340;
	v1 =	vld.idx.msk [tilespmem:v6+s1+$0x0], $0xffff  }
0x2b0: {  	v2 =	vld.idx.msk [tilespmem:v7+s1+$0x0], $0xffff;
	[tilespmem:s30+$0x30] =	vst v9  }
0x2b1: {  	s31 =	simm.s32 $0x0;
	s5 =	simm.s32 $0x1ADF0;
	v4 =	vld.idx.msk [tilespmem:v8+s1+$0x0], $0xffff;
	[tilespmem:s30+$0xFFFFFFD0] =	vst v10  }
.LBB2_29:
0x2b2: {  	v6 =	vld [tilespmem:s5+$0x0];
	s31 =	sadd.s32 $0x80, s31;
	[tilespmem:s30+$0xFFFFFFE0] =	vst v5  }
0x2b3: {  	v5 =	vld [tilespmem:s5+$0xFFFFFFA0];
	p1 =	slt.u32 s31, $0x380;
	[tilespmem:s30+$0xFFFFFFF0] =	vst v3  }
0x2b4: {  	v3 =	vld [tilespmem:s5+$0xFFFFFFB0];
	[tilespmem:s30+$0x0] =	vst v0  }
0x2b5: {  	v0 =	vld [tilespmem:s5+$0xFFFFFFC0];
	[tilespmem:s30+$0x10] =	vst v1  }
0x2b6: {  	v1 =	vld [tilespmem:s5+$0xFFFFFFD0];
	[tilespmem:s30+$0x20] =	vst v2  }
0x2b7: {  	v2 =	vld [tilespmem:s5+$0xFFFFFFE0];
	[tilespmem:s30+$0xFFFFFFC0] =	vst v4  }
0x2b8: {  	v4 =	vld [tilespmem:s5+$0xFFFFFFF0]  }
0x2b9: {  	v7 =	vld [tilespmem:s5+$0xFFFFFF90]  }
0x2ba: {  	v6 =	vld.idx.msk [tilespmem:v6+s1+$0x0], $0xffff  }
0x2bb: {  	v8 =	vld.idx.msk [tilespmem:v5+s1+$0x0], $0xffff  }
0x2bc: {  	v5 =	vld.idx.msk [tilespmem:v3+s1+$0x0], $0xffff  }
.Ltmp13:
0x2bd: {  	v3 =	vld.idx.msk [tilespmem:v0+s1+$0x0], $0xffff;
	(pc) =	sbr.rel @p1 .LBB2_29-.Ltmp13, $4  }
0x2be: {  	v0 =	vld.idx.msk [tilespmem:v1+s1+$0x0], $0xffff  }
0x2bf: {  	s30 =	sadd.s32 $0x80, s30;
	v1 =	vld.idx.msk [tilespmem:v2+s1+$0x0], $0xffff  }
0x2c0: {  	v2 =	vld.idx.msk [tilespmem:v4+s1+$0x0], $0xffff;
	[tilespmem:s30+$0x30] =	vst v6  }
0x2c1: {  	s5 =	sadd.s32 $0x400, s5;
	v4 =	vld.idx.msk [tilespmem:v7+s1+$0x0], $0xffff;
	[tilespmem:s30+$0xFFFFFFD0] =	vst v8  }
0x2c2: {  	[tilespmem:s30+$0xFFFFFFE0] =	vst v5  }
0x2c3: {  	[tilespmem:s30+$0xFFFFFFF0] =	vst v3  }
0x2c4: {  	[tilespmem:s30+$0x0] =	vst v0  }
0x2c5: {  	[tilespmem:s30+$0x10] =	vst v1  }
0x2c6: {  	[tilespmem:s30+$0x20] =	vst v2  }
0x2c7: {  	s5 =	sadd.s32 s29, s18;
	[tilespmem:s30+$0xFFFFFFC0] =	vst v4  }
0x2c8: {  	[hbm4b:s5+s2] =	stream.strided.scatter [tilespmem:s12], [sflag:$0x4], $0x400, s4, s2, $0x38;
	[tilespmem:$0x1D700] =	vst v63  }
0x2c9: {  	_ =	swait.ge [sflag:s13], $0x400  }
0x2ca: {  	[sflag:s13] =	ssyncset.done $0x0  }
0x2cb: {  	s5 =	simm.s32 $0x1AA70;
	[sflag:s13] =	ssyncadd.s32 $0xFFFFFC00  }
0x2cc: {  	v0 =	vld [tilespmem:s5+$0x0]  }
0x2cd: {  	v1 =	vld [tilespmem:s5+$0xFFFFFFA0]  }
0x2ce: {  	v2 =	vld [tilespmem:s5+$0xFFFFFFB0]  }
0x2cf: {  	v3 =	vld [tilespmem:s5+$0xFFFFFFC0]  }
0x2d0: {  	v4 =	vld [tilespmem:s5+$0xFFFFFFD0]  }
0x2d1: {  	v6 =	vld [tilespmem:s5+$0xFFFFFFE0]  }
0x2d2: {  	v7 =	vld [tilespmem:s5+$0xFFFFFFF0]  }
0x2d3: {  	v8 =	vld [tilespmem:s5+$0xFFFFFF90]  }
0x2d4: {  	v9 =	vld.idx.msk [tilespmem:v0+s1+$0x0], $0xffff  }
0x2d5: {  	v10 =	vld.idx.msk [tilespmem:v1+s1+$0x0], $0xffff  }
0x2d6: {  	v5 =	vld.idx.msk [tilespmem:v2+s1+$0x0], $0xffff  }
0x2d7: {  	v3 =	vld.idx.msk [tilespmem:v3+s1+$0x0], $0xffff  }
0x2d8: {  	v0 =	vld.idx.msk [tilespmem:v4+s1+$0x0], $0xffff  }
0x2d9: {  	s30 =	simm.s32 $0x1CF40;
	v1 =	vld.idx.msk [tilespmem:v6+s1+$0x0], $0xffff  }
0x2da: {  	v2 =	vld.idx.msk [tilespmem:v7+s1+$0x0], $0xffff;
	[tilespmem:s30+$0x30] =	vst v9  }
0x2db: {  	s31 =	simm.s32 $0x0;
	s5 =	simm.s32 $0x1AE70;
	v4 =	vld.idx.msk [tilespmem:v8+s1+$0x0], $0xffff;
	[tilespmem:s30+$0xFFFFFFD0] =	vst v10  }
.LBB2_31:
0x2dc: {  	v6 =	vld [tilespmem:s5+$0x0];
	s31 =	sadd.s32 $0x80, s31;
	[tilespmem:s30+$0xFFFFFFE0] =	vst v5  }
0x2dd: {  	v5 =	vld [tilespmem:s5+$0xFFFFFFA0];
	p1 =	slt.u32 s31, $0x380;
	[tilespmem:s30+$0xFFFFFFF0] =	vst v3  }
0x2de: {  	v3 =	vld [tilespmem:s5+$0xFFFFFFB0];
	[tilespmem:s30+$0x0] =	vst v0  }
0x2df: {  	v0 =	vld [tilespmem:s5+$0xFFFFFFC0];
	[tilespmem:s30+$0x10] =	vst v1  }
0x2e0: {  	v1 =	vld [tilespmem:s5+$0xFFFFFFD0];
	[tilespmem:s30+$0x20] =	vst v2  }
0x2e1: {  	v2 =	vld [tilespmem:s5+$0xFFFFFFE0];
	[tilespmem:s30+$0xFFFFFFC0] =	vst v4  }
0x2e2: {  	v4 =	vld [tilespmem:s5+$0xFFFFFFF0]  }
0x2e3: {  	v7 =	vld [tilespmem:s5+$0xFFFFFF90]  }
0x2e4: {  	v6 =	vld.idx.msk [tilespmem:v6+s1+$0x0], $0xffff  }
0x2e5: {  	v8 =	vld.idx.msk [tilespmem:v5+s1+$0x0], $0xffff  }
0x2e6: {  	v5 =	vld.idx.msk [tilespmem:v3+s1+$0x0], $0xffff  }
.Ltmp14:
0x2e7: {  	v3 =	vld.idx.msk [tilespmem:v0+s1+$0x0], $0xffff;
	(pc) =	sbr.rel @p1 .LBB2_31-.Ltmp14, $4  }
0x2e8: {  	v0 =	vld.idx.msk [tilespmem:v1+s1+$0x0], $0xffff  }
0x2e9: {  	s30 =	sadd.s32 $0x80, s30;
	v1 =	vld.idx.msk [tilespmem:v2+s1+$0x0], $0xffff  }
0x2ea: {  	v2 =	vld.idx.msk [tilespmem:v4+s1+$0x0], $0xffff;
	[tilespmem:s30+$0x30] =	vst v6  }
0x2eb: {  	s5 =	sadd.s32 $0x400, s5;
	v4 =	vld.idx.msk [tilespmem:v7+s1+$0x0], $0xffff;
	[tilespmem:s30+$0xFFFFFFD0] =	vst v8  }
0x2ec: {  	[tilespmem:s30+$0xFFFFFFE0] =	vst v5  }
0x2ed: {  	[tilespmem:s30+$0xFFFFFFF0] =	vst v3  }
0x2ee: {  	[tilespmem:s30+$0x0] =	vst v0  }
0x2ef: {  	[tilespmem:s30+$0x10] =	vst v1  }
0x2f0: {  	[tilespmem:s30+$0x20] =	vst v2  }
0x2f1: {  	s5 =	sadd.s32 s29, s19;
	[tilespmem:s30+$0xFFFFFFC0] =	vst v4  }
0x2f2: {  	[hbm4b:s5+s2] =	stream.strided.scatter [tilespmem:s11], [sflag:$0x3], $0x400, s4, s2, $0x38;
	[tilespmem:$0x1D700] =	vst v63  }
0x2f3: {  	_ =	swait.ge [sflag:s21], $0x400  }
0x2f4: {  	[sflag:s21] =	ssyncset.done $0x0  }
0x2f5: {  	s5 =	simm.s32 $0x1AAF0;
	[sflag:s21] =	ssyncadd.s32 $0xFFFFFC00  }
0x2f6: {  	v0 =	vld [tilespmem:s5+$0x0]  }
0x2f7: {  	v1 =	vld [tilespmem:s5+$0xFFFFFFA0]  }
0x2f8: {  	v2 =	vld [tilespmem:s5+$0xFFFFFFB0]  }
0x2f9: {  	v3 =	vld [tilespmem:s5+$0xFFFFFFC0]  }
0x2fa: {  	v4 =	vld [tilespmem:s5+$0xFFFFFFD0]  }
0x2fb: {  	v6 =	vld [tilespmem:s5+$0xFFFFFFE0]  }
0x2fc: {  	v7 =	vld [tilespmem:s5+$0xFFFFFFF0]  }
0x2fd: {  	v8 =	vld [tilespmem:s5+$0xFFFFFF90]  }
0x2fe: {  	v9 =	vld.idx.msk [tilespmem:v0+s1+$0x0], $0xffff  }
0x2ff: {  	v10 =	vld.idx.msk [tilespmem:v1+s1+$0x0], $0xffff  }
0x300: {  	v5 =	vld.idx.msk [tilespmem:v2+s1+$0x0], $0xffff  }
0x301: {  	v3 =	vld.idx.msk [tilespmem:v3+s1+$0x0], $0xffff  }
0x302: {  	v0 =	vld.idx.msk [tilespmem:v4+s1+$0x0], $0xffff  }
0x303: {  	s30 =	simm.s32 $0x1D340;
	v1 =	vld.idx.msk [tilespmem:v6+s1+$0x0], $0xffff  }
0x304: {  	v2 =	vld.idx.msk [tilespmem:v7+s1+$0x0], $0xffff;
	[tilespmem:s30+$0x30] =	vst v9  }
0x305: {  	s31 =	simm.s32 $0x0;
	s5 =	simm.s32 $0x1AEF0;
	v4 =	vld.idx.msk [tilespmem:v8+s1+$0x0], $0xffff;
	[tilespmem:s30+$0xFFFFFFD0] =	vst v10  }
.LBB2_33:
0x306: {  	v6 =	vld [tilespmem:s5+$0x0];
	s31 =	sadd.s32 $0x80, s31;
	[tilespmem:s30+$0xFFFFFFE0] =	vst v5  }
0x307: {  	v5 =	vld [tilespmem:s5+$0xFFFFFFA0];
	p1 =	slt.u32 s31, $0x380;
	[tilespmem:s30+$0xFFFFFFF0] =	vst v3  }
0x308: {  	v3 =	vld [tilespmem:s5+$0xFFFFFFB0];
	[tilespmem:s30+$0x0] =	vst v0  }
0x309: {  	v0 =	vld [tilespmem:s5+$0xFFFFFFC0];
	[tilespmem:s30+$0x10] =	vst v1  }
0x30a: {  	v1 =	vld [tilespmem:s5+$0xFFFFFFD0];
	[tilespmem:s30+$0x20] =	vst v2  }
0x30b: {  	v2 =	vld [tilespmem:s5+$0xFFFFFFE0];
	[tilespmem:s30+$0xFFFFFFC0] =	vst v4  }
0x30c: {  	v4 =	vld [tilespmem:s5+$0xFFFFFFF0]  }
0x30d: {  	v7 =	vld [tilespmem:s5+$0xFFFFFF90]  }
0x30e: {  	v6 =	vld.idx.msk [tilespmem:v6+s1+$0x0], $0xffff  }
0x30f: {  	v8 =	vld.idx.msk [tilespmem:v5+s1+$0x0], $0xffff  }
0x310: {  	v5 =	vld.idx.msk [tilespmem:v3+s1+$0x0], $0xffff  }
.Ltmp15:
0x311: {  	v3 =	vld.idx.msk [tilespmem:v0+s1+$0x0], $0xffff;
	(pc) =	sbr.rel @p1 .LBB2_33-.Ltmp15, $4  }
0x312: {  	v0 =	vld.idx.msk [tilespmem:v1+s1+$0x0], $0xffff  }
0x313: {  	s30 =	sadd.s32 $0x80, s30;
	v1 =	vld.idx.msk [tilespmem:v2+s1+$0x0], $0xffff  }
0x314: {  	v2 =	vld.idx.msk [tilespmem:v4+s1+$0x0], $0xffff;
	[tilespmem:s30+$0x30] =	vst v6  }
0x315: {  	s5 =	sadd.s32 $0x400, s5;
	v4 =	vld.idx.msk [tilespmem:v7+s1+$0x0], $0xffff;
	[tilespmem:s30+$0xFFFFFFD0] =	vst v8  }
0x316: {  	[tilespmem:s30+$0xFFFFFFE0] =	vst v5  }
0x317: {  	[tilespmem:s30+$0xFFFFFFF0] =	vst v3  }
.Ltmp16:
0x318: {  	[tilespmem:s30+$0x0] =	vst v0;
	(pc) =	sbr.rel @p0 .LBB2_36-.Ltmp16, $4  }
0x319: {  	[tilespmem:s30+$0x10] =	vst v1  }
0x31a: {  	[tilespmem:s30+$0x20] =	vst v2  }
0x31b: {  	s5 =	sadd.s32 s29, s20;
	[tilespmem:s30+$0xFFFFFFC0] =	vst v4  }
0x31c: {  	[hbm4b:s5+s2] =	stream.strided.scatter [tilespmem:s12], [sflag:$0x4], $0x400, s4, s2, $0x38;
	[tilespmem:$0x1D700] =	vst v63  }
0x31d: {  	s5 =	sadd.s32 $0x3, s28  }
.Ltmp17:
0x31e: {  	s28 =	sshll.u32 s5, $0xB;
	s5 =	sshll.u32 s5, $0xA;
	(pc) =	sbr.rel .LBB2_2-.Ltmp17, $4  }
0x31f: {  	s28 =	sand.u32 $0x7C000, s28;
	s5 =	sand.u32 $0x1C00, s5  }
0x320: {  	s5 =	sor.u32 s28, s5  }
0x321: {  	s26 =	sadd.s32 $0x1, s26;
	s5 =	sadd.s32 s5, s3  }
0x322: {  	[tilespmem:s9], [sflag:$0x2] =	stream.linear.gather [hbm4b:s5+s1], $0x2000, $0x38;
	[tilespmem:$0x1D700] =	vst v63  }
.LBB2_36:
0x323: {  	s5 =	sld [smem:$0x7DF];
	_ =	sdelay $0x2  }
0x324: {  	[tilespmem:s23], [sflag:$0x5] =	stream.strided.gather [hbm4b:s5+s2], $0x400, s4, s2, $0x38;
	[tilespmem:$0x1D700] =	vst v63  }
0x325: {  	_ =	swait.ge [sflag:s8], $0x400  }
0x326: {  	[sflag:s8] =	ssyncset.done $0x0  }
0x327: {  	[sflag:s8] =	ssyncadd.s32 $0xFFFFFC00  }
0x328: {  	_ =	swait.ge [sflag:s13], $0x400  }
0x329: {  	[sflag:s13] =	ssyncset.done $0x0  }
0x32a: {  	s31 =	simm.s32 $0x1C740;
	[sflag:s13] =	ssyncadd.s32 $0xFFFFFC00  }
0x32b: {  	v0 =	vld [tilespmem:s31+$0x30]  }
0x32c: {  	v1 =	vld [tilespmem:s31+$0xFFFFFFD0]  }
0x32d: {  	v2 =	vld [tilespmem:s31+$0xFFFFFFE0]  }
0x32e: {  	v3 =	vld [tilespmem:s31+$0xFFFFFFF0]  }
0x32f: {  	v4 =	vld [tilespmem:s31+$0x0]  }
0x330: {  	v6 =	vld [tilespmem:s31+$0x10]  }
0x331: {  	v7 =	vld [tilespmem:s31+$0x20]  }
0x332: {  	v8 =	vld [tilespmem:s31+$0xFFFFFFC0]  }
0x333: {  	v9 =	vld.idx.msk [tilespmem:v0+s1+$0x0], $0xffff  }
0x334: {  	v10 =	vld.idx.msk [tilespmem:v1+s1+$0x0], $0xffff  }
0x335: {  	v5 =	vld.idx.msk [tilespmem:v2+s1+$0x0], $0xffff  }
0x336: {  	v3 =	vld.idx.msk [tilespmem:v3+s1+$0x0], $0xffff  }
0x337: {  	v0 =	vld.idx.msk [tilespmem:v4+s1+$0x0], $0xffff  }
0x338: {  	s26 =	simm.s32 $0x1CF40;
	v1 =	vld.idx.msk [tilespmem:v6+s1+$0x0], $0xffff  }
0x339: {  	v2 =	vld.idx.msk [tilespmem:v7+s1+$0x0], $0xffff;
	[tilespmem:s26+$0x30] =	vst v9  }
0x33a: {  	s28 =	simm.s32 $0x0;
	s5 =	simm.s32 $0x1C7C0;
	v4 =	vld.idx.msk [tilespmem:v8+s1+$0x0], $0xffff;
	[tilespmem:s26+$0xFFFFFFD0] =	vst v10  }
.LBB2_37:
0x33b: {  	v6 =	vld [tilespmem:s5+$0x30];
	s28 =	sadd.s32 $0x80, s28;
	[tilespmem:s26+$0xFFFFFFE0] =	vst v5  }
0x33c: {  	v5 =	vld [tilespmem:s5+$0xFFFFFFD0];
	p0 =	slt.u32 s28, $0x380;
	[tilespmem:s26+$0xFFFFFFF0] =	vst v3  }
0x33d: {  	v3 =	vld [tilespmem:s5+$0xFFFFFFE0];
	[tilespmem:s26+$0x0] =	vst v0  }
0x33e: {  	v0 =	vld [tilespmem:s5+$0xFFFFFFF0];
	[tilespmem:s26+$0x10] =	vst v1  }
0x33f: {  	v1 =	vld [tilespmem:s5+$0x0];
	[tilespmem:s26+$0x20] =	vst v2  }
0x340: {  	v2 =	vld [tilespmem:s5+$0x10];
	[tilespmem:s26+$0xFFFFFFC0] =	vst v4  }
0x341: {  	v4 =	vld [tilespmem:s5+$0x20]  }
0x342: {  	v7 =	vld [tilespmem:s5+$0xFFFFFFC0]  }
0x343: {  	v6 =	vld.idx.msk [tilespmem:v6+s1+$0x0], $0xffff  }
0x344: {  	v8 =	vld.idx.msk [tilespmem:v5+s1+$0x0], $0xffff  }
0x345: {  	v5 =	vld.idx.msk [tilespmem:v3+s1+$0x0], $0xffff  }
.Ltmp18:
0x346: {  	v3 =	vld.idx.msk [tilespmem:v0+s1+$0x0], $0xffff;
	(pc) =	sbr.rel @p0 .LBB2_37-.Ltmp18, $4  }
0x347: {  	v0 =	vld.idx.msk [tilespmem:v1+s1+$0x0], $0xffff  }
0x348: {  	s26 =	sadd.s32 $0x80, s26;
	v1 =	vld.idx.msk [tilespmem:v2+s1+$0x0], $0xffff  }
0x349: {  	v2 =	vld.idx.msk [tilespmem:v4+s1+$0x0], $0xffff;
	[tilespmem:s26+$0x30] =	vst v6  }
0x34a: {  	s5 =	sadd.s32 $0x80, s5;
	v4 =	vld.idx.msk [tilespmem:v7+s1+$0x0], $0xffff;
	[tilespmem:s26+$0xFFFFFFD0] =	vst v8  }
0x34b: {  	[tilespmem:s26+$0xFFFFFFE0] =	vst v5  }
0x34c: {  	[tilespmem:s26+$0xFFFFFFF0] =	vst v3  }
0x34d: {  	[tilespmem:s26+$0x0] =	vst v0  }
0x34e: {  	[tilespmem:s26+$0x10] =	vst v1  }
0x34f: {  	[tilespmem:s26+$0x20] =	vst v2  }
0x350: {  	[tilespmem:s26+$0xFFFFFFC0] =	vst v4  }
0x351: {  	s5 =	rddreg [dreg:$0x6]  }
0x352: {  	s30 =	sld [smem:$0x7E0]  }
0x353: {  	[hbm4b:s5+s2] =	stream.strided.scatter [tilespmem:s11], [sflag:$0x3], $0x400, s4, s2, $0x38;
	[tilespmem:$0x1D700] =	vst v63  }
0x354: {  	_ = 	snop  }
0x355: {  	[tilespmem:s24], [sflag:$0x5] =	stream.strided.gather [hbm4b:s30+s2], $0x400, s4, s2, $0x38;
	[tilespmem:$0x1D700] =	vst v63  }
0x356: {  	_ =	swait.ge [sflag:s8], $0x400  }
0x357: {  	[sflag:s8] =	ssyncset.done $0x0  }
0x358: {  	[sflag:s8] =	ssyncadd.s32 $0xFFFFFC00  }
0x359: {  	_ =	swait.ge [sflag:s21], $0x400  }
0x35a: {  	[sflag:s21] =	ssyncset.done $0x0  }
0x35b: {  	s31 =	simm.s32 $0x1CB40;
	[sflag:s21] =	ssyncadd.s32 $0xFFFFFC00  }
0x35c: {  	v0 =	vld [tilespmem:s31+$0x30]  }
0x35d: {  	v1 =	vld [tilespmem:s31+$0xFFFFFFD0]  }
0x35e: {  	v2 =	vld [tilespmem:s31+$0xFFFFFFE0]  }
0x35f: {  	v3 =	vld [tilespmem:s31+$0xFFFFFFF0]  }
0x360: {  	v4 =	vld [tilespmem:s31+$0x0]  }
0x361: {  	v6 =	vld [tilespmem:s31+$0x10]  }
0x362: {  	v7 =	vld [tilespmem:s31+$0x20]  }
0x363: {  	v8 =	vld [tilespmem:s31+$0xFFFFFFC0]  }
0x364: {  	v9 =	vld.idx.msk [tilespmem:v0+s1+$0x0], $0xffff  }
0x365: {  	v10 =	vld.idx.msk [tilespmem:v1+s1+$0x0], $0xffff  }
0x366: {  	v5 =	vld.idx.msk [tilespmem:v2+s1+$0x0], $0xffff  }
0x367: {  	v3 =	vld.idx.msk [tilespmem:v3+s1+$0x0], $0xffff  }
0x368: {  	v0 =	vld.idx.msk [tilespmem:v4+s1+$0x0], $0xffff  }
0x369: {  	s26 =	simm.s32 $0x1D340;
	v1 =	vld.idx.msk [tilespmem:v6+s1+$0x0], $0xffff  }
0x36a: {  	v2 =	vld.idx.msk [tilespmem:v7+s1+$0x0], $0xffff;
	[tilespmem:s26+$0x30] =	vst v9  }
0x36b: {  	s28 =	simm.s32 $0x0;
	s5 =	simm.s32 $0x1CBC0;
	v4 =	vld.idx.msk [tilespmem:v8+s1+$0x0], $0xffff;
	[tilespmem:s26+$0xFFFFFFD0] =	vst v10  }
.LBB2_39:
0x36c: {  	v6 =	vld [tilespmem:s5+$0x30];
	s28 =	sadd.s32 $0x80, s28;
	[tilespmem:s26+$0xFFFFFFE0] =	vst v5  }
0x36d: {  	v5 =	vld [tilespmem:s5+$0xFFFFFFD0];
	p0 =	slt.u32 s28, $0x380;
	[tilespmem:s26+$0xFFFFFFF0] =	vst v3  }
0x36e: {  	v3 =	vld [tilespmem:s5+$0xFFFFFFE0];
	[tilespmem:s26+$0x0] =	vst v0  }
0x36f: {  	v0 =	vld [tilespmem:s5+$0xFFFFFFF0];
	[tilespmem:s26+$0x10] =	vst v1  }
0x370: {  	v1 =	vld [tilespmem:s5+$0x0];
	[tilespmem:s26+$0x20] =	vst v2  }
0x371: {  	v2 =	vld [tilespmem:s5+$0x10];
	[tilespmem:s26+$0xFFFFFFC0] =	vst v4  }
0x372: {  	v4 =	vld [tilespmem:s5+$0x20]  }
0x373: {  	v7 =	vld [tilespmem:s5+$0xFFFFFFC0]  }
0x374: {  	v6 =	vld.idx.msk [tilespmem:v6+s1+$0x0], $0xffff  }
0x375: {  	v8 =	vld.idx.msk [tilespmem:v5+s1+$0x0], $0xffff  }
0x376: {  	v5 =	vld.idx.msk [tilespmem:v3+s1+$0x0], $0xffff  }
.Ltmp19:
0x377: {  	v3 =	vld.idx.msk [tilespmem:v0+s1+$0x0], $0xffff;
	(pc) =	sbr.rel @p0 .LBB2_39-.Ltmp19, $4  }
0x378: {  	v0 =	vld.idx.msk [tilespmem:v1+s1+$0x0], $0xffff  }
0x379: {  	s26 =	sadd.s32 $0x80, s26;
	v1 =	vld.idx.msk [tilespmem:v2+s1+$0x0], $0xffff  }
0x37a: {  	v2 =	vld.idx.msk [tilespmem:v4+s1+$0x0], $0xffff;
	[tilespmem:s26+$0x30] =	vst v6  }
0x37b: {  	s5 =	sadd.s32 $0x80, s5;
	v4 =	vld.idx.msk [tilespmem:v7+s1+$0x0], $0xffff;
	[tilespmem:s26+$0xFFFFFFD0] =	vst v8  }
0x37c: {  	[tilespmem:s26+$0xFFFFFFE0] =	vst v5  }
0x37d: {  	[tilespmem:s26+$0xFFFFFFF0] =	vst v3  }
0x37e: {  	[tilespmem:s26+$0x0] =	vst v0  }
0x37f: {  	[tilespmem:s26+$0x10] =	vst v1  }
0x380: {  	[tilespmem:s26+$0x20] =	vst v2  }
0x381: {  	[tilespmem:s26+$0xFFFFFFC0] =	vst v4  }
0x382: {  	s5 =	rddreg [dreg:$0x7]  }
0x383: {  	s30 =	sld [smem:$0x7E1]  }
0x384: {  	[hbm4b:s5+s2] =	stream.strided.scatter [tilespmem:s12], [sflag:$0x4], $0x400, s4, s2, $0x38;
	[tilespmem:$0x1D700] =	vst v63  }
0x385: {  	_ = 	snop  }
0x386: {  	[tilespmem:s23], [sflag:$0x5] =	stream.strided.gather [hbm4b:s30+s2], $0x400, s4, s2, $0x38;
	[tilespmem:$0x1D700] =	vst v63  }
0x387: {  	_ =	swait.ge [sflag:s8], $0x400  }
0x388: {  	[sflag:s8] =	ssyncset.done $0x0  }
0x389: {  	[sflag:s8] =	ssyncadd.s32 $0xFFFFFC00  }
0x38a: {  	_ =	swait.ge [sflag:s13], $0x400  }
0x38b: {  	[sflag:s13] =	ssyncset.done $0x0  }
0x38c: {  	s31 =	simm.s32 $0x1C740;
	[sflag:s13] =	ssyncadd.s32 $0xFFFFFC00  }
0x38d: {  	v0 =	vld [tilespmem:s31+$0x30]  }
0x38e: {  	v1 =	vld [tilespmem:s31+$0xFFFFFFD0]  }
0x38f: {  	v2 =	vld [tilespmem:s31+$0xFFFFFFE0]  }
0x390: {  	v3 =	vld [tilespmem:s31+$0xFFFFFFF0]  }
0x391: {  	v4 =	vld [tilespmem:s31+$0x0]  }
0x392: {  	v6 =	vld [tilespmem:s31+$0x10]  }
0x393: {  	v7 =	vld [tilespmem:s31+$0x20]  }
0x394: {  	v8 =	vld [tilespmem:s31+$0xFFFFFFC0]  }
0x395: {  	v9 =	vld.idx.msk [tilespmem:v0+s1+$0x0], $0xffff  }
0x396: {  	v10 =	vld.idx.msk [tilespmem:v1+s1+$0x0], $0xffff  }
0x397: {  	v5 =	vld.idx.msk [tilespmem:v2+s1+$0x0], $0xffff  }
0x398: {  	v3 =	vld.idx.msk [tilespmem:v3+s1+$0x0], $0xffff  }
0x399: {  	v0 =	vld.idx.msk [tilespmem:v4+s1+$0x0], $0xffff  }
0x39a: {  	s26 =	simm.s32 $0x1CF40;
	v1 =	vld.idx.msk [tilespmem:v6+s1+$0x0], $0xffff  }
0x39b: {  	v2 =	vld.idx.msk [tilespmem:v7+s1+$0x0], $0xffff;
	[tilespmem:s26+$0x30] =	vst v9  }
0x39c: {  	s28 =	simm.s32 $0x0;
	s5 =	simm.s32 $0x1C7C0;
	v4 =	vld.idx.msk [tilespmem:v8+s1+$0x0], $0xffff;
	[tilespmem:s26+$0xFFFFFFD0] =	vst v10  }
.LBB2_41:
0x39d: {  	v6 =	vld [tilespmem:s5+$0x30];
	s28 =	sadd.s32 $0x80, s28;
	[tilespmem:s26+$0xFFFFFFE0] =	vst v5  }
0x39e: {  	v5 =	vld [tilespmem:s5+$0xFFFFFFD0];
	p0 =	slt.u32 s28, $0x380;
	[tilespmem:s26+$0xFFFFFFF0] =	vst v3  }
0x39f: {  	v3 =	vld [tilespmem:s5+$0xFFFFFFE0];
	[tilespmem:s26+$0x0] =	vst v0  }
0x3a0: {  	v0 =	vld [tilespmem:s5+$0xFFFFFFF0];
	[tilespmem:s26+$0x10] =	vst v1  }
0x3a1: {  	v1 =	vld [tilespmem:s5+$0x0];
	[tilespmem:s26+$0x20] =	vst v2  }
0x3a2: {  	v2 =	vld [tilespmem:s5+$0x10];
	[tilespmem:s26+$0xFFFFFFC0] =	vst v4  }
0x3a3: {  	v4 =	vld [tilespmem:s5+$0x20]  }
0x3a4: {  	v7 =	vld [tilespmem:s5+$0xFFFFFFC0]  }
0x3a5: {  	v6 =	vld.idx.msk [tilespmem:v6+s1+$0x0], $0xffff  }
0x3a6: {  	v8 =	vld.idx.msk [tilespmem:v5+s1+$0x0], $0xffff  }
0x3a7: {  	v5 =	vld.idx.msk [tilespmem:v3+s1+$0x0], $0xffff  }
.Ltmp20:
0x3a8: {  	v3 =	vld.idx.msk [tilespmem:v0+s1+$0x0], $0xffff;
	(pc) =	sbr.rel @p0 .LBB2_41-.Ltmp20, $4  }
0x3a9: {  	v0 =	vld.idx.msk [tilespmem:v1+s1+$0x0], $0xffff  }
0x3aa: {  	s26 =	sadd.s32 $0x80, s26;
	v1 =	vld.idx.msk [tilespmem:v2+s1+$0x0], $0xffff  }
0x3ab: {  	v2 =	vld.idx.msk [tilespmem:v4+s1+$0x0], $0xffff;
	[tilespmem:s26+$0x30] =	vst v6  }
0x3ac: {  	s5 =	sadd.s32 $0x80, s5;
	v4 =	vld.idx.msk [tilespmem:v7+s1+$0x0], $0xffff;
	[tilespmem:s26+$0xFFFFFFD0] =	vst v8  }
0x3ad: {  	[tilespmem:s26+$0xFFFFFFE0] =	vst v5  }
0x3ae: {  	[tilespmem:s26+$0xFFFFFFF0] =	vst v3  }
0x3af: {  	[tilespmem:s26+$0x0] =	vst v0  }
0x3b0: {  	[tilespmem:s26+$0x10] =	vst v1  }
0x3b1: {  	[tilespmem:s26+$0x20] =	vst v2  }
0x3b2: {  	[tilespmem:s26+$0xFFFFFFC0] =	vst v4  }
0x3b3: {  	s5 =	rddreg [dreg:$0x8]  }
0x3b4: {  	s30 =	sld [smem:$0x7E2]  }
0x3b5: {  	[hbm4b:s5+s2] =	stream.strided.scatter [tilespmem:s11], [sflag:$0x3], $0x400, s4, s2, $0x38;
	[tilespmem:$0x1D700] =	vst v63  }
0x3b6: {  	_ = 	snop  }
0x3b7: {  	[tilespmem:s24], [sflag:$0x5] =	stream.strided.gather [hbm4b:s30+s2], $0x400, s4, s2, $0x38;
	[tilespmem:$0x1D700] =	vst v63  }
0x3b8: {  	_ =	swait.ge [sflag:s8], $0x400  }
0x3b9: {  	[sflag:s8] =	ssyncset.done $0x0  }
0x3ba: {  	[sflag:s8] =	ssyncadd.s32 $0xFFFFFC00  }
0x3bb: {  	_ =	swait.ge [sflag:s21], $0x400  }
0x3bc: {  	[sflag:s21] =	ssyncset.done $0x0  }
0x3bd: {  	s31 =	simm.s32 $0x1CB40;
	[sflag:s21] =	ssyncadd.s32 $0xFFFFFC00  }
0x3be: {  	v0 =	vld [tilespmem:s31+$0x30]  }
0x3bf: {  	v1 =	vld [tilespmem:s31+$0xFFFFFFD0]  }
0x3c0: {  	v2 =	vld [tilespmem:s31+$0xFFFFFFE0]  }
0x3c1: {  	v3 =	vld [tilespmem:s31+$0xFFFFFFF0]  }
0x3c2: {  	v4 =	vld [tilespmem:s31+$0x0]  }
0x3c3: {  	v6 =	vld [tilespmem:s31+$0x10]  }
0x3c4: {  	v7 =	vld [tilespmem:s31+$0x20]  }
0x3c5: {  	v8 =	vld [tilespmem:s31+$0xFFFFFFC0]  }
0x3c6: {  	v9 =	vld.idx.msk [tilespmem:v0+s1+$0x0], $0xffff  }
0x3c7: {  	v10 =	vld.idx.msk [tilespmem:v1+s1+$0x0], $0xffff  }
0x3c8: {  	v5 =	vld.idx.msk [tilespmem:v2+s1+$0x0], $0xffff  }
0x3c9: {  	v3 =	vld.idx.msk [tilespmem:v3+s1+$0x0], $0xffff  }
0x3ca: {  	v0 =	vld.idx.msk [tilespmem:v4+s1+$0x0], $0xffff  }
0x3cb: {  	s26 =	simm.s32 $0x1D340;
	v1 =	vld.idx.msk [tilespmem:v6+s1+$0x0], $0xffff  }
0x3cc: {  	v2 =	vld.idx.msk [tilespmem:v7+s1+$0x0], $0xffff;
	[tilespmem:s26+$0x30] =	vst v9  }
0x3cd: {  	s28 =	simm.s32 $0x0;
	s5 =	simm.s32 $0x1CBC0;
	v4 =	vld.idx.msk [tilespmem:v8+s1+$0x0], $0xffff;
	[tilespmem:s26+$0xFFFFFFD0] =	vst v10  }
.LBB2_43:
0x3ce: {  	v6 =	vld [tilespmem:s5+$0x30];
	s28 =	sadd.s32 $0x80, s28;
	[tilespmem:s26+$0xFFFFFFE0] =	vst v5  }
0x3cf: {  	v5 =	vld [tilespmem:s5+$0xFFFFFFD0];
	p0 =	slt.u32 s28, $0x380;
	[tilespmem:s26+$0xFFFFFFF0] =	vst v3  }
0x3d0: {  	v3 =	vld [tilespmem:s5+$0xFFFFFFE0];
	[tilespmem:s26+$0x0] =	vst v0  }
0x3d1: {  	v0 =	vld [tilespmem:s5+$0xFFFFFFF0];
	[tilespmem:s26+$0x10] =	vst v1  }
0x3d2: {  	v1 =	vld [tilespmem:s5+$0x0];
	[tilespmem:s26+$0x20] =	vst v2  }
0x3d3: {  	v2 =	vld [tilespmem:s5+$0x10];
	[tilespmem:s26+$0xFFFFFFC0] =	vst v4  }
0x3d4: {  	v4 =	vld [tilespmem:s5+$0x20]  }
0x3d5: {  	v7 =	vld [tilespmem:s5+$0xFFFFFFC0]  }
0x3d6: {  	v6 =	vld.idx.msk [tilespmem:v6+s1+$0x0], $0xffff  }
0x3d7: {  	v8 =	vld.idx.msk [tilespmem:v5+s1+$0x0], $0xffff  }
0x3d8: {  	v5 =	vld.idx.msk [tilespmem:v3+s1+$0x0], $0xffff  }
.Ltmp21:
0x3d9: {  	v3 =	vld.idx.msk [tilespmem:v0+s1+$0x0], $0xffff;
	(pc) =	sbr.rel @p0 .LBB2_43-.Ltmp21, $4  }
0x3da: {  	v0 =	vld.idx.msk [tilespmem:v1+s1+$0x0], $0xffff  }
0x3db: {  	s26 =	sadd.s32 $0x80, s26;
	v1 =	vld.idx.msk [tilespmem:v2+s1+$0x0], $0xffff  }
0x3dc: {  	v2 =	vld.idx.msk [tilespmem:v4+s1+$0x0], $0xffff;
	[tilespmem:s26+$0x30] =	vst v6  }
0x3dd: {  	s5 =	sadd.s32 $0x80, s5;
	v4 =	vld.idx.msk [tilespmem:v7+s1+$0x0], $0xffff;
	[tilespmem:s26+$0xFFFFFFD0] =	vst v8  }
0x3de: {  	[tilespmem:s26+$0xFFFFFFE0] =	vst v5  }
0x3df: {  	[tilespmem:s26+$0xFFFFFFF0] =	vst v3  }
0x3e0: {  	[tilespmem:s26+$0x0] =	vst v0  }
0x3e1: {  	[tilespmem:s26+$0x10] =	vst v1  }
0x3e2: {  	[tilespmem:s26+$0x20] =	vst v2  }
0x3e3: {  	[tilespmem:s26+$0xFFFFFFC0] =	vst v4  }
0x3e4: {  	s5 =	rddreg [dreg:$0x9]  }
0x3e5: {  	s30 =	sld [smem:$0x7E3]  }
0x3e6: {  	[hbm4b:s5+s2] =	stream.strided.scatter [tilespmem:s12], [sflag:$0x4], $0x400, s4, s2, $0x38;
	[tilespmem:$0x1D700] =	vst v63  }
0x3e7: {  	_ = 	snop  }
0x3e8: {  	[tilespmem:s23], [sflag:$0x5] =	stream.strided.gather [hbm4b:s30+s2], $0x400, s4, s2, $0x38;
	[tilespmem:$0x1D700] =	vst v63  }
0x3e9: {  	_ =	swait.ge [sflag:s8], $0x400  }
0x3ea: {  	[sflag:s8] =	ssyncset.done $0x0  }
0x3eb: {  	[sflag:s8] =	ssyncadd.s32 $0xFFFFFC00  }
0x3ec: {  	_ =	swait.ge [sflag:s13], $0x400  }
0x3ed: {  	[sflag:s13] =	ssyncset.done $0x0  }
0x3ee: {  	s31 =	simm.s32 $0x1C740;
	[sflag:s13] =	ssyncadd.s32 $0xFFFFFC00  }
0x3ef: {  	v0 =	vld [tilespmem:s31+$0x30]  }
0x3f0: {  	v1 =	vld [tilespmem:s31+$0xFFFFFFD0]  }
0x3f1: {  	v2 =	vld [tilespmem:s31+$0xFFFFFFE0]  }
0x3f2: {  	v3 =	vld [tilespmem:s31+$0xFFFFFFF0]  }
0x3f3: {  	v4 =	vld [tilespmem:s31+$0x0]  }
0x3f4: {  	v6 =	vld [tilespmem:s31+$0x10]  }
0x3f5: {  	v7 =	vld [tilespmem:s31+$0x20]  }
0x3f6: {  	v8 =	vld [tilespmem:s31+$0xFFFFFFC0]  }
0x3f7: {  	v9 =	vld.idx.msk [tilespmem:v0+s1+$0x0], $0xffff  }
0x3f8: {  	v10 =	vld.idx.msk [tilespmem:v1+s1+$0x0], $0xffff  }
0x3f9: {  	v5 =	vld.idx.msk [tilespmem:v2+s1+$0x0], $0xffff  }
0x3fa: {  	v3 =	vld.idx.msk [tilespmem:v3+s1+$0x0], $0xffff  }
0x3fb: {  	v0 =	vld.idx.msk [tilespmem:v4+s1+$0x0], $0xffff  }
0x3fc: {  	s26 =	simm.s32 $0x1CF40;
	v1 =	vld.idx.msk [tilespmem:v6+s1+$0x0], $0xffff  }
0x3fd: {  	v2 =	vld.idx.msk [tilespmem:v7+s1+$0x0], $0xffff;
	[tilespmem:s26+$0x30] =	vst v9  }
0x3fe: {  	s28 =	simm.s32 $0x0;
	s5 =	simm.s32 $0x1C7C0;
	v4 =	vld.idx.msk [tilespmem:v8+s1+$0x0], $0xffff;
	[tilespmem:s26+$0xFFFFFFD0] =	vst v10  }
.LBB2_45:
0x3ff: {  	v6 =	vld [tilespmem:s5+$0x30];
	s28 =	sadd.s32 $0x80, s28;
	[tilespmem:s26+$0xFFFFFFE0] =	vst v5  }
0x400: {  	v5 =	vld [tilespmem:s5+$0xFFFFFFD0];
	p0 =	slt.u32 s28, $0x380;
	[tilespmem:s26+$0xFFFFFFF0] =	vst v3  }
0x401: {  	v3 =	vld [tilespmem:s5+$0xFFFFFFE0];
	[tilespmem:s26+$0x0] =	vst v0  }
0x402: {  	v0 =	vld [tilespmem:s5+$0xFFFFFFF0];
	[tilespmem:s26+$0x10] =	vst v1  }
0x403: {  	v1 =	vld [tilespmem:s5+$0x0];
	[tilespmem:s26+$0x20] =	vst v2  }
0x404: {  	v2 =	vld [tilespmem:s5+$0x10];
	[tilespmem:s26+$0xFFFFFFC0] =	vst v4  }
0x405: {  	v4 =	vld [tilespmem:s5+$0x20]  }
0x406: {  	v7 =	vld [tilespmem:s5+$0xFFFFFFC0]  }
0x407: {  	v6 =	vld.idx.msk [tilespmem:v6+s1+$0x0], $0xffff  }
0x408: {  	v8 =	vld.idx.msk [tilespmem:v5+s1+$0x0], $0xffff  }
0x409: {  	v5 =	vld.idx.msk [tilespmem:v3+s1+$0x0], $0xffff  }
.Ltmp22:
0x40a: {  	v3 =	vld.idx.msk [tilespmem:v0+s1+$0x0], $0xffff;
	(pc) =	sbr.rel @p0 .LBB2_45-.Ltmp22, $4  }
0x40b: {  	v0 =	vld.idx.msk [tilespmem:v1+s1+$0x0], $0xffff  }
0x40c: {  	s26 =	sadd.s32 $0x80, s26;
	v1 =	vld.idx.msk [tilespmem:v2+s1+$0x0], $0xffff  }
0x40d: {  	v2 =	vld.idx.msk [tilespmem:v4+s1+$0x0], $0xffff;
	[tilespmem:s26+$0x30] =	vst v6  }
0x40e: {  	s5 =	sadd.s32 $0x80, s5;
	v4 =	vld.idx.msk [tilespmem:v7+s1+$0x0], $0xffff;
	[tilespmem:s26+$0xFFFFFFD0] =	vst v8  }
0x40f: {  	[tilespmem:s26+$0xFFFFFFE0] =	vst v5  }
0x410: {  	[tilespmem:s26+$0xFFFFFFF0] =	vst v3  }
0x411: {  	[tilespmem:s26+$0x0] =	vst v0  }
0x412: {  	[tilespmem:s26+$0x10] =	vst v1  }
0x413: {  	[tilespmem:s26+$0x20] =	vst v2  }
0x414: {  	[tilespmem:s26+$0xFFFFFFC0] =	vst v4  }
0x415: {  	s5 =	rddreg [dreg:$0xa]  }
0x416: {  	s30 =	sld [smem:$0x7E4]  }
0x417: {  	[hbm4b:s5+s2] =	stream.strided.scatter [tilespmem:s11], [sflag:$0x3], $0x400, s4, s2, $0x38;
	[tilespmem:$0x1D700] =	vst v63  }
0x418: {  	_ = 	snop  }
0x419: {  	[tilespmem:s24], [sflag:$0x5] =	stream.strided.gather [hbm4b:s30+s2], $0x400, s4, s2, $0x38;
	[tilespmem:$0x1D700] =	vst v63  }
0x41a: {  	_ =	swait.ge [sflag:s8], $0x400  }
0x41b: {  	[sflag:s8] =	ssyncset.done $0x0  }
0x41c: {  	[sflag:s8] =	ssyncadd.s32 $0xFFFFFC00  }
0x41d: {  	_ =	swait.ge [sflag:s21], $0x400  }
0x41e: {  	[sflag:s21] =	ssyncset.done $0x0  }
0x41f: {  	s31 =	simm.s32 $0x1CB40;
	[sflag:s21] =	ssyncadd.s32 $0xFFFFFC00  }
0x420: {  	v0 =	vld [tilespmem:s31+$0x30]  }
0x421: {  	v1 =	vld [tilespmem:s31+$0xFFFFFFD0]  }
0x422: {  	v2 =	vld [tilespmem:s31+$0xFFFFFFE0]  }
0x423: {  	v3 =	vld [tilespmem:s31+$0xFFFFFFF0]  }
0x424: {  	v4 =	vld [tilespmem:s31+$0x0]  }
0x425: {  	v6 =	vld [tilespmem:s31+$0x10]  }
0x426: {  	v7 =	vld [tilespmem:s31+$0x20]  }
0x427: {  	v8 =	vld [tilespmem:s31+$0xFFFFFFC0]  }
0x428: {  	v9 =	vld.idx.msk [tilespmem:v0+s1+$0x0], $0xffff  }
0x429: {  	v10 =	vld.idx.msk [tilespmem:v1+s1+$0x0], $0xffff  }
0x42a: {  	v5 =	vld.idx.msk [tilespmem:v2+s1+$0x0], $0xffff  }
0x42b: {  	v3 =	vld.idx.msk [tilespmem:v3+s1+$0x0], $0xffff  }
0x42c: {  	v0 =	vld.idx.msk [tilespmem:v4+s1+$0x0], $0xffff  }
0x42d: {  	s26 =	simm.s32 $0x1D340;
	v1 =	vld.idx.msk [tilespmem:v6+s1+$0x0], $0xffff  }
0x42e: {  	v2 =	vld.idx.msk [tilespmem:v7+s1+$0x0], $0xffff;
	[tilespmem:s26+$0x30] =	vst v9  }
0x42f: {  	s28 =	simm.s32 $0x0;
	s5 =	simm.s32 $0x1CBC0;
	v4 =	vld.idx.msk [tilespmem:v8+s1+$0x0], $0xffff;
	[tilespmem:s26+$0xFFFFFFD0] =	vst v10  }
.LBB2_47:
0x430: {  	v6 =	vld [tilespmem:s5+$0x30];
	s28 =	sadd.s32 $0x80, s28;
	[tilespmem:s26+$0xFFFFFFE0] =	vst v5  }
0x431: {  	v5 =	vld [tilespmem:s5+$0xFFFFFFD0];
	p0 =	slt.u32 s28, $0x380;
	[tilespmem:s26+$0xFFFFFFF0] =	vst v3  }
0x432: {  	v3 =	vld [tilespmem:s5+$0xFFFFFFE0];
	[tilespmem:s26+$0x0] =	vst v0  }
0x433: {  	v0 =	vld [tilespmem:s5+$0xFFFFFFF0];
	[tilespmem:s26+$0x10] =	vst v1  }
0x434: {  	v1 =	vld [tilespmem:s5+$0x0];
	[tilespmem:s26+$0x20] =	vst v2  }
0x435: {  	v2 =	vld [tilespmem:s5+$0x10];
	[tilespmem:s26+$0xFFFFFFC0] =	vst v4  }
0x436: {  	v4 =	vld [tilespmem:s5+$0x20]  }
0x437: {  	v7 =	vld [tilespmem:s5+$0xFFFFFFC0]  }
0x438: {  	v6 =	vld.idx.msk [tilespmem:v6+s1+$0x0], $0xffff  }
0x439: {  	v8 =	vld.idx.msk [tilespmem:v5+s1+$0x0], $0xffff  }
0x43a: {  	v5 =	vld.idx.msk [tilespmem:v3+s1+$0x0], $0xffff  }
.Ltmp23:
0x43b: {  	v3 =	vld.idx.msk [tilespmem:v0+s1+$0x0], $0xffff;
	(pc) =	sbr.rel @p0 .LBB2_47-.Ltmp23, $4  }
0x43c: {  	v0 =	vld.idx.msk [tilespmem:v1+s1+$0x0], $0xffff  }
0x43d: {  	s26 =	sadd.s32 $0x80, s26;
	v1 =	vld.idx.msk [tilespmem:v2+s1+$0x0], $0xffff  }
0x43e: {  	v2 =	vld.idx.msk [tilespmem:v4+s1+$0x0], $0xffff;
	[tilespmem:s26+$0x30] =	vst v6  }
0x43f: {  	s5 =	sadd.s32 $0x80, s5;
	v4 =	vld.idx.msk [tilespmem:v7+s1+$0x0], $0xffff;
	[tilespmem:s26+$0xFFFFFFD0] =	vst v8  }
0x440: {  	[tilespmem:s26+$0xFFFFFFE0] =	vst v5  }
0x441: {  	[tilespmem:s26+$0xFFFFFFF0] =	vst v3  }
0x442: {  	[tilespmem:s26+$0x0] =	vst v0  }
0x443: {  	[tilespmem:s26+$0x10] =	vst v1  }
0x444: {  	[tilespmem:s26+$0x20] =	vst v2  }
0x445: {  	[tilespmem:s26+$0xFFFFFFC0] =	vst v4  }
0x446: {  	s5 =	rddreg [dreg:$0xb]  }
0x447: {  	s30 =	sld [smem:$0x7E5]  }
0x448: {  	[hbm4b:s5+s2] =	stream.strided.scatter [tilespmem:s12], [sflag:$0x4], $0x400, s4, s2, $0x38;
	[tilespmem:$0x1D700] =	vst v63  }
0x449: {  	_ = 	snop  }
0x44a: {  	[tilespmem:s23], [sflag:$0x5] =	stream.strided.gather [hbm4b:s30+s2], $0x400, s4, s2, $0x38;
	[tilespmem:$0x1D700] =	vst v63  }
0x44b: {  	_ =	swait.ge [sflag:s8], $0x400  }
0x44c: {  	[sflag:s8] =	ssyncset.done $0x0  }
0x44d: {  	[sflag:s8] =	ssyncadd.s32 $0xFFFFFC00  }
0x44e: {  	_ =	swait.ge [sflag:s13], $0x400  }
0x44f: {  	[sflag:s13] =	ssyncset.done $0x0  }
0x450: {  	s31 =	simm.s32 $0x1C740;
	[sflag:s13] =	ssyncadd.s32 $0xFFFFFC00  }
0x451: {  	v0 =	vld [tilespmem:s31+$0x30]  }
0x452: {  	v1 =	vld [tilespmem:s31+$0xFFFFFFD0]  }
0x453: {  	v2 =	vld [tilespmem:s31+$0xFFFFFFE0]  }
0x454: {  	v3 =	vld [tilespmem:s31+$0xFFFFFFF0]  }
0x455: {  	v4 =	vld [tilespmem:s31+$0x0]  }
0x456: {  	v6 =	vld [tilespmem:s31+$0x10]  }
0x457: {  	v7 =	vld [tilespmem:s31+$0x20]  }
0x458: {  	v8 =	vld [tilespmem:s31+$0xFFFFFFC0]  }
0x459: {  	v9 =	vld.idx.msk [tilespmem:v0+s1+$0x0], $0xffff  }
0x45a: {  	v10 =	vld.idx.msk [tilespmem:v1+s1+$0x0], $0xffff  }
0x45b: {  	v5 =	vld.idx.msk [tilespmem:v2+s1+$0x0], $0xffff  }
0x45c: {  	v3 =	vld.idx.msk [tilespmem:v3+s1+$0x0], $0xffff  }
0x45d: {  	v0 =	vld.idx.msk [tilespmem:v4+s1+$0x0], $0xffff  }
0x45e: {  	s26 =	simm.s32 $0x1CF40;
	v1 =	vld.idx.msk [tilespmem:v6+s1+$0x0], $0xffff  }
0x45f: {  	v2 =	vld.idx.msk [tilespmem:v7+s1+$0x0], $0xffff;
	[tilespmem:s26+$0x30] =	vst v9  }
0x460: {  	s28 =	simm.s32 $0x0;
	s5 =	simm.s32 $0x1C7C0;
	v4 =	vld.idx.msk [tilespmem:v8+s1+$0x0], $0xffff;
	[tilespmem:s26+$0xFFFFFFD0] =	vst v10  }
.LBB2_49:
0x461: {  	v6 =	vld [tilespmem:s5+$0x30];
	s28 =	sadd.s32 $0x80, s28;
	[tilespmem:s26+$0xFFFFFFE0] =	vst v5  }
0x462: {  	v5 =	vld [tilespmem:s5+$0xFFFFFFD0];
	p0 =	slt.u32 s28, $0x380;
	[tilespmem:s26+$0xFFFFFFF0] =	vst v3  }
0x463: {  	v3 =	vld [tilespmem:s5+$0xFFFFFFE0];
	[tilespmem:s26+$0x0] =	vst v0  }
0x464: {  	v0 =	vld [tilespmem:s5+$0xFFFFFFF0];
	[tilespmem:s26+$0x10] =	vst v1  }
0x465: {  	v1 =	vld [tilespmem:s5+$0x0];
	[tilespmem:s26+$0x20] =	vst v2  }
0x466: {  	v2 =	vld [tilespmem:s5+$0x10];
	[tilespmem:s26+$0xFFFFFFC0] =	vst v4  }
0x467: {  	v4 =	vld [tilespmem:s5+$0x20]  }
0x468: {  	v7 =	vld [tilespmem:s5+$0xFFFFFFC0]  }
0x469: {  	v6 =	vld.idx.msk [tilespmem:v6+s1+$0x0], $0xffff  }
0x46a: {  	v8 =	vld.idx.msk [tilespmem:v5+s1+$0x0], $0xffff  }
0x46b: {  	v5 =	vld.idx.msk [tilespmem:v3+s1+$0x0], $0xffff  }
.Ltmp24:
0x46c: {  	v3 =	vld.idx.msk [tilespmem:v0+s1+$0x0], $0xffff;
	(pc) =	sbr.rel @p0 .LBB2_49-.Ltmp24, $4  }
0x46d: {  	v0 =	vld.idx.msk [tilespmem:v1+s1+$0x0], $0xffff  }
0x46e: {  	s26 =	sadd.s32 $0x80, s26;
	v1 =	vld.idx.msk [tilespmem:v2+s1+$0x0], $0xffff  }
0x46f: {  	v2 =	vld.idx.msk [tilespmem:v4+s1+$0x0], $0xffff;
	[tilespmem:s26+$0x30] =	vst v6  }
0x470: {  	s5 =	sadd.s32 $0x80, s5;
	v4 =	vld.idx.msk [tilespmem:v7+s1+$0x0], $0xffff;
	[tilespmem:s26+$0xFFFFFFD0] =	vst v8  }
0x471: {  	[tilespmem:s26+$0xFFFFFFE0] =	vst v5  }
0x472: {  	[tilespmem:s26+$0xFFFFFFF0] =	vst v3  }
0x473: {  	[tilespmem:s26+$0x0] =	vst v0  }
0x474: {  	[tilespmem:s26+$0x10] =	vst v1  }
0x475: {  	[tilespmem:s26+$0x20] =	vst v2  }
0x476: {  	[tilespmem:s26+$0xFFFFFFC0] =	vst v4  }
0x477: {  	s5 =	rddreg [dreg:$0xc]  }
0x478: {  	s30 =	sld [smem:$0x7E6]  }
0x479: {  	[hbm4b:s5+s2] =	stream.strided.scatter [tilespmem:s11], [sflag:$0x3], $0x400, s4, s2, $0x38;
	[tilespmem:$0x1D700] =	vst v63  }
0x47a: {  	_ = 	snop  }
0x47b: {  	[tilespmem:s24], [sflag:$0x5] =	stream.strided.gather [hbm4b:s30+s2], $0x400, s4, s2, $0x38;
	[tilespmem:$0x1D700] =	vst v63  }
0x47c: {  	_ =	swait.ge [sflag:s8], $0x400  }
0x47d: {  	[sflag:s8] =	ssyncset.done $0x0  }
0x47e: {  	[sflag:s8] =	ssyncadd.s32 $0xFFFFFC00  }
0x47f: {  	_ =	swait.ge [sflag:s21], $0x400  }
0x480: {  	[sflag:s21] =	ssyncset.done $0x0  }
0x481: {  	s31 =	simm.s32 $0x1CB40;
	[sflag:s21] =	ssyncadd.s32 $0xFFFFFC00  }
0x482: {  	v0 =	vld [tilespmem:s31+$0x30]  }
0x483: {  	v1 =	vld [tilespmem:s31+$0xFFFFFFD0]  }
0x484: {  	v2 =	vld [tilespmem:s31+$0xFFFFFFE0]  }
0x485: {  	v3 =	vld [tilespmem:s31+$0xFFFFFFF0]  }
0x486: {  	v4 =	vld [tilespmem:s31+$0x0]  }
0x487: {  	v6 =	vld [tilespmem:s31+$0x10]  }
0x488: {  	v7 =	vld [tilespmem:s31+$0x20]  }
0x489: {  	v8 =	vld [tilespmem:s31+$0xFFFFFFC0]  }
0x48a: {  	v9 =	vld.idx.msk [tilespmem:v0+s1+$0x0], $0xffff  }
0x48b: {  	v10 =	vld.idx.msk [tilespmem:v1+s1+$0x0], $0xffff  }
0x48c: {  	v5 =	vld.idx.msk [tilespmem:v2+s1+$0x0], $0xffff  }
0x48d: {  	v3 =	vld.idx.msk [tilespmem:v3+s1+$0x0], $0xffff  }
0x48e: {  	v0 =	vld.idx.msk [tilespmem:v4+s1+$0x0], $0xffff  }
0x48f: {  	s26 =	simm.s32 $0x1D340;
	v1 =	vld.idx.msk [tilespmem:v6+s1+$0x0], $0xffff  }
0x490: {  	v2 =	vld.idx.msk [tilespmem:v7+s1+$0x0], $0xffff;
	[tilespmem:s26+$0x30] =	vst v9  }
0x491: {  	s28 =	simm.s32 $0x0;
	s5 =	simm.s32 $0x1CBC0;
	v4 =	vld.idx.msk [tilespmem:v8+s1+$0x0], $0xffff;
	[tilespmem:s26+$0xFFFFFFD0] =	vst v10  }
.LBB2_51:
0x492: {  	v6 =	vld [tilespmem:s5+$0x30];
	s28 =	sadd.s32 $0x80, s28;
	[tilespmem:s26+$0xFFFFFFE0] =	vst v5  }
0x493: {  	v5 =	vld [tilespmem:s5+$0xFFFFFFD0];
	p0 =	slt.u32 s28, $0x380;
	[tilespmem:s26+$0xFFFFFFF0] =	vst v3  }
0x494: {  	v3 =	vld [tilespmem:s5+$0xFFFFFFE0];
	[tilespmem:s26+$0x0] =	vst v0  }
0x495: {  	v0 =	vld [tilespmem:s5+$0xFFFFFFF0];
	[tilespmem:s26+$0x10] =	vst v1  }
0x496: {  	v1 =	vld [tilespmem:s5+$0x0];
	[tilespmem:s26+$0x20] =	vst v2  }
0x497: {  	v2 =	vld [tilespmem:s5+$0x10];
	[tilespmem:s26+$0xFFFFFFC0] =	vst v4  }
0x498: {  	v4 =	vld [tilespmem:s5+$0x20]  }
0x499: {  	v7 =	vld [tilespmem:s5+$0xFFFFFFC0]  }
0x49a: {  	v6 =	vld.idx.msk [tilespmem:v6+s1+$0x0], $0xffff  }
0x49b: {  	v8 =	vld.idx.msk [tilespmem:v5+s1+$0x0], $0xffff  }
0x49c: {  	v5 =	vld.idx.msk [tilespmem:v3+s1+$0x0], $0xffff  }
.Ltmp25:
0x49d: {  	v3 =	vld.idx.msk [tilespmem:v0+s1+$0x0], $0xffff;
	(pc) =	sbr.rel @p0 .LBB2_51-.Ltmp25, $4  }
0x49e: {  	v0 =	vld.idx.msk [tilespmem:v1+s1+$0x0], $0xffff  }
0x49f: {  	s26 =	sadd.s32 $0x80, s26;
	v1 =	vld.idx.msk [tilespmem:v2+s1+$0x0], $0xffff  }
0x4a0: {  	v2 =	vld.idx.msk [tilespmem:v4+s1+$0x0], $0xffff;
	[tilespmem:s26+$0x30] =	vst v6  }
0x4a1: {  	s5 =	sadd.s32 $0x80, s5;
	v4 =	vld.idx.msk [tilespmem:v7+s1+$0x0], $0xffff;
	[tilespmem:s26+$0xFFFFFFD0] =	vst v8  }
0x4a2: {  	[tilespmem:s26+$0xFFFFFFE0] =	vst v5  }
0x4a3: {  	[tilespmem:s26+$0xFFFFFFF0] =	vst v3  }
0x4a4: {  	[tilespmem:s26+$0x0] =	vst v0  }
0x4a5: {  	[tilespmem:s26+$0x10] =	vst v1  }
0x4a6: {  	[tilespmem:s26+$0x20] =	vst v2  }
0x4a7: {  	[tilespmem:s26+$0xFFFFFFC0] =	vst v4  }
0x4a8: {  	s5 =	rddreg [dreg:$0xd]  }
0x4a9: {  	s30 =	sld [smem:$0x7E7]  }
0x4aa: {  	[hbm4b:s5+s2] =	stream.strided.scatter [tilespmem:s12], [sflag:$0x4], $0x400, s4, s2, $0x38;
	[tilespmem:$0x1D700] =	vst v63  }
0x4ab: {  	_ = 	snop  }
0x4ac: {  	[tilespmem:s23], [sflag:$0x5] =	stream.strided.gather [hbm4b:s30+s2], $0x400, s4, s2, $0x38;
	[tilespmem:$0x1D700] =	vst v63  }
0x4ad: {  	_ =	swait.ge [sflag:s8], $0x400  }
0x4ae: {  	[sflag:s8] =	ssyncset.done $0x0  }
0x4af: {  	[sflag:s8] =	ssyncadd.s32 $0xFFFFFC00  }
0x4b0: {  	_ =	swait.ge [sflag:s13], $0x400  }
0x4b1: {  	[sflag:s13] =	ssyncset.done $0x0  }
0x4b2: {  	s31 =	simm.s32 $0x1C740;
	[sflag:s13] =	ssyncadd.s32 $0xFFFFFC00  }
0x4b3: {  	v0 =	vld [tilespmem:s31+$0x30]  }
0x4b4: {  	v1 =	vld [tilespmem:s31+$0xFFFFFFD0]  }
0x4b5: {  	v2 =	vld [tilespmem:s31+$0xFFFFFFE0]  }
0x4b6: {  	v3 =	vld [tilespmem:s31+$0xFFFFFFF0]  }
0x4b7: {  	v4 =	vld [tilespmem:s31+$0x0]  }
0x4b8: {  	v6 =	vld [tilespmem:s31+$0x10]  }
0x4b9: {  	v7 =	vld [tilespmem:s31+$0x20]  }
0x4ba: {  	v8 =	vld [tilespmem:s31+$0xFFFFFFC0]  }
0x4bb: {  	v9 =	vld.idx.msk [tilespmem:v0+s1+$0x0], $0xffff  }
0x4bc: {  	v10 =	vld.idx.msk [tilespmem:v1+s1+$0x0], $0xffff  }
0x4bd: {  	v5 =	vld.idx.msk [tilespmem:v2+s1+$0x0], $0xffff  }
0x4be: {  	v3 =	vld.idx.msk [tilespmem:v3+s1+$0x0], $0xffff  }
0x4bf: {  	v0 =	vld.idx.msk [tilespmem:v4+s1+$0x0], $0xffff  }
0x4c0: {  	s26 =	simm.s32 $0x1CF40;
	v1 =	vld.idx.msk [tilespmem:v6+s1+$0x0], $0xffff  }
0x4c1: {  	v2 =	vld.idx.msk [tilespmem:v7+s1+$0x0], $0xffff;
	[tilespmem:s26+$0x30] =	vst v9  }
0x4c2: {  	s28 =	simm.s32 $0x0;
	s5 =	simm.s32 $0x1C7C0;
	v4 =	vld.idx.msk [tilespmem:v8+s1+$0x0], $0xffff;
	[tilespmem:s26+$0xFFFFFFD0] =	vst v10  }
.LBB2_53:
0x4c3: {  	v6 =	vld [tilespmem:s5+$0x30];
	s28 =	sadd.s32 $0x80, s28;
	[tilespmem:s26+$0xFFFFFFE0] =	vst v5  }
0x4c4: {  	v5 =	vld [tilespmem:s5+$0xFFFFFFD0];
	p0 =	slt.u32 s28, $0x380;
	[tilespmem:s26+$0xFFFFFFF0] =	vst v3  }
0x4c5: {  	v3 =	vld [tilespmem:s5+$0xFFFFFFE0];
	[tilespmem:s26+$0x0] =	vst v0  }
0x4c6: {  	v0 =	vld [tilespmem:s5+$0xFFFFFFF0];
	[tilespmem:s26+$0x10] =	vst v1  }
0x4c7: {  	v1 =	vld [tilespmem:s5+$0x0];
	[tilespmem:s26+$0x20] =	vst v2  }
0x4c8: {  	v2 =	vld [tilespmem:s5+$0x10];
	[tilespmem:s26+$0xFFFFFFC0] =	vst v4  }
0x4c9: {  	v4 =	vld [tilespmem:s5+$0x20]  }
0x4ca: {  	v7 =	vld [tilespmem:s5+$0xFFFFFFC0]  }
0x4cb: {  	v6 =	vld.idx.msk [tilespmem:v6+s1+$0x0], $0xffff  }
0x4cc: {  	v8 =	vld.idx.msk [tilespmem:v5+s1+$0x0], $0xffff  }
0x4cd: {  	v5 =	vld.idx.msk [tilespmem:v3+s1+$0x0], $0xffff  }
.Ltmp26:
0x4ce: {  	v3 =	vld.idx.msk [tilespmem:v0+s1+$0x0], $0xffff;
	(pc) =	sbr.rel @p0 .LBB2_53-.Ltmp26, $4  }
0x4cf: {  	v0 =	vld.idx.msk [tilespmem:v1+s1+$0x0], $0xffff  }
0x4d0: {  	s26 =	sadd.s32 $0x80, s26;
	v1 =	vld.idx.msk [tilespmem:v2+s1+$0x0], $0xffff  }
0x4d1: {  	v2 =	vld.idx.msk [tilespmem:v4+s1+$0x0], $0xffff;
	[tilespmem:s26+$0x30] =	vst v6  }
0x4d2: {  	s5 =	sadd.s32 $0x80, s5;
	v4 =	vld.idx.msk [tilespmem:v7+s1+$0x0], $0xffff;
	[tilespmem:s26+$0xFFFFFFD0] =	vst v8  }
0x4d3: {  	[tilespmem:s26+$0xFFFFFFE0] =	vst v5  }
0x4d4: {  	[tilespmem:s26+$0xFFFFFFF0] =	vst v3  }
0x4d5: {  	[tilespmem:s26+$0x0] =	vst v0  }
0x4d6: {  	[tilespmem:s26+$0x10] =	vst v1  }
0x4d7: {  	[tilespmem:s26+$0x20] =	vst v2  }
0x4d8: {  	[tilespmem:s26+$0xFFFFFFC0] =	vst v4  }
0x4d9: {  	s5 =	rddreg [dreg:$0xe]  }
0x4da: {  	s30 =	sld [smem:$0x7E8]  }
0x4db: {  	[hbm4b:s5+s2] =	stream.strided.scatter [tilespmem:s11], [sflag:$0x3], $0x400, s4, s2, $0x38;
	[tilespmem:$0x1D700] =	vst v63  }
0x4dc: {  	_ = 	snop  }
0x4dd: {  	[tilespmem:s24], [sflag:$0x5] =	stream.strided.gather [hbm4b:s30+s2], $0x400, s4, s2, $0x38;
	[tilespmem:$0x1D700] =	vst v63  }
0x4de: {  	_ =	swait.ge [sflag:s8], $0x400  }
0x4df: {  	[sflag:s8] =	ssyncset.done $0x0  }
0x4e0: {  	[sflag:s8] =	ssyncadd.s32 $0xFFFFFC00  }
0x4e1: {  	_ =	swait.ge [sflag:s21], $0x400  }
0x4e2: {  	[sflag:s21] =	ssyncset.done $0x0  }
0x4e3: {  	s31 =	simm.s32 $0x1CB40;
	[sflag:s21] =	ssyncadd.s32 $0xFFFFFC00  }
0x4e4: {  	v0 =	vld [tilespmem:s31+$0x30]  }
0x4e5: {  	v1 =	vld [tilespmem:s31+$0xFFFFFFD0]  }
0x4e6: {  	v2 =	vld [tilespmem:s31+$0xFFFFFFE0]  }
0x4e7: {  	v3 =	vld [tilespmem:s31+$0xFFFFFFF0]  }
0x4e8: {  	v4 =	vld [tilespmem:s31+$0x0]  }
0x4e9: {  	v6 =	vld [tilespmem:s31+$0x10]  }
0x4ea: {  	v7 =	vld [tilespmem:s31+$0x20]  }
0x4eb: {  	v8 =	vld [tilespmem:s31+$0xFFFFFFC0]  }
0x4ec: {  	v9 =	vld.idx.msk [tilespmem:v0+s1+$0x0], $0xffff  }
0x4ed: {  	v10 =	vld.idx.msk [tilespmem:v1+s1+$0x0], $0xffff  }
0x4ee: {  	v5 =	vld.idx.msk [tilespmem:v2+s1+$0x0], $0xffff  }
0x4ef: {  	v3 =	vld.idx.msk [tilespmem:v3+s1+$0x0], $0xffff  }
0x4f0: {  	v0 =	vld.idx.msk [tilespmem:v4+s1+$0x0], $0xffff  }
0x4f1: {  	s26 =	simm.s32 $0x1D340;
	v1 =	vld.idx.msk [tilespmem:v6+s1+$0x0], $0xffff  }
0x4f2: {  	v2 =	vld.idx.msk [tilespmem:v7+s1+$0x0], $0xffff;
	[tilespmem:s26+$0x30] =	vst v9  }
0x4f3: {  	s28 =	simm.s32 $0x0;
	s5 =	simm.s32 $0x1CBC0;
	v4 =	vld.idx.msk [tilespmem:v8+s1+$0x0], $0xffff;
	[tilespmem:s26+$0xFFFFFFD0] =	vst v10  }
.LBB2_55:
0x4f4: {  	v6 =	vld [tilespmem:s5+$0x30];
	s28 =	sadd.s32 $0x80, s28;
	[tilespmem:s26+$0xFFFFFFE0] =	vst v5  }
0x4f5: {  	v5 =	vld [tilespmem:s5+$0xFFFFFFD0];
	p0 =	slt.u32 s28, $0x380;
	[tilespmem:s26+$0xFFFFFFF0] =	vst v3  }
0x4f6: {  	v3 =	vld [tilespmem:s5+$0xFFFFFFE0];
	[tilespmem:s26+$0x0] =	vst v0  }
0x4f7: {  	v0 =	vld [tilespmem:s5+$0xFFFFFFF0];
	[tilespmem:s26+$0x10] =	vst v1  }
0x4f8: {  	v1 =	vld [tilespmem:s5+$0x0];
	[tilespmem:s26+$0x20] =	vst v2  }
0x4f9: {  	v2 =	vld [tilespmem:s5+$0x10];
	[tilespmem:s26+$0xFFFFFFC0] =	vst v4  }
0x4fa: {  	v4 =	vld [tilespmem:s5+$0x20]  }
0x4fb: {  	v7 =	vld [tilespmem:s5+$0xFFFFFFC0]  }
0x4fc: {  	v6 =	vld.idx.msk [tilespmem:v6+s1+$0x0], $0xffff  }
0x4fd: {  	v8 =	vld.idx.msk [tilespmem:v5+s1+$0x0], $0xffff  }
0x4fe: {  	v5 =	vld.idx.msk [tilespmem:v3+s1+$0x0], $0xffff  }
.Ltmp27:
0x4ff: {  	v3 =	vld.idx.msk [tilespmem:v0+s1+$0x0], $0xffff;
	(pc) =	sbr.rel @p0 .LBB2_55-.Ltmp27, $4  }
0x500: {  	v0 =	vld.idx.msk [tilespmem:v1+s1+$0x0], $0xffff  }
0x501: {  	s26 =	sadd.s32 $0x80, s26;
	v1 =	vld.idx.msk [tilespmem:v2+s1+$0x0], $0xffff  }
0x502: {  	v2 =	vld.idx.msk [tilespmem:v4+s1+$0x0], $0xffff;
	[tilespmem:s26+$0x30] =	vst v6  }
0x503: {  	s5 =	sadd.s32 $0x80, s5;
	v4 =	vld.idx.msk [tilespmem:v7+s1+$0x0], $0xffff;
	[tilespmem:s26+$0xFFFFFFD0] =	vst v8  }
0x504: {  	[tilespmem:s26+$0xFFFFFFE0] =	vst v5  }
0x505: {  	[tilespmem:s26+$0xFFFFFFF0] =	vst v3  }
0x506: {  	[tilespmem:s26+$0x0] =	vst v0  }
0x507: {  	[tilespmem:s26+$0x10] =	vst v1  }
0x508: {  	[tilespmem:s26+$0x20] =	vst v2  }
0x509: {  	[tilespmem:s26+$0xFFFFFFC0] =	vst v4  }
0x50a: {  	s5 =	rddreg [dreg:$0xf]  }
0x50b: {  	s30 =	sld [smem:$0x7E9]  }
0x50c: {  	[hbm4b:s5+s2] =	stream.strided.scatter [tilespmem:s12], [sflag:$0x4], $0x400, s4, s2, $0x38;
	[tilespmem:$0x1D700] =	vst v63  }
0x50d: {  	_ = 	snop  }
0x50e: {  	[tilespmem:s23], [sflag:$0x5] =	stream.strided.gather [hbm4b:s30+s2], $0x400, s4, s2, $0x38;
	[tilespmem:$0x1D700] =	vst v63  }
0x50f: {  	_ =	swait.ge [sflag:s8], $0x400  }
0x510: {  	[sflag:s8] =	ssyncset.done $0x0  }
0x511: {  	[sflag:s8] =	ssyncadd.s32 $0xFFFFFC00  }
0x512: {  	_ =	swait.ge [sflag:s13], $0x400  }
0x513: {  	[sflag:s13] =	ssyncset.done $0x0  }
0x514: {  	s31 =	simm.s32 $0x1C740;
	[sflag:s13] =	ssyncadd.s32 $0xFFFFFC00  }
0x515: {  	v0 =	vld [tilespmem:s31+$0x30]  }
0x516: {  	v1 =	vld [tilespmem:s31+$0xFFFFFFD0]  }
0x517: {  	v2 =	vld [tilespmem:s31+$0xFFFFFFE0]  }
0x518: {  	v3 =	vld [tilespmem:s31+$0xFFFFFFF0]  }
0x519: {  	v4 =	vld [tilespmem:s31+$0x0]  }
0x51a: {  	v6 =	vld [tilespmem:s31+$0x10]  }
0x51b: {  	v7 =	vld [tilespmem:s31+$0x20]  }
0x51c: {  	v8 =	vld [tilespmem:s31+$0xFFFFFFC0]  }
0x51d: {  	v9 =	vld.idx.msk [tilespmem:v0+s1+$0x0], $0xffff  }
0x51e: {  	v10 =	vld.idx.msk [tilespmem:v1+s1+$0x0], $0xffff  }
0x51f: {  	v5 =	vld.idx.msk [tilespmem:v2+s1+$0x0], $0xffff  }
0x520: {  	v3 =	vld.idx.msk [tilespmem:v3+s1+$0x0], $0xffff  }
0x521: {  	v0 =	vld.idx.msk [tilespmem:v4+s1+$0x0], $0xffff  }
0x522: {  	s26 =	simm.s32 $0x1CF40;
	v1 =	vld.idx.msk [tilespmem:v6+s1+$0x0], $0xffff  }
0x523: {  	v2 =	vld.idx.msk [tilespmem:v7+s1+$0x0], $0xffff;
	[tilespmem:s26+$0x30] =	vst v9  }
0x524: {  	s28 =	simm.s32 $0x0;
	s5 =	simm.s32 $0x1C7C0;
	v4 =	vld.idx.msk [tilespmem:v8+s1+$0x0], $0xffff;
	[tilespmem:s26+$0xFFFFFFD0] =	vst v10  }
.LBB2_57:
0x525: {  	v6 =	vld [tilespmem:s5+$0x30];
	s28 =	sadd.s32 $0x80, s28;
	[tilespmem:s26+$0xFFFFFFE0] =	vst v5  }
0x526: {  	v5 =	vld [tilespmem:s5+$0xFFFFFFD0];
	p0 =	slt.u32 s28, $0x380;
	[tilespmem:s26+$0xFFFFFFF0] =	vst v3  }
0x527: {  	v3 =	vld [tilespmem:s5+$0xFFFFFFE0];
	[tilespmem:s26+$0x0] =	vst v0  }
0x528: {  	v0 =	vld [tilespmem:s5+$0xFFFFFFF0];
	[tilespmem:s26+$0x10] =	vst v1  }
0x529: {  	v1 =	vld [tilespmem:s5+$0x0];
	[tilespmem:s26+$0x20] =	vst v2  }
0x52a: {  	v2 =	vld [tilespmem:s5+$0x10];
	[tilespmem:s26+$0xFFFFFFC0] =	vst v4  }
0x52b: {  	v4 =	vld [tilespmem:s5+$0x20]  }
0x52c: {  	v7 =	vld [tilespmem:s5+$0xFFFFFFC0]  }
0x52d: {  	v6 =	vld.idx.msk [tilespmem:v6+s1+$0x0], $0xffff  }
0x52e: {  	v8 =	vld.idx.msk [tilespmem:v5+s1+$0x0], $0xffff  }
0x52f: {  	v5 =	vld.idx.msk [tilespmem:v3+s1+$0x0], $0xffff  }
.Ltmp28:
0x530: {  	v3 =	vld.idx.msk [tilespmem:v0+s1+$0x0], $0xffff;
	(pc) =	sbr.rel @p0 .LBB2_57-.Ltmp28, $4  }
0x531: {  	v0 =	vld.idx.msk [tilespmem:v1+s1+$0x0], $0xffff  }
0x532: {  	s26 =	sadd.s32 $0x80, s26;
	v1 =	vld.idx.msk [tilespmem:v2+s1+$0x0], $0xffff  }
0x533: {  	v2 =	vld.idx.msk [tilespmem:v4+s1+$0x0], $0xffff;
	[tilespmem:s26+$0x30] =	vst v6  }
0x534: {  	s5 =	sadd.s32 $0x80, s5;
	v4 =	vld.idx.msk [tilespmem:v7+s1+$0x0], $0xffff;
	[tilespmem:s26+$0xFFFFFFD0] =	vst v8  }
0x535: {  	[tilespmem:s26+$0xFFFFFFE0] =	vst v5  }
0x536: {  	[tilespmem:s26+$0xFFFFFFF0] =	vst v3  }
0x537: {  	[tilespmem:s26+$0x0] =	vst v0  }
0x538: {  	[tilespmem:s26+$0x10] =	vst v1  }
0x539: {  	[tilespmem:s26+$0x20] =	vst v2  }
0x53a: {  	[tilespmem:s26+$0xFFFFFFC0] =	vst v4  }
0x53b: {  	s5 =	rddreg [dreg:$0x10]  }
0x53c: {  	s30 =	sld [smem:$0x7EA]  }
0x53d: {  	[hbm4b:s5+s2] =	stream.strided.scatter [tilespmem:s11], [sflag:$0x3], $0x400, s4, s2, $0x38;
	[tilespmem:$0x1D700] =	vst v63  }
0x53e: {  	_ = 	snop  }
0x53f: {  	[tilespmem:s24], [sflag:$0x5] =	stream.strided.gather [hbm4b:s30+s2], $0x400, s4, s2, $0x38;
	[tilespmem:$0x1D700] =	vst v63  }
0x540: {  	_ =	swait.ge [sflag:s8], $0x400  }
0x541: {  	[sflag:s8] =	ssyncset.done $0x0  }
0x542: {  	[sflag:s8] =	ssyncadd.s32 $0xFFFFFC00  }
0x543: {  	_ =	swait.ge [sflag:s21], $0x400  }
0x544: {  	[sflag:s21] =	ssyncset.done $0x0  }
0x545: {  	s31 =	simm.s32 $0x1CB40;
	[sflag:s21] =	ssyncadd.s32 $0xFFFFFC00  }
0x546: {  	v0 =	vld [tilespmem:s31+$0x30]  }
0x547: {  	v1 =	vld [tilespmem:s31+$0xFFFFFFD0]  }
0x548: {  	v2 =	vld [tilespmem:s31+$0xFFFFFFE0]  }
0x549: {  	v3 =	vld [tilespmem:s31+$0xFFFFFFF0]  }
0x54a: {  	v4 =	vld [tilespmem:s31+$0x0]  }
0x54b: {  	v6 =	vld [tilespmem:s31+$0x10]  }
0x54c: {  	v7 =	vld [tilespmem:s31+$0x20]  }
0x54d: {  	v8 =	vld [tilespmem:s31+$0xFFFFFFC0]  }
0x54e: {  	v9 =	vld.idx.msk [tilespmem:v0+s1+$0x0], $0xffff  }
0x54f: {  	v10 =	vld.idx.msk [tilespmem:v1+s1+$0x0], $0xffff  }
0x550: {  	v5 =	vld.idx.msk [tilespmem:v2+s1+$0x0], $0xffff  }
0x551: {  	v3 =	vld.idx.msk [tilespmem:v3+s1+$0x0], $0xffff  }
0x552: {  	v0 =	vld.idx.msk [tilespmem:v4+s1+$0x0], $0xffff  }
0x553: {  	s26 =	simm.s32 $0x1D340;
	v1 =	vld.idx.msk [tilespmem:v6+s1+$0x0], $0xffff  }
0x554: {  	v2 =	vld.idx.msk [tilespmem:v7+s1+$0x0], $0xffff;
	[tilespmem:s26+$0x30] =	vst v9  }
0x555: {  	s28 =	simm.s32 $0x0;
	s5 =	simm.s32 $0x1CBC0;
	v4 =	vld.idx.msk [tilespmem:v8+s1+$0x0], $0xffff;
	[tilespmem:s26+$0xFFFFFFD0] =	vst v10  }
.LBB2_59:
0x556: {  	v6 =	vld [tilespmem:s5+$0x30];
	s28 =	sadd.s32 $0x80, s28;
	[tilespmem:s26+$0xFFFFFFE0] =	vst v5  }
0x557: {  	v5 =	vld [tilespmem:s5+$0xFFFFFFD0];
	p0 =	slt.u32 s28, $0x380;
	[tilespmem:s26+$0xFFFFFFF0] =	vst v3  }
0x558: {  	v3 =	vld [tilespmem:s5+$0xFFFFFFE0];
	[tilespmem:s26+$0x0] =	vst v0  }
0x559: {  	v0 =	vld [tilespmem:s5+$0xFFFFFFF0];
	[tilespmem:s26+$0x10] =	vst v1  }
0x55a: {  	v1 =	vld [tilespmem:s5+$0x0];
	[tilespmem:s26+$0x20] =	vst v2  }
0x55b: {  	v2 =	vld [tilespmem:s5+$0x10];
	[tilespmem:s26+$0xFFFFFFC0] =	vst v4  }
0x55c: {  	v4 =	vld [tilespmem:s5+$0x20]  }
0x55d: {  	v7 =	vld [tilespmem:s5+$0xFFFFFFC0]  }
0x55e: {  	v6 =	vld.idx.msk [tilespmem:v6+s1+$0x0], $0xffff  }
0x55f: {  	v8 =	vld.idx.msk [tilespmem:v5+s1+$0x0], $0xffff  }
0x560: {  	v5 =	vld.idx.msk [tilespmem:v3+s1+$0x0], $0xffff  }
.Ltmp29:
0x561: {  	v3 =	vld.idx.msk [tilespmem:v0+s1+$0x0], $0xffff;
	(pc) =	sbr.rel @p0 .LBB2_59-.Ltmp29, $4  }
0x562: {  	v0 =	vld.idx.msk [tilespmem:v1+s1+$0x0], $0xffff  }
0x563: {  	s26 =	sadd.s32 $0x80, s26;
	v1 =	vld.idx.msk [tilespmem:v2+s1+$0x0], $0xffff  }
0x564: {  	v2 =	vld.idx.msk [tilespmem:v4+s1+$0x0], $0xffff;
	[tilespmem:s26+$0x30] =	vst v6  }
0x565: {  	s5 =	sadd.s32 $0x80, s5;
	v4 =	vld.idx.msk [tilespmem:v7+s1+$0x0], $0xffff;
	[tilespmem:s26+$0xFFFFFFD0] =	vst v8  }
0x566: {  	[tilespmem:s26+$0xFFFFFFE0] =	vst v5  }
0x567: {  	[tilespmem:s26+$0xFFFFFFF0] =	vst v3  }
0x568: {  	[tilespmem:s26+$0x0] =	vst v0  }
0x569: {  	[tilespmem:s26+$0x10] =	vst v1  }
0x56a: {  	[tilespmem:s26+$0x20] =	vst v2  }
0x56b: {  	[tilespmem:s26+$0xFFFFFFC0] =	vst v4  }
0x56c: {  	s5 =	rddreg [dreg:$0x11]  }
0x56d: {  	s30 =	sld [smem:$0x7EB]  }
0x56e: {  	[hbm4b:s5+s2] =	stream.strided.scatter [tilespmem:s12], [sflag:$0x4], $0x400, s4, s2, $0x38;
	[tilespmem:$0x1D700] =	vst v63  }
0x56f: {  	_ = 	snop  }
0x570: {  	[tilespmem:s23], [sflag:$0x5] =	stream.strided.gather [hbm4b:s30+s2], $0x400, s4, s2, $0x38;
	[tilespmem:$0x1D700] =	vst v63  }
0x571: {  	_ =	swait.ge [sflag:s8], $0x400  }
0x572: {  	[sflag:s8] =	ssyncset.done $0x0  }
0x573: {  	[sflag:s8] =	ssyncadd.s32 $0xFFFFFC00  }
0x574: {  	_ =	swait.ge [sflag:s13], $0x400  }
0x575: {  	[sflag:s13] =	ssyncset.done $0x0  }
0x576: {  	s31 =	simm.s32 $0x1C740;
	[sflag:s13] =	ssyncadd.s32 $0xFFFFFC00  }
0x577: {  	v0 =	vld [tilespmem:s31+$0x30]  }
0x578: {  	v1 =	vld [tilespmem:s31+$0xFFFFFFD0]  }
0x579: {  	v2 =	vld [tilespmem:s31+$0xFFFFFFE0]  }
0x57a: {  	v3 =	vld [tilespmem:s31+$0xFFFFFFF0]  }
0x57b: {  	v4 =	vld [tilespmem:s31+$0x0]  }
0x57c: {  	v6 =	vld [tilespmem:s31+$0x10]  }
0x57d: {  	v7 =	vld [tilespmem:s31+$0x20]  }
0x57e: {  	v8 =	vld [tilespmem:s31+$0xFFFFFFC0]  }
0x57f: {  	v9 =	vld.idx.msk [tilespmem:v0+s1+$0x0], $0xffff  }
0x580: {  	v10 =	vld.idx.msk [tilespmem:v1+s1+$0x0], $0xffff  }
0x581: {  	v5 =	vld.idx.msk [tilespmem:v2+s1+$0x0], $0xffff  }
0x582: {  	v3 =	vld.idx.msk [tilespmem:v3+s1+$0x0], $0xffff  }
0x583: {  	v0 =	vld.idx.msk [tilespmem:v4+s1+$0x0], $0xffff  }
0x584: {  	s26 =	simm.s32 $0x1CF40;
	v1 =	vld.idx.msk [tilespmem:v6+s1+$0x0], $0xffff  }
0x585: {  	v2 =	vld.idx.msk [tilespmem:v7+s1+$0x0], $0xffff;
	[tilespmem:s26+$0x30] =	vst v9  }
0x586: {  	s28 =	simm.s32 $0x0;
	s5 =	simm.s32 $0x1C7C0;
	v4 =	vld.idx.msk [tilespmem:v8+s1+$0x0], $0xffff;
	[tilespmem:s26+$0xFFFFFFD0] =	vst v10  }
.LBB2_61:
0x587: {  	v6 =	vld [tilespmem:s5+$0x30];
	s28 =	sadd.s32 $0x80, s28;
	[tilespmem:s26+$0xFFFFFFE0] =	vst v5  }
0x588: {  	v5 =	vld [tilespmem:s5+$0xFFFFFFD0];
	p0 =	slt.u32 s28, $0x380;
	[tilespmem:s26+$0xFFFFFFF0] =	vst v3  }
0x589: {  	v3 =	vld [tilespmem:s5+$0xFFFFFFE0];
	[tilespmem:s26+$0x0] =	vst v0  }
0x58a: {  	v0 =	vld [tilespmem:s5+$0xFFFFFFF0];
	[tilespmem:s26+$0x10] =	vst v1  }
0x58b: {  	v1 =	vld [tilespmem:s5+$0x0];
	[tilespmem:s26+$0x20] =	vst v2  }
0x58c: {  	v2 =	vld [tilespmem:s5+$0x10];
	[tilespmem:s26+$0xFFFFFFC0] =	vst v4  }
0x58d: {  	v4 =	vld [tilespmem:s5+$0x20]  }
0x58e: {  	v7 =	vld [tilespmem:s5+$0xFFFFFFC0]  }
0x58f: {  	v6 =	vld.idx.msk [tilespmem:v6+s1+$0x0], $0xffff  }
0x590: {  	v8 =	vld.idx.msk [tilespmem:v5+s1+$0x0], $0xffff  }
0x591: {  	v5 =	vld.idx.msk [tilespmem:v3+s1+$0x0], $0xffff  }
.Ltmp30:
0x592: {  	v3 =	vld.idx.msk [tilespmem:v0+s1+$0x0], $0xffff;
	(pc) =	sbr.rel @p0 .LBB2_61-.Ltmp30, $4  }
0x593: {  	v0 =	vld.idx.msk [tilespmem:v1+s1+$0x0], $0xffff  }
0x594: {  	s26 =	sadd.s32 $0x80, s26;
	v1 =	vld.idx.msk [tilespmem:v2+s1+$0x0], $0xffff  }
0x595: {  	v2 =	vld.idx.msk [tilespmem:v4+s1+$0x0], $0xffff;
	[tilespmem:s26+$0x30] =	vst v6  }
0x596: {  	s5 =	sadd.s32 $0x80, s5;
	v4 =	vld.idx.msk [tilespmem:v7+s1+$0x0], $0xffff;
	[tilespmem:s26+$0xFFFFFFD0] =	vst v8  }
0x597: {  	[tilespmem:s26+$0xFFFFFFE0] =	vst v5  }
0x598: {  	[tilespmem:s26+$0xFFFFFFF0] =	vst v3  }
0x599: {  	[tilespmem:s26+$0x0] =	vst v0  }
0x59a: {  	[tilespmem:s26+$0x10] =	vst v1  }
0x59b: {  	[tilespmem:s26+$0x20] =	vst v2  }
0x59c: {  	[tilespmem:s26+$0xFFFFFFC0] =	vst v4  }
0x59d: {  	s5 =	rddreg [dreg:$0x12]  }
0x59e: {  	s30 =	sld [smem:$0x7EC]  }
0x59f: {  	[hbm4b:s5+s2] =	stream.strided.scatter [tilespmem:s11], [sflag:$0x3], $0x400, s4, s2, $0x38;
	[tilespmem:$0x1D700] =	vst v63  }
0x5a0: {  	_ = 	snop  }
0x5a1: {  	[tilespmem:s24], [sflag:$0x5] =	stream.strided.gather [hbm4b:s30+s2], $0x400, s4, s2, $0x38;
	[tilespmem:$0x1D700] =	vst v63  }
0x5a2: {  	_ =	swait.ge [sflag:s8], $0x400  }
0x5a3: {  	[sflag:s8] =	ssyncset.done $0x0  }
0x5a4: {  	[sflag:s8] =	ssyncadd.s32 $0xFFFFFC00  }
0x5a5: {  	_ =	swait.ge [sflag:s21], $0x400  }
0x5a6: {  	[sflag:s21] =	ssyncset.done $0x0  }
0x5a7: {  	s31 =	simm.s32 $0x1CB40;
	[sflag:s21] =	ssyncadd.s32 $0xFFFFFC00  }
0x5a8: {  	v0 =	vld [tilespmem:s31+$0x30]  }
0x5a9: {  	v1 =	vld [tilespmem:s31+$0xFFFFFFD0]  }
0x5aa: {  	v2 =	vld [tilespmem:s31+$0xFFFFFFE0]  }
0x5ab: {  	v3 =	vld [tilespmem:s31+$0xFFFFFFF0]  }
0x5ac: {  	v4 =	vld [tilespmem:s31+$0x0]  }
0x5ad: {  	v6 =	vld [tilespmem:s31+$0x10]  }
0x5ae: {  	v7 =	vld [tilespmem:s31+$0x20]  }
0x5af: {  	v8 =	vld [tilespmem:s31+$0xFFFFFFC0]  }
0x5b0: {  	v9 =	vld.idx.msk [tilespmem:v0+s1+$0x0], $0xffff  }
0x5b1: {  	v10 =	vld.idx.msk [tilespmem:v1+s1+$0x0], $0xffff  }
0x5b2: {  	v5 =	vld.idx.msk [tilespmem:v2+s1+$0x0], $0xffff  }
0x5b3: {  	v3 =	vld.idx.msk [tilespmem:v3+s1+$0x0], $0xffff  }
0x5b4: {  	v0 =	vld.idx.msk [tilespmem:v4+s1+$0x0], $0xffff  }
0x5b5: {  	s26 =	simm.s32 $0x1D340;
	v1 =	vld.idx.msk [tilespmem:v6+s1+$0x0], $0xffff  }
0x5b6: {  	v2 =	vld.idx.msk [tilespmem:v7+s1+$0x0], $0xffff;
	[tilespmem:s26+$0x30] =	vst v9  }
0x5b7: {  	s28 =	simm.s32 $0x0;
	s5 =	simm.s32 $0x1CBC0;
	v4 =	vld.idx.msk [tilespmem:v8+s1+$0x0], $0xffff;
	[tilespmem:s26+$0xFFFFFFD0] =	vst v10  }
.LBB2_63:
0x5b8: {  	v6 =	vld [tilespmem:s5+$0x30];
	s28 =	sadd.s32 $0x80, s28;
	[tilespmem:s26+$0xFFFFFFE0] =	vst v5  }
0x5b9: {  	v5 =	vld [tilespmem:s5+$0xFFFFFFD0];
	p0 =	slt.u32 s28, $0x380;
	[tilespmem:s26+$0xFFFFFFF0] =	vst v3  }
0x5ba: {  	v3 =	vld [tilespmem:s5+$0xFFFFFFE0];
	[tilespmem:s26+$0x0] =	vst v0  }
0x5bb: {  	v0 =	vld [tilespmem:s5+$0xFFFFFFF0];
	[tilespmem:s26+$0x10] =	vst v1  }
0x5bc: {  	v1 =	vld [tilespmem:s5+$0x0];
	[tilespmem:s26+$0x20] =	vst v2  }
0x5bd: {  	v2 =	vld [tilespmem:s5+$0x10];
	[tilespmem:s26+$0xFFFFFFC0] =	vst v4  }
0x5be: {  	v4 =	vld [tilespmem:s5+$0x20]  }
0x5bf: {  	v7 =	vld [tilespmem:s5+$0xFFFFFFC0]  }
0x5c0: {  	v6 =	vld.idx.msk [tilespmem:v6+s1+$0x0], $0xffff  }
0x5c1: {  	v8 =	vld.idx.msk [tilespmem:v5+s1+$0x0], $0xffff  }
0x5c2: {  	v5 =	vld.idx.msk [tilespmem:v3+s1+$0x0], $0xffff  }
.Ltmp31:
0x5c3: {  	v3 =	vld.idx.msk [tilespmem:v0+s1+$0x0], $0xffff;
	(pc) =	sbr.rel @p0 .LBB2_63-.Ltmp31, $4  }
0x5c4: {  	v0 =	vld.idx.msk [tilespmem:v1+s1+$0x0], $0xffff  }
0x5c5: {  	s26 =	sadd.s32 $0x80, s26;
	v1 =	vld.idx.msk [tilespmem:v2+s1+$0x0], $0xffff  }
0x5c6: {  	v2 =	vld.idx.msk [tilespmem:v4+s1+$0x0], $0xffff;
	[tilespmem:s26+$0x30] =	vst v6  }
0x5c7: {  	s5 =	sadd.s32 $0x80, s5;
	v4 =	vld.idx.msk [tilespmem:v7+s1+$0x0], $0xffff;
	[tilespmem:s26+$0xFFFFFFD0] =	vst v8  }
0x5c8: {  	[tilespmem:s26+$0xFFFFFFE0] =	vst v5  }
0x5c9: {  	[tilespmem:s26+$0xFFFFFFF0] =	vst v3  }
0x5ca: {  	[tilespmem:s26+$0x0] =	vst v0  }
0x5cb: {  	[tilespmem:s26+$0x10] =	vst v1  }
0x5cc: {  	[tilespmem:s26+$0x20] =	vst v2  }
0x5cd: {  	[tilespmem:s26+$0xFFFFFFC0] =	vst v4  }
0x5ce: {  	s5 =	rddreg [dreg:$0x13]  }
0x5cf: {  	s30 =	sld [smem:$0x7ED]  }
0x5d0: {  	[hbm4b:s5+s2] =	stream.strided.scatter [tilespmem:s12], [sflag:$0x4], $0x400, s4, s2, $0x38;
	[tilespmem:$0x1D700] =	vst v63  }
0x5d1: {  	_ = 	snop  }
0x5d2: {  	[tilespmem:s23], [sflag:$0x5] =	stream.strided.gather [hbm4b:s30+s2], $0x400, s4, s2, $0x38;
	[tilespmem:$0x1D700] =	vst v63  }
0x5d3: {  	_ =	swait.ge [sflag:s8], $0x400  }
0x5d4: {  	[sflag:s8] =	ssyncset.done $0x0  }
0x5d5: {  	[sflag:s8] =	ssyncadd.s32 $0xFFFFFC00  }
0x5d6: {  	_ =	swait.ge [sflag:s13], $0x400  }
0x5d7: {  	[sflag:s13] =	ssyncset.done $0x0  }
0x5d8: {  	s31 =	simm.s32 $0x1C740;
	[sflag:s13] =	ssyncadd.s32 $0xFFFFFC00  }
0x5d9: {  	v0 =	vld [tilespmem:s31+$0x30]  }
0x5da: {  	v1 =	vld [tilespmem:s31+$0xFFFFFFD0]  }
0x5db: {  	v2 =	vld [tilespmem:s31+$0xFFFFFFE0]  }
0x5dc: {  	v3 =	vld [tilespmem:s31+$0xFFFFFFF0]  }
0x5dd: {  	v4 =	vld [tilespmem:s31+$0x0]  }
0x5de: {  	v6 =	vld [tilespmem:s31+$0x10]  }
0x5df: {  	v7 =	vld [tilespmem:s31+$0x20]  }
0x5e0: {  	v8 =	vld [tilespmem:s31+$0xFFFFFFC0]  }
0x5e1: {  	v9 =	vld.idx.msk [tilespmem:v0+s1+$0x0], $0xffff  }
0x5e2: {  	v10 =	vld.idx.msk [tilespmem:v1+s1+$0x0], $0xffff  }
0x5e3: {  	v5 =	vld.idx.msk [tilespmem:v2+s1+$0x0], $0xffff  }
0x5e4: {  	v3 =	vld.idx.msk [tilespmem:v3+s1+$0x0], $0xffff  }
0x5e5: {  	v0 =	vld.idx.msk [tilespmem:v4+s1+$0x0], $0xffff  }
0x5e6: {  	s26 =	simm.s32 $0x1CF40;
	v1 =	vld.idx.msk [tilespmem:v6+s1+$0x0], $0xffff  }
0x5e7: {  	v2 =	vld.idx.msk [tilespmem:v7+s1+$0x0], $0xffff;
	[tilespmem:s26+$0x30] =	vst v9  }
0x5e8: {  	s28 =	simm.s32 $0x0;
	s5 =	simm.s32 $0x1C7C0;
	v4 =	vld.idx.msk [tilespmem:v8+s1+$0x0], $0xffff;
	[tilespmem:s26+$0xFFFFFFD0] =	vst v10  }
.LBB2_65:
0x5e9: {  	v6 =	vld [tilespmem:s5+$0x30];
	s28 =	sadd.s32 $0x80, s28;
	[tilespmem:s26+$0xFFFFFFE0] =	vst v5  }
0x5ea: {  	v5 =	vld [tilespmem:s5+$0xFFFFFFD0];
	p0 =	slt.u32 s28, $0x380;
	[tilespmem:s26+$0xFFFFFFF0] =	vst v3  }
0x5eb: {  	v3 =	vld [tilespmem:s5+$0xFFFFFFE0];
	[tilespmem:s26+$0x0] =	vst v0  }
0x5ec: {  	v0 =	vld [tilespmem:s5+$0xFFFFFFF0];
	[tilespmem:s26+$0x10] =	vst v1  }
0x5ed: {  	v1 =	vld [tilespmem:s5+$0x0];
	[tilespmem:s26+$0x20] =	vst v2  }
0x5ee: {  	v2 =	vld [tilespmem:s5+$0x10];
	[tilespmem:s26+$0xFFFFFFC0] =	vst v4  }
0x5ef: {  	v4 =	vld [tilespmem:s5+$0x20]  }
0x5f0: {  	v7 =	vld [tilespmem:s5+$0xFFFFFFC0]  }
0x5f1: {  	v6 =	vld.idx.msk [tilespmem:v6+s1+$0x0], $0xffff  }
0x5f2: {  	v8 =	vld.idx.msk [tilespmem:v5+s1+$0x0], $0xffff  }
0x5f3: {  	v5 =	vld.idx.msk [tilespmem:v3+s1+$0x0], $0xffff  }
.Ltmp32:
0x5f4: {  	v3 =	vld.idx.msk [tilespmem:v0+s1+$0x0], $0xffff;
	(pc) =	sbr.rel @p0 .LBB2_65-.Ltmp32, $4  }
0x5f5: {  	v0 =	vld.idx.msk [tilespmem:v1+s1+$0x0], $0xffff  }
0x5f6: {  	s26 =	sadd.s32 $0x80, s26;
	v1 =	vld.idx.msk [tilespmem:v2+s1+$0x0], $0xffff  }
0x5f7: {  	v2 =	vld.idx.msk [tilespmem:v4+s1+$0x0], $0xffff;
	[tilespmem:s26+$0x30] =	vst v6  }
0x5f8: {  	s5 =	sadd.s32 $0x80, s5;
	v4 =	vld.idx.msk [tilespmem:v7+s1+$0x0], $0xffff;
	[tilespmem:s26+$0xFFFFFFD0] =	vst v8  }
0x5f9: {  	[tilespmem:s26+$0xFFFFFFE0] =	vst v5  }
0x5fa: {  	[tilespmem:s26+$0xFFFFFFF0] =	vst v3  }
0x5fb: {  	[tilespmem:s26+$0x0] =	vst v0  }
0x5fc: {  	[tilespmem:s26+$0x10] =	vst v1  }
0x5fd: {  	[tilespmem:s26+$0x20] =	vst v2  }
0x5fe: {  	[tilespmem:s26+$0xFFFFFFC0] =	vst v4  }
0x5ff: {  	s5 =	rddreg [dreg:$0x14]  }
0x600: {  	s30 =	sld [smem:$0x7EE]  }
0x601: {  	[hbm4b:s5+s2] =	stream.strided.scatter [tilespmem:s11], [sflag:$0x3], $0x400, s4, s2, $0x38;
	[tilespmem:$0x1D700] =	vst v63  }
0x602: {  	_ = 	snop  }
0x603: {  	[tilespmem:s24], [sflag:$0x5] =	stream.strided.gather [hbm4b:s30+s2], $0x400, s4, s2, $0x38;
	[tilespmem:$0x1D700] =	vst v63  }
0x604: {  	_ =	swait.ge [sflag:s8], $0x400  }
0x605: {  	[sflag:s8] =	ssyncset.done $0x0  }
0x606: {  	[sflag:s8] =	ssyncadd.s32 $0xFFFFFC00  }
0x607: {  	_ =	swait.ge [sflag:s21], $0x400  }
0x608: {  	[sflag:s21] =	ssyncset.done $0x0  }
0x609: {  	s31 =	simm.s32 $0x1CB40;
	[sflag:s21] =	ssyncadd.s32 $0xFFFFFC00  }
0x60a: {  	v0 =	vld [tilespmem:s31+$0x30]  }
0x60b: {  	v1 =	vld [tilespmem:s31+$0xFFFFFFD0]  }
0x60c: {  	v2 =	vld [tilespmem:s31+$0xFFFFFFE0]  }
0x60d: {  	v3 =	vld [tilespmem:s31+$0xFFFFFFF0]  }
0x60e: {  	v4 =	vld [tilespmem:s31+$0x0]  }
0x60f: {  	v6 =	vld [tilespmem:s31+$0x10]  }
0x610: {  	v7 =	vld [tilespmem:s31+$0x20]  }
0x611: {  	v8 =	vld [tilespmem:s31+$0xFFFFFFC0]  }
0x612: {  	v9 =	vld.idx.msk [tilespmem:v0+s1+$0x0], $0xffff  }
0x613: {  	v10 =	vld.idx.msk [tilespmem:v1+s1+$0x0], $0xffff  }
0x614: {  	v5 =	vld.idx.msk [tilespmem:v2+s1+$0x0], $0xffff  }
0x615: {  	v3 =	vld.idx.msk [tilespmem:v3+s1+$0x0], $0xffff  }
0x616: {  	v0 =	vld.idx.msk [tilespmem:v4+s1+$0x0], $0xffff  }
0x617: {  	s26 =	simm.s32 $0x1D340;
	v1 =	vld.idx.msk [tilespmem:v6+s1+$0x0], $0xffff  }
0x618: {  	v2 =	vld.idx.msk [tilespmem:v7+s1+$0x0], $0xffff;
	[tilespmem:s26+$0x30] =	vst v9  }
0x619: {  	s28 =	simm.s32 $0x0;
	s5 =	simm.s32 $0x1CBC0;
	v4 =	vld.idx.msk [tilespmem:v8+s1+$0x0], $0xffff;
	[tilespmem:s26+$0xFFFFFFD0] =	vst v10  }
.LBB2_67:
0x61a: {  	v6 =	vld [tilespmem:s5+$0x30];
	s28 =	sadd.s32 $0x80, s28;
	[tilespmem:s26+$0xFFFFFFE0] =	vst v5  }
0x61b: {  	v5 =	vld [tilespmem:s5+$0xFFFFFFD0];
	p0 =	slt.u32 s28, $0x380;
	[tilespmem:s26+$0xFFFFFFF0] =	vst v3  }
0x61c: {  	v3 =	vld [tilespmem:s5+$0xFFFFFFE0];
	[tilespmem:s26+$0x0] =	vst v0  }
0x61d: {  	v0 =	vld [tilespmem:s5+$0xFFFFFFF0];
	[tilespmem:s26+$0x10] =	vst v1  }
0x61e: {  	v1 =	vld [tilespmem:s5+$0x0];
	[tilespmem:s26+$0x20] =	vst v2  }
0x61f: {  	v2 =	vld [tilespmem:s5+$0x10];
	[tilespmem:s26+$0xFFFFFFC0] =	vst v4  }
0x620: {  	v4 =	vld [tilespmem:s5+$0x20]  }
0x621: {  	v7 =	vld [tilespmem:s5+$0xFFFFFFC0]  }
0x622: {  	v6 =	vld.idx.msk [tilespmem:v6+s1+$0x0], $0xffff  }
0x623: {  	v8 =	vld.idx.msk [tilespmem:v5+s1+$0x0], $0xffff  }
0x624: {  	v5 =	vld.idx.msk [tilespmem:v3+s1+$0x0], $0xffff  }
.Ltmp33:
0x625: {  	v3 =	vld.idx.msk [tilespmem:v0+s1+$0x0], $0xffff;
	(pc) =	sbr.rel @p0 .LBB2_67-.Ltmp33, $4  }
0x626: {  	v0 =	vld.idx.msk [tilespmem:v1+s1+$0x0], $0xffff  }
0x627: {  	s26 =	sadd.s32 $0x80, s26;
	v1 =	vld.idx.msk [tilespmem:v2+s1+$0x0], $0xffff  }
0x628: {  	v2 =	vld.idx.msk [tilespmem:v4+s1+$0x0], $0xffff;
	[tilespmem:s26+$0x30] =	vst v6  }
0x629: {  	s5 =	sadd.s32 $0x80, s5;
	v4 =	vld.idx.msk [tilespmem:v7+s1+$0x0], $0xffff;
	[tilespmem:s26+$0xFFFFFFD0] =	vst v8  }
0x62a: {  	[tilespmem:s26+$0xFFFFFFE0] =	vst v5  }
0x62b: {  	[tilespmem:s26+$0xFFFFFFF0] =	vst v3  }
0x62c: {  	[tilespmem:s26+$0x0] =	vst v0  }
0x62d: {  	[tilespmem:s26+$0x10] =	vst v1  }
0x62e: {  	[tilespmem:s26+$0x20] =	vst v2  }
0x62f: {  	[tilespmem:s26+$0xFFFFFFC0] =	vst v4  }
0x630: {  	s5 =	rddreg [dreg:$0x15]  }
0x631: {  	s30 =	sld [smem:$0x7EF]  }
0x632: {  	[hbm4b:s5+s2] =	stream.strided.scatter [tilespmem:s12], [sflag:$0x4], $0x400, s4, s2, $0x38;
	[tilespmem:$0x1D700] =	vst v63  }
0x633: {  	_ = 	snop  }
0x634: {  	[tilespmem:s23], [sflag:$0x5] =	stream.strided.gather [hbm4b:s30+s2], $0x400, s4, s2, $0x38;
	[tilespmem:$0x1D700] =	vst v63  }
0x635: {  	_ =	swait.ge [sflag:s8], $0x400  }
0x636: {  	[sflag:s8] =	ssyncset.done $0x0  }
0x637: {  	[sflag:s8] =	ssyncadd.s32 $0xFFFFFC00  }
0x638: {  	_ =	swait.ge [sflag:s13], $0x400  }
0x639: {  	[sflag:s13] =	ssyncset.done $0x0  }
0x63a: {  	s31 =	simm.s32 $0x1C740;
	[sflag:s13] =	ssyncadd.s32 $0xFFFFFC00  }
0x63b: {  	v0 =	vld [tilespmem:s31+$0x30]  }
0x63c: {  	v1 =	vld [tilespmem:s31+$0xFFFFFFD0]  }
0x63d: {  	v2 =	vld [tilespmem:s31+$0xFFFFFFE0]  }
0x63e: {  	v3 =	vld [tilespmem:s31+$0xFFFFFFF0]  }
0x63f: {  	v4 =	vld [tilespmem:s31+$0x0]  }
0x640: {  	v6 =	vld [tilespmem:s31+$0x10]  }
0x641: {  	v7 =	vld [tilespmem:s31+$0x20]  }
0x642: {  	v8 =	vld [tilespmem:s31+$0xFFFFFFC0]  }
0x643: {  	v9 =	vld.idx.msk [tilespmem:v0+s1+$0x0], $0xffff  }
0x644: {  	v10 =	vld.idx.msk [tilespmem:v1+s1+$0x0], $0xffff  }
0x645: {  	v5 =	vld.idx.msk [tilespmem:v2+s1+$0x0], $0xffff  }
0x646: {  	v3 =	vld.idx.msk [tilespmem:v3+s1+$0x0], $0xffff  }
0x647: {  	v0 =	vld.idx.msk [tilespmem:v4+s1+$0x0], $0xffff  }
0x648: {  	s26 =	simm.s32 $0x1CF40;
	v1 =	vld.idx.msk [tilespmem:v6+s1+$0x0], $0xffff  }
0x649: {  	v2 =	vld.idx.msk [tilespmem:v7+s1+$0x0], $0xffff;
	[tilespmem:s26+$0x30] =	vst v9  }
0x64a: {  	s28 =	simm.s32 $0x0;
	s5 =	simm.s32 $0x1C7C0;
	v4 =	vld.idx.msk [tilespmem:v8+s1+$0x0], $0xffff;
	[tilespmem:s26+$0xFFFFFFD0] =	vst v10  }
.LBB2_69:
0x64b: {  	v6 =	vld [tilespmem:s5+$0x30];
	s28 =	sadd.s32 $0x80, s28;
	[tilespmem:s26+$0xFFFFFFE0] =	vst v5  }
0x64c: {  	v5 =	vld [tilespmem:s5+$0xFFFFFFD0];
	p0 =	slt.u32 s28, $0x380;
	[tilespmem:s26+$0xFFFFFFF0] =	vst v3  }
0x64d: {  	v3 =	vld [tilespmem:s5+$0xFFFFFFE0];
	[tilespmem:s26+$0x0] =	vst v0  }
0x64e: {  	v0 =	vld [tilespmem:s5+$0xFFFFFFF0];
	[tilespmem:s26+$0x10] =	vst v1  }
0x64f: {  	v1 =	vld [tilespmem:s5+$0x0];
	[tilespmem:s26+$0x20] =	vst v2  }
0x650: {  	v2 =	vld [tilespmem:s5+$0x10];
	[tilespmem:s26+$0xFFFFFFC0] =	vst v4  }
0x651: {  	v4 =	vld [tilespmem:s5+$0x20]  }
0x652: {  	v7 =	vld [tilespmem:s5+$0xFFFFFFC0]  }
0x653: {  	v6 =	vld.idx.msk [tilespmem:v6+s1+$0x0], $0xffff  }
0x654: {  	v8 =	vld.idx.msk [tilespmem:v5+s1+$0x0], $0xffff  }
0x655: {  	v5 =	vld.idx.msk [tilespmem:v3+s1+$0x0], $0xffff  }
.Ltmp34:
0x656: {  	v3 =	vld.idx.msk [tilespmem:v0+s1+$0x0], $0xffff;
	(pc) =	sbr.rel @p0 .LBB2_69-.Ltmp34, $4  }
0x657: {  	v0 =	vld.idx.msk [tilespmem:v1+s1+$0x0], $0xffff  }
0x658: {  	s26 =	sadd.s32 $0x80, s26;
	v1 =	vld.idx.msk [tilespmem:v2+s1+$0x0], $0xffff  }
0x659: {  	v2 =	vld.idx.msk [tilespmem:v4+s1+$0x0], $0xffff;
	[tilespmem:s26+$0x30] =	vst v6  }
0x65a: {  	s5 =	sadd.s32 $0x80, s5;
	v4 =	vld.idx.msk [tilespmem:v7+s1+$0x0], $0xffff;
	[tilespmem:s26+$0xFFFFFFD0] =	vst v8  }
0x65b: {  	[tilespmem:s26+$0xFFFFFFE0] =	vst v5  }
0x65c: {  	[tilespmem:s26+$0xFFFFFFF0] =	vst v3  }
0x65d: {  	[tilespmem:s26+$0x0] =	vst v0  }
0x65e: {  	[tilespmem:s26+$0x10] =	vst v1  }
0x65f: {  	[tilespmem:s26+$0x20] =	vst v2  }
0x660: {  	[tilespmem:s26+$0xFFFFFFC0] =	vst v4  }
0x661: {  	s5 =	rddreg [dreg:$0x16]  }
0x662: {  	s30 =	sld [smem:$0x7F0]  }
0x663: {  	[hbm4b:s5+s2] =	stream.strided.scatter [tilespmem:s11], [sflag:$0x3], $0x400, s4, s2, $0x38;
	[tilespmem:$0x1D700] =	vst v63  }
0x664: {  	_ = 	snop  }
0x665: {  	[tilespmem:s24], [sflag:$0x5] =	stream.strided.gather [hbm4b:s30+s2], $0x400, s4, s2, $0x38;
	[tilespmem:$0x1D700] =	vst v63  }
0x666: {  	_ =	swait.ge [sflag:s8], $0x400  }
0x667: {  	[sflag:s8] =	ssyncset.done $0x0  }
0x668: {  	[sflag:s8] =	ssyncadd.s32 $0xFFFFFC00  }
0x669: {  	_ =	swait.ge [sflag:s21], $0x400  }
0x66a: {  	[sflag:s21] =	ssyncset.done $0x0  }
0x66b: {  	s31 =	simm.s32 $0x1CB40;
	[sflag:s21] =	ssyncadd.s32 $0xFFFFFC00  }
0x66c: {  	v0 =	vld [tilespmem:s31+$0x30]  }
0x66d: {  	v1 =	vld [tilespmem:s31+$0xFFFFFFD0]  }
0x66e: {  	v2 =	vld [tilespmem:s31+$0xFFFFFFE0]  }
0x66f: {  	v3 =	vld [tilespmem:s31+$0xFFFFFFF0]  }
0x670: {  	v4 =	vld [tilespmem:s31+$0x0]  }
0x671: {  	v6 =	vld [tilespmem:s31+$0x10]  }
0x672: {  	v7 =	vld [tilespmem:s31+$0x20]  }
0x673: {  	v8 =	vld [tilespmem:s31+$0xFFFFFFC0]  }
0x674: {  	v9 =	vld.idx.msk [tilespmem:v0+s1+$0x0], $0xffff  }
0x675: {  	v10 =	vld.idx.msk [tilespmem:v1+s1+$0x0], $0xffff  }
0x676: {  	v5 =	vld.idx.msk [tilespmem:v2+s1+$0x0], $0xffff  }
0x677: {  	v3 =	vld.idx.msk [tilespmem:v3+s1+$0x0], $0xffff  }
0x678: {  	v0 =	vld.idx.msk [tilespmem:v4+s1+$0x0], $0xffff  }
0x679: {  	s26 =	simm.s32 $0x1D340;
	v1 =	vld.idx.msk [tilespmem:v6+s1+$0x0], $0xffff  }
0x67a: {  	v2 =	vld.idx.msk [tilespmem:v7+s1+$0x0], $0xffff;
	[tilespmem:s26+$0x30] =	vst v9  }
0x67b: {  	s28 =	simm.s32 $0x0;
	s5 =	simm.s32 $0x1CBC0;
	v4 =	vld.idx.msk [tilespmem:v8+s1+$0x0], $0xffff;
	[tilespmem:s26+$0xFFFFFFD0] =	vst v10  }
.LBB2_71:
0x67c: {  	v6 =	vld [tilespmem:s5+$0x30];
	s28 =	sadd.s32 $0x80, s28;
	[tilespmem:s26+$0xFFFFFFE0] =	vst v5  }
0x67d: {  	v5 =	vld [tilespmem:s5+$0xFFFFFFD0];
	p0 =	slt.u32 s28, $0x380;
	[tilespmem:s26+$0xFFFFFFF0] =	vst v3  }
0x67e: {  	v3 =	vld [tilespmem:s5+$0xFFFFFFE0];
	[tilespmem:s26+$0x0] =	vst v0  }
0x67f: {  	v0 =	vld [tilespmem:s5+$0xFFFFFFF0];
	[tilespmem:s26+$0x10] =	vst v1  }
0x680: {  	v1 =	vld [tilespmem:s5+$0x0];
	[tilespmem:s26+$0x20] =	vst v2  }
0x681: {  	v2 =	vld [tilespmem:s5+$0x10];
	[tilespmem:s26+$0xFFFFFFC0] =	vst v4  }
0x682: {  	v4 =	vld [tilespmem:s5+$0x20]  }
0x683: {  	v7 =	vld [tilespmem:s5+$0xFFFFFFC0]  }
0x684: {  	v6 =	vld.idx.msk [tilespmem:v6+s1+$0x0], $0xffff  }
0x685: {  	v8 =	vld.idx.msk [tilespmem:v5+s1+$0x0], $0xffff  }
0x686: {  	v5 =	vld.idx.msk [tilespmem:v3+s1+$0x0], $0xffff  }
.Ltmp35:
0x687: {  	v3 =	vld.idx.msk [tilespmem:v0+s1+$0x0], $0xffff;
	(pc) =	sbr.rel @p0 .LBB2_71-.Ltmp35, $4  }
0x688: {  	v0 =	vld.idx.msk [tilespmem:v1+s1+$0x0], $0xffff  }
0x689: {  	s26 =	sadd.s32 $0x80, s26;
	v1 =	vld.idx.msk [tilespmem:v2+s1+$0x0], $0xffff  }
0x68a: {  	v2 =	vld.idx.msk [tilespmem:v4+s1+$0x0], $0xffff;
	[tilespmem:s26+$0x30] =	vst v6  }
0x68b: {  	s5 =	sadd.s32 $0x80, s5;
	v4 =	vld.idx.msk [tilespmem:v7+s1+$0x0], $0xffff;
	[tilespmem:s26+$0xFFFFFFD0] =	vst v8  }
0x68c: {  	[tilespmem:s26+$0xFFFFFFE0] =	vst v5  }
0x68d: {  	[tilespmem:s26+$0xFFFFFFF0] =	vst v3  }
0x68e: {  	[tilespmem:s26+$0x0] =	vst v0  }
0x68f: {  	[tilespmem:s26+$0x10] =	vst v1  }
0x690: {  	[tilespmem:s26+$0x20] =	vst v2  }
0x691: {  	[tilespmem:s26+$0xFFFFFFC0] =	vst v4  }
0x692: {  	s5 =	rddreg [dreg:$0x17]  }
0x693: {  	s30 =	sld [smem:$0x7F1]  }
0x694: {  	[hbm4b:s5+s2] =	stream.strided.scatter [tilespmem:s12], [sflag:$0x4], $0x400, s4, s2, $0x38;
	[tilespmem:$0x1D700] =	vst v63  }
0x695: {  	_ = 	snop  }
0x696: {  	[tilespmem:s23], [sflag:$0x5] =	stream.strided.gather [hbm4b:s30+s2], $0x400, s4, s2, $0x38;
	[tilespmem:$0x1D700] =	vst v63  }
0x697: {  	_ =	swait.ge [sflag:s8], $0x400  }
0x698: {  	[sflag:s8] =	ssyncset.done $0x0  }
0x699: {  	[sflag:s8] =	ssyncadd.s32 $0xFFFFFC00  }
0x69a: {  	_ =	swait.ge [sflag:s13], $0x400  }
0x69b: {  	[sflag:s13] =	ssyncset.done $0x0  }
0x69c: {  	s31 =	simm.s32 $0x1C740;
	[sflag:s13] =	ssyncadd.s32 $0xFFFFFC00  }
0x69d: {  	v0 =	vld [tilespmem:s31+$0x30]  }
0x69e: {  	v1 =	vld [tilespmem:s31+$0xFFFFFFD0]  }
0x69f: {  	v2 =	vld [tilespmem:s31+$0xFFFFFFE0]  }
0x6a0: {  	v3 =	vld [tilespmem:s31+$0xFFFFFFF0]  }
0x6a1: {  	v4 =	vld [tilespmem:s31+$0x0]  }
0x6a2: {  	v6 =	vld [tilespmem:s31+$0x10]  }
0x6a3: {  	v7 =	vld [tilespmem:s31+$0x20]  }
0x6a4: {  	v8 =	vld [tilespmem:s31+$0xFFFFFFC0]  }
0x6a5: {  	v9 =	vld.idx.msk [tilespmem:v0+s1+$0x0], $0xffff  }
0x6a6: {  	v10 =	vld.idx.msk [tilespmem:v1+s1+$0x0], $0xffff  }
0x6a7: {  	v5 =	vld.idx.msk [tilespmem:v2+s1+$0x0], $0xffff  }
0x6a8: {  	v3 =	vld.idx.msk [tilespmem:v3+s1+$0x0], $0xffff  }
0x6a9: {  	v0 =	vld.idx.msk [tilespmem:v4+s1+$0x0], $0xffff  }
0x6aa: {  	s26 =	simm.s32 $0x1CF40;
	v1 =	vld.idx.msk [tilespmem:v6+s1+$0x0], $0xffff  }
0x6ab: {  	v2 =	vld.idx.msk [tilespmem:v7+s1+$0x0], $0xffff;
	[tilespmem:s26+$0x30] =	vst v9  }
0x6ac: {  	s28 =	simm.s32 $0x0;
	s5 =	simm.s32 $0x1C7C0;
	v4 =	vld.idx.msk [tilespmem:v8+s1+$0x0], $0xffff;
	[tilespmem:s26+$0xFFFFFFD0] =	vst v10  }
.LBB2_73:
0x6ad: {  	v6 =	vld [tilespmem:s5+$0x30];
	s28 =	sadd.s32 $0x80, s28;
	[tilespmem:s26+$0xFFFFFFE0] =	vst v5  }
0x6ae: {  	v5 =	vld [tilespmem:s5+$0xFFFFFFD0];
	p0 =	slt.u32 s28, $0x380;
	[tilespmem:s26+$0xFFFFFFF0] =	vst v3  }
0x6af: {  	v3 =	vld [tilespmem:s5+$0xFFFFFFE0];
	[tilespmem:s26+$0x0] =	vst v0  }
0x6b0: {  	v0 =	vld [tilespmem:s5+$0xFFFFFFF0];
	[tilespmem:s26+$0x10] =	vst v1  }
0x6b1: {  	v1 =	vld [tilespmem:s5+$0x0];
	[tilespmem:s26+$0x20] =	vst v2  }
0x6b2: {  	v2 =	vld [tilespmem:s5+$0x10];
	[tilespmem:s26+$0xFFFFFFC0] =	vst v4  }
0x6b3: {  	v4 =	vld [tilespmem:s5+$0x20]  }
0x6b4: {  	v7 =	vld [tilespmem:s5+$0xFFFFFFC0]  }
0x6b5: {  	v6 =	vld.idx.msk [tilespmem:v6+s1+$0x0], $0xffff  }
0x6b6: {  	v8 =	vld.idx.msk [tilespmem:v5+s1+$0x0], $0xffff  }
0x6b7: {  	v5 =	vld.idx.msk [tilespmem:v3+s1+$0x0], $0xffff  }
.Ltmp36:
0x6b8: {  	v3 =	vld.idx.msk [tilespmem:v0+s1+$0x0], $0xffff;
	(pc) =	sbr.rel @p0 .LBB2_73-.Ltmp36, $4  }
0x6b9: {  	v0 =	vld.idx.msk [tilespmem:v1+s1+$0x0], $0xffff  }
0x6ba: {  	s26 =	sadd.s32 $0x80, s26;
	v1 =	vld.idx.msk [tilespmem:v2+s1+$0x0], $0xffff  }
0x6bb: {  	v2 =	vld.idx.msk [tilespmem:v4+s1+$0x0], $0xffff;
	[tilespmem:s26+$0x30] =	vst v6  }
0x6bc: {  	s5 =	sadd.s32 $0x80, s5;
	v4 =	vld.idx.msk [tilespmem:v7+s1+$0x0], $0xffff;
	[tilespmem:s26+$0xFFFFFFD0] =	vst v8  }
0x6bd: {  	[tilespmem:s26+$0xFFFFFFE0] =	vst v5  }
0x6be: {  	[tilespmem:s26+$0xFFFFFFF0] =	vst v3  }
0x6bf: {  	[tilespmem:s26+$0x0] =	vst v0  }
0x6c0: {  	[tilespmem:s26+$0x10] =	vst v1  }
0x6c1: {  	[tilespmem:s26+$0x20] =	vst v2  }
0x6c2: {  	[tilespmem:s26+$0xFFFFFFC0] =	vst v4  }
0x6c3: {  	s5 =	rddreg [dreg:$0x18]  }
0x6c4: {  	s30 =	sld [smem:$0x7F2]  }
0x6c5: {  	[hbm4b:s5+s2] =	stream.strided.scatter [tilespmem:s11], [sflag:$0x3], $0x400, s4, s2, $0x38;
	[tilespmem:$0x1D700] =	vst v63  }
0x6c6: {  	_ = 	snop  }
0x6c7: {  	[tilespmem:s24], [sflag:$0x5] =	stream.strided.gather [hbm4b:s30+s2], $0x400, s4, s2, $0x38;
	[tilespmem:$0x1D700] =	vst v63  }
0x6c8: {  	_ =	swait.ge [sflag:s8], $0x400  }
0x6c9: {  	[sflag:s8] =	ssyncset.done $0x0  }
0x6ca: {  	[sflag:s8] =	ssyncadd.s32 $0xFFFFFC00  }
0x6cb: {  	_ =	swait.ge [sflag:s21], $0x400  }
0x6cc: {  	[sflag:s21] =	ssyncset.done $0x0  }
0x6cd: {  	s31 =	simm.s32 $0x1CB40;
	[sflag:s21] =	ssyncadd.s32 $0xFFFFFC00  }
0x6ce: {  	v0 =	vld [tilespmem:s31+$0x30]  }
0x6cf: {  	v1 =	vld [tilespmem:s31+$0xFFFFFFD0]  }
0x6d0: {  	v2 =	vld [tilespmem:s31+$0xFFFFFFE0]  }
0x6d1: {  	v3 =	vld [tilespmem:s31+$0xFFFFFFF0]  }
0x6d2: {  	v4 =	vld [tilespmem:s31+$0x0]  }
0x6d3: {  	v6 =	vld [tilespmem:s31+$0x10]  }
0x6d4: {  	v7 =	vld [tilespmem:s31+$0x20]  }
0x6d5: {  	v8 =	vld [tilespmem:s31+$0xFFFFFFC0]  }
0x6d6: {  	v9 =	vld.idx.msk [tilespmem:v0+s1+$0x0], $0xffff  }
0x6d7: {  	v10 =	vld.idx.msk [tilespmem:v1+s1+$0x0], $0xffff  }
0x6d8: {  	v5 =	vld.idx.msk [tilespmem:v2+s1+$0x0], $0xffff  }
0x6d9: {  	v3 =	vld.idx.msk [tilespmem:v3+s1+$0x0], $0xffff  }
0x6da: {  	v0 =	vld.idx.msk [tilespmem:v4+s1+$0x0], $0xffff  }
0x6db: {  	s26 =	simm.s32 $0x1D340;
	v1 =	vld.idx.msk [tilespmem:v6+s1+$0x0], $0xffff  }
0x6dc: {  	v2 =	vld.idx.msk [tilespmem:v7+s1+$0x0], $0xffff;
	[tilespmem:s26+$0x30] =	vst v9  }
0x6dd: {  	s28 =	simm.s32 $0x0;
	s5 =	simm.s32 $0x1CBC0;
	v4 =	vld.idx.msk [tilespmem:v8+s1+$0x0], $0xffff;
	[tilespmem:s26+$0xFFFFFFD0] =	vst v10  }
.LBB2_75:
0x6de: {  	v6 =	vld [tilespmem:s5+$0x30];
	s28 =	sadd.s32 $0x80, s28;
	[tilespmem:s26+$0xFFFFFFE0] =	vst v5  }
0x6df: {  	v5 =	vld [tilespmem:s5+$0xFFFFFFD0];
	p0 =	slt.u32 s28, $0x380;
	[tilespmem:s26+$0xFFFFFFF0] =	vst v3  }
0x6e0: {  	v3 =	vld [tilespmem:s5+$0xFFFFFFE0];
	[tilespmem:s26+$0x0] =	vst v0  }
0x6e1: {  	v0 =	vld [tilespmem:s5+$0xFFFFFFF0];
	[tilespmem:s26+$0x10] =	vst v1  }
0x6e2: {  	v1 =	vld [tilespmem:s5+$0x0];
	[tilespmem:s26+$0x20] =	vst v2  }
0x6e3: {  	v2 =	vld [tilespmem:s5+$0x10];
	[tilespmem:s26+$0xFFFFFFC0] =	vst v4  }
0x6e4: {  	v4 =	vld [tilespmem:s5+$0x20]  }
0x6e5: {  	v7 =	vld [tilespmem:s5+$0xFFFFFFC0]  }
0x6e6: {  	v6 =	vld.idx.msk [tilespmem:v6+s1+$0x0], $0xffff  }
0x6e7: {  	v8 =	vld.idx.msk [tilespmem:v5+s1+$0x0], $0xffff  }
0x6e8: {  	v5 =	vld.idx.msk [tilespmem:v3+s1+$0x0], $0xffff  }
.Ltmp37:
0x6e9: {  	v3 =	vld.idx.msk [tilespmem:v0+s1+$0x0], $0xffff;
	(pc) =	sbr.rel @p0 .LBB2_75-.Ltmp37, $4  }
0x6ea: {  	v0 =	vld.idx.msk [tilespmem:v1+s1+$0x0], $0xffff  }
0x6eb: {  	s26 =	sadd.s32 $0x80, s26;
	v1 =	vld.idx.msk [tilespmem:v2+s1+$0x0], $0xffff  }
0x6ec: {  	v2 =	vld.idx.msk [tilespmem:v4+s1+$0x0], $0xffff;
	[tilespmem:s26+$0x30] =	vst v6  }
0x6ed: {  	s5 =	sadd.s32 $0x80, s5;
	v4 =	vld.idx.msk [tilespmem:v7+s1+$0x0], $0xffff;
	[tilespmem:s26+$0xFFFFFFD0] =	vst v8  }
0x6ee: {  	[tilespmem:s26+$0xFFFFFFE0] =	vst v5  }
0x6ef: {  	[tilespmem:s26+$0xFFFFFFF0] =	vst v3  }
0x6f0: {  	[tilespmem:s26+$0x0] =	vst v0  }
0x6f1: {  	[tilespmem:s26+$0x10] =	vst v1  }
0x6f2: {  	[tilespmem:s26+$0x20] =	vst v2  }
0x6f3: {  	[tilespmem:s26+$0xFFFFFFC0] =	vst v4  }
0x6f4: {  	s5 =	rddreg [dreg:$0x19]  }
0x6f5: {  	s30 =	sld [smem:$0x7F3]  }
0x6f6: {  	[hbm4b:s5+s2] =	stream.strided.scatter [tilespmem:s12], [sflag:$0x4], $0x400, s4, s2, $0x38;
	[tilespmem:$0x1D700] =	vst v63  }
0x6f7: {  	_ = 	snop  }
0x6f8: {  	[tilespmem:s23], [sflag:$0x5] =	stream.strided.gather [hbm4b:s30+s2], $0x400, s4, s2, $0x38;
	[tilespmem:$0x1D700] =	vst v63  }
0x6f9: {  	_ =	swait.ge [sflag:s8], $0x400  }
0x6fa: {  	[sflag:s8] =	ssyncset.done $0x0  }
0x6fb: {  	[sflag:s8] =	ssyncadd.s32 $0xFFFFFC00  }
0x6fc: {  	_ =	swait.ge [sflag:s13], $0x400  }
0x6fd: {  	[sflag:s13] =	ssyncset.done $0x0  }
0x6fe: {  	s31 =	simm.s32 $0x1C740;
	[sflag:s13] =	ssyncadd.s32 $0xFFFFFC00  }
0x6ff: {  	v0 =	vld [tilespmem:s31+$0x30]  }
0x700: {  	v1 =	vld [tilespmem:s31+$0xFFFFFFD0]  }
0x701: {  	v2 =	vld [tilespmem:s31+$0xFFFFFFE0]  }
0x702: {  	v3 =	vld [tilespmem:s31+$0xFFFFFFF0]  }
0x703: {  	v4 =	vld [tilespmem:s31+$0x0]  }
0x704: {  	v6 =	vld [tilespmem:s31+$0x10]  }
0x705: {  	v7 =	vld [tilespmem:s31+$0x20]  }
0x706: {  	v8 =	vld [tilespmem:s31+$0xFFFFFFC0]  }
0x707: {  	v9 =	vld.idx.msk [tilespmem:v0+s1+$0x0], $0xffff  }
0x708: {  	v10 =	vld.idx.msk [tilespmem:v1+s1+$0x0], $0xffff  }
0x709: {  	v5 =	vld.idx.msk [tilespmem:v2+s1+$0x0], $0xffff  }
0x70a: {  	v3 =	vld.idx.msk [tilespmem:v3+s1+$0x0], $0xffff  }
0x70b: {  	v0 =	vld.idx.msk [tilespmem:v4+s1+$0x0], $0xffff  }
0x70c: {  	s26 =	simm.s32 $0x1CF40;
	v1 =	vld.idx.msk [tilespmem:v6+s1+$0x0], $0xffff  }
0x70d: {  	v2 =	vld.idx.msk [tilespmem:v7+s1+$0x0], $0xffff;
	[tilespmem:s26+$0x30] =	vst v9  }
0x70e: {  	s28 =	simm.s32 $0x0;
	s5 =	simm.s32 $0x1C7C0;
	v4 =	vld.idx.msk [tilespmem:v8+s1+$0x0], $0xffff;
	[tilespmem:s26+$0xFFFFFFD0] =	vst v10  }
.LBB2_77:
0x70f: {  	v6 =	vld [tilespmem:s5+$0x30];
	s28 =	sadd.s32 $0x80, s28;
	[tilespmem:s26+$0xFFFFFFE0] =	vst v5  }
0x710: {  	v5 =	vld [tilespmem:s5+$0xFFFFFFD0];
	p0 =	slt.u32 s28, $0x380;
	[tilespmem:s26+$0xFFFFFFF0] =	vst v3  }
0x711: {  	v3 =	vld [tilespmem:s5+$0xFFFFFFE0];
	[tilespmem:s26+$0x0] =	vst v0  }
0x712: {  	v0 =	vld [tilespmem:s5+$0xFFFFFFF0];
	[tilespmem:s26+$0x10] =	vst v1  }
0x713: {  	v1 =	vld [tilespmem:s5+$0x0];
	[tilespmem:s26+$0x20] =	vst v2  }
0x714: {  	v2 =	vld [tilespmem:s5+$0x10];
	[tilespmem:s26+$0xFFFFFFC0] =	vst v4  }
0x715: {  	v4 =	vld [tilespmem:s5+$0x20]  }
0x716: {  	v7 =	vld [tilespmem:s5+$0xFFFFFFC0]  }
0x717: {  	v6 =	vld.idx.msk [tilespmem:v6+s1+$0x0], $0xffff  }
0x718: {  	v8 =	vld.idx.msk [tilespmem:v5+s1+$0x0], $0xffff  }
0x719: {  	v5 =	vld.idx.msk [tilespmem:v3+s1+$0x0], $0xffff  }
.Ltmp38:
0x71a: {  	v3 =	vld.idx.msk [tilespmem:v0+s1+$0x0], $0xffff;
	(pc) =	sbr.rel @p0 .LBB2_77-.Ltmp38, $4  }
0x71b: {  	v0 =	vld.idx.msk [tilespmem:v1+s1+$0x0], $0xffff  }
0x71c: {  	s26 =	sadd.s32 $0x80, s26;
	v1 =	vld.idx.msk [tilespmem:v2+s1+$0x0], $0xffff  }
0x71d: {  	v2 =	vld.idx.msk [tilespmem:v4+s1+$0x0], $0xffff;
	[tilespmem:s26+$0x30] =	vst v6  }
0x71e: {  	s5 =	sadd.s32 $0x80, s5;
	v4 =	vld.idx.msk [tilespmem:v7+s1+$0x0], $0xffff;
	[tilespmem:s26+$0xFFFFFFD0] =	vst v8  }
0x71f: {  	[tilespmem:s26+$0xFFFFFFE0] =	vst v5  }
0x720: {  	[tilespmem:s26+$0xFFFFFFF0] =	vst v3  }
0x721: {  	[tilespmem:s26+$0x0] =	vst v0  }
0x722: {  	[tilespmem:s26+$0x10] =	vst v1  }
0x723: {  	[tilespmem:s26+$0x20] =	vst v2  }
0x724: {  	[tilespmem:s26+$0xFFFFFFC0] =	vst v4  }
0x725: {  	s5 =	rddreg [dreg:$0x1a]  }
0x726: {  	s30 =	sld [smem:$0x7F4]  }
0x727: {  	[hbm4b:s5+s2] =	stream.strided.scatter [tilespmem:s11], [sflag:$0x3], $0x400, s4, s2, $0x38;
	[tilespmem:$0x1D700] =	vst v63  }
0x728: {  	_ = 	snop  }
0x729: {  	[tilespmem:s24], [sflag:$0x5] =	stream.strided.gather [hbm4b:s30+s2], $0x400, s4, s2, $0x38;
	[tilespmem:$0x1D700] =	vst v63  }
0x72a: {  	_ =	swait.ge [sflag:s8], $0x400  }
0x72b: {  	[sflag:s8] =	ssyncset.done $0x0  }
0x72c: {  	[sflag:s8] =	ssyncadd.s32 $0xFFFFFC00  }
0x72d: {  	_ =	swait.ge [sflag:s21], $0x400  }
0x72e: {  	[sflag:s21] =	ssyncset.done $0x0  }
0x72f: {  	s31 =	simm.s32 $0x1CB40;
	[sflag:s21] =	ssyncadd.s32 $0xFFFFFC00  }
0x730: {  	v0 =	vld [tilespmem:s31+$0x30]  }
0x731: {  	v1 =	vld [tilespmem:s31+$0xFFFFFFD0]  }
0x732: {  	v2 =	vld [tilespmem:s31+$0xFFFFFFE0]  }
0x733: {  	v3 =	vld [tilespmem:s31+$0xFFFFFFF0]  }
0x734: {  	v4 =	vld [tilespmem:s31+$0x0]  }
0x735: {  	v6 =	vld [tilespmem:s31+$0x10]  }
0x736: {  	v7 =	vld [tilespmem:s31+$0x20]  }
0x737: {  	v8 =	vld [tilespmem:s31+$0xFFFFFFC0]  }
0x738: {  	v9 =	vld.idx.msk [tilespmem:v0+s1+$0x0], $0xffff  }
0x739: {  	v10 =	vld.idx.msk [tilespmem:v1+s1+$0x0], $0xffff  }
0x73a: {  	v5 =	vld.idx.msk [tilespmem:v2+s1+$0x0], $0xffff  }
0x73b: {  	v3 =	vld.idx.msk [tilespmem:v3+s1+$0x0], $0xffff  }
0x73c: {  	v0 =	vld.idx.msk [tilespmem:v4+s1+$0x0], $0xffff  }
0x73d: {  	s26 =	simm.s32 $0x1D340;
	v1 =	vld.idx.msk [tilespmem:v6+s1+$0x0], $0xffff  }
0x73e: {  	v2 =	vld.idx.msk [tilespmem:v7+s1+$0x0], $0xffff;
	[tilespmem:s26+$0x30] =	vst v9  }
0x73f: {  	s28 =	simm.s32 $0x0;
	s5 =	simm.s32 $0x1CBC0;
	v4 =	vld.idx.msk [tilespmem:v8+s1+$0x0], $0xffff;
	[tilespmem:s26+$0xFFFFFFD0] =	vst v10  }
.LBB2_79:
0x740: {  	v6 =	vld [tilespmem:s5+$0x30];
	s28 =	sadd.s32 $0x80, s28;
	[tilespmem:s26+$0xFFFFFFE0] =	vst v5  }
0x741: {  	v5 =	vld [tilespmem:s5+$0xFFFFFFD0];
	p0 =	slt.u32 s28, $0x380;
	[tilespmem:s26+$0xFFFFFFF0] =	vst v3  }
0x742: {  	v3 =	vld [tilespmem:s5+$0xFFFFFFE0];
	[tilespmem:s26+$0x0] =	vst v0  }
0x743: {  	v0 =	vld [tilespmem:s5+$0xFFFFFFF0];
	[tilespmem:s26+$0x10] =	vst v1  }
0x744: {  	v1 =	vld [tilespmem:s5+$0x0];
	[tilespmem:s26+$0x20] =	vst v2  }
0x745: {  	v2 =	vld [tilespmem:s5+$0x10];
	[tilespmem:s26+$0xFFFFFFC0] =	vst v4  }
0x746: {  	v4 =	vld [tilespmem:s5+$0x20]  }
0x747: {  	v7 =	vld [tilespmem:s5+$0xFFFFFFC0]  }
0x748: {  	v6 =	vld.idx.msk [tilespmem:v6+s1+$0x0], $0xffff  }
0x749: {  	v8 =	vld.idx.msk [tilespmem:v5+s1+$0x0], $0xffff  }
0x74a: {  	v5 =	vld.idx.msk [tilespmem:v3+s1+$0x0], $0xffff  }
.Ltmp39:
0x74b: {  	v3 =	vld.idx.msk [tilespmem:v0+s1+$0x0], $0xffff;
	(pc) =	sbr.rel @p0 .LBB2_79-.Ltmp39, $4  }
0x74c: {  	v0 =	vld.idx.msk [tilespmem:v1+s1+$0x0], $0xffff  }
0x74d: {  	s26 =	sadd.s32 $0x80, s26;
	v1 =	vld.idx.msk [tilespmem:v2+s1+$0x0], $0xffff  }
0x74e: {  	v2 =	vld.idx.msk [tilespmem:v4+s1+$0x0], $0xffff;
	[tilespmem:s26+$0x30] =	vst v6  }
0x74f: {  	s5 =	sadd.s32 $0x80, s5;
	v4 =	vld.idx.msk [tilespmem:v7+s1+$0x0], $0xffff;
	[tilespmem:s26+$0xFFFFFFD0] =	vst v8  }
0x750: {  	[tilespmem:s26+$0xFFFFFFE0] =	vst v5  }
0x751: {  	[tilespmem:s26+$0xFFFFFFF0] =	vst v3  }
0x752: {  	[tilespmem:s26+$0x0] =	vst v0  }
0x753: {  	[tilespmem:s26+$0x10] =	vst v1  }
0x754: {  	[tilespmem:s26+$0x20] =	vst v2  }
0x755: {  	[tilespmem:s26+$0xFFFFFFC0] =	vst v4  }
0x756: {  	s5 =	rddreg [dreg:$0x1b]  }
0x757: {  	s30 =	sld [smem:$0x7F5]  }
0x758: {  	[hbm4b:s5+s2] =	stream.strided.scatter [tilespmem:s12], [sflag:$0x4], $0x400, s4, s2, $0x38;
	[tilespmem:$0x1D700] =	vst v63  }
0x759: {  	_ = 	snop  }
0x75a: {  	[tilespmem:s23], [sflag:$0x5] =	stream.strided.gather [hbm4b:s30+s2], $0x400, s4, s2, $0x38;
	[tilespmem:$0x1D700] =	vst v63  }
0x75b: {  	_ =	swait.ge [sflag:s8], $0x400  }
0x75c: {  	[sflag:s8] =	ssyncset.done $0x0  }
0x75d: {  	[sflag:s8] =	ssyncadd.s32 $0xFFFFFC00  }
0x75e: {  	_ =	swait.ge [sflag:s13], $0x400  }
0x75f: {  	[sflag:s13] =	ssyncset.done $0x0  }
0x760: {  	s31 =	simm.s32 $0x1C740;
	[sflag:s13] =	ssyncadd.s32 $0xFFFFFC00  }
0x761: {  	v0 =	vld [tilespmem:s31+$0x30]  }
0x762: {  	v1 =	vld [tilespmem:s31+$0xFFFFFFD0]  }
0x763: {  	v2 =	vld [tilespmem:s31+$0xFFFFFFE0]  }
0x764: {  	v3 =	vld [tilespmem:s31+$0xFFFFFFF0]  }
0x765: {  	v4 =	vld [tilespmem:s31+$0x0]  }
0x766: {  	v6 =	vld [tilespmem:s31+$0x10]  }
0x767: {  	v7 =	vld [tilespmem:s31+$0x20]  }
0x768: {  	v8 =	vld [tilespmem:s31+$0xFFFFFFC0]  }
0x769: {  	v9 =	vld.idx.msk [tilespmem:v0+s1+$0x0], $0xffff  }
0x76a: {  	v10 =	vld.idx.msk [tilespmem:v1+s1+$0x0], $0xffff  }
0x76b: {  	v5 =	vld.idx.msk [tilespmem:v2+s1+$0x0], $0xffff  }
0x76c: {  	v3 =	vld.idx.msk [tilespmem:v3+s1+$0x0], $0xffff  }
0x76d: {  	v0 =	vld.idx.msk [tilespmem:v4+s1+$0x0], $0xffff  }
0x76e: {  	s26 =	simm.s32 $0x1CF40;
	v1 =	vld.idx.msk [tilespmem:v6+s1+$0x0], $0xffff  }
0x76f: {  	v2 =	vld.idx.msk [tilespmem:v7+s1+$0x0], $0xffff;
	[tilespmem:s26+$0x30] =	vst v9  }
0x770: {  	s28 =	simm.s32 $0x0;
	s5 =	simm.s32 $0x1C7C0;
	v4 =	vld.idx.msk [tilespmem:v8+s1+$0x0], $0xffff;
	[tilespmem:s26+$0xFFFFFFD0] =	vst v10  }
.LBB2_81:
0x771: {  	v6 =	vld [tilespmem:s5+$0x30];
	s28 =	sadd.s32 $0x80, s28;
	[tilespmem:s26+$0xFFFFFFE0] =	vst v5  }
0x772: {  	v5 =	vld [tilespmem:s5+$0xFFFFFFD0];
	p0 =	slt.u32 s28, $0x380;
	[tilespmem:s26+$0xFFFFFFF0] =	vst v3  }
0x773: {  	v3 =	vld [tilespmem:s5+$0xFFFFFFE0];
	[tilespmem:s26+$0x0] =	vst v0  }
0x774: {  	v0 =	vld [tilespmem:s5+$0xFFFFFFF0];
	[tilespmem:s26+$0x10] =	vst v1  }
0x775: {  	v1 =	vld [tilespmem:s5+$0x0];
	[tilespmem:s26+$0x20] =	vst v2  }
0x776: {  	v2 =	vld [tilespmem:s5+$0x10];
	[tilespmem:s26+$0xFFFFFFC0] =	vst v4  }
0x777: {  	v4 =	vld [tilespmem:s5+$0x20]  }
0x778: {  	v7 =	vld [tilespmem:s5+$0xFFFFFFC0]  }
0x779: {  	v6 =	vld.idx.msk [tilespmem:v6+s1+$0x0], $0xffff  }
0x77a: {  	v8 =	vld.idx.msk [tilespmem:v5+s1+$0x0], $0xffff  }
0x77b: {  	v5 =	vld.idx.msk [tilespmem:v3+s1+$0x0], $0xffff  }
.Ltmp40:
0x77c: {  	v3 =	vld.idx.msk [tilespmem:v0+s1+$0x0], $0xffff;
	(pc) =	sbr.rel @p0 .LBB2_81-.Ltmp40, $4  }
0x77d: {  	v0 =	vld.idx.msk [tilespmem:v1+s1+$0x0], $0xffff  }
0x77e: {  	s26 =	sadd.s32 $0x80, s26;
	v1 =	vld.idx.msk [tilespmem:v2+s1+$0x0], $0xffff  }
0x77f: {  	v2 =	vld.idx.msk [tilespmem:v4+s1+$0x0], $0xffff;
	[tilespmem:s26+$0x30] =	vst v6  }
0x780: {  	s5 =	sadd.s32 $0x80, s5;
	v4 =	vld.idx.msk [tilespmem:v7+s1+$0x0], $0xffff;
	[tilespmem:s26+$0xFFFFFFD0] =	vst v8  }
0x781: {  	[tilespmem:s26+$0xFFFFFFE0] =	vst v5  }
0x782: {  	[tilespmem:s26+$0xFFFFFFF0] =	vst v3  }
0x783: {  	[tilespmem:s26+$0x0] =	vst v0  }
0x784: {  	[tilespmem:s26+$0x10] =	vst v1  }
0x785: {  	[tilespmem:s26+$0x20] =	vst v2  }
0x786: {  	[tilespmem:s26+$0xFFFFFFC0] =	vst v4  }
0x787: {  	s5 =	rddreg [dreg:$0x1c]  }
0x788: {  	s30 =	sld [smem:$0x7F6]  }
0x789: {  	[hbm4b:s5+s2] =	stream.strided.scatter [tilespmem:s11], [sflag:$0x3], $0x400, s4, s2, $0x38;
	[tilespmem:$0x1D700] =	vst v63  }
0x78a: {  	_ = 	snop  }
0x78b: {  	[tilespmem:s24], [sflag:$0x5] =	stream.strided.gather [hbm4b:s30+s2], $0x400, s4, s2, $0x38;
	[tilespmem:$0x1D700] =	vst v63  }
0x78c: {  	_ =	swait.ge [sflag:s8], $0x400  }
0x78d: {  	[sflag:s8] =	ssyncset.done $0x0  }
0x78e: {  	[sflag:s8] =	ssyncadd.s32 $0xFFFFFC00  }
0x78f: {  	_ =	swait.ge [sflag:s21], $0x400  }
0x790: {  	[sflag:s21] =	ssyncset.done $0x0  }
0x791: {  	s31 =	simm.s32 $0x1CB40;
	[sflag:s21] =	ssyncadd.s32 $0xFFFFFC00  }
0x792: {  	v0 =	vld [tilespmem:s31+$0x30]  }
0x793: {  	v1 =	vld [tilespmem:s31+$0xFFFFFFD0]  }
0x794: {  	v2 =	vld [tilespmem:s31+$0xFFFFFFE0]  }
0x795: {  	v3 =	vld [tilespmem:s31+$0xFFFFFFF0]  }
0x796: {  	v4 =	vld [tilespmem:s31+$0x0]  }
0x797: {  	v6 =	vld [tilespmem:s31+$0x10]  }
0x798: {  	v7 =	vld [tilespmem:s31+$0x20]  }
0x799: {  	v8 =	vld [tilespmem:s31+$0xFFFFFFC0]  }
0x79a: {  	v9 =	vld.idx.msk [tilespmem:v0+s1+$0x0], $0xffff  }
0x79b: {  	v10 =	vld.idx.msk [tilespmem:v1+s1+$0x0], $0xffff  }
0x79c: {  	v5 =	vld.idx.msk [tilespmem:v2+s1+$0x0], $0xffff  }
0x79d: {  	v3 =	vld.idx.msk [tilespmem:v3+s1+$0x0], $0xffff  }
0x79e: {  	v0 =	vld.idx.msk [tilespmem:v4+s1+$0x0], $0xffff  }
0x79f: {  	s26 =	simm.s32 $0x1D340;
	v1 =	vld.idx.msk [tilespmem:v6+s1+$0x0], $0xffff  }
0x7a0: {  	v2 =	vld.idx.msk [tilespmem:v7+s1+$0x0], $0xffff;
	[tilespmem:s26+$0x30] =	vst v9  }
0x7a1: {  	s28 =	simm.s32 $0x0;
	s5 =	simm.s32 $0x1CBC0;
	v4 =	vld.idx.msk [tilespmem:v8+s1+$0x0], $0xffff;
	[tilespmem:s26+$0xFFFFFFD0] =	vst v10  }
.LBB2_83:
0x7a2: {  	v6 =	vld [tilespmem:s5+$0x30];
	s28 =	sadd.s32 $0x80, s28;
	[tilespmem:s26+$0xFFFFFFE0] =	vst v5  }
0x7a3: {  	v5 =	vld [tilespmem:s5+$0xFFFFFFD0];
	p0 =	slt.u32 s28, $0x380;
	[tilespmem:s26+$0xFFFFFFF0] =	vst v3  }
0x7a4: {  	v3 =	vld [tilespmem:s5+$0xFFFFFFE0];
	[tilespmem:s26+$0x0] =	vst v0  }
0x7a5: {  	v0 =	vld [tilespmem:s5+$0xFFFFFFF0];
	[tilespmem:s26+$0x10] =	vst v1  }
0x7a6: {  	v1 =	vld [tilespmem:s5+$0x0];
	[tilespmem:s26+$0x20] =	vst v2  }
0x7a7: {  	v2 =	vld [tilespmem:s5+$0x10];
	[tilespmem:s26+$0xFFFFFFC0] =	vst v4  }
0x7a8: {  	v4 =	vld [tilespmem:s5+$0x20]  }
0x7a9: {  	v7 =	vld [tilespmem:s5+$0xFFFFFFC0]  }
0x7aa: {  	v6 =	vld.idx.msk [tilespmem:v6+s1+$0x0], $0xffff  }
0x7ab: {  	v8 =	vld.idx.msk [tilespmem:v5+s1+$0x0], $0xffff  }
0x7ac: {  	v5 =	vld.idx.msk [tilespmem:v3+s1+$0x0], $0xffff  }
.Ltmp41:
0x7ad: {  	v3 =	vld.idx.msk [tilespmem:v0+s1+$0x0], $0xffff;
	(pc) =	sbr.rel @p0 .LBB2_83-.Ltmp41, $4  }
0x7ae: {  	v0 =	vld.idx.msk [tilespmem:v1+s1+$0x0], $0xffff  }
0x7af: {  	s26 =	sadd.s32 $0x80, s26;
	v1 =	vld.idx.msk [tilespmem:v2+s1+$0x0], $0xffff  }
0x7b0: {  	v2 =	vld.idx.msk [tilespmem:v4+s1+$0x0], $0xffff;
	[tilespmem:s26+$0x30] =	vst v6  }
0x7b1: {  	s5 =	sadd.s32 $0x80, s5;
	v4 =	vld.idx.msk [tilespmem:v7+s1+$0x0], $0xffff;
	[tilespmem:s26+$0xFFFFFFD0] =	vst v8  }
0x7b2: {  	[tilespmem:s26+$0xFFFFFFE0] =	vst v5  }
0x7b3: {  	[tilespmem:s26+$0xFFFFFFF0] =	vst v3  }
0x7b4: {  	[tilespmem:s26+$0x0] =	vst v0  }
0x7b5: {  	[tilespmem:s26+$0x10] =	vst v1  }
0x7b6: {  	[tilespmem:s26+$0x20] =	vst v2  }
0x7b7: {  	[tilespmem:s26+$0xFFFFFFC0] =	vst v4  }
0x7b8: {  	s5 =	rddreg [dreg:$0x1d]  }
0x7b9: {  	s30 =	sld [smem:$0x7F7]  }
0x7ba: {  	[hbm4b:s5+s2] =	stream.strided.scatter [tilespmem:s12], [sflag:$0x4], $0x400, s4, s2, $0x38;
	[tilespmem:$0x1D700] =	vst v63  }
0x7bb: {  	_ = 	snop  }
0x7bc: {  	[tilespmem:s23], [sflag:$0x5] =	stream.strided.gather [hbm4b:s30+s2], $0x400, s4, s2, $0x38;
	[tilespmem:$0x1D700] =	vst v63  }
0x7bd: {  	_ =	swait.ge [sflag:s8], $0x400  }
0x7be: {  	[sflag:s8] =	ssyncset.done $0x0  }
0x7bf: {  	[sflag:s8] =	ssyncadd.s32 $0xFFFFFC00  }
0x7c0: {  	_ =	swait.ge [sflag:s13], $0x400  }
0x7c1: {  	[sflag:s13] =	ssyncset.done $0x0  }
0x7c2: {  	s31 =	simm.s32 $0x1C740;
	[sflag:s13] =	ssyncadd.s32 $0xFFFFFC00  }
0x7c3: {  	v0 =	vld [tilespmem:s31+$0x30]  }
0x7c4: {  	v1 =	vld [tilespmem:s31+$0xFFFFFFD0]  }
0x7c5: {  	v2 =	vld [tilespmem:s31+$0xFFFFFFE0]  }
0x7c6: {  	v3 =	vld [tilespmem:s31+$0xFFFFFFF0]  }
0x7c7: {  	v4 =	vld [tilespmem:s31+$0x0]  }
0x7c8: {  	v6 =	vld [tilespmem:s31+$0x10]  }
0x7c9: {  	v7 =	vld [tilespmem:s31+$0x20]  }
0x7ca: {  	v8 =	vld [tilespmem:s31+$0xFFFFFFC0]  }
0x7cb: {  	v9 =	vld.idx.msk [tilespmem:v0+s1+$0x0], $0xffff  }
0x7cc: {  	v10 =	vld.idx.msk [tilespmem:v1+s1+$0x0], $0xffff  }
0x7cd: {  	v5 =	vld.idx.msk [tilespmem:v2+s1+$0x0], $0xffff  }
0x7ce: {  	v3 =	vld.idx.msk [tilespmem:v3+s1+$0x0], $0xffff  }
0x7cf: {  	v0 =	vld.idx.msk [tilespmem:v4+s1+$0x0], $0xffff  }
0x7d0: {  	s26 =	simm.s32 $0x1CF40;
	v1 =	vld.idx.msk [tilespmem:v6+s1+$0x0], $0xffff  }
0x7d1: {  	v2 =	vld.idx.msk [tilespmem:v7+s1+$0x0], $0xffff;
	[tilespmem:s26+$0x30] =	vst v9  }
0x7d2: {  	s28 =	simm.s32 $0x0;
	s5 =	simm.s32 $0x1C7C0;
	v4 =	vld.idx.msk [tilespmem:v8+s1+$0x0], $0xffff;
	[tilespmem:s26+$0xFFFFFFD0] =	vst v10  }
.LBB2_85:
0x7d3: {  	v6 =	vld [tilespmem:s5+$0x30];
	s28 =	sadd.s32 $0x80, s28;
	[tilespmem:s26+$0xFFFFFFE0] =	vst v5  }
0x7d4: {  	v5 =	vld [tilespmem:s5+$0xFFFFFFD0];
	p0 =	slt.u32 s28, $0x380;
	[tilespmem:s26+$0xFFFFFFF0] =	vst v3  }
0x7d5: {  	v3 =	vld [tilespmem:s5+$0xFFFFFFE0];
	[tilespmem:s26+$0x0] =	vst v0  }
0x7d6: {  	v0 =	vld [tilespmem:s5+$0xFFFFFFF0];
	[tilespmem:s26+$0x10] =	vst v1  }
0x7d7: {  	v1 =	vld [tilespmem:s5+$0x0];
	[tilespmem:s26+$0x20] =	vst v2  }
0x7d8: {  	v2 =	vld [tilespmem:s5+$0x10];
	[tilespmem:s26+$0xFFFFFFC0] =	vst v4  }
0x7d9: {  	v4 =	vld [tilespmem:s5+$0x20]  }
0x7da: {  	v7 =	vld [tilespmem:s5+$0xFFFFFFC0]  }
0x7db: {  	v6 =	vld.idx.msk [tilespmem:v6+s1+$0x0], $0xffff  }
0x7dc: {  	v8 =	vld.idx.msk [tilespmem:v5+s1+$0x0], $0xffff  }
0x7dd: {  	v5 =	vld.idx.msk [tilespmem:v3+s1+$0x0], $0xffff  }
.Ltmp42:
0x7de: {  	v3 =	vld.idx.msk [tilespmem:v0+s1+$0x0], $0xffff;
	(pc) =	sbr.rel @p0 .LBB2_85-.Ltmp42, $4  }
0x7df: {  	v0 =	vld.idx.msk [tilespmem:v1+s1+$0x0], $0xffff  }
0x7e0: {  	s26 =	sadd.s32 $0x80, s26;
	v1 =	vld.idx.msk [tilespmem:v2+s1+$0x0], $0xffff  }
0x7e1: {  	v2 =	vld.idx.msk [tilespmem:v4+s1+$0x0], $0xffff;
	[tilespmem:s26+$0x30] =	vst v6  }
0x7e2: {  	s5 =	sadd.s32 $0x80, s5;
	v4 =	vld.idx.msk [tilespmem:v7+s1+$0x0], $0xffff;
	[tilespmem:s26+$0xFFFFFFD0] =	vst v8  }
0x7e3: {  	[tilespmem:s26+$0xFFFFFFE0] =	vst v5  }
0x7e4: {  	[tilespmem:s26+$0xFFFFFFF0] =	vst v3  }
0x7e5: {  	[tilespmem:s26+$0x0] =	vst v0  }
0x7e6: {  	[tilespmem:s26+$0x10] =	vst v1  }
0x7e7: {  	[tilespmem:s26+$0x20] =	vst v2  }
0x7e8: {  	[tilespmem:s26+$0xFFFFFFC0] =	vst v4  }
0x7e9: {  	s5 =	rddreg [dreg:$0x1e]  }
0x7ea: {  	s30 =	sld [smem:$0x7F8]  }
0x7eb: {  	[hbm4b:s5+s2] =	stream.strided.scatter [tilespmem:s11], [sflag:$0x3], $0x400, s4, s2, $0x38;
	[tilespmem:$0x1D700] =	vst v63  }
0x7ec: {  	_ = 	snop  }
0x7ed: {  	[tilespmem:s24], [sflag:$0x5] =	stream.strided.gather [hbm4b:s30+s2], $0x400, s4, s2, $0x38;
	[tilespmem:$0x1D700] =	vst v63  }
0x7ee: {  	_ =	swait.ge [sflag:s8], $0x400  }
0x7ef: {  	[sflag:s8] =	ssyncset.done $0x0  }
0x7f0: {  	[sflag:s8] =	ssyncadd.s32 $0xFFFFFC00  }
0x7f1: {  	_ =	swait.ge [sflag:s21], $0x400  }
0x7f2: {  	[sflag:s21] =	ssyncset.done $0x0  }
0x7f3: {  	s31 =	simm.s32 $0x1CB40;
	[sflag:s21] =	ssyncadd.s32 $0xFFFFFC00  }
0x7f4: {  	v0 =	vld [tilespmem:s31+$0x30]  }
0x7f5: {  	v1 =	vld [tilespmem:s31+$0xFFFFFFD0]  }
0x7f6: {  	v2 =	vld [tilespmem:s31+$0xFFFFFFE0]  }
0x7f7: {  	v3 =	vld [tilespmem:s31+$0xFFFFFFF0]  }
0x7f8: {  	v4 =	vld [tilespmem:s31+$0x0]  }
0x7f9: {  	v6 =	vld [tilespmem:s31+$0x10]  }
0x7fa: {  	v7 =	vld [tilespmem:s31+$0x20]  }
0x7fb: {  	v8 =	vld [tilespmem:s31+$0xFFFFFFC0]  }
0x7fc: {  	v9 =	vld.idx.msk [tilespmem:v0+s1+$0x0], $0xffff  }
0x7fd: {  	v10 =	vld.idx.msk [tilespmem:v1+s1+$0x0], $0xffff  }
0x7fe: {  	v5 =	vld.idx.msk [tilespmem:v2+s1+$0x0], $0xffff  }
0x7ff: {  	v3 =	vld.idx.msk [tilespmem:v3+s1+$0x0], $0xffff  }
0x800: {  	v0 =	vld.idx.msk [tilespmem:v4+s1+$0x0], $0xffff  }
0x801: {  	s26 =	simm.s32 $0x1D340;
	v1 =	vld.idx.msk [tilespmem:v6+s1+$0x0], $0xffff  }
0x802: {  	v2 =	vld.idx.msk [tilespmem:v7+s1+$0x0], $0xffff;
	[tilespmem:s26+$0x30] =	vst v9  }
0x803: {  	s28 =	simm.s32 $0x0;
	s5 =	simm.s32 $0x1CBC0;
	v4 =	vld.idx.msk [tilespmem:v8+s1+$0x0], $0xffff;
	[tilespmem:s26+$0xFFFFFFD0] =	vst v10  }
.LBB2_87:
0x804: {  	v6 =	vld [tilespmem:s5+$0x30];
	s28 =	sadd.s32 $0x80, s28;
	[tilespmem:s26+$0xFFFFFFE0] =	vst v5  }
0x805: {  	v5 =	vld [tilespmem:s5+$0xFFFFFFD0];
	p0 =	slt.u32 s28, $0x380;
	[tilespmem:s26+$0xFFFFFFF0] =	vst v3  }
0x806: {  	v3 =	vld [tilespmem:s5+$0xFFFFFFE0];
	[tilespmem:s26+$0x0] =	vst v0  }
0x807: {  	v0 =	vld [tilespmem:s5+$0xFFFFFFF0];
	[tilespmem:s26+$0x10] =	vst v1  }
0x808: {  	v1 =	vld [tilespmem:s5+$0x0];
	[tilespmem:s26+$0x20] =	vst v2  }
0x809: {  	v2 =	vld [tilespmem:s5+$0x10];
	[tilespmem:s26+$0xFFFFFFC0] =	vst v4  }
0x80a: {  	v4 =	vld [tilespmem:s5+$0x20]  }
0x80b: {  	v7 =	vld [tilespmem:s5+$0xFFFFFFC0]  }
0x80c: {  	v6 =	vld.idx.msk [tilespmem:v6+s1+$0x0], $0xffff  }
0x80d: {  	v8 =	vld.idx.msk [tilespmem:v5+s1+$0x0], $0xffff  }
0x80e: {  	v5 =	vld.idx.msk [tilespmem:v3+s1+$0x0], $0xffff  }
.Ltmp43:
0x80f: {  	v3 =	vld.idx.msk [tilespmem:v0+s1+$0x0], $0xffff;
	(pc) =	sbr.rel @p0 .LBB2_87-.Ltmp43, $4  }
0x810: {  	v0 =	vld.idx.msk [tilespmem:v1+s1+$0x0], $0xffff  }
0x811: {  	s26 =	sadd.s32 $0x80, s26;
	v1 =	vld.idx.msk [tilespmem:v2+s1+$0x0], $0xffff  }
0x812: {  	v2 =	vld.idx.msk [tilespmem:v4+s1+$0x0], $0xffff;
	[tilespmem:s26+$0x30] =	vst v6  }
0x813: {  	s5 =	sadd.s32 $0x80, s5;
	v4 =	vld.idx.msk [tilespmem:v7+s1+$0x0], $0xffff;
	[tilespmem:s26+$0xFFFFFFD0] =	vst v8  }
0x814: {  	[tilespmem:s26+$0xFFFFFFE0] =	vst v5  }
0x815: {  	[tilespmem:s26+$0xFFFFFFF0] =	vst v3  }
0x816: {  	[tilespmem:s26+$0x0] =	vst v0  }
0x817: {  	[tilespmem:s26+$0x10] =	vst v1  }
0x818: {  	[tilespmem:s26+$0x20] =	vst v2  }
0x819: {  	[tilespmem:s26+$0xFFFFFFC0] =	vst v4  }
0x81a: {  	s5 =	rddreg [dreg:$0x1f]  }
0x81b: {  	s30 =	sld [smem:$0x7F9]  }
0x81c: {  	[hbm4b:s5+s2] =	stream.strided.scatter [tilespmem:s12], [sflag:$0x4], $0x400, s4, s2, $0x38;
	[tilespmem:$0x1D700] =	vst v63  }
0x81d: {  	_ = 	snop  }
0x81e: {  	[tilespmem:s23], [sflag:$0x5] =	stream.strided.gather [hbm4b:s30+s2], $0x400, s4, s2, $0x38;
	[tilespmem:$0x1D700] =	vst v63  }
0x81f: {  	_ =	swait.ge [sflag:s8], $0x400  }
0x820: {  	[sflag:s8] =	ssyncset.done $0x0  }
0x821: {  	[sflag:s8] =	ssyncadd.s32 $0xFFFFFC00  }
0x822: {  	_ =	swait.ge [sflag:s13], $0x400  }
0x823: {  	[sflag:s13] =	ssyncset.done $0x0  }
0x824: {  	s31 =	simm.s32 $0x1C740;
	[sflag:s13] =	ssyncadd.s32 $0xFFFFFC00  }
0x825: {  	v0 =	vld [tilespmem:s31+$0x30]  }
0x826: {  	v1 =	vld [tilespmem:s31+$0xFFFFFFD0]  }
0x827: {  	v2 =	vld [tilespmem:s31+$0xFFFFFFE0]  }
0x828: {  	v3 =	vld [tilespmem:s31+$0xFFFFFFF0]  }
0x829: {  	v4 =	vld [tilespmem:s31+$0x0]  }
0x82a: {  	v6 =	vld [tilespmem:s31+$0x10]  }
0x82b: {  	v7 =	vld [tilespmem:s31+$0x20]  }
0x82c: {  	v8 =	vld [tilespmem:s31+$0xFFFFFFC0]  }
0x82d: {  	v9 =	vld.idx.msk [tilespmem:v0+s1+$0x0], $0xffff  }
0x82e: {  	v10 =	vld.idx.msk [tilespmem:v1+s1+$0x0], $0xffff  }
0x82f: {  	v5 =	vld.idx.msk [tilespmem:v2+s1+$0x0], $0xffff  }
0x830: {  	v3 =	vld.idx.msk [tilespmem:v3+s1+$0x0], $0xffff  }
0x831: {  	v0 =	vld.idx.msk [tilespmem:v4+s1+$0x0], $0xffff  }
0x832: {  	s26 =	simm.s32 $0x1CF40;
	v1 =	vld.idx.msk [tilespmem:v6+s1+$0x0], $0xffff  }
0x833: {  	v2 =	vld.idx.msk [tilespmem:v7+s1+$0x0], $0xffff;
	[tilespmem:s26+$0x30] =	vst v9  }
0x834: {  	s28 =	simm.s32 $0x0;
	s5 =	simm.s32 $0x1C7C0;
	v4 =	vld.idx.msk [tilespmem:v8+s1+$0x0], $0xffff;
	[tilespmem:s26+$0xFFFFFFD0] =	vst v10  }
.LBB2_89:
0x835: {  	v6 =	vld [tilespmem:s5+$0x30];
	s28 =	sadd.s32 $0x80, s28;
	[tilespmem:s26+$0xFFFFFFE0] =	vst v5  }
0x836: {  	v5 =	vld [tilespmem:s5+$0xFFFFFFD0];
	p0 =	slt.u32 s28, $0x380;
	[tilespmem:s26+$0xFFFFFFF0] =	vst v3  }
0x837: {  	v3 =	vld [tilespmem:s5+$0xFFFFFFE0];
	[tilespmem:s26+$0x0] =	vst v0  }
0x838: {  	v0 =	vld [tilespmem:s5+$0xFFFFFFF0];
	[tilespmem:s26+$0x10] =	vst v1  }
0x839: {  	v1 =	vld [tilespmem:s5+$0x0];
	[tilespmem:s26+$0x20] =	vst v2  }
0x83a: {  	v2 =	vld [tilespmem:s5+$0x10];
	[tilespmem:s26+$0xFFFFFFC0] =	vst v4  }
0x83b: {  	v4 =	vld [tilespmem:s5+$0x20]  }
0x83c: {  	v7 =	vld [tilespmem:s5+$0xFFFFFFC0]  }
0x83d: {  	v6 =	vld.idx.msk [tilespmem:v6+s1+$0x0], $0xffff  }
0x83e: {  	v8 =	vld.idx.msk [tilespmem:v5+s1+$0x0], $0xffff  }
0x83f: {  	v5 =	vld.idx.msk [tilespmem:v3+s1+$0x0], $0xffff  }
.Ltmp44:
0x840: {  	v3 =	vld.idx.msk [tilespmem:v0+s1+$0x0], $0xffff;
	(pc) =	sbr.rel @p0 .LBB2_89-.Ltmp44, $4  }
0x841: {  	v0 =	vld.idx.msk [tilespmem:v1+s1+$0x0], $0xffff  }
0x842: {  	s26 =	sadd.s32 $0x80, s26;
	v1 =	vld.idx.msk [tilespmem:v2+s1+$0x0], $0xffff  }
0x843: {  	v2 =	vld.idx.msk [tilespmem:v4+s1+$0x0], $0xffff;
	[tilespmem:s26+$0x30] =	vst v6  }
0x844: {  	s5 =	sadd.s32 $0x80, s5;
	v4 =	vld.idx.msk [tilespmem:v7+s1+$0x0], $0xffff;
	[tilespmem:s26+$0xFFFFFFD0] =	vst v8  }
0x845: {  	[tilespmem:s26+$0xFFFFFFE0] =	vst v5  }
0x846: {  	[tilespmem:s26+$0xFFFFFFF0] =	vst v3  }
0x847: {  	[tilespmem:s26+$0x0] =	vst v0  }
0x848: {  	[tilespmem:s26+$0x10] =	vst v1  }
0x849: {  	[tilespmem:s26+$0x20] =	vst v2  }
0x84a: {  	[tilespmem:s26+$0xFFFFFFC0] =	vst v4  }
0x84b: {  	s5 =	sld [smem:$0x7D7];
	_ =	sdelay $0x1  }
0x84c: {  	s30 =	sld [smem:$0x7FA]  }
0x84d: {  	[hbm4b:s5+s2] =	stream.strided.scatter [tilespmem:s11], [sflag:$0x3], $0x400, s4, s2, $0x38;
	[tilespmem:$0x1D700] =	vst v63  }
0x84e: {  	_ = 	snop  }
0x84f: {  	[tilespmem:s24], [sflag:$0x5] =	stream.strided.gather [hbm4b:s30+s2], $0x400, s4, s2, $0x38;
	[tilespmem:$0x1D700] =	vst v63  }
0x850: {  	_ =	swait.ge [sflag:s8], $0x400  }
0x851: {  	[sflag:s8] =	ssyncset.done $0x0  }
0x852: {  	[sflag:s8] =	ssyncadd.s32 $0xFFFFFC00  }
0x853: {  	_ =	swait.ge [sflag:s21], $0x400  }
0x854: {  	[sflag:s21] =	ssyncset.done $0x0  }
0x855: {  	s31 =	simm.s32 $0x1CB40;
	[sflag:s21] =	ssyncadd.s32 $0xFFFFFC00  }
0x856: {  	v0 =	vld [tilespmem:s31+$0x30]  }
0x857: {  	v1 =	vld [tilespmem:s31+$0xFFFFFFD0]  }
0x858: {  	v2 =	vld [tilespmem:s31+$0xFFFFFFE0]  }
0x859: {  	v3 =	vld [tilespmem:s31+$0xFFFFFFF0]  }
0x85a: {  	v4 =	vld [tilespmem:s31+$0x0]  }
0x85b: {  	v6 =	vld [tilespmem:s31+$0x10]  }
0x85c: {  	v7 =	vld [tilespmem:s31+$0x20]  }
0x85d: {  	v8 =	vld [tilespmem:s31+$0xFFFFFFC0]  }
0x85e: {  	v9 =	vld.idx.msk [tilespmem:v0+s1+$0x0], $0xffff  }
0x85f: {  	v10 =	vld.idx.msk [tilespmem:v1+s1+$0x0], $0xffff  }
0x860: {  	v5 =	vld.idx.msk [tilespmem:v2+s1+$0x0], $0xffff  }
0x861: {  	v3 =	vld.idx.msk [tilespmem:v3+s1+$0x0], $0xffff  }
0x862: {  	v0 =	vld.idx.msk [tilespmem:v4+s1+$0x0], $0xffff  }
0x863: {  	s26 =	simm.s32 $0x1D340;
	v1 =	vld.idx.msk [tilespmem:v6+s1+$0x0], $0xffff  }
0x864: {  	v2 =	vld.idx.msk [tilespmem:v7+s1+$0x0], $0xffff;
	[tilespmem:s26+$0x30] =	vst v9  }
0x865: {  	s28 =	simm.s32 $0x0;
	s5 =	simm.s32 $0x1CBC0;
	v4 =	vld.idx.msk [tilespmem:v8+s1+$0x0], $0xffff;
	[tilespmem:s26+$0xFFFFFFD0] =	vst v10  }
.LBB2_91:
0x866: {  	v6 =	vld [tilespmem:s5+$0x30];
	s28 =	sadd.s32 $0x80, s28;
	[tilespmem:s26+$0xFFFFFFE0] =	vst v5  }
0x867: {  	v5 =	vld [tilespmem:s5+$0xFFFFFFD0];
	p0 =	slt.u32 s28, $0x380;
	[tilespmem:s26+$0xFFFFFFF0] =	vst v3  }
0x868: {  	v3 =	vld [tilespmem:s5+$0xFFFFFFE0];
	[tilespmem:s26+$0x0] =	vst v0  }
0x869: {  	v0 =	vld [tilespmem:s5+$0xFFFFFFF0];
	[tilespmem:s26+$0x10] =	vst v1  }
0x86a: {  	v1 =	vld [tilespmem:s5+$0x0];
	[tilespmem:s26+$0x20] =	vst v2  }
0x86b: {  	v2 =	vld [tilespmem:s5+$0x10];
	[tilespmem:s26+$0xFFFFFFC0] =	vst v4  }
0x86c: {  	v4 =	vld [tilespmem:s5+$0x20]  }
0x86d: {  	v7 =	vld [tilespmem:s5+$0xFFFFFFC0]  }
0x86e: {  	v6 =	vld.idx.msk [tilespmem:v6+s1+$0x0], $0xffff  }
0x86f: {  	v8 =	vld.idx.msk [tilespmem:v5+s1+$0x0], $0xffff  }
0x870: {  	v5 =	vld.idx.msk [tilespmem:v3+s1+$0x0], $0xffff  }
.Ltmp45:
0x871: {  	v3 =	vld.idx.msk [tilespmem:v0+s1+$0x0], $0xffff;
	(pc) =	sbr.rel @p0 .LBB2_91-.Ltmp45, $4  }
0x872: {  	v0 =	vld.idx.msk [tilespmem:v1+s1+$0x0], $0xffff  }
0x873: {  	s26 =	sadd.s32 $0x80, s26;
	v1 =	vld.idx.msk [tilespmem:v2+s1+$0x0], $0xffff  }
0x874: {  	v2 =	vld.idx.msk [tilespmem:v4+s1+$0x0], $0xffff;
	[tilespmem:s26+$0x30] =	vst v6  }
0x875: {  	s5 =	sadd.s32 $0x80, s5;
	v4 =	vld.idx.msk [tilespmem:v7+s1+$0x0], $0xffff;
	[tilespmem:s26+$0xFFFFFFD0] =	vst v8  }
0x876: {  	[tilespmem:s26+$0xFFFFFFE0] =	vst v5  }
0x877: {  	[tilespmem:s26+$0xFFFFFFF0] =	vst v3  }
0x878: {  	[tilespmem:s26+$0x0] =	vst v0  }
0x879: {  	[tilespmem:s26+$0x10] =	vst v1  }
0x87a: {  	[tilespmem:s26+$0x20] =	vst v2  }
0x87b: {  	[tilespmem:s26+$0xFFFFFFC0] =	vst v4  }
0x87c: {  	s5 =	sld [smem:$0x7D8];
	_ =	sdelay $0x1  }
0x87d: {  	s30 =	sld [smem:$0x7FB]  }
0x87e: {  	[hbm4b:s5+s2] =	stream.strided.scatter [tilespmem:s12], [sflag:$0x4], $0x400, s4, s2, $0x38;
	[tilespmem:$0x1D700] =	vst v63  }
0x87f: {  	_ = 	snop  }
0x880: {  	[tilespmem:s23], [sflag:$0x5] =	stream.strided.gather [hbm4b:s30+s2], $0x400, s4, s2, $0x38;
	[tilespmem:$0x1D700] =	vst v63  }
0x881: {  	_ =	swait.ge [sflag:s8], $0x400  }
0x882: {  	[sflag:s8] =	ssyncset.done $0x0  }
0x883: {  	[sflag:s8] =	ssyncadd.s32 $0xFFFFFC00  }
0x884: {  	_ =	swait.ge [sflag:s13], $0x400  }
0x885: {  	[sflag:s13] =	ssyncset.done $0x0  }
0x886: {  	s31 =	simm.s32 $0x1C740;
	[sflag:s13] =	ssyncadd.s32 $0xFFFFFC00  }
0x887: {  	v0 =	vld [tilespmem:s31+$0x30]  }
0x888: {  	v1 =	vld [tilespmem:s31+$0xFFFFFFD0]  }
0x889: {  	v2 =	vld [tilespmem:s31+$0xFFFFFFE0]  }
0x88a: {  	v3 =	vld [tilespmem:s31+$0xFFFFFFF0]  }
0x88b: {  	v4 =	vld [tilespmem:s31+$0x0]  }
0x88c: {  	v6 =	vld [tilespmem:s31+$0x10]  }
0x88d: {  	v7 =	vld [tilespmem:s31+$0x20]  }
0x88e: {  	v8 =	vld [tilespmem:s31+$0xFFFFFFC0]  }
0x88f: {  	v9 =	vld.idx.msk [tilespmem:v0+s1+$0x0], $0xffff  }
0x890: {  	v10 =	vld.idx.msk [tilespmem:v1+s1+$0x0], $0xffff  }
0x891: {  	v5 =	vld.idx.msk [tilespmem:v2+s1+$0x0], $0xffff  }
0x892: {  	v3 =	vld.idx.msk [tilespmem:v3+s1+$0x0], $0xffff  }
0x893: {  	v0 =	vld.idx.msk [tilespmem:v4+s1+$0x0], $0xffff  }
0x894: {  	s26 =	simm.s32 $0x1CF40;
	v1 =	vld.idx.msk [tilespmem:v6+s1+$0x0], $0xffff  }
0x895: {  	v2 =	vld.idx.msk [tilespmem:v7+s1+$0x0], $0xffff;
	[tilespmem:s26+$0x30] =	vst v9  }
0x896: {  	s28 =	simm.s32 $0x0;
	s5 =	simm.s32 $0x1C7C0;
	v4 =	vld.idx.msk [tilespmem:v8+s1+$0x0], $0xffff;
	[tilespmem:s26+$0xFFFFFFD0] =	vst v10  }
.LBB2_93:
0x897: {  	v6 =	vld [tilespmem:s5+$0x30];
	s28 =	sadd.s32 $0x80, s28;
	[tilespmem:s26+$0xFFFFFFE0] =	vst v5  }
0x898: {  	v5 =	vld [tilespmem:s5+$0xFFFFFFD0];
	p0 =	slt.u32 s28, $0x380;
	[tilespmem:s26+$0xFFFFFFF0] =	vst v3  }
0x899: {  	v3 =	vld [tilespmem:s5+$0xFFFFFFE0];
	[tilespmem:s26+$0x0] =	vst v0  }
0x89a: {  	v0 =	vld [tilespmem:s5+$0xFFFFFFF0];
	[tilespmem:s26+$0x10] =	vst v1  }
0x89b: {  	v1 =	vld [tilespmem:s5+$0x0];
	[tilespmem:s26+$0x20] =	vst v2  }
0x89c: {  	v2 =	vld [tilespmem:s5+$0x10];
	[tilespmem:s26+$0xFFFFFFC0] =	vst v4  }
0x89d: {  	v4 =	vld [tilespmem:s5+$0x20]  }
0x89e: {  	v7 =	vld [tilespmem:s5+$0xFFFFFFC0]  }
0x89f: {  	v6 =	vld.idx.msk [tilespmem:v6+s1+$0x0], $0xffff  }
0x8a0: {  	v8 =	vld.idx.msk [tilespmem:v5+s1+$0x0], $0xffff  }
0x8a1: {  	v5 =	vld.idx.msk [tilespmem:v3+s1+$0x0], $0xffff  }
.Ltmp46:
0x8a2: {  	v3 =	vld.idx.msk [tilespmem:v0+s1+$0x0], $0xffff;
	(pc) =	sbr.rel @p0 .LBB2_93-.Ltmp46, $4  }
0x8a3: {  	v0 =	vld.idx.msk [tilespmem:v1+s1+$0x0], $0xffff  }
0x8a4: {  	s26 =	sadd.s32 $0x80, s26;
	v1 =	vld.idx.msk [tilespmem:v2+s1+$0x0], $0xffff  }
0x8a5: {  	v2 =	vld.idx.msk [tilespmem:v4+s1+$0x0], $0xffff;
	[tilespmem:s26+$0x30] =	vst v6  }
0x8a6: {  	s5 =	sadd.s32 $0x80, s5;
	v4 =	vld.idx.msk [tilespmem:v7+s1+$0x0], $0xffff;
	[tilespmem:s26+$0xFFFFFFD0] =	vst v8  }
0x8a7: {  	[tilespmem:s26+$0xFFFFFFE0] =	vst v5  }
0x8a8: {  	[tilespmem:s26+$0xFFFFFFF0] =	vst v3  }
0x8a9: {  	[tilespmem:s26+$0x0] =	vst v0  }
0x8aa: {  	[tilespmem:s26+$0x10] =	vst v1  }
0x8ab: {  	[tilespmem:s26+$0x20] =	vst v2  }
0x8ac: {  	[tilespmem:s26+$0xFFFFFFC0] =	vst v4  }
0x8ad: {  	s5 =	sld [smem:$0x7D9];
	_ =	sdelay $0x1  }
0x8ae: {  	s30 =	sld [smem:$0x7FC]  }
0x8af: {  	[hbm4b:s5+s2] =	stream.strided.scatter [tilespmem:s11], [sflag:$0x3], $0x400, s4, s2, $0x38;
	[tilespmem:$0x1D700] =	vst v63  }
0x8b0: {  	_ = 	snop  }
0x8b1: {  	[tilespmem:s24], [sflag:$0x5] =	stream.strided.gather [hbm4b:s30+s2], $0x400, s4, s2, $0x38;
	[tilespmem:$0x1D700] =	vst v63  }
0x8b2: {  	_ =	swait.ge [sflag:s8], $0x400  }
0x8b3: {  	[sflag:s8] =	ssyncset.done $0x0  }
0x8b4: {  	[sflag:s8] =	ssyncadd.s32 $0xFFFFFC00  }
0x8b5: {  	_ =	swait.ge [sflag:s21], $0x400  }
0x8b6: {  	[sflag:s21] =	ssyncset.done $0x0  }
0x8b7: {  	s31 =	simm.s32 $0x1CB40;
	[sflag:s21] =	ssyncadd.s32 $0xFFFFFC00  }
0x8b8: {  	v0 =	vld [tilespmem:s31+$0x30]  }
0x8b9: {  	v1 =	vld [tilespmem:s31+$0xFFFFFFD0]  }
0x8ba: {  	v2 =	vld [tilespmem:s31+$0xFFFFFFE0]  }
0x8bb: {  	v3 =	vld [tilespmem:s31+$0xFFFFFFF0]  }
0x8bc: {  	v4 =	vld [tilespmem:s31+$0x0]  }
0x8bd: {  	v6 =	vld [tilespmem:s31+$0x10]  }
0x8be: {  	v7 =	vld [tilespmem:s31+$0x20]  }
0x8bf: {  	v8 =	vld [tilespmem:s31+$0xFFFFFFC0]  }
0x8c0: {  	v9 =	vld.idx.msk [tilespmem:v0+s1+$0x0], $0xffff  }
0x8c1: {  	v10 =	vld.idx.msk [tilespmem:v1+s1+$0x0], $0xffff  }
0x8c2: {  	v5 =	vld.idx.msk [tilespmem:v2+s1+$0x0], $0xffff  }
0x8c3: {  	v3 =	vld.idx.msk [tilespmem:v3+s1+$0x0], $0xffff  }
0x8c4: {  	v0 =	vld.idx.msk [tilespmem:v4+s1+$0x0], $0xffff  }
0x8c5: {  	s26 =	simm.s32 $0x1D340;
	v1 =	vld.idx.msk [tilespmem:v6+s1+$0x0], $0xffff  }
0x8c6: {  	v2 =	vld.idx.msk [tilespmem:v7+s1+$0x0], $0xffff;
	[tilespmem:s26+$0x30] =	vst v9  }
0x8c7: {  	s28 =	simm.s32 $0x0;
	s5 =	simm.s32 $0x1CBC0;
	v4 =	vld.idx.msk [tilespmem:v8+s1+$0x0], $0xffff;
	[tilespmem:s26+$0xFFFFFFD0] =	vst v10  }
.LBB2_95:
0x8c8: {  	v6 =	vld [tilespmem:s5+$0x30];
	s28 =	sadd.s32 $0x80, s28;
	[tilespmem:s26+$0xFFFFFFE0] =	vst v5  }
0x8c9: {  	v5 =	vld [tilespmem:s5+$0xFFFFFFD0];
	p0 =	slt.u32 s28, $0x380;
	[tilespmem:s26+$0xFFFFFFF0] =	vst v3  }
0x8ca: {  	v3 =	vld [tilespmem:s5+$0xFFFFFFE0];
	[tilespmem:s26+$0x0] =	vst v0  }
0x8cb: {  	v0 =	vld [tilespmem:s5+$0xFFFFFFF0];
	[tilespmem:s26+$0x10] =	vst v1  }
0x8cc: {  	v1 =	vld [tilespmem:s5+$0x0];
	[tilespmem:s26+$0x20] =	vst v2  }
0x8cd: {  	v2 =	vld [tilespmem:s5+$0x10];
	[tilespmem:s26+$0xFFFFFFC0] =	vst v4  }
0x8ce: {  	v4 =	vld [tilespmem:s5+$0x20]  }
0x8cf: {  	v7 =	vld [tilespmem:s5+$0xFFFFFFC0]  }
0x8d0: {  	v6 =	vld.idx.msk [tilespmem:v6+s1+$0x0], $0xffff  }
0x8d1: {  	v8 =	vld.idx.msk [tilespmem:v5+s1+$0x0], $0xffff  }
0x8d2: {  	v5 =	vld.idx.msk [tilespmem:v3+s1+$0x0], $0xffff  }
.Ltmp47:
0x8d3: {  	v3 =	vld.idx.msk [tilespmem:v0+s1+$0x0], $0xffff;
	(pc) =	sbr.rel @p0 .LBB2_95-.Ltmp47, $4  }
0x8d4: {  	v0 =	vld.idx.msk [tilespmem:v1+s1+$0x0], $0xffff  }
0x8d5: {  	s26 =	sadd.s32 $0x80, s26;
	v1 =	vld.idx.msk [tilespmem:v2+s1+$0x0], $0xffff  }
0x8d6: {  	v2 =	vld.idx.msk [tilespmem:v4+s1+$0x0], $0xffff;
	[tilespmem:s26+$0x30] =	vst v6  }
0x8d7: {  	s5 =	sadd.s32 $0x80, s5;
	v4 =	vld.idx.msk [tilespmem:v7+s1+$0x0], $0xffff;
	[tilespmem:s26+$0xFFFFFFD0] =	vst v8  }
0x8d8: {  	[tilespmem:s26+$0xFFFFFFE0] =	vst v5  }
0x8d9: {  	[tilespmem:s26+$0xFFFFFFF0] =	vst v3  }
0x8da: {  	[tilespmem:s26+$0x0] =	vst v0  }
0x8db: {  	[tilespmem:s26+$0x10] =	vst v1  }
0x8dc: {  	[tilespmem:s26+$0x20] =	vst v2  }
0x8dd: {  	[tilespmem:s26+$0xFFFFFFC0] =	vst v4  }
0x8de: {  	s5 =	sld [smem:$0x7DA];
	_ =	sdelay $0x1  }
0x8df: {  	s30 =	sld [smem:$0x7FD]  }
0x8e0: {  	[hbm4b:s5+s2] =	stream.strided.scatter [tilespmem:s12], [sflag:$0x4], $0x400, s4, s2, $0x38;
	[tilespmem:$0x1D700] =	vst v63  }
0x8e1: {  	_ = 	snop  }
0x8e2: {  	[tilespmem:s23], [sflag:$0x5] =	stream.strided.gather [hbm4b:s30+s2], $0x400, s4, s2, $0x38;
	[tilespmem:$0x1D700] =	vst v63  }
0x8e3: {  	_ =	swait.ge [sflag:s8], $0x400  }
0x8e4: {  	[sflag:s8] =	ssyncset.done $0x0  }
0x8e5: {  	[sflag:s8] =	ssyncadd.s32 $0xFFFFFC00  }
0x8e6: {  	_ =	swait.ge [sflag:s13], $0x400  }
0x8e7: {  	[sflag:s13] =	ssyncset.done $0x0  }
0x8e8: {  	s31 =	simm.s32 $0x1C740;
	[sflag:s13] =	ssyncadd.s32 $0xFFFFFC00  }
0x8e9: {  	v0 =	vld [tilespmem:s31+$0x30]  }
0x8ea: {  	v1 =	vld [tilespmem:s31+$0xFFFFFFD0]  }
0x8eb: {  	v2 =	vld [tilespmem:s31+$0xFFFFFFE0]  }
0x8ec: {  	v3 =	vld [tilespmem:s31+$0xFFFFFFF0]  }
0x8ed: {  	v4 =	vld [tilespmem:s31+$0x0]  }
0x8ee: {  	v6 =	vld [tilespmem:s31+$0x10]  }
0x8ef: {  	v7 =	vld [tilespmem:s31+$0x20]  }
0x8f0: {  	v8 =	vld [tilespmem:s31+$0xFFFFFFC0]  }
0x8f1: {  	v9 =	vld.idx.msk [tilespmem:v0+s1+$0x0], $0xffff  }
0x8f2: {  	v10 =	vld.idx.msk [tilespmem:v1+s1+$0x0], $0xffff  }
0x8f3: {  	v5 =	vld.idx.msk [tilespmem:v2+s1+$0x0], $0xffff  }
0x8f4: {  	v3 =	vld.idx.msk [tilespmem:v3+s1+$0x0], $0xffff  }
0x8f5: {  	v0 =	vld.idx.msk [tilespmem:v4+s1+$0x0], $0xffff  }
0x8f6: {  	s26 =	simm.s32 $0x1CF40;
	v1 =	vld.idx.msk [tilespmem:v6+s1+$0x0], $0xffff  }
0x8f7: {  	v2 =	vld.idx.msk [tilespmem:v7+s1+$0x0], $0xffff;
	[tilespmem:s26+$0x30] =	vst v9  }
0x8f8: {  	s28 =	simm.s32 $0x0;
	s5 =	simm.s32 $0x1C7C0;
	v4 =	vld.idx.msk [tilespmem:v8+s1+$0x0], $0xffff;
	[tilespmem:s26+$0xFFFFFFD0] =	vst v10  }
.LBB2_97:
0x8f9: {  	v6 =	vld [tilespmem:s5+$0x30];
	s28 =	sadd.s32 $0x80, s28;
	[tilespmem:s26+$0xFFFFFFE0] =	vst v5  }
0x8fa: {  	v5 =	vld [tilespmem:s5+$0xFFFFFFD0];
	p0 =	slt.u32 s28, $0x380;
	[tilespmem:s26+$0xFFFFFFF0] =	vst v3  }
0x8fb: {  	v3 =	vld [tilespmem:s5+$0xFFFFFFE0];
	[tilespmem:s26+$0x0] =	vst v0  }
0x8fc: {  	v0 =	vld [tilespmem:s5+$0xFFFFFFF0];
	[tilespmem:s26+$0x10] =	vst v1  }
0x8fd: {  	v1 =	vld [tilespmem:s5+$0x0];
	[tilespmem:s26+$0x20] =	vst v2  }
0x8fe: {  	v2 =	vld [tilespmem:s5+$0x10];
	[tilespmem:s26+$0xFFFFFFC0] =	vst v4  }
0x8ff: {  	v4 =	vld [tilespmem:s5+$0x20]  }
0x900: {  	v7 =	vld [tilespmem:s5+$0xFFFFFFC0]  }
0x901: {  	v6 =	vld.idx.msk [tilespmem:v6+s1+$0x0], $0xffff  }
0x902: {  	v8 =	vld.idx.msk [tilespmem:v5+s1+$0x0], $0xffff  }
0x903: {  	v5 =	vld.idx.msk [tilespmem:v3+s1+$0x0], $0xffff  }
.Ltmp48:
0x904: {  	v3 =	vld.idx.msk [tilespmem:v0+s1+$0x0], $0xffff;
	(pc) =	sbr.rel @p0 .LBB2_97-.Ltmp48, $4  }
0x905: {  	v0 =	vld.idx.msk [tilespmem:v1+s1+$0x0], $0xffff  }
0x906: {  	s26 =	sadd.s32 $0x80, s26;
	v1 =	vld.idx.msk [tilespmem:v2+s1+$0x0], $0xffff  }
0x907: {  	v2 =	vld.idx.msk [tilespmem:v4+s1+$0x0], $0xffff;
	[tilespmem:s26+$0x30] =	vst v6  }
0x908: {  	s5 =	sadd.s32 $0x80, s5;
	v4 =	vld.idx.msk [tilespmem:v7+s1+$0x0], $0xffff;
	[tilespmem:s26+$0xFFFFFFD0] =	vst v8  }
0x909: {  	[tilespmem:s26+$0xFFFFFFE0] =	vst v5  }
0x90a: {  	[tilespmem:s26+$0xFFFFFFF0] =	vst v3  }
0x90b: {  	[tilespmem:s26+$0x0] =	vst v0  }
0x90c: {  	[tilespmem:s26+$0x10] =	vst v1  }
0x90d: {  	[tilespmem:s26+$0x20] =	vst v2  }
0x90e: {  	[tilespmem:s26+$0xFFFFFFC0] =	vst v4  }
0x90f: {  	s5 =	sld [smem:$0x7DB];
	_ =	sdelay $0x2  }
0x910: {  	[hbm4b:s5+s2] =	stream.strided.scatter [tilespmem:s11], [sflag:$0x3], $0x400, s4, s2, $0x38;
	[tilespmem:$0x1D700] =	vst v63  }
0x911: {  	_ = 	snop  }
0x912: {  	[tilespmem:s24], [sflag:$0x5] =	stream.strided.gather [hbm4b:s0+s2], $0x400, s4, s2, $0x38;
	[tilespmem:$0x1D700] =	vst v63  }
0x913: {  	_ =	swait.ge [sflag:s8], $0x400  }
0x914: {  	[sflag:s8] =	ssyncset.done $0x0  }
0x915: {  	[sflag:s8] =	ssyncadd.s32 $0xFFFFFC00  }
0x916: {  	_ =	swait.ge [sflag:s21], $0x400  }
0x917: {  	[sflag:s21] =	ssyncset.done $0x0  }
0x918: {  	s31 =	simm.s32 $0x1CB40;
	[sflag:s21] =	ssyncadd.s32 $0xFFFFFC00  }
0x919: {  	v0 =	vld [tilespmem:s31+$0x30]  }
0x91a: {  	v1 =	vld [tilespmem:s31+$0xFFFFFFD0]  }
0x91b: {  	v2 =	vld [tilespmem:s31+$0xFFFFFFE0]  }
0x91c: {  	v3 =	vld [tilespmem:s31+$0xFFFFFFF0]  }
0x91d: {  	v4 =	vld [tilespmem:s31+$0x0]  }
0x91e: {  	v6 =	vld [tilespmem:s31+$0x10]  }
0x91f: {  	v7 =	vld [tilespmem:s31+$0x20]  }
0x920: {  	v8 =	vld [tilespmem:s31+$0xFFFFFFC0]  }
0x921: {  	v9 =	vld.idx.msk [tilespmem:v0+s1+$0x0], $0xffff  }
0x922: {  	v10 =	vld.idx.msk [tilespmem:v1+s1+$0x0], $0xffff  }
0x923: {  	v5 =	vld.idx.msk [tilespmem:v2+s1+$0x0], $0xffff  }
0x924: {  	v3 =	vld.idx.msk [tilespmem:v3+s1+$0x0], $0xffff  }
0x925: {  	v0 =	vld.idx.msk [tilespmem:v4+s1+$0x0], $0xffff  }
0x926: {  	s26 =	simm.s32 $0x1D340;
	v1 =	vld.idx.msk [tilespmem:v6+s1+$0x0], $0xffff  }
0x927: {  	v2 =	vld.idx.msk [tilespmem:v7+s1+$0x0], $0xffff;
	[tilespmem:s26+$0x30] =	vst v9  }
0x928: {  	s28 =	simm.s32 $0x0;
	s5 =	simm.s32 $0x1CBC0;
	v4 =	vld.idx.msk [tilespmem:v8+s1+$0x0], $0xffff;
	[tilespmem:s26+$0xFFFFFFD0] =	vst v10  }
.LBB2_99:
0x929: {  	v6 =	vld [tilespmem:s5+$0x30];
	s28 =	sadd.s32 $0x80, s28;
	[tilespmem:s26+$0xFFFFFFE0] =	vst v5  }
0x92a: {  	v5 =	vld [tilespmem:s5+$0xFFFFFFD0];
	p0 =	slt.u32 s28, $0x380;
	[tilespmem:s26+$0xFFFFFFF0] =	vst v3  }
0x92b: {  	v3 =	vld [tilespmem:s5+$0xFFFFFFE0];
	[tilespmem:s26+$0x0] =	vst v0  }
0x92c: {  	v0 =	vld [tilespmem:s5+$0xFFFFFFF0];
	[tilespmem:s26+$0x10] =	vst v1  }
0x92d: {  	v1 =	vld [tilespmem:s5+$0x0];
	[tilespmem:s26+$0x20] =	vst v2  }
0x92e: {  	v2 =	vld [tilespmem:s5+$0x10];
	[tilespmem:s26+$0xFFFFFFC0] =	vst v4  }
0x92f: {  	v4 =	vld [tilespmem:s5+$0x20]  }
0x930: {  	v7 =	vld [tilespmem:s5+$0xFFFFFFC0]  }
0x931: {  	v6 =	vld.idx.msk [tilespmem:v6+s1+$0x0], $0xffff  }
0x932: {  	v8 =	vld.idx.msk [tilespmem:v5+s1+$0x0], $0xffff  }
0x933: {  	v5 =	vld.idx.msk [tilespmem:v3+s1+$0x0], $0xffff  }
.Ltmp49:
0x934: {  	v3 =	vld.idx.msk [tilespmem:v0+s1+$0x0], $0xffff;
	(pc) =	sbr.rel @p0 .LBB2_99-.Ltmp49, $4  }
0x935: {  	v0 =	vld.idx.msk [tilespmem:v1+s1+$0x0], $0xffff  }
0x936: {  	s26 =	sadd.s32 $0x80, s26;
	v1 =	vld.idx.msk [tilespmem:v2+s1+$0x0], $0xffff  }
0x937: {  	v2 =	vld.idx.msk [tilespmem:v4+s1+$0x0], $0xffff;
	[tilespmem:s26+$0x30] =	vst v6  }
0x938: {  	s5 =	sadd.s32 $0x80, s5;
	v4 =	vld.idx.msk [tilespmem:v7+s1+$0x0], $0xffff;
	[tilespmem:s26+$0xFFFFFFD0] =	vst v8  }
0x939: {  	[tilespmem:s26+$0xFFFFFFE0] =	vst v5  }
0x93a: {  	[tilespmem:s26+$0xFFFFFFF0] =	vst v3  }
0x93b: {  	[tilespmem:s26+$0x0] =	vst v0  }
0x93c: {  	[tilespmem:s26+$0x10] =	vst v1  }
0x93d: {  	[tilespmem:s26+$0x20] =	vst v2  }
0x93e: {  	[tilespmem:s26+$0xFFFFFFC0] =	vst v4  }
0x93f: {  	s5 =	sld [smem:$0x7DC];
	_ =	sdelay $0x2  }
0x940: {  	[hbm4b:s5+s2] =	stream.strided.scatter [tilespmem:s12], [sflag:$0x4], $0x400, s4, s2, $0x38;
	[tilespmem:$0x1D700] =	vst v63  }
0x941: {  	_ =	swait.ge [sflag:s13], $0x400  }
0x942: {  	[sflag:s13] =	ssyncset.done $0x0  }
0x943: {  	[sflag:s13] =	ssyncadd.s32 $0xFFFFFC00  }
0x944: {  	_ =	swait.ge [sflag:s21], $0x400  }
0x945: {  	s31 =	sld [smem:$0x7DE];
	_ =	sdelay $0x1  }
0x946: {  	s25 =	sadd.s32 $0x1, s25  }
0x947: {  	p0 =	sne.s32 s25, s31  }
.Ltmp50:
0x948: {  	_ = 	snop;
	(pc) =	sbr.rel @p0 .LBB2_1-.Ltmp50, $3  }
0x949: {  	_ =	sdelay $0x1  }
0x94a: {  	[sflag:s21] =	ssyncset.done $0x0  }
0x94b: {  	[sflag:s21] =	ssyncadd.s32 $0xFFFFFC00  }
0x94c: {  	_ =	sfence.sel $0x180000  }
0x94d: {  	[bflag:$0x0] =	sbarrier.arrive $0xFFFF  }
0x94e: {  	_ =	strace $0x90000047  }
0x94f: {  	s0 =	stileid.u32;
	[bflag:$0x2] =	sbarrier.arrive $0xFFFF  }
0x950: {  	p0 =	sne.s32 s0, $0x0;
	s0 =	rddreg [dreg:$0x3]  }
0x951: {  	s0 =	sadd.s32 @!p0 $0x100000, s0  }
0x952: {  	[sflag:s0] =	ssyncadd.tile.s32 @!p0 $0x1;
	_ =	shalt  }
.Lfunc_end2:
_tile_overlayer_lowered:
.L_overlay_start_2:
0x953: {  	(tag) =	ssettag $0x2  }
0x954: {  	s0 =	rddreg [dreg:$0x0];
	s2 =	stileid.u32  }
0x955: {  	s1 =	rddreg [dreg:$0x1];
	p0 =	sne.s32 s2, $0x0  }
0x956: {  	s3 =	rddreg [dreg:$0x2];
	[bflag:$0x3] =	sbarrier.arrive $0xFFFF;
	s2 =	simm.s32 @!p0 $0x1C05  }
0x957: {  	[timem:s3], [sflag:s2] =	dma.local @!p0 [hbm:s0], s1  }
0x958: {  	s0 =	simm.s32 @!p0 $0x5  }
0x959: {  	_ =	swait.ge @!p0 [sflag:s0], s1  }
0x95a: {  	s1 =	ssub.s32 @!p0 $0x0, s1;
	[sflag:s0] =	ssyncset.done @!p0 $0x0  }
0x95b: {  	[sflag:s0] =	ssyncadd.s32 @!p0 s1  }
0x95c: {  	[bflag:$0x3] =	sbarrier.arrive $0xFFFF  }
0x95d: {  	_ =	shalt  }

</sc_bundles>
